<compile_context>
chip_gen: v7x
topology: tpu7x:2x2x1
jax: 0.10.2.dev20260603
libtpu: 0.0.44.dev20260713+nightly
codegen_flags: <defaults>
</compile_context>

<pallas_src>
import functools

import jax
import jax.numpy as jnp
from jax import lax
from jax.experimental import pallas as pl
from jax.experimental.pallas import tpu as pltpu
from jax.experimental.pallas import tpu_sc as plsc

_TOPK = 8
_CHUNK = 64
_NL = 16
_NW = 8


def _reduce_kernel(tw_ref, s_ref, t_ref, g_ref, w_ref, mse_ref,
                   a1_ref, a2_ref, gm_ref, *, nj):
    j = pl.program_id(0)
    R = s_ref.shape[1]
    B = s_ref.shape[2]
    nsub = _CHUNK // 8

    def body(it, carry):
        a1, a2, gm = carry
        base = pl.multiple_of(it * _CHUNK, _CHUNK)
        s = s_ref[0, pl.ds(base, _CHUNK), :]
        t = t_ref[0, pl.ds(base, _CHUNK), :]
        g = g_ref[0, pl.ds(base, _CHUNK), :]
        d1 = s - g
        d2 = s - t
        a1 = a1 + jnp.sum((d1 * d1).reshape(nsub, 8, B), axis=0)
        a2 = a2 + jnp.sum((d2 * d2).reshape(nsub, 8, B), axis=0)
        gm = jnp.maximum(gm, jnp.max(g.reshape(nsub, 8, B), axis=0))
        return a1, a2, gm

    zero = jnp.zeros((8, B), jnp.float32)
    ninf = jnp.full((8, B), -jnp.inf, jnp.float32)
    a1, a2, gm = jax.lax.fori_loop(0, R // _CHUNK, body, (zero, zero, ninf))
    a1_ref[pl.ds(j, 1), :] = jnp.sum(a1, axis=0, keepdims=True)
    a2_ref[pl.ds(j, 1), :] = jnp.sum(a2, axis=0, keepdims=True)
    gm_ref[pl.ds(j, 1), :] = jnp.max(gm, axis=0, keepdims=True)

    @pl.when(j == nj - 1)
    def _weights():
        J, B2 = a1_ref.shape
        tw = tw_ref[...]
        tw2 = tw * tw
        gmax = jnp.max(gm_ref[...], axis=1, keepdims=True)
        notc = jnp.where(gmax == 1.0, 0.0, 1.0)
        wl = tw2 * (a1_ref[...] + notc * a2_ref[...])
        w_ref[...] = wl
        mse_ref[0, 0] = jnp.sum(wl) / (B2 * R)


def _sc_shuffle(x, idx):
    return lax.gather(
        x, idx[:, None],
        lax.GatherDimensionNumbers(offset_dims=(), collapsed_slice_dims=(0,),
                                   start_index_map=(0,)),
        (1,), mode=lax.GatherScatterMode.PROMISE_IN_BOUNDS)


def _sc_allsum(x, iota):
    for k in (1, 2, 4, 8):
        x = x + _sc_shuffle(x, iota ^ k)
    return x


def _sc_mining_kernel(w_hbm, out_hbm, w_v, out_v, *, nj, nb, hw):
    cid = lax.axis_index("c")
    sid = lax.axis_index("s")

    @pl.when((cid == 0) & (sid == 0))
    def _mine():
        pltpu.sync_copy(w_hbm, w_v)
        zf = jnp.zeros((_NL,), jnp.float32)
        one = jnp.ones((_NL,), jnp.float32)
        negbig = jnp.float32(-3.4e38)

        def chunk_body(c2, ohkm_acc):
          for u in range(2):
            c = c2 * 2 + u
            vals = [(0.5 / hw) * w_v[c, j, :] for j in range(nj)]
            excl = [zf for _ in range(nj)]
            acc = zf
            for _ in range(_TOPK):
                m = vals[0] + excl[0] * negbig
                for j in range(1, nj):
                    m = jnp.maximum(m, vals[j] + excl[j] * negbig)
                acc = acc + m
                taken = zf
                for j in range(nj):
                    hit = ((one - excl[j]) * (one - taken)
                           * jnp.where(vals[j] == m, one, zf))
                    excl[j] = excl[j] + hit
                    taken = taken + hit
            ohkm_acc = ohkm_acc + acc
          return ohkm_acc

        ohkm_acc = jax.lax.fori_loop(0, nb // _NL // 2, chunk_body, zf)
        iota = lax.iota(jnp.int32, _NL)
        ohkm = _sc_allsum(ohkm_acc, iota) / (_TOPK * nb)
        out_v[...] = jnp.where(iota < 3, ohkm, 0.0)
        pltpu.sync_copy(out_v, out_hbm)


def kernel(output_s, output_t, target, target_weight):
    B, J, H, W = output_s.shape
    HW = H * W
    st = jnp.transpose(output_s, (1, 2, 3, 0)).reshape(J, HW, B)
    tt = jnp.transpose(output_t, (1, 2, 3, 0)).reshape(J, HW, B)
    gt = jnp.transpose(target, (1, 2, 3, 0)).reshape(J, HW, B)
    twt = jnp.transpose(target_weight.reshape(B, J))
    wmat = jax.ShapeDtypeStruct((J, B), jnp.float32)
    scal = jax.ShapeDtypeStruct((1, 1), jnp.float32)
    wl, mse = pl.pallas_call(
        functools.partial(_reduce_kernel, nj=J),
        grid=(J,),
        in_specs=[
            pl.BlockSpec((J, B), lambda j: (0, 0)),
            pl.BlockSpec((1, HW, B), lambda j: (j, 0, 0)),
            pl.BlockSpec((1, HW, B), lambda j: (j, 0, 0)),
            pl.BlockSpec((1, HW, B), lambda j: (j, 0, 0)),
        ],
        out_specs=[pl.BlockSpec((J, B), lambda j: (0, 0)),
                   pl.BlockSpec(memory_space=pltpu.SMEM)],
        out_shape=[wmat, scal],
        scratch_shapes=[
            pltpu.VMEM((J, B), jnp.float32),
            pltpu.VMEM((J, B), jnp.float32),
            pltpu.VMEM((J, B), jnp.float32),
        ],
    )(twt, st, tt, gt)

    wlc = jnp.transpose(wl.reshape(J, _NW, _NL), (1, 0, 2))
    mesh = plsc.VectorSubcoreMesh(core_axis_name="c", subcore_axis_name="s")
    ohkm_vec = pl.kernel(
        functools.partial(_sc_mining_kernel, nj=J, nb=B, hw=float(HW)),
        out_type=jax.ShapeDtypeStruct((_NL,), jnp.float32),
        mesh=mesh,
        scratch_types=[
            pltpu.VMEM((_NW, J, _NL), jnp.float32),
            pltpu.VMEM((_NL,), jnp.float32),
        ],
    )(wlc)
    ohkm = ohkm_vec[0]
    mse_s = mse[0, 0]
    return (ohkm, mse_s / J, ohkm + mse_s)

# --- scband reference (transcript-rebuilt; emitter-appended) ---
"""Pipeline reference for scband-st-ohkw-mseloss-89249420411523 (READ-ONLY COPY).

The authoritative reference and input builder live on the scoring server;
editing this copy changes nothing except your own understanding.
"""

import jax, jax.numpy as jnp
import numpy as np

TOPK = 8

def setup_inputs(seed: int = 0) -> dict:
    key = jax.random.key(seed)
    k1, k2, k3, k4 = jax.random.split(key, 4)
    B, J, H, W = 128, 17, 96, 72
    return {
        "output_s": jax.random.uniform(k1, (B, J, H, W), dtype=jnp.float32),
        "output_t": jax.random.uniform(k2, (B, J, H, W), dtype=jnp.float32),
        "target": jax.random.uniform(k3, (B, J, H, W), dtype=jnp.float32),
        "target_weight": jax.random.uniform(k4, (B, J, 1), dtype=jnp.float32),
    }

def reference(output_s, output_t, target, target_weight):
    topk = TOPK
    B = output_t.shape[0]
    J = output_t.shape[1]
    effective_num_joints = J
    s = output_s.reshape(B, J, -1)
    t = output_t.reshape(B, J, -1)
    g = target.reshape(B, J, -1)
    tw = target_weight  # [B, J, 1]
    # use_target_weight=True branch, vectorized over joints
    pw_s = s * tw
    gw = g * tw
    tw_t = t * tw
    l1 = (pw_s - gw) ** 2          # criterion(pred_s*w, gt*w), reduction='none'
    l2 = (pw_s - tw_t) ** 2        # criterion(pred_s*w, pred_t*w), reduction='none'
    # per-joint condition: torch.max(heatmap_gt) == 1 over the whole [B, HW] slice
    cond = (jnp.max(g, axis=(0, 2)) == 1.0)  # [J]
    loss_elem = 0.5 * jnp.where(cond[None, :, None], l1, l1 + l2)  # [B, J, HW]
    m1 = jnp.mean(l1, axis=(0, 2))  # mean-reduced MSE per joint
    m2 = jnp.mean(l2, axis=(0, 2))
    mse_loss_s = jnp.sum(jnp.where(cond, m1, m1 + m2))
    # loss_s: mean over spatial dim -> [B, J], then OHKM
    loss_mat = jnp.mean(loss_elem, axis=2)  # [B, J]
    topk_vals, _ = jax.lax.top_k(loss_mat, topk)  # per-sample top-k joint losses
    ohkm_loss_s = jnp.mean(jnp.sum(topk_vals, axis=1) / topk)
    final_loss = ohkm_loss_s + mse_loss_s
    return (ohkm_loss_s, mse_loss_s / effective_num_joints, final_loss)

if __name__ == "__main__":
    import jax
    _d = setup_inputs()
    print(jax.jit(kernel)(*tuple(_d.values())))

</pallas_src>

<mosaic_0001>
#map = affine_map<(d0, d1) -> (0, 0, 0)>
#map1 = affine_map<(d0, d1) -> (0)>
module attributes {stable_mosaic.version = 14 : i64} {
  func.func @_sc_mining_kernel(%arg0: i32, %arg1: i32, %arg2: memref<8x17x16xf32, #tpu.memory_space<hbm>>, %arg3: memref<16xf32, #tpu.memory_space<hbm>>, %arg4: memref<8x17x16xf32, #tpu.memory_space<vmem>>, %arg5: memref<16xf32, #tpu.memory_space<vmem>>) attributes {dimension_semantics = [#tpu.dimension_semantics<core_parallel>, #tpu.dimension_semantics<subcore_parallel>], iteration_bounds = array<i64: 2, 16>, scalar_prefetch = 0 : i64, scratch_operands = 2 : i64, tpu.core_type = #tpu.core_type<sc_vector_subcore>, window_params = [{transform_indices = #map}, {transform_indices = #map1}]} {
    %eq3A = arith.constant 0 : i32
    %eq3A_0 = arith.cmpi eq, %arg0, %eq3A : i32
    %eq3A_1 = arith.constant 0 : i32
    %eq3A_2 = arith.cmpi eq, %arg1, %eq3A_1 : i32
    %and3A = arith.andi %eq3A_0, %eq3A_2 : i1
    %convert_element_type3A = arith.extui %and3A : i1 to i32
    %cond3A = arith.constant 0 : i32
    %cond3A_3 = arith.cmpi ne, %convert_element_type3A, %cond3A : i32
    scf.if %cond3A_3 {
      "tpu.region"() ({
        %run_scoped3A = tpu.sem_alloc : memref<!tpu.dma_semaphore, #tpu.memory_space<semaphore_mem>>
        tpu.enqueue_dma source(%arg2 : memref<8x17x16xf32, #tpu.memory_space<hbm>>) target(%arg4 : memref<8x17x16xf32, #tpu.memory_space<vmem>>) target_semaphore(%run_scoped3A : memref<!tpu.dma_semaphore, #tpu.memory_space<semaphore_mem>>)
        tpu.wait_dma2 semaphore(%run_scoped3A : memref<!tpu.dma_semaphore, #tpu.memory_space<semaphore_mem>>) src(%arg2 : memref<8x17x16xf32, #tpu.memory_space<hbm>>) dst(%arg4 : memref<8x17x16xf32, #tpu.memory_space<vmem>>)
        tpu.yield
      }) : () -> ()
      %broadcast_in_dim3A = arith.constant 0.000000e+00 : f32
      %broadcast_in_dim3A_4 = vector.broadcast %broadcast_in_dim3A : f32 to vector<16xf32>
      %broadcast_in_dim3A_5 = arith.constant 1.000000e+00 : f32
      %broadcast_in_dim3A_6 = vector.broadcast %broadcast_in_dim3A_5 : f32 to vector<16xf32>
      %scan3A = arith.constant -3.400000e+38 : f32
      %scan3A_7 = arith.constant 0 : i32
      %scan3A_8 = arith.constant 4 : i32
      %scan3A_9 = arith.addi %scan3A_7, %scan3A_8 : i32
      %scan3A_10 = arith.constant 1 : i32
      %scan3A_11 = scf.for %scan3A_46 = %scan3A_7 to %scan3A_9 step %scan3A_10 iter_args(%scan3A_47 = %broadcast_in_dim3A_4) -> (vector<16xf32>)  : i32 {
        %mul3A = arith.constant 2 : i32
        %mul3A_48 = arith.muli %scan3A_46, %mul3A : i32
        %add3A_49 = arith.constant 0 : i32
        %add3A_50 = arith.addi %mul3A_48, %add3A_49 : i32
        %get3A = arith.constant 0 : i32
        %get3A_51 = arith.index_cast %add3A_50 : i32 to index
        %get3A_52 = arith.index_cast %get3A : i32 to index
        %get3A_53 = arith.constant 0 : index
        %get3A_54 = tpu.vector_load %arg4[%get3A_51, %get3A_52, %get3A_53] {strides = array<i32>} : memref<8x17x16xf32, #tpu.memory_space<vmem>>, vector<1x1x16xf32>,
        %get3A_55 = vector.shape_cast %get3A_54 : vector<1x1x16xf32> to vector<16xf32>
        %mul3A_56 = arith.constant 7.23379635E-5 : f32
        %mul3A_57 = vector.broadcast %mul3A_56 : f32 to vector<16xf32>
        %mul3A_58 = arith.mulf %mul3A_57, %get3A_55 : vector<16xf32>
        %get3A_59 = arith.constant 1 : i32
        %get3A_60 = arith.index_cast %add3A_50 : i32 to index
        %get3A_61 = arith.index_cast %get3A_59 : i32 to index
        %get3A_62 = arith.constant 0 : index
        %get3A_63 = tpu.vector_load %arg4[%get3A_60, %get3A_61, %get3A_62] {strides = array<i32>} : memref<8x17x16xf32, #tpu.memory_space<vmem>>, vector<1x1x16xf32>,
        %get3A_64 = vector.shape_cast %get3A_63 : vector<1x1x16xf32> to vector<16xf32>
        %mul3A_65 = arith.constant 7.23379635E-5 : f32
        %mul3A_66 = vector.broadcast %mul3A_65 : f32 to vector<16xf32>
        %mul3A_67 = arith.mulf %mul3A_66, %get3A_64 : vector<16xf32>
        %get3A_68 = arith.constant 2 : i32
        %get3A_69 = arith.index_cast %add3A_50 : i32 to index
        %get3A_70 = arith.index_cast %get3A_68 : i32 to index
        %get3A_71 = arith.constant 0 : index
        %get3A_72 = tpu.vector_load %arg4[%get3A_69, %get3A_70, %get3A_71] {strides = array<i32>} : memref<8x17x16xf32, #tpu.memory_space<vmem>>, vector<1x1x16xf32>,
        %get3A_73 = vector.shape_cast %get3A_72 : vector<1x1x16xf32> to vector<16xf32>
        %mul3A_74 = arith.constant 7.23379635E-5 : f32
        %mul3A_75 = vector.broadcast %mul3A_74 : f32 to vector<16xf32>
        %mul3A_76 = arith.mulf %mul3A_75, %get3A_73 : vector<16xf32>
        %get3A_77 = arith.constant 3 : i32
        %get3A_78 = arith.index_cast %add3A_50 : i32 to index
        %get3A_79 = arith.index_cast %get3A_77 : i32 to index
        %get3A_80 = arith.constant 0 : index
        %get3A_81 = tpu.vector_load %arg4[%get3A_78, %get3A_79, %get3A_80] {strides = array<i32>} : memref<8x17x16xf32, #tpu.memory_space<vmem>>, vector<1x1x16xf32>,
        %get3A_82 = vector.shape_cast %get3A_81 : vector<1x1x16xf32> to vector<16xf32>
        %mul3A_83 = arith.constant 7.23379635E-5 : f32
        %mul3A_84 = vector.broadcast %mul3A_83 : f32 to vector<16xf32>
        %mul3A_85 = arith.mulf %mul3A_84, %get3A_82 : vector<16xf32>
        %get3A_86 = arith.constant 4 : i32
        %get3A_87 = arith.index_cast %add3A_50 : i32 to index
        %get3A_88 = arith.index_cast %get3A_86 : i32 to index
        %get3A_89 = arith.constant 0 : index
        %get3A_90 = tpu.vector_load %arg4[%get3A_87, %get3A_88, %get3A_89] {strides = array<i32>} : memref<8x17x16xf32, #tpu.memory_space<vmem>>, vector<1x1x16xf32>,
        %get3A_91 = vector.shape_cast %get3A_90 : vector<1x1x16xf32> to vector<16xf32>
        %mul3A_92 = arith.constant 7.23379635E-5 : f32
        %mul3A_93 = vector.broadcast %mul3A_92 : f32 to vector<16xf32>
        %mul3A_94 = arith.mulf %mul3A_93, %get3A_91 : vector<16xf32>
        %get3A_95 = arith.constant 5 : i32
        %get3A_96 = arith.index_cast %add3A_50 : i32 to index
        %get3A_97 = arith.index_cast %get3A_95 : i32 to index
        %get3A_98 = arith.constant 0 : index
        %get3A_99 = tpu.vector_load %arg4[%get3A_96, %get3A_97, %get3A_98] {strides = array<i32>} : memref<8x17x16xf32, #tpu.memory_space<vmem>>, vector<1x1x16xf32>,
        %get3A_100 = vector.shape_cast %get3A_99 : vector<1x1x16xf32> to vector<16xf32>
        %mul3A_101 = arith.constant 7.23379635E-5 : f32
        %mul3A_102 = vector.broadcast %mul3A_101 : f32 to vector<16xf32>
        %mul3A_103 = arith.mulf %mul3A_102, %get3A_100 : vector<16xf32>
        %get3A_104 = arith.constant 6 : i32
        %get3A_105 = arith.index_cast %add3A_50 : i32 to index
        %get3A_106 = arith.index_cast %get3A_104 : i32 to index
        %get3A_107 = arith.constant 0 : index
        %get3A_108 = tpu.vector_load %arg4[%get3A_105, %get3A_106, %get3A_107] {strides = array<i32>} : memref<8x17x16xf32, #tpu.memory_space<vmem>>, vector<1x1x16xf32>,
        %get3A_109 = vector.shape_cast %get3A_108 : vector<1x1x16xf32> to vector<16xf32>
        %mul3A_110 = arith.constant 7.23379635E-5 : f32
        %mul3A_111 = vector.broadcast %mul3A_110 : f32 to vector<16xf32>
        %mul3A_112 = arith.mulf %mul3A_111, %get3A_109 : vector<16xf32>
        %get3A_113 = arith.constant 7 : i32
        %get3A_114 = arith.index_cast %add3A_50 : i32 to index
        %get3A_115 = arith.index_cast %get3A_113 : i32 to index
        %get3A_116 = arith.constant 0 : index
        %get3A_117 = tpu.vector_load %arg4[%get3A_114, %get3A_115, %get3A_116] {strides = array<i32>} : memref<8x17x16xf32, #tpu.memory_space<vmem>>, vector<1x1x16xf32>,
        %get3A_118 = vector.shape_cast %get3A_117 : vector<1x1x16xf32> to vector<16xf32>
        %mul3A_119 = arith.constant 7.23379635E-5 : f32
        %mul3A_120 = vector.broadcast %mul3A_119 : f32 to vector<16xf32>
        %mul3A_121 = arith.mulf %mul3A_120, %get3A_118 : vector<16xf32>
        %get3A_122 = arith.constant 8 : i32
        %get3A_123 = arith.index_cast %add3A_50 : i32 to index
        %get3A_124 = arith.index_cast %get3A_122 : i32 to index
        %get3A_125 = arith.constant 0 : index
        %get3A_126 = tpu.vector_load %arg4[%get3A_123, %get3A_124, %get3A_125] {strides = array<i32>} : memref<8x17x16xf32, #tpu.memory_space<vmem>>, vector<1x1x16xf32>,
        %get3A_127 = vector.shape_cast %get3A_126 : vector<1x1x16xf32> to vector<16xf32>
        %mul3A_128 = arith.constant 7.23379635E-5 : f32
        %mul3A_129 = vector.broadcast %mul3A_128 : f32 to vector<16xf32>
        %mul3A_130 = arith.mulf %mul3A_129, %get3A_127 : vector<16xf32>
        %get3A_131 = arith.constant 9 : i32
        %get3A_132 = arith.index_cast %add3A_50 : i32 to index
        %get3A_133 = arith.index_cast %get3A_131 : i32 to index
        %get3A_134 = arith.constant 0 : index
        %get3A_135 = tpu.vector_load %arg4[%get3A_132, %get3A_133, %get3A_134] {strides = array<i32>} : memref<8x17x16xf32, #tpu.memory_space<vmem>>, vector<1x1x16xf32>,
        %get3A_136 = vector.shape_cast %get3A_135 : vector<1x1x16xf32> to vector<16xf32>
        %mul3A_137 = arith.constant 7.23379635E-5 : f32
        %mul3A_138 = vector.broadcast %mul3A_137 : f32 to vector<16xf32>
        %mul3A_139 = arith.mulf %mul3A_138, %get3A_136 : vector<16xf32>
        %get3A_140 = arith.constant 10 : i32
        %get3A_141 = arith.index_cast %add3A_50 : i32 to index
        %get3A_142 = arith.index_cast %get3A_140 : i32 to index
        %get3A_143 = arith.constant 0 : index
        %get3A_144 = tpu.vector_load %arg4[%get3A_141, %get3A_142, %get3A_143] {strides = array<i32>} : memref<8x17x16xf32, #tpu.memory_space<vmem>>, vector<1x1x16xf32>,
        %get3A_145 = vector.shape_cast %get3A_144 : vector<1x1x16xf32> to vector<16xf32>
        %mul3A_146 = arith.constant 7.23379635E-5 : f32
        %mul3A_147 = vector.broadcast %mul3A_146 : f32 to vector<16xf32>
        %mul3A_148 = arith.mulf %mul3A_147, %get3A_145 : vector<16xf32>
        %get3A_149 = arith.constant 11 : i32
        %get3A_150 = arith.index_cast %add3A_50 : i32 to index
        %get3A_151 = arith.index_cast %get3A_149 : i32 to index
        %get3A_152 = arith.constant 0 : index
        %get3A_153 = tpu.vector_load %arg4[%get3A_150, %get3A_151, %get3A_152] {strides = array<i32>} : memref<8x17x16xf32, #tpu.memory_space<vmem>>, vector<1x1x16xf32>,
        %get3A_154 = vector.shape_cast %get3A_153 : vector<1x1x16xf32> to vector<16xf32>
        %mul3A_155 = arith.constant 7.23379635E-5 : f32
        %mul3A_156 = vector.broadcast %mul3A_155 : f32 to vector<16xf32>
        %mul3A_157 = arith.mulf %mul3A_156, %get3A_154 : vector<16xf32>
        %get3A_158 = arith.constant 12 : i32
        %get3A_159 = arith.index_cast %add3A_50 : i32 to index
        %get3A_160 = arith.index_cast %get3A_158 : i32 to index
        %get3A_161 = arith.constant 0 : index
        %get3A_162 = tpu.vector_load %arg4[%get3A_159, %get3A_160, %get3A_161] {strides = array<i32>} : memref<8x17x16xf32, #tpu.memory_space<vmem>>, vector<1x1x16xf32>,
        %get3A_163 = vector.shape_cast %get3A_162 : vector<1x1x16xf32> to vector<16xf32>
        %mul3A_164 = arith.constant 7.23379635E-5 : f32
        %mul3A_165 = vector.broadcast %mul3A_164 : f32 to vector<16xf32>
        %mul3A_166 = arith.mulf %mul3A_165, %get3A_163 : vector<16xf32>
        %get3A_167 = arith.constant 13 : i32
        %get3A_168 = arith.index_cast %add3A_50 : i32 to index
        %get3A_169 = arith.index_cast %get3A_167 : i32 to index
        %get3A_170 = arith.constant 0 : index
        %get3A_171 = tpu.vector_load %arg4[%get3A_168, %get3A_169, %get3A_170] {strides = array<i32>} : memref<8x17x16xf32, #tpu.memory_space<vmem>>, vector<1x1x16xf32>,
        %get3A_172 = vector.shape_cast %get3A_171 : vector<1x1x16xf32> to vector<16xf32>
        %mul3A_173 = arith.constant 7.23379635E-5 : f32
        %mul3A_174 = vector.broadcast %mul3A_173 : f32 to vector<16xf32>
        %mul3A_175 = arith.mulf %mul3A_174, %get3A_172 : vector<16xf32>
        %get3A_176 = arith.constant 14 : i32
        %get3A_177 = arith.index_cast %add3A_50 : i32 to index
        %get3A_178 = arith.index_cast %get3A_176 : i32 to index
        %get3A_179 = arith.constant 0 : index
        %get3A_180 = tpu.vector_load %arg4[%get3A_177, %get3A_178, %get3A_179] {strides = array<i32>} : memref<8x17x16xf32, #tpu.memory_space<vmem>>, vector<1x1x16xf32>,
        %get3A_181 = vector.shape_cast %get3A_180 : vector<1x1x16xf32> to vector<16xf32>
        %mul3A_182 = arith.constant 7.23379635E-5 : f32
        %mul3A_183 = vector.broadcast %mul3A_182 : f32 to vector<16xf32>
        %mul3A_184 = arith.mulf %mul3A_183, %get3A_181 : vector<16xf32>
        %get3A_185 = arith.constant 15 : i32
        %get3A_186 = arith.index_cast %add3A_50 : i32 to index
        %get3A_187 = arith.index_cast %get3A_185 : i32 to index
        %get3A_188 = arith.constant 0 : index
        %get3A_189 = tpu.vector_load %arg4[%get3A_186, %get3A_187, %get3A_188] {strides = array<i32>} : memref<8x17x16xf32, #tpu.memory_space<vmem>>, vector<1x1x16xf32>,
        %get3A_190 = vector.shape_cast %get3A_189 : vector<1x1x16xf32> to vector<16xf32>
        %mul3A_191 = arith.constant 7.23379635E-5 : f32
        %mul3A_192 = vector.broadcast %mul3A_191 : f32 to vector<16xf32>
        %mul3A_193 = arith.mulf %mul3A_192, %get3A_190 : vector<16xf32>
        %get3A_194 = arith.constant 16 : i32
        %get3A_195 = arith.index_cast %add3A_50 : i32 to index
        %get3A_196 = arith.index_cast %get3A_194 : i32 to index
        %get3A_197 = arith.constant 0 : index
        %get3A_198 = tpu.vector_load %arg4[%get3A_195, %get3A_196, %get3A_197] {strides = array<i32>} : memref<8x17x16xf32, #tpu.memory_space<vmem>>, vector<1x1x16xf32>,
        %get3A_199 = vector.shape_cast %get3A_198 : vector<1x1x16xf32> to vector<16xf32>
        %mul3A_200 = arith.constant 7.23379635E-5 : f32
        %mul3A_201 = vector.broadcast %mul3A_200 : f32 to vector<16xf32>
        %mul3A_202 = arith.mulf %mul3A_201, %get3A_199 : vector<16xf32>
        %mul3A_203 = vector.broadcast %scan3A : f32 to vector<16xf32>
        %mul3A_204 = arith.mulf %broadcast_in_dim3A_4, %mul3A_203 : vector<16xf32>
        %add3A_205 = arith.addf %mul3A_58, %mul3A_204 : vector<16xf32>
        %mul3A_206 = vector.broadcast %scan3A : f32 to vector<16xf32>
        %mul3A_207 = arith.mulf %broadcast_in_dim3A_4, %mul3A_206 : vector<16xf32>
        %add3A_208 = arith.addf %mul3A_67, %mul3A_207 : vector<16xf32>
        %max3A = arith.maximumf %add3A_205, %add3A_208 : vector<16xf32>
        %mul3A_209 = vector.broadcast %scan3A : f32 to vector<16xf32>
        %mul3A_210 = arith.mulf %broadcast_in_dim3A_4, %mul3A_209 : vector<16xf32>
        %add3A_211 = arith.addf %mul3A_76, %mul3A_210 : vector<16xf32>
        %max3A_212 = arith.maximumf %max3A, %add3A_211 : vector<16xf32>
        %mul3A_213 = vector.broadcast %scan3A : f32 to vector<16xf32>
        %mul3A_214 = arith.mulf %broadcast_in_dim3A_4, %mul3A_213 : vector<16xf32>
        %add3A_215 = arith.addf %mul3A_85, %mul3A_214 : vector<16xf32>
        %max3A_216 = arith.maximumf %max3A_212, %add3A_215 : vector<16xf32>
        %mul3A_217 = vector.broadcast %scan3A : f32 to vector<16xf32>
        %mul3A_218 = arith.mulf %broadcast_in_dim3A_4, %mul3A_217 : vector<16xf32>
        %add3A_219 = arith.addf %mul3A_94, %mul3A_218 : vector<16xf32>
        %max3A_220 = arith.maximumf %max3A_216, %add3A_219 : vector<16xf32>
        %mul3A_221 = vector.broadcast %scan3A : f32 to vector<16xf32>
        %mul3A_222 = arith.mulf %broadcast_in_dim3A_4, %mul3A_221 : vector<16xf32>
        %add3A_223 = arith.addf %mul3A_103, %mul3A_222 : vector<16xf32>
        %max3A_224 = arith.maximumf %max3A_220, %add3A_223 : vector<16xf32>
        %mul3A_225 = vector.broadcast %scan3A : f32 to vector<16xf32>
        %mul3A_226 = arith.mulf %broadcast_in_dim3A_4, %mul3A_225 : vector<16xf32>
        %add3A_227 = arith.addf %mul3A_112, %mul3A_226 : vector<16xf32>
        %max3A_228 = arith.maximumf %max3A_224, %add3A_227 : vector<16xf32>
        %mul3A_229 = vector.broadcast %scan3A : f32 to vector<16xf32>
        %mul3A_230 = arith.mulf %broadcast_in_dim3A_4, %mul3A_229 : vector<16xf32>
        %add3A_231 = arith.addf %mul3A_121, %mul3A_230 : vector<16xf32>
        %max3A_232 = arith.maximumf %max3A_228, %add3A_231 : vector<16xf32>
        %mul3A_233 = vector.broadcast %scan3A : f32 to vector<16xf32>
        %mul3A_234 = arith.mulf %broadcast_in_dim3A_4, %mul3A_233 : vector<16xf32>
        %add3A_235 = arith.addf %mul3A_130, %mul3A_234 : vector<16xf32>
        %max3A_236 = arith.maximumf %max3A_232, %add3A_235 : vector<16xf32>
        %mul3A_237 = vector.broadcast %scan3A : f32 to vector<16xf32>
        %mul3A_238 = arith.mulf %broadcast_in_dim3A_4, %mul3A_237 : vector<16xf32>
        %add3A_239 = arith.addf %mul3A_139, %mul3A_238 : vector<16xf32>
        %max3A_240 = arith.maximumf %max3A_236, %add3A_239 : vector<16xf32>
        %mul3A_241 = vector.broadcast %scan3A : f32 to vector<16xf32>
        %mul3A_242 = arith.mulf %broadcast_in_dim3A_4, %mul3A_241 : vector<16xf32>
        %add3A_243 = arith.addf %mul3A_148, %mul3A_242 : vector<16xf32>
        %max3A_244 = arith.maximumf %max3A_240, %add3A_243 : vector<16xf32>
        %mul3A_245 = vector.broadcast %scan3A : f32 to vector<16xf32>
        %mul3A_246 = arith.mulf %broadcast_in_dim3A_4, %mul3A_245 : vector<16xf32>
        %add3A_247 = arith.addf %mul3A_157, %mul3A_246 : vector<16xf32>
        %max3A_248 = arith.maximumf %max3A_244, %add3A_247 : vector<16xf32>
        %mul3A_249 = vector.broadcast %scan3A : f32 to vector<16xf32>
        %mul3A_250 = arith.mulf %broadcast_in_dim3A_4, %mul3A_249 : vector<16xf32>
        %add3A_251 = arith.addf %mul3A_166, %mul3A_250 : vector<16xf32>
        %max3A_252 = arith.maximumf %max3A_248, %add3A_251 : vector<16xf32>
        %mul3A_253 = vector.broadcast %scan3A : f32 to vector<16xf32>
        %mul3A_254 = arith.mulf %broadcast_in_dim3A_4, %mul3A_253 : vector<16xf32>
        %add3A_255 = arith.addf %mul3A_175, %mul3A_254 : vector<16xf32>
        %max3A_256 = arith.maximumf %max3A_252, %add3A_255 : vector<16xf32>
        %mul3A_257 = vector.broadcast %scan3A : f32 to vector<16xf32>
        %mul3A_258 = arith.mulf %broadcast_in_dim3A_4, %mul3A_257 : vector<16xf32>
        %add3A_259 = arith.addf %mul3A_184, %mul3A_258 : vector<16xf32>
        %max3A_260 = arith.maximumf %max3A_256, %add3A_259 : vector<16xf32>
        %mul3A_261 = vector.broadcast %scan3A : f32 to vector<16xf32>
        %mul3A_262 = arith.mulf %broadcast_in_dim3A_4, %mul3A_261 : vector<16xf32>
        %add3A_263 = arith.addf %mul3A_193, %mul3A_262 : vector<16xf32>
        %max3A_264 = arith.maximumf %max3A_260, %add3A_263 : vector<16xf32>
        %mul3A_265 = vector.broadcast %scan3A : f32 to vector<16xf32>
        %mul3A_266 = arith.mulf %broadcast_in_dim3A_4, %mul3A_265 : vector<16xf32>
        %add3A_267 = arith.addf %mul3A_202, %mul3A_266 : vector<16xf32>
        %max3A_268 = arith.maximumf %max3A_264, %add3A_267 : vector<16xf32>
        %add3A_269 = arith.addf %broadcast_in_dim3A_4, %max3A_268 : vector<16xf32>
        %sub3A = arith.subf %broadcast_in_dim3A_6, %broadcast_in_dim3A_4 : vector<16xf32>
        %sub3A_270 = arith.subf %broadcast_in_dim3A_6, %broadcast_in_dim3A_4 : vector<16xf32>
        %mul3A_271 = arith.mulf %sub3A, %sub3A_270 : vector<16xf32>
        %eq3A_272 = arith.cmpf oeq, %mul3A_58, %max3A_268 : vector<16xf32>
        %select_n3A_273 = arith.select %eq3A_272, %broadcast_in_dim3A_6, %broadcast_in_dim3A_4 : vector<16xi1>, vector<16xf32>
        %mul3A_274 = arith.mulf %mul3A_271, %select_n3A_273 : vector<16xf32>
        %add3A_275 = arith.addf %broadcast_in_dim3A_4, %mul3A_274 : vector<16xf32>
        %add3A_276 = arith.addf %broadcast_in_dim3A_4, %mul3A_274 : vector<16xf32>
        %sub3A_277 = arith.subf %broadcast_in_dim3A_6, %broadcast_in_dim3A_4 : vector<16xf32>
        %sub3A_278 = arith.subf %broadcast_in_dim3A_6, %add3A_276 : vector<16xf32>
        %mul3A_279 = arith.mulf %sub3A_277, %sub3A_278 : vector<16xf32>
        %eq3A_280 = arith.cmpf oeq, %mul3A_67, %max3A_268 : vector<16xf32>
        %select_n3A_281 = arith.select %eq3A_280, %broadcast_in_dim3A_6, %broadcast_in_dim3A_4 : vector<16xi1>, vector<16xf32>
        %mul3A_282 = arith.mulf %mul3A_279, %select_n3A_281 : vector<16xf32>
        %add3A_283 = arith.addf %broadcast_in_dim3A_4, %mul3A_282 : vector<16xf32>
        %add3A_284 = arith.addf %add3A_276, %mul3A_282 : vector<16xf32>
        %sub3A_285 = arith.subf %broadcast_in_dim3A_6, %broadcast_in_dim3A_4 : vector<16xf32>
        %sub3A_286 = arith.subf %broadcast_in_dim3A_6, %add3A_284 : vector<16xf32>
        %mul3A_287 = arith.mulf %sub3A_285, %sub3A_286 : vector<16xf32>
        %eq3A_288 = arith.cmpf oeq, %mul3A_76, %max3A_268 : vector<16xf32>
        %select_n3A_289 = arith.select %eq3A_288, %broadcast_in_dim3A_6, %broadcast_in_dim3A_4 : vector<16xi1>, vector<16xf32>
        %mul3A_290 = arith.mulf %mul3A_287, %select_n3A_289 : vector<16xf32>
        %add3A_291 = arith.addf %broadcast_in_dim3A_4, %mul3A_290 : vector<16xf32>
        %add3A_292 = arith.addf %add3A_284, %mul3A_290 : vector<16xf32>
        %sub3A_293 = arith.subf %broadcast_in_dim3A_6, %broadcast_in_dim3A_4 : vector<16xf32>
        %sub3A_294 = arith.subf %broadcast_in_dim3A_6, %add3A_292 : vector<16xf32>
        %mul3A_295 = arith.mulf %sub3A_293, %sub3A_294 : vector<16xf32>
        %eq3A_296 = arith.cmpf oeq, %mul3A_85, %max3A_268 : vector<16xf32>
        %select_n3A_297 = arith.select %eq3A_296, %broadcast_in_dim3A_6, %broadcast_in_dim3A_4 : vector<16xi1>, vector<16xf32>
        %mul3A_298 = arith.mulf %mul3A_295, %select_n3A_297 : vector<16xf32>
        %add3A_299 = arith.addf %broadcast_in_dim3A_4, %mul3A_298 : vector<16xf32>
        %add3A_300 = arith.addf %add3A_292, %mul3A_298 : vector<16xf32>
        %sub3A_301 = arith.subf %broadcast_in_dim3A_6, %broadcast_in_dim3A_4 : vector<16xf32>
        %sub3A_302 = arith.subf %broadcast_in_dim3A_6, %add3A_300 : vector<16xf32>
        %mul3A_303 = arith.mulf %sub3A_301, %sub3A_302 : vector<16xf32>
        %eq3A_304 = arith.cmpf oeq, %mul3A_94, %max3A_268 : vector<16xf32>
        %select_n3A_305 = arith.select %eq3A_304, %broadcast_in_dim3A_6, %broadcast_in_dim3A_4 : vector<16xi1>, vector<16xf32>
        %mul3A_306 = arith.mulf %mul3A_303, %select_n3A_305 : vector<16xf32>
        %add3A_307 = arith.addf %broadcast_in_dim3A_4, %mul3A_306 : vector<16xf32>
        %add3A_308 = arith.addf %add3A_300, %mul3A_306 : vector<16xf32>
        %sub3A_309 = arith.subf %broadcast_in_dim3A_6, %broadcast_in_dim3A_4 : vector<16xf32>
        %sub3A_310 = arith.subf %broadcast_in_dim3A_6, %add3A_308 : vector<16xf32>
        %mul3A_311 = arith.mulf %sub3A_309, %sub3A_310 : vector<16xf32>
        %eq3A_312 = arith.cmpf oeq, %mul3A_103, %max3A_268 : vector<16xf32>
        %select_n3A_313 = arith.select %eq3A_312, %broadcast_in_dim3A_6, %broadcast_in_dim3A_4 : vector<16xi1>, vector<16xf32>
        %mul3A_314 = arith.mulf %mul3A_311, %select_n3A_313 : vector<16xf32>
        %add3A_315 = arith.addf %broadcast_in_dim3A_4, %mul3A_314 : vector<16xf32>
        %add3A_316 = arith.addf %add3A_308, %mul3A_314 : vector<16xf32>
        %sub3A_317 = arith.subf %broadcast_in_dim3A_6, %broadcast_in_dim3A_4 : vector<16xf32>
        %sub3A_318 = arith.subf %broadcast_in_dim3A_6, %add3A_316 : vector<16xf32>
        %mul3A_319 = arith.mulf %sub3A_317, %sub3A_318 : vector<16xf32>
        %eq3A_320 = arith.cmpf oeq, %mul3A_112, %max3A_268 : vector<16xf32>
        %select_n3A_321 = arith.select %eq3A_320, %broadcast_in_dim3A_6, %broadcast_in_dim3A_4 : vector<16xi1>, vector<16xf32>
        %mul3A_322 = arith.mulf %mul3A_319, %select_n3A_321 : vector<16xf32>
        %add3A_323 = arith.addf %broadcast_in_dim3A_4, %mul3A_322 : vector<16xf32>
        %add3A_324 = arith.addf %add3A_316, %mul3A_322 : vector<16xf32>
        %sub3A_325 = arith.subf %broadcast_in_dim3A_6, %broadcast_in_dim3A_4 : vector<16xf32>
        %sub3A_326 = arith.subf %broadcast_in_dim3A_6, %add3A_324 : vector<16xf32>
        %mul3A_327 = arith.mulf %sub3A_325, %sub3A_326 : vector<16xf32>
        %eq3A_328 = arith.cmpf oeq, %mul3A_121, %max3A_268 : vector<16xf32>
        %select_n3A_329 = arith.select %eq3A_328, %broadcast_in_dim3A_6, %broadcast_in_dim3A_4 : vector<16xi1>, vector<16xf32>
        %mul3A_330 = arith.mulf %mul3A_327, %select_n3A_329 : vector<16xf32>
        %add3A_331 = arith.addf %broadcast_in_dim3A_4, %mul3A_330 : vector<16xf32>
        %add3A_332 = arith.addf %add3A_324, %mul3A_330 : vector<16xf32>
        %sub3A_333 = arith.subf %broadcast_in_dim3A_6, %broadcast_in_dim3A_4 : vector<16xf32>
        %sub3A_334 = arith.subf %broadcast_in_dim3A_6, %add3A_332 : vector<16xf32>
        %mul3A_335 = arith.mulf %sub3A_333, %sub3A_334 : vector<16xf32>
        %eq3A_336 = arith.cmpf oeq, %mul3A_130, %max3A_268 : vector<16xf32>
        %select_n3A_337 = arith.select %eq3A_336, %broadcast_in_dim3A_6, %broadcast_in_dim3A_4 : vector<16xi1>, vector<16xf32>
        %mul3A_338 = arith.mulf %mul3A_335, %select_n3A_337 : vector<16xf32>
        %add3A_339 = arith.addf %broadcast_in_dim3A_4, %mul3A_338 : vector<16xf32>
        %add3A_340 = arith.addf %add3A_332, %mul3A_338 : vector<16xf32>
        %sub3A_341 = arith.subf %broadcast_in_dim3A_6, %broadcast_in_dim3A_4 : vector<16xf32>
        %sub3A_342 = arith.subf %broadcast_in_dim3A_6, %add3A_340 : vector<16xf32>
        %mul3A_343 = arith.mulf %sub3A_341, %sub3A_342 : vector<16xf32>
        %eq3A_344 = arith.cmpf oeq, %mul3A_139, %max3A_268 : vector<16xf32>
        %select_n3A_345 = arith.select %eq3A_344, %broadcast_in_dim3A_6, %broadcast_in_dim3A_4 : vector<16xi1>, vector<16xf32>
        %mul3A_346 = arith.mulf %mul3A_343, %select_n3A_345 : vector<16xf32>
        %add3A_347 = arith.addf %broadcast_in_dim3A_4, %mul3A_346 : vector<16xf32>
        %add3A_348 = arith.addf %add3A_340, %mul3A_346 : vector<16xf32>
        %sub3A_349 = arith.subf %broadcast_in_dim3A_6, %broadcast_in_dim3A_4 : vector<16xf32>
        %sub3A_350 = arith.subf %broadcast_in_dim3A_6, %add3A_348 : vector<16xf32>
        %mul3A_351 = arith.mulf %sub3A_349, %sub3A_350 : vector<16xf32>
        %eq3A_352 = arith.cmpf oeq, %mul3A_148, %max3A_268 : vector<16xf32>
        %select_n3A_353 = arith.select %eq3A_352, %broadcast_in_dim3A_6, %broadcast_in_dim3A_4 : vector<16xi1>, vector<16xf32>
        %mul3A_354 = arith.mulf %mul3A_351, %select_n3A_353 : vector<16xf32>
        %add3A_355 = arith.addf %broadcast_in_dim3A_4, %mul3A_354 : vector<16xf32>
        %add3A_356 = arith.addf %add3A_348, %mul3A_354 : vector<16xf32>
        %sub3A_357 = arith.subf %broadcast_in_dim3A_6, %broadcast_in_dim3A_4 : vector<16xf32>
        %sub3A_358 = arith.subf %broadcast_in_dim3A_6, %add3A_356 : vector<16xf32>
        %mul3A_359 = arith.mulf %sub3A_357, %sub3A_358 : vector<16xf32>
        %eq3A_360 = arith.cmpf oeq, %mul3A_157, %max3A_268 : vector<16xf32>
        %select_n3A_361 = arith.select %eq3A_360, %broadcast_in_dim3A_6, %broadcast_in_dim3A_4 : vector<16xi1>, vector<16xf32>
        %mul3A_362 = arith.mulf %mul3A_359, %select_n3A_361 : vector<16xf32>
        %add3A_363 = arith.addf %broadcast_in_dim3A_4, %mul3A_362 : vector<16xf32>
        %add3A_364 = arith.addf %add3A_356, %mul3A_362 : vector<16xf32>
        %sub3A_365 = arith.subf %broadcast_in_dim3A_6, %broadcast_in_dim3A_4 : vector<16xf32>
        %sub3A_366 = arith.subf %broadcast_in_dim3A_6, %add3A_364 : vector<16xf32>
        %mul3A_367 = arith.mulf %sub3A_365, %sub3A_366 : vector<16xf32>
        %eq3A_368 = arith.cmpf oeq, %mul3A_166, %max3A_268 : vector<16xf32>
        %select_n3A_369 = arith.select %eq3A_368, %broadcast_in_dim3A_6, %broadcast_in_dim3A_4 : vector<16xi1>, vector<16xf32>
        %mul3A_370 = arith.mulf %mul3A_367, %select_n3A_369 : vector<16xf32>
        %add3A_371 = arith.addf %broadcast_in_dim3A_4, %mul3A_370 : vector<16xf32>
        %add3A_372 = arith.addf %add3A_364, %mul3A_370 : vector<16xf32>
        %sub3A_373 = arith.subf %broadcast_in_dim3A_6, %broadcast_in_dim3A_4 : vector<16xf32>
        %sub3A_374 = arith.subf %broadcast_in_dim3A_6, %add3A_372 : vector<16xf32>
        %mul3A_375 = arith.mulf %sub3A_373, %sub3A_374 : vector<16xf32>
        %eq3A_376 = arith.cmpf oeq, %mul3A_175, %max3A_268 : vector<16xf32>
        %select_n3A_377 = arith.select %eq3A_376, %broadcast_in_dim3A_6, %broadcast_in_dim3A_4 : vector<16xi1>, vector<16xf32>
        %mul3A_378 = arith.mulf %mul3A_375, %select_n3A_377 : vector<16xf32>
        %add3A_379 = arith.addf %broadcast_in_dim3A_4, %mul3A_378 : vector<16xf32>
        %add3A_380 = arith.addf %add3A_372, %mul3A_378 : vector<16xf32>
        %sub3A_381 = arith.subf %broadcast_in_dim3A_6, %broadcast_in_dim3A_4 : vector<16xf32>
        %sub3A_382 = arith.subf %broadcast_in_dim3A_6, %add3A_380 : vector<16xf32>
        %mul3A_383 = arith.mulf %sub3A_381, %sub3A_382 : vector<16xf32>
        %eq3A_384 = arith.cmpf oeq, %mul3A_184, %max3A_268 : vector<16xf32>
        %select_n3A_385 = arith.select %eq3A_384, %broadcast_in_dim3A_6, %broadcast_in_dim3A_4 : vector<16xi1>, vector<16xf32>
        %mul3A_386 = arith.mulf %mul3A_383, %select_n3A_385 : vector<16xf32>
        %add3A_387 = arith.addf %broadcast_in_dim3A_4, %mul3A_386 : vector<16xf32>
        %add3A_388 = arith.addf %add3A_380, %mul3A_386 : vector<16xf32>
        %sub3A_389 = arith.subf %broadcast_in_dim3A_6, %broadcast_in_dim3A_4 : vector<16xf32>
        %sub3A_390 = arith.subf %broadcast_in_dim3A_6, %add3A_388 : vector<16xf32>
        %mul3A_391 = arith.mulf %sub3A_389, %sub3A_390 : vector<16xf32>
        %eq3A_392 = arith.cmpf oeq, %mul3A_193, %max3A_268 : vector<16xf32>
        %select_n3A_393 = arith.select %eq3A_392, %broadcast_in_dim3A_6, %broadcast_in_dim3A_4 : vector<16xi1>, vector<16xf32>
        %mul3A_394 = arith.mulf %mul3A_391, %select_n3A_393 : vector<16xf32>
        %add3A_395 = arith.addf %broadcast_in_dim3A_4, %mul3A_394 : vector<16xf32>
        %add3A_396 = arith.addf %add3A_388, %mul3A_394 : vector<16xf32>
        %sub3A_397 = arith.subf %broadcast_in_dim3A_6, %broadcast_in_dim3A_4 : vector<16xf32>
        %sub3A_398 = arith.subf %broadcast_in_dim3A_6, %add3A_396 : vector<16xf32>
        %mul3A_399 = arith.mulf %sub3A_397, %sub3A_398 : vector<16xf32>
        %eq3A_400 = arith.cmpf oeq, %mul3A_202, %max3A_268 : vector<16xf32>
        %select_n3A_401 = arith.select %eq3A_400, %broadcast_in_dim3A_6, %broadcast_in_dim3A_4 : vector<16xi1>, vector<16xf32>
        %mul3A_402 = arith.mulf %mul3A_399, %select_n3A_401 : vector<16xf32>
        %add3A_403 = arith.addf %broadcast_in_dim3A_4, %mul3A_402 : vector<16xf32>
        %add3A_404 = arith.addf %add3A_396, %mul3A_402 : vector<16xf32>
        %mul3A_405 = vector.broadcast %scan3A : f32 to vector<16xf32>
        %mul3A_406 = arith.mulf %add3A_275, %mul3A_405 : vector<16xf32>
        %add3A_407 = arith.addf %mul3A_58, %mul3A_406 : vector<16xf32>
        %mul3A_408 = vector.broadcast %scan3A : f32 to vector<16xf32>
        %mul3A_409 = arith.mulf %add3A_283, %mul3A_408 : vector<16xf32>
        %add3A_410 = arith.addf %mul3A_67, %mul3A_409 : vector<16xf32>
        %max3A_411 = arith.maximumf %add3A_407, %add3A_410 : vector<16xf32>
        %mul3A_412 = vector.broadcast %scan3A : f32 to vector<16xf32>
        %mul3A_413 = arith.mulf %add3A_291, %mul3A_412 : vector<16xf32>
        %add3A_414 = arith.addf %mul3A_76, %mul3A_413 : vector<16xf32>
        %max3A_415 = arith.maximumf %max3A_411, %add3A_414 : vector<16xf32>
        %mul3A_416 = vector.broadcast %scan3A : f32 to vector<16xf32>
        %mul3A_417 = arith.mulf %add3A_299, %mul3A_416 : vector<16xf32>
        %add3A_418 = arith.addf %mul3A_85, %mul3A_417 : vector<16xf32>
        %max3A_419 = arith.maximumf %max3A_415, %add3A_418 : vector<16xf32>
        %mul3A_420 = vector.broadcast %scan3A : f32 to vector<16xf32>
        %mul3A_421 = arith.mulf %add3A_307, %mul3A_420 : vector<16xf32>
        %add3A_422 = arith.addf %mul3A_94, %mul3A_421 : vector<16xf32>
        %max3A_423 = arith.maximumf %max3A_419, %add3A_422 : vector<16xf32>
        %mul3A_424 = vector.broadcast %scan3A : f32 to vector<16xf32>
        %mul3A_425 = arith.mulf %add3A_315, %mul3A_424 : vector<16xf32>
        %add3A_426 = arith.addf %mul3A_103, %mul3A_425 : vector<16xf32>
        %max3A_427 = arith.maximumf %max3A_423, %add3A_426 : vector<16xf32>
        %mul3A_428 = vector.broadcast %scan3A : f32 to vector<16xf32>
        %mul3A_429 = arith.mulf %add3A_323, %mul3A_428 : vector<16xf32>
        %add3A_430 = arith.addf %mul3A_112, %mul3A_429 : vector<16xf32>
        %max3A_431 = arith.maximumf %max3A_427, %add3A_430 : vector<16xf32>
        %mul3A_432 = vector.broadcast %scan3A : f32 to vector<16xf32>
        %mul3A_433 = arith.mulf %add3A_331, %mul3A_432 : vector<16xf32>
        %add3A_434 = arith.addf %mul3A_121, %mul3A_433 : vector<16xf32>
        %max3A_435 = arith.maximumf %max3A_431, %add3A_434 : vector<16xf32>
        %mul3A_436 = vector.broadcast %scan3A : f32 to vector<16xf32>
        %mul3A_437 = arith.mulf %add3A_339, %mul3A_436 : vector<16xf32>
        %add3A_438 = arith.addf %mul3A_130, %mul3A_437 : vector<16xf32>
        %max3A_439 = arith.maximumf %max3A_435, %add3A_438 : vector<16xf32>
        %mul3A_440 = vector.broadcast %scan3A : f32 to vector<16xf32>
        %mul3A_441 = arith.mulf %add3A_347, %mul3A_440 : vector<16xf32>
        %add3A_442 = arith.addf %mul3A_139, %mul3A_441 : vector<16xf32>
        %max3A_443 = arith.maximumf %max3A_439, %add3A_442 : vector<16xf32>
        %mul3A_444 = vector.broadcast %scan3A : f32 to vector<16xf32>
        %mul3A_445 = arith.mulf %add3A_355, %mul3A_444 : vector<16xf32>
        %add3A_446 = arith.addf %mul3A_148, %mul3A_445 : vector<16xf32>
        %max3A_447 = arith.maximumf %max3A_443, %add3A_446 : vector<16xf32>
        %mul3A_448 = vector.broadcast %scan3A : f32 to vector<16xf32>
        %mul3A_449 = arith.mulf %add3A_363, %mul3A_448 : vector<16xf32>
        %add3A_450 = arith.addf %mul3A_157, %mul3A_449 : vector<16xf32>
        %max3A_451 = arith.maximumf %max3A_447, %add3A_450 : vector<16xf32>
        %mul3A_452 = vector.broadcast %scan3A : f32 to vector<16xf32>
        %mul3A_453 = arith.mulf %add3A_371, %mul3A_452 : vector<16xf32>
        %add3A_454 = arith.addf %mul3A_166, %mul3A_453 : vector<16xf32>
        %max3A_455 = arith.maximumf %max3A_451, %add3A_454 : vector<16xf32>
        %mul3A_456 = vector.broadcast %scan3A : f32 to vector<16xf32>
        %mul3A_457 = arith.mulf %add3A_379, %mul3A_456 : vector<16xf32>
        %add3A_458 = arith.addf %mul3A_175, %mul3A_457 : vector<16xf32>
        %max3A_459 = arith.maximumf %max3A_455, %add3A_458 : vector<16xf32>
        %mul3A_460 = vector.broadcast %scan3A : f32 to vector<16xf32>
        %mul3A_461 = arith.mulf %add3A_387, %mul3A_460 : vector<16xf32>
        %add3A_462 = arith.addf %mul3A_184, %mul3A_461 : vector<16xf32>
        %max3A_463 = arith.maximumf %max3A_459, %add3A_462 : vector<16xf32>
        %mul3A_464 = vector.broadcast %scan3A : f32 to vector<16xf32>
        %mul3A_465 = arith.mulf %add3A_395, %mul3A_464 : vector<16xf32>
        %add3A_466 = arith.addf %mul3A_193, %mul3A_465 : vector<16xf32>
        %max3A_467 = arith.maximumf %max3A_463, %add3A_466 : vector<16xf32>
        %mul3A_468 = vector.broadcast %scan3A : f32 to vector<16xf32>
        %mul3A_469 = arith.mulf %add3A_403, %mul3A_468 : vector<16xf32>
        %add3A_470 = arith.addf %mul3A_202, %mul3A_469 : vector<16xf32>
        %max3A_471 = arith.maximumf %max3A_467, %add3A_470 : vector<16xf32>
        %add3A_472 = arith.addf %add3A_269, %max3A_471 : vector<16xf32>
        %sub3A_473 = arith.subf %broadcast_in_dim3A_6, %add3A_275 : vector<16xf32>
        %sub3A_474 = arith.subf %broadcast_in_dim3A_6, %broadcast_in_dim3A_4 : vector<16xf32>
        %mul3A_475 = arith.mulf %sub3A_473, %sub3A_474 : vector<16xf32>
        %eq3A_476 = arith.cmpf oeq, %mul3A_58, %max3A_471 : vector<16xf32>
        %select_n3A_477 = arith.select %eq3A_476, %broadcast_in_dim3A_6, %broadcast_in_dim3A_4 : vector<16xi1>, vector<16xf32>
        %mul3A_478 = arith.mulf %mul3A_475, %select_n3A_477 : vector<16xf32>
        %add3A_479 = arith.addf %add3A_275, %mul3A_478 : vector<16xf32>
        %add3A_480 = arith.addf %broadcast_in_dim3A_4, %mul3A_478 : vector<16xf32>
        %sub3A_481 = arith.subf %broadcast_in_dim3A_6, %add3A_283 : vector<16xf32>
        %sub3A_482 = arith.subf %broadcast_in_dim3A_6, %add3A_480 : vector<16xf32>
        %mul3A_483 = arith.mulf %sub3A_481, %sub3A_482 : vector<16xf32>
        %eq3A_484 = arith.cmpf oeq, %mul3A_67, %max3A_471 : vector<16xf32>
        %select_n3A_485 = arith.select %eq3A_484, %broadcast_in_dim3A_6, %broadcast_in_dim3A_4 : vector<16xi1>, vector<16xf32>
        %mul3A_486 = arith.mulf %mul3A_483, %select_n3A_485 : vector<16xf32>
        %add3A_487 = arith.addf %add3A_283, %mul3A_486 : vector<16xf32>
        %add3A_488 = arith.addf %add3A_480, %mul3A_486 : vector<16xf32>
        %sub3A_489 = arith.subf %broadcast_in_dim3A_6, %add3A_291 : vector<16xf32>
        %sub3A_490 = arith.subf %broadcast_in_dim3A_6, %add3A_488 : vector<16xf32>
        %mul3A_491 = arith.mulf %sub3A_489, %sub3A_490 : vector<16xf32>
        %eq3A_492 = arith.cmpf oeq, %mul3A_76, %max3A_471 : vector<16xf32>
        %select_n3A_493 = arith.select %eq3A_492, %broadcast_in_dim3A_6, %broadcast_in_dim3A_4 : vector<16xi1>, vector<16xf32>
        %mul3A_494 = arith.mulf %mul3A_491, %select_n3A_493 : vector<16xf32>
        %add3A_495 = arith.addf %add3A_291, %mul3A_494 : vector<16xf32>
        %add3A_496 = arith.addf %add3A_488, %mul3A_494 : vector<16xf32>
        %sub3A_497 = arith.subf %broadcast_in_dim3A_6, %add3A_299 : vector<16xf32>
        %sub3A_498 = arith.subf %broadcast_in_dim3A_6, %add3A_496 : vector<16xf32>
        %mul3A_499 = arith.mulf %sub3A_497, %sub3A_498 : vector<16xf32>
        %eq3A_500 = arith.cmpf oeq, %mul3A_85, %max3A_471 : vector<16xf32>
        %select_n3A_501 = arith.select %eq3A_500, %broadcast_in_dim3A_6, %broadcast_in_dim3A_4 : vector<16xi1>, vector<16xf32>
        %mul3A_502 = arith.mulf %mul3A_499, %select_n3A_501 : vector<16xf32>
        %add3A_503 = arith.addf %add3A_299, %mul3A_502 : vector<16xf32>
        %add3A_504 = arith.addf %add3A_496, %mul3A_502 : vector<16xf32>
        %sub3A_505 = arith.subf %broadcast_in_dim3A_6, %add3A_307 : vector<16xf32>
        %sub3A_506 = arith.subf %broadcast_in_dim3A_6, %add3A_504 : vector<16xf32>
        %mul3A_507 = arith.mulf %sub3A_505, %sub3A_506 : vector<16xf32>
        %eq3A_508 = arith.cmpf oeq, %mul3A_94, %max3A_471 : vector<16xf32>
        %select_n3A_509 = arith.select %eq3A_508, %broadcast_in_dim3A_6, %broadcast_in_dim3A_4 : vector<16xi1>, vector<16xf32>
        %mul3A_510 = arith.mulf %mul3A_507, %select_n3A_509 : vector<16xf32>
        %add3A_511 = arith.addf %add3A_307, %mul3A_510 : vector<16xf32>
        %add3A_512 = arith.addf %add3A_504, %mul3A_510 : vector<16xf32>
        %sub3A_513 = arith.subf %broadcast_in_dim3A_6, %add3A_315 : vector<16xf32>
        %sub3A_514 = arith.subf %broadcast_in_dim3A_6, %add3A_512 : vector<16xf32>
        %mul3A_515 = arith.mulf %sub3A_513, %sub3A_514 : vector<16xf32>
        %eq3A_516 = arith.cmpf oeq, %mul3A_103, %max3A_471 : vector<16xf32>
        %select_n3A_517 = arith.select %eq3A_516, %broadcast_in_dim3A_6, %broadcast_in_dim3A_4 : vector<16xi1>, vector<16xf32>
        %mul3A_518 = arith.mulf %mul3A_515, %select_n3A_517 : vector<16xf32>
        %add3A_519 = arith.addf %add3A_315, %mul3A_518 : vector<16xf32>
        %add3A_520 = arith.addf %add3A_512, %mul3A_518 : vector<16xf32>
        %sub3A_521 = arith.subf %broadcast_in_dim3A_6, %add3A_323 : vector<16xf32>
        %sub3A_522 = arith.subf %broadcast_in_dim3A_6, %add3A_520 : vector<16xf32>
        %mul3A_523 = arith.mulf %sub3A_521, %sub3A_522 : vector<16xf32>
        %eq3A_524 = arith.cmpf oeq, %mul3A_112, %max3A_471 : vector<16xf32>
        %select_n3A_525 = arith.select %eq3A_524, %broadcast_in_dim3A_6, %broadcast_in_dim3A_4 : vector<16xi1>, vector<16xf32>
        %mul3A_526 = arith.mulf %mul3A_523, %select_n3A_525 : vector<16xf32>
        %add3A_527 = arith.addf %add3A_323, %mul3A_526 : vector<16xf32>
        %add3A_528 = arith.addf %add3A_520, %mul3A_526 : vector<16xf32>
        %sub3A_529 = arith.subf %broadcast_in_dim3A_6, %add3A_331 : vector<16xf32>
        %sub3A_530 = arith.subf %broadcast_in_dim3A_6, %add3A_528 : vector<16xf32>
        %mul3A_531 = arith.mulf %sub3A_529, %sub3A_530 : vector<16xf32>
        %eq3A_532 = arith.cmpf oeq, %mul3A_121, %max3A_471 : vector<16xf32>
        %select_n3A_533 = arith.select %eq3A_532, %broadcast_in_dim3A_6, %broadcast_in_dim3A_4 : vector<16xi1>, vector<16xf32>
        %mul3A_534 = arith.mulf %mul3A_531, %select_n3A_533 : vector<16xf32>
        %add3A_535 = arith.addf %add3A_331, %mul3A_534 : vector<16xf32>
        %add3A_536 = arith.addf %add3A_528, %mul3A_534 : vector<16xf32>
        %sub3A_537 = arith.subf %broadcast_in_dim3A_6, %add3A_339 : vector<16xf32>
        %sub3A_538 = arith.subf %broadcast_in_dim3A_6, %add3A_536 : vector<16xf32>
        %mul3A_539 = arith.mulf %sub3A_537, %sub3A_538 : vector<16xf32>
        %eq3A_540 = arith.cmpf oeq, %mul3A_130, %max3A_471 : vector<16xf32>
        %select_n3A_541 = arith.select %eq3A_540, %broadcast_in_dim3A_6, %broadcast_in_dim3A_4 : vector<16xi1>, vector<16xf32>
        %mul3A_542 = arith.mulf %mul3A_539, %select_n3A_541 : vector<16xf32>
        %add3A_543 = arith.addf %add3A_339, %mul3A_542 : vector<16xf32>
        %add3A_544 = arith.addf %add3A_536, %mul3A_542 : vector<16xf32>
        %sub3A_545 = arith.subf %broadcast_in_dim3A_6, %add3A_347 : vector<16xf32>
        %sub3A_546 = arith.subf %broadcast_in_dim3A_6, %add3A_544 : vector<16xf32>
        %mul3A_547 = arith.mulf %sub3A_545, %sub3A_546 : vector<16xf32>
        %eq3A_548 = arith.cmpf oeq, %mul3A_139, %max3A_471 : vector<16xf32>
        %select_n3A_549 = arith.select %eq3A_548, %broadcast_in_dim3A_6, %broadcast_in_dim3A_4 : vector<16xi1>, vector<16xf32>
        %mul3A_550 = arith.mulf %mul3A_547, %select_n3A_549 : vector<16xf32>
        %add3A_551 = arith.addf %add3A_347, %mul3A_550 : vector<16xf32>
        %add3A_552 = arith.addf %add3A_544, %mul3A_550 : vector<16xf32>
        %sub3A_553 = arith.subf %broadcast_in_dim3A_6, %add3A_355 : vector<16xf32>
        %sub3A_554 = arith.subf %broadcast_in_dim3A_6, %add3A_552 : vector<16xf32>
        %mul3A_555 = arith.mulf %sub3A_553, %sub3A_554 : vector<16xf32>
        %eq3A_556 = arith.cmpf oeq, %mul3A_148, %max3A_471 : vector<16xf32>
        %select_n3A_557 = arith.select %eq3A_556, %broadcast_in_dim3A_6, %broadcast_in_dim3A_4 : vector<16xi1>, vector<16xf32>
        %mul3A_558 = arith.mulf %mul3A_555, %select_n3A_557 : vector<16xf32>
        %add3A_559 = arith.addf %add3A_355, %mul3A_558 : vector<16xf32>
        %add3A_560 = arith.addf %add3A_552, %mul3A_558 : vector<16xf32>
        %sub3A_561 = arith.subf %broadcast_in_dim3A_6, %add3A_363 : vector<16xf32>
        %sub3A_562 = arith.subf %broadcast_in_dim3A_6, %add3A_560 : vector<16xf32>
        %mul3A_563 = arith.mulf %sub3A_561, %sub3A_562 : vector<16xf32>
        %eq3A_564 = arith.cmpf oeq, %mul3A_157, %max3A_471 : vector<16xf32>
        %select_n3A_565 = arith.select %eq3A_564, %broadcast_in_dim3A_6, %broadcast_in_dim3A_4 : vector<16xi1>, vector<16xf32>
        %mul3A_566 = arith.mulf %mul3A_563, %select_n3A_565 : vector<16xf32>
        %add3A_567 = arith.addf %add3A_363, %mul3A_566 : vector<16xf32>
        %add3A_568 = arith.addf %add3A_560, %mul3A_566 : vector<16xf32>
        %sub3A_569 = arith.subf %broadcast_in_dim3A_6, %add3A_371 : vector<16xf32>
        %sub3A_570 = arith.subf %broadcast_in_dim3A_6, %add3A_568 : vector<16xf32>
        %mul3A_571 = arith.mulf %sub3A_569, %sub3A_570 : vector<16xf32>
        %eq3A_572 = arith.cmpf oeq, %mul3A_166, %max3A_471 : vector<16xf32>
        %select_n3A_573 = arith.select %eq3A_572, %broadcast_in_dim3A_6, %broadcast_in_dim3A_4 : vector<16xi1>, vector<16xf32>
        %mul3A_574 = arith.mulf %mul3A_571, %select_n3A_573 : vector<16xf32>
        %add3A_575 = arith.addf %add3A_371, %mul3A_574 : vector<16xf32>
        %add3A_576 = arith.addf %add3A_568, %mul3A_574 : vector<16xf32>
        %sub3A_577 = arith.subf %broadcast_in_dim3A_6, %add3A_379 : vector<16xf32>
        %sub3A_578 = arith.subf %broadcast_in_dim3A_6, %add3A_576 : vector<16xf32>
        %mul3A_579 = arith.mulf %sub3A_577, %sub3A_578 : vector<16xf32>
        %eq3A_580 = arith.cmpf oeq, %mul3A_175, %max3A_471 : vector<16xf32>
        %select_n3A_581 = arith.select %eq3A_580, %broadcast_in_dim3A_6, %broadcast_in_dim3A_4 : vector<16xi1>, vector<16xf32>
        %mul3A_582 = arith.mulf %mul3A_579, %select_n3A_581 : vector<16xf32>
        %add3A_583 = arith.addf %add3A_379, %mul3A_582 : vector<16xf32>
        %add3A_584 = arith.addf %add3A_576, %mul3A_582 : vector<16xf32>
        %sub3A_585 = arith.subf %broadcast_in_dim3A_6, %add3A_387 : vector<16xf32>
        %sub3A_586 = arith.subf %broadcast_in_dim3A_6, %add3A_584 : vector<16xf32>
        %mul3A_587 = arith.mulf %sub3A_585, %sub3A_586 : vector<16xf32>
        %eq3A_588 = arith.cmpf oeq, %mul3A_184, %max3A_471 : vector<16xf32>
        %select_n3A_589 = arith.select %eq3A_588, %broadcast_in_dim3A_6, %broadcast_in_dim3A_4 : vector<16xi1>, vector<16xf32>
        %mul3A_590 = arith.mulf %mul3A_587, %select_n3A_589 : vector<16xf32>
        %add3A_591 = arith.addf %add3A_387, %mul3A_590 : vector<16xf32>
        %add3A_592 = arith.addf %add3A_584, %mul3A_590 : vector<16xf32>
        %sub3A_593 = arith.subf %broadcast_in_dim3A_6, %add3A_395 : vector<16xf32>
        %sub3A_594 = arith.subf %broadcast_in_dim3A_6, %add3A_592 : vector<16xf32>
        %mul3A_595 = arith.mulf %sub3A_593, %sub3A_594 : vector<16xf32>
        %eq3A_596 = arith.cmpf oeq, %mul3A_193, %max3A_471 : vector<16xf32>
        %select_n3A_597 = arith.select %eq3A_596, %broadcast_in_dim3A_6, %broadcast_in_dim3A_4 : vector<16xi1>, vector<16xf32>
        %mul3A_598 = arith.mulf %mul3A_595, %select_n3A_597 : vector<16xf32>
        %add3A_599 = arith.addf %add3A_395, %mul3A_598 : vector<16xf32>
        %add3A_600 = arith.addf %add3A_592, %mul3A_598 : vector<16xf32>
        %sub3A_601 = arith.subf %broadcast_in_dim3A_6, %add3A_403 : vector<16xf32>
        %sub3A_602 = arith.subf %broadcast_in_dim3A_6, %add3A_600 : vector<16xf32>
        %mul3A_603 = arith.mulf %sub3A_601, %sub3A_602 : vector<16xf32>
        %eq3A_604 = arith.cmpf oeq, %mul3A_202, %max3A_471 : vector<16xf32>
        %select_n3A_605 = arith.select %eq3A_604, %broadcast_in_dim3A_6, %broadcast_in_dim3A_4 : vector<16xi1>, vector<16xf32>
        %mul3A_606 = arith.mulf %mul3A_603, %select_n3A_605 : vector<16xf32>
        %add3A_607 = arith.addf %add3A_403, %mul3A_606 : vector<16xf32>
        %add3A_608 = arith.addf %add3A_600, %mul3A_606 : vector<16xf32>
        %mul3A_609 = vector.broadcast %scan3A : f32 to vector<16xf32>
        %mul3A_610 = arith.mulf %add3A_479, %mul3A_609 : vector<16xf32>
        %add3A_611 = arith.addf %mul3A_58, %mul3A_610 : vector<16xf32>
        %mul3A_612 = vector.broadcast %scan3A : f32 to vector<16xf32>
        %mul3A_613 = arith.mulf %add3A_487, %mul3A_612 : vector<16xf32>
        %add3A_614 = arith.addf %mul3A_67, %mul3A_613 : vector<16xf32>
        %max3A_615 = arith.maximumf %add3A_611, %add3A_614 : vector<16xf32>
        %mul3A_616 = vector.broadcast %scan3A : f32 to vector<16xf32>
        %mul3A_617 = arith.mulf %add3A_495, %mul3A_616 : vector<16xf32>
        %add3A_618 = arith.addf %mul3A_76, %mul3A_617 : vector<16xf32>
        %max3A_619 = arith.maximumf %max3A_615, %add3A_618 : vector<16xf32>
        %mul3A_620 = vector.broadcast %scan3A : f32 to vector<16xf32>
        %mul3A_621 = arith.mulf %add3A_503, %mul3A_620 : vector<16xf32>
        %add3A_622 = arith.addf %mul3A_85, %mul3A_621 : vector<16xf32>
        %max3A_623 = arith.maximumf %max3A_619, %add3A_622 : vector<16xf32>
        %mul3A_624 = vector.broadcast %scan3A : f32 to vector<16xf32>
        %mul3A_625 = arith.mulf %add3A_511, %mul3A_624 : vector<16xf32>
        %add3A_626 = arith.addf %mul3A_94, %mul3A_625 : vector<16xf32>
        %max3A_627 = arith.maximumf %max3A_623, %add3A_626 : vector<16xf32>
        %mul3A_628 = vector.broadcast %scan3A : f32 to vector<16xf32>
        %mul3A_629 = arith.mulf %add3A_519, %mul3A_628 : vector<16xf32>
        %add3A_630 = arith.addf %mul3A_103, %mul3A_629 : vector<16xf32>
        %max3A_631 = arith.maximumf %max3A_627, %add3A_630 : vector<16xf32>
        %mul3A_632 = vector.broadcast %scan3A : f32 to vector<16xf32>
        %mul3A_633 = arith.mulf %add3A_527, %mul3A_632 : vector<16xf32>
        %add3A_634 = arith.addf %mul3A_112, %mul3A_633 : vector<16xf32>
        %max3A_635 = arith.maximumf %max3A_631, %add3A_634 : vector<16xf32>
        %mul3A_636 = vector.broadcast %scan3A : f32 to vector<16xf32>
        %mul3A_637 = arith.mulf %add3A_535, %mul3A_636 : vector<16xf32>
        %add3A_638 = arith.addf %mul3A_121, %mul3A_637 : vector<16xf32>
        %max3A_639 = arith.maximumf %max3A_635, %add3A_638 : vector<16xf32>
        %mul3A_640 = vector.broadcast %scan3A : f32 to vector<16xf32>
        %mul3A_641 = arith.mulf %add3A_543, %mul3A_640 : vector<16xf32>
        %add3A_642 = arith.addf %mul3A_130, %mul3A_641 : vector<16xf32>
        %max3A_643 = arith.maximumf %max3A_639, %add3A_642 : vector<16xf32>
        %mul3A_644 = vector.broadcast %scan3A : f32 to vector<16xf32>
        %mul3A_645 = arith.mulf %add3A_551, %mul3A_644 : vector<16xf32>
        %add3A_646 = arith.addf %mul3A_139, %mul3A_645 : vector<16xf32>
        %max3A_647 = arith.maximumf %max3A_643, %add3A_646 : vector<16xf32>
        %mul3A_648 = vector.broadcast %scan3A : f32 to vector<16xf32>
        %mul3A_649 = arith.mulf %add3A_559, %mul3A_648 : vector<16xf32>
        %add3A_650 = arith.addf %mul3A_148, %mul3A_649 : vector<16xf32>
        %max3A_651 = arith.maximumf %max3A_647, %add3A_650 : vector<16xf32>
        %mul3A_652 = vector.broadcast %scan3A : f32 to vector<16xf32>
        %mul3A_653 = arith.mulf %add3A_567, %mul3A_652 : vector<16xf32>
        %add3A_654 = arith.addf %mul3A_157, %mul3A_653 : vector<16xf32>
        %max3A_655 = arith.maximumf %max3A_651, %add3A_654 : vector<16xf32>
        %mul3A_656 = vector.broadcast %scan3A : f32 to vector<16xf32>
        %mul3A_657 = arith.mulf %add3A_575, %mul3A_656 : vector<16xf32>
        %add3A_658 = arith.addf %mul3A_166, %mul3A_657 : vector<16xf32>
        %max3A_659 = arith.maximumf %max3A_655, %add3A_658 : vector<16xf32>
        %mul3A_660 = vector.broadcast %scan3A : f32 to vector<16xf32>
        %mul3A_661 = arith.mulf %add3A_583, %mul3A_660 : vector<16xf32>
        %add3A_662 = arith.addf %mul3A_175, %mul3A_661 : vector<16xf32>
        %max3A_663 = arith.maximumf %max3A_659, %add3A_662 : vector<16xf32>
        %mul3A_664 = vector.broadcast %scan3A : f32 to vector<16xf32>
        %mul3A_665 = arith.mulf %add3A_591, %mul3A_664 : vector<16xf32>
        %add3A_666 = arith.addf %mul3A_184, %mul3A_665 : vector<16xf32>
        %max3A_667 = arith.maximumf %max3A_663, %add3A_666 : vector<16xf32>
        %mul3A_668 = vector.broadcast %scan3A : f32 to vector<16xf32>
        %mul3A_669 = arith.mulf %add3A_599, %mul3A_668 : vector<16xf32>
        %add3A_670 = arith.addf %mul3A_193, %mul3A_669 : vector<16xf32>
        %max3A_671 = arith.maximumf %max3A_667, %add3A_670 : vector<16xf32>
        %mul3A_672 = vector.broadcast %scan3A : f32 to vector<16xf32>
        %mul3A_673 = arith.mulf %add3A_607, %mul3A_672 : vector<16xf32>
        %add3A_674 = arith.addf %mul3A_202, %mul3A_673 : vector<16xf32>
        %max3A_675 = arith.maximumf %max3A_671, %add3A_674 : vector<16xf32>
        %add3A_676 = arith.addf %add3A_472, %max3A_675 : vector<16xf32>
        %sub3A_677 = arith.subf %broadcast_in_dim3A_6, %add3A_479 : vector<16xf32>
        %sub3A_678 = arith.subf %broadcast_in_dim3A_6, %broadcast_in_dim3A_4 : vector<16xf32>
        %mul3A_679 = arith.mulf %sub3A_677, %sub3A_678 : vector<16xf32>
        %eq3A_680 = arith.cmpf oeq, %mul3A_58, %max3A_675 : vector<16xf32>
        %select_n3A_681 = arith.select %eq3A_680, %broadcast_in_dim3A_6, %broadcast_in_dim3A_4 : vector<16xi1>, vector<16xf32>
        %mul3A_682 = arith.mulf %mul3A_679, %select_n3A_681 : vector<16xf32>
        %add3A_683 = arith.addf %add3A_479, %mul3A_682 : vector<16xf32>
        %add3A_684 = arith.addf %broadcast_in_dim3A_4, %mul3A_682 : vector<16xf32>
        %sub3A_685 = arith.subf %broadcast_in_dim3A_6, %add3A_487 : vector<16xf32>
        %sub3A_686 = arith.subf %broadcast_in_dim3A_6, %add3A_684 : vector<16xf32>
        %mul3A_687 = arith.mulf %sub3A_685, %sub3A_686 : vector<16xf32>
        %eq3A_688 = arith.cmpf oeq, %mul3A_67, %max3A_675 : vector<16xf32>
        %select_n3A_689 = arith.select %eq3A_688, %broadcast_in_dim3A_6, %broadcast_in_dim3A_4 : vector<16xi1>, vector<16xf32>
        %mul3A_690 = arith.mulf %mul3A_687, %select_n3A_689 : vector<16xf32>
        %add3A_691 = arith.addf %add3A_487, %mul3A_690 : vector<16xf32>
        %add3A_692 = arith.addf %add3A_684, %mul3A_690 : vector<16xf32>
        %sub3A_693 = arith.subf %broadcast_in_dim3A_6, %add3A_495 : vector<16xf32>
        %sub3A_694 = arith.subf %broadcast_in_dim3A_6, %add3A_692 : vector<16xf32>
        %mul3A_695 = arith.mulf %sub3A_693, %sub3A_694 : vector<16xf32>
        %eq3A_696 = arith.cmpf oeq, %mul3A_76, %max3A_675 : vector<16xf32>
        %select_n3A_697 = arith.select %eq3A_696, %broadcast_in_dim3A_6, %broadcast_in_dim3A_4 : vector<16xi1>, vector<16xf32>
        %mul3A_698 = arith.mulf %mul3A_695, %select_n3A_697 : vector<16xf32>
        %add3A_699 = arith.addf %add3A_495, %mul3A_698 : vector<16xf32>
        %add3A_700 = arith.addf %add3A_692, %mul3A_698 : vector<16xf32>
        %sub3A_701 = arith.subf %broadcast_in_dim3A_6, %add3A_503 : vector<16xf32>
        %sub3A_702 = arith.subf %broadcast_in_dim3A_6, %add3A_700 : vector<16xf32>
        %mul3A_703 = arith.mulf %sub3A_701, %sub3A_702 : vector<16xf32>
        %eq3A_704 = arith.cmpf oeq, %mul3A_85, %max3A_675 : vector<16xf32>
        %select_n3A_705 = arith.select %eq3A_704, %broadcast_in_dim3A_6, %broadcast_in_dim3A_4 : vector<16xi1>, vector<16xf32>
        %mul3A_706 = arith.mulf %mul3A_703, %select_n3A_705 : vector<16xf32>
        %add3A_707 = arith.addf %add3A_503, %mul3A_706 : vector<16xf32>
        %add3A_708 = arith.addf %add3A_700, %mul3A_706 : vector<16xf32>
        %sub3A_709 = arith.subf %broadcast_in_dim3A_6, %add3A_511 : vector<16xf32>
        %sub3A_710 = arith.subf %broadcast_in_dim3A_6, %add3A_708 : vector<16xf32>
        %mul3A_711 = arith.mulf %sub3A_709, %sub3A_710 : vector<16xf32>
        %eq3A_712 = arith.cmpf oeq, %mul3A_94, %max3A_675 : vector<16xf32>
        %select_n3A_713 = arith.select %eq3A_712, %broadcast_in_dim3A_6, %broadcast_in_dim3A_4 : vector<16xi1>, vector<16xf32>
        %mul3A_714 = arith.mulf %mul3A_711, %select_n3A_713 : vector<16xf32>
        %add3A_715 = arith.addf %add3A_511, %mul3A_714 : vector<16xf32>
        %add3A_716 = arith.addf %add3A_708, %mul3A_714 : vector<16xf32>
        %sub3A_717 = arith.subf %broadcast_in_dim3A_6, %add3A_519 : vector<16xf32>
        %sub3A_718 = arith.subf %broadcast_in_dim3A_6, %add3A_716 : vector<16xf32>
        %mul3A_719 = arith.mulf %sub3A_717, %sub3A_718 : vector<16xf32>
        %eq3A_720 = arith.cmpf oeq, %mul3A_103, %max3A_675 : vector<16xf32>
        %select_n3A_721 = arith.select %eq3A_720, %broadcast_in_dim3A_6, %broadcast_in_dim3A_4 : vector<16xi1>, vector<16xf32>
        %mul3A_722 = arith.mulf %mul3A_719, %select_n3A_721 : vector<16xf32>
        %add3A_723 = arith.addf %add3A_519, %mul3A_722 : vector<16xf32>
        %add3A_724 = arith.addf %add3A_716, %mul3A_722 : vector<16xf32>
        %sub3A_725 = arith.subf %broadcast_in_dim3A_6, %add3A_527 : vector<16xf32>
        %sub3A_726 = arith.subf %broadcast_in_dim3A_6, %add3A_724 : vector<16xf32>
        %mul3A_727 = arith.mulf %sub3A_725, %sub3A_726 : vector<16xf32>
        %eq3A_728 = arith.cmpf oeq, %mul3A_112, %max3A_675 : vector<16xf32>
        %select_n3A_729 = arith.select %eq3A_728, %broadcast_in_dim3A_6, %broadcast_in_dim3A_4 : vector<16xi1>, vector<16xf32>
        %mul3A_730 = arith.mulf %mul3A_727, %select_n3A_729 : vector<16xf32>
        %add3A_731 = arith.addf %add3A_527, %mul3A_730 : vector<16xf32>
        %add3A_732 = arith.addf %add3A_724, %mul3A_730 : vector<16xf32>
        %sub3A_733 = arith.subf %broadcast_in_dim3A_6, %add3A_535 : vector<16xf32>
        %sub3A_734 = arith.subf %broadcast_in_dim3A_6, %add3A_732 : vector<16xf32>
        %mul3A_735 = arith.mulf %sub3A_733, %sub3A_734 : vector<16xf32>
        %eq3A_736 = arith.cmpf oeq, %mul3A_121, %max3A_675 : vector<16xf32>
        %select_n3A_737 = arith.select %eq3A_736, %broadcast_in_dim3A_6, %broadcast_in_dim3A_4 : vector<16xi1>, vector<16xf32>
        %mul3A_738 = arith.mulf %mul3A_735, %select_n3A_737 : vector<16xf32>
        %add3A_739 = arith.addf %add3A_535, %mul3A_738 : vector<16xf32>
        %add3A_740 = arith.addf %add3A_732, %mul3A_738 : vector<16xf32>
        %sub3A_741 = arith.subf %broadcast_in_dim3A_6, %add3A_543 : vector<16xf32>
        %sub3A_742 = arith.subf %broadcast_in_dim3A_6, %add3A_740 : vector<16xf32>
        %mul3A_743 = arith.mulf %sub3A_741, %sub3A_742 : vector<16xf32>
        %eq3A_744 = arith.cmpf oeq, %mul3A_130, %max3A_675 : vector<16xf32>
        %select_n3A_745 = arith.select %eq3A_744, %broadcast_in_dim3A_6, %broadcast_in_dim3A_4 : vector<16xi1>, vector<16xf32>
        %mul3A_746 = arith.mulf %mul3A_743, %select_n3A_745 : vector<16xf32>
        %add3A_747 = arith.addf %add3A_543, %mul3A_746 : vector<16xf32>
        %add3A_748 = arith.addf %add3A_740, %mul3A_746 : vector<16xf32>
        %sub3A_749 = arith.subf %broadcast_in_dim3A_6, %add3A_551 : vector<16xf32>
        %sub3A_750 = arith.subf %broadcast_in_dim3A_6, %add3A_748 : vector<16xf32>
        %mul3A_751 = arith.mulf %sub3A_749, %sub3A_750 : vector<16xf32>
        %eq3A_752 = arith.cmpf oeq, %mul3A_139, %max3A_675 : vector<16xf32>
        %select_n3A_753 = arith.select %eq3A_752, %broadcast_in_dim3A_6, %broadcast_in_dim3A_4 : vector<16xi1>, vector<16xf32>
        %mul3A_754 = arith.mulf %mul3A_751, %select_n3A_753 : vector<16xf32>
        %add3A_755 = arith.addf %add3A_551, %mul3A_754 : vector<16xf32>
        %add3A_756 = arith.addf %add3A_748, %mul3A_754 : vector<16xf32>
        %sub3A_757 = arith.subf %broadcast_in_dim3A_6, %add3A_559 : vector<16xf32>
        %sub3A_758 = arith.subf %broadcast_in_dim3A_6, %add3A_756 : vector<16xf32>
        %mul3A_759 = arith.mulf %sub3A_757, %sub3A_758 : vector<16xf32>
        %eq3A_760 = arith.cmpf oeq, %mul3A_148, %max3A_675 : vector<16xf32>
        %select_n3A_761 = arith.select %eq3A_760, %broadcast_in_dim3A_6, %broadcast_in_dim3A_4 : vector<16xi1>, vector<16xf32>
        %mul3A_762 = arith.mulf %mul3A_759, %select_n3A_761 : vector<16xf32>
        %add3A_763 = arith.addf %add3A_559, %mul3A_762 : vector<16xf32>
        %add3A_764 = arith.addf %add3A_756, %mul3A_762 : vector<16xf32>
        %sub3A_765 = arith.subf %broadcast_in_dim3A_6, %add3A_567 : vector<16xf32>
        %sub3A_766 = arith.subf %broadcast_in_dim3A_6, %add3A_764 : vector<16xf32>
        %mul3A_767 = arith.mulf %sub3A_765, %sub3A_766 : vector<16xf32>
        %eq3A_768 = arith.cmpf oeq, %mul3A_157, %max3A_675 : vector<16xf32>
        %select_n3A_769 = arith.select %eq3A_768, %broadcast_in_dim3A_6, %broadcast_in_dim3A_4 : vector<16xi1>, vector<16xf32>
        %mul3A_770 = arith.mulf %mul3A_767, %select_n3A_769 : vector<16xf32>
        %add3A_771 = arith.addf %add3A_567, %mul3A_770 : vector<16xf32>
        %add3A_772 = arith.addf %add3A_764, %mul3A_770 : vector<16xf32>
        %sub3A_773 = arith.subf %broadcast_in_dim3A_6, %add3A_575 : vector<16xf32>
        %sub3A_774 = arith.subf %broadcast_in_dim3A_6, %add3A_772 : vector<16xf32>
        %mul3A_775 = arith.mulf %sub3A_773, %sub3A_774 : vector<16xf32>
        %eq3A_776 = arith.cmpf oeq, %mul3A_166, %max3A_675 : vector<16xf32>
        %select_n3A_777 = arith.select %eq3A_776, %broadcast_in_dim3A_6, %broadcast_in_dim3A_4 : vector<16xi1>, vector<16xf32>
        %mul3A_778 = arith.mulf %mul3A_775, %select_n3A_777 : vector<16xf32>
        %add3A_779 = arith.addf %add3A_575, %mul3A_778 : vector<16xf32>
        %add3A_780 = arith.addf %add3A_772, %mul3A_778 : vector<16xf32>
        %sub3A_781 = arith.subf %broadcast_in_dim3A_6, %add3A_583 : vector<16xf32>
        %sub3A_782 = arith.subf %broadcast_in_dim3A_6, %add3A_780 : vector<16xf32>
        %mul3A_783 = arith.mulf %sub3A_781, %sub3A_782 : vector<16xf32>
        %eq3A_784 = arith.cmpf oeq, %mul3A_175, %max3A_675 : vector<16xf32>
        %select_n3A_785 = arith.select %eq3A_784, %broadcast_in_dim3A_6, %broadcast_in_dim3A_4 : vector<16xi1>, vector<16xf32>
        %mul3A_786 = arith.mulf %mul3A_783, %select_n3A_785 : vector<16xf32>
        %add3A_787 = arith.addf %add3A_583, %mul3A_786 : vector<16xf32>
        %add3A_788 = arith.addf %add3A_780, %mul3A_786 : vector<16xf32>
        %sub3A_789 = arith.subf %broadcast_in_dim3A_6, %add3A_591 : vector<16xf32>
        %sub3A_790 = arith.subf %broadcast_in_dim3A_6, %add3A_788 : vector<16xf32>
        %mul3A_791 = arith.mulf %sub3A_789, %sub3A_790 : vector<16xf32>
        %eq3A_792 = arith.cmpf oeq, %mul3A_184, %max3A_675 : vector<16xf32>
        %select_n3A_793 = arith.select %eq3A_792, %broadcast_in_dim3A_6, %broadcast_in_dim3A_4 : vector<16xi1>, vector<16xf32>
        %mul3A_794 = arith.mulf %mul3A_791, %select_n3A_793 : vector<16xf32>
        %add3A_795 = arith.addf %add3A_591, %mul3A_794 : vector<16xf32>
        %add3A_796 = arith.addf %add3A_788, %mul3A_794 : vector<16xf32>
        %sub3A_797 = arith.subf %broadcast_in_dim3A_6, %add3A_599 : vector<16xf32>
        %sub3A_798 = arith.subf %broadcast_in_dim3A_6, %add3A_796 : vector<16xf32>
        %mul3A_799 = arith.mulf %sub3A_797, %sub3A_798 : vector<16xf32>
        %eq3A_800 = arith.cmpf oeq, %mul3A_193, %max3A_675 : vector<16xf32>
        %select_n3A_801 = arith.select %eq3A_800, %broadcast_in_dim3A_6, %broadcast_in_dim3A_4 : vector<16xi1>, vector<16xf32>
        %mul3A_802 = arith.mulf %mul3A_799, %select_n3A_801 : vector<16xf32>
        %add3A_803 = arith.addf %add3A_599, %mul3A_802 : vector<16xf32>
        %add3A_804 = arith.addf %add3A_796, %mul3A_802 : vector<16xf32>
        %sub3A_805 = arith.subf %broadcast_in_dim3A_6, %add3A_607 : vector<16xf32>
        %sub3A_806 = arith.subf %broadcast_in_dim3A_6, %add3A_804 : vector<16xf32>
        %mul3A_807 = arith.mulf %sub3A_805, %sub3A_806 : vector<16xf32>
        %eq3A_808 = arith.cmpf oeq, %mul3A_202, %max3A_675 : vector<16xf32>
        %select_n3A_809 = arith.select %eq3A_808, %broadcast_in_dim3A_6, %broadcast_in_dim3A_4 : vector<16xi1>, vector<16xf32>
        %mul3A_810 = arith.mulf %mul3A_807, %select_n3A_809 : vector<16xf32>
        %add3A_811 = arith.addf %add3A_607, %mul3A_810 : vector<16xf32>
        %add3A_812 = arith.addf %add3A_804, %mul3A_810 : vector<16xf32>
        %mul3A_813 = vector.broadcast %scan3A : f32 to vector<16xf32>
        %mul3A_814 = arith.mulf %add3A_683, %mul3A_813 : vector<16xf32>
        %add3A_815 = arith.addf %mul3A_58, %mul3A_814 : vector<16xf32>
        %mul3A_816 = vector.broadcast %scan3A : f32 to vector<16xf32>
        %mul3A_817 = arith.mulf %add3A_691, %mul3A_816 : vector<16xf32>
        %add3A_818 = arith.addf %mul3A_67, %mul3A_817 : vector<16xf32>
        %max3A_819 = arith.maximumf %add3A_815, %add3A_818 : vector<16xf32>
        %mul3A_820 = vector.broadcast %scan3A : f32 to vector<16xf32>
        %mul3A_821 = arith.mulf %add3A_699, %mul3A_820 : vector<16xf32>
        %add3A_822 = arith.addf %mul3A_76, %mul3A_821 : vector<16xf32>
        %max3A_823 = arith.maximumf %max3A_819, %add3A_822 : vector<16xf32>
        %mul3A_824 = vector.broadcast %scan3A : f32 to vector<16xf32>
        %mul3A_825 = arith.mulf %add3A_707, %mul3A_824 : vector<16xf32>
        %add3A_826 = arith.addf %mul3A_85, %mul3A_825 : vector<16xf32>
        %max3A_827 = arith.maximumf %max3A_823, %add3A_826 : vector<16xf32>
        %mul3A_828 = vector.broadcast %scan3A : f32 to vector<16xf32>
        %mul3A_829 = arith.mulf %add3A_715, %mul3A_828 : vector<16xf32>
        %add3A_830 = arith.addf %mul3A_94, %mul3A_829 : vector<16xf32>
        %max3A_831 = arith.maximumf %max3A_827, %add3A_830 : vector<16xf32>
        %mul3A_832 = vector.broadcast %scan3A : f32 to vector<16xf32>
        %mul3A_833 = arith.mulf %add3A_723, %mul3A_832 : vector<16xf32>
        %add3A_834 = arith.addf %mul3A_103, %mul3A_833 : vector<16xf32>
        %max3A_835 = arith.maximumf %max3A_831, %add3A_834 : vector<16xf32>
        %mul3A_836 = vector.broadcast %scan3A : f32 to vector<16xf32>
        %mul3A_837 = arith.mulf %add3A_731, %mul3A_836 : vector<16xf32>
        %add3A_838 = arith.addf %mul3A_112, %mul3A_837 : vector<16xf32>
        %max3A_839 = arith.maximumf %max3A_835, %add3A_838 : vector<16xf32>
        %mul3A_840 = vector.broadcast %scan3A : f32 to vector<16xf32>
        %mul3A_841 = arith.mulf %add3A_739, %mul3A_840 : vector<16xf32>
        %add3A_842 = arith.addf %mul3A_121, %mul3A_841 : vector<16xf32>
        %max3A_843 = arith.maximumf %max3A_839, %add3A_842 : vector<16xf32>
        %mul3A_844 = vector.broadcast %scan3A : f32 to vector<16xf32>
        %mul3A_845 = arith.mulf %add3A_747, %mul3A_844 : vector<16xf32>
        %add3A_846 = arith.addf %mul3A_130, %mul3A_845 : vector<16xf32>
        %max3A_847 = arith.maximumf %max3A_843, %add3A_846 : vector<16xf32>
        %mul3A_848 = vector.broadcast %scan3A : f32 to vector<16xf32>
        %mul3A_849 = arith.mulf %add3A_755, %mul3A_848 : vector<16xf32>
        %add3A_850 = arith.addf %mul3A_139, %mul3A_849 : vector<16xf32>
        %max3A_851 = arith.maximumf %max3A_847, %add3A_850 : vector<16xf32>
        %mul3A_852 = vector.broadcast %scan3A : f32 to vector<16xf32>
        %mul3A_853 = arith.mulf %add3A_763, %mul3A_852 : vector<16xf32>
        %add3A_854 = arith.addf %mul3A_148, %mul3A_853 : vector<16xf32>
        %max3A_855 = arith.maximumf %max3A_851, %add3A_854 : vector<16xf32>
        %mul3A_856 = vector.broadcast %scan3A : f32 to vector<16xf32>
        %mul3A_857 = arith.mulf %add3A_771, %mul3A_856 : vector<16xf32>
        %add3A_858 = arith.addf %mul3A_157, %mul3A_857 : vector<16xf32>
        %max3A_859 = arith.maximumf %max3A_855, %add3A_858 : vector<16xf32>
        %mul3A_860 = vector.broadcast %scan3A : f32 to vector<16xf32>
        %mul3A_861 = arith.mulf %add3A_779, %mul3A_860 : vector<16xf32>
        %add3A_862 = arith.addf %mul3A_166, %mul3A_861 : vector<16xf32>
        %max3A_863 = arith.maximumf %max3A_859, %add3A_862 : vector<16xf32>
        %mul3A_864 = vector.broadcast %scan3A : f32 to vector<16xf32>
        %mul3A_865 = arith.mulf %add3A_787, %mul3A_864 : vector<16xf32>
        %add3A_866 = arith.addf %mul3A_175, %mul3A_865 : vector<16xf32>
        %max3A_867 = arith.maximumf %max3A_863, %add3A_866 : vector<16xf32>
        %mul3A_868 = vector.broadcast %scan3A : f32 to vector<16xf32>
        %mul3A_869 = arith.mulf %add3A_795, %mul3A_868 : vector<16xf32>
        %add3A_870 = arith.addf %mul3A_184, %mul3A_869 : vector<16xf32>
        %max3A_871 = arith.maximumf %max3A_867, %add3A_870 : vector<16xf32>
        %mul3A_872 = vector.broadcast %scan3A : f32 to vector<16xf32>
        %mul3A_873 = arith.mulf %add3A_803, %mul3A_872 : vector<16xf32>
        %add3A_874 = arith.addf %mul3A_193, %mul3A_873 : vector<16xf32>
        %max3A_875 = arith.maximumf %max3A_871, %add3A_874 : vector<16xf32>
        %mul3A_876 = vector.broadcast %scan3A : f32 to vector<16xf32>
        %mul3A_877 = arith.mulf %add3A_811, %mul3A_876 : vector<16xf32>
        %add3A_878 = arith.addf %mul3A_202, %mul3A_877 : vector<16xf32>
        %max3A_879 = arith.maximumf %max3A_875, %add3A_878 : vector<16xf32>
        %add3A_880 = arith.addf %add3A_676, %max3A_879 : vector<16xf32>
        %sub3A_881 = arith.subf %broadcast_in_dim3A_6, %add3A_683 : vector<16xf32>
        %sub3A_882 = arith.subf %broadcast_in_dim3A_6, %broadcast_in_dim3A_4 : vector<16xf32>
        %mul3A_883 = arith.mulf %sub3A_881, %sub3A_882 : vector<16xf32>
        %eq3A_884 = arith.cmpf oeq, %mul3A_58, %max3A_879 : vector<16xf32>
        %select_n3A_885 = arith.select %eq3A_884, %broadcast_in_dim3A_6, %broadcast_in_dim3A_4 : vector<16xi1>, vector<16xf32>
        %mul3A_886 = arith.mulf %mul3A_883, %select_n3A_885 : vector<16xf32>
        %add3A_887 = arith.addf %add3A_683, %mul3A_886 : vector<16xf32>
        %add3A_888 = arith.addf %broadcast_in_dim3A_4, %mul3A_886 : vector<16xf32>
        %sub3A_889 = arith.subf %broadcast_in_dim3A_6, %add3A_691 : vector<16xf32>
        %sub3A_890 = arith.subf %broadcast_in_dim3A_6, %add3A_888 : vector<16xf32>
        %mul3A_891 = arith.mulf %sub3A_889, %sub3A_890 : vector<16xf32>
        %eq3A_892 = arith.cmpf oeq, %mul3A_67, %max3A_879 : vector<16xf32>
        %select_n3A_893 = arith.select %eq3A_892, %broadcast_in_dim3A_6, %broadcast_in_dim3A_4 : vector<16xi1>, vector<16xf32>
        %mul3A_894 = arith.mulf %mul3A_891, %select_n3A_893 : vector<16xf32>
        %add3A_895 = arith.addf %add3A_691, %mul3A_894 : vector<16xf32>
        %add3A_896 = arith.addf %add3A_888, %mul3A_894 : vector<16xf32>
        %sub3A_897 = arith.subf %broadcast_in_dim3A_6, %add3A_699 : vector<16xf32>
        %sub3A_898 = arith.subf %broadcast_in_dim3A_6, %add3A_896 : vector<16xf32>
        %mul3A_899 = arith.mulf %sub3A_897, %sub3A_898 : vector<16xf32>
        %eq3A_900 = arith.cmpf oeq, %mul3A_76, %max3A_879 : vector<16xf32>
        %select_n3A_901 = arith.select %eq3A_900, %broadcast_in_dim3A_6, %broadcast_in_dim3A_4 : vector<16xi1>, vector<16xf32>
        %mul3A_902 = arith.mulf %mul3A_899, %select_n3A_901 : vector<16xf32>
        %add3A_903 = arith.addf %add3A_699, %mul3A_902 : vector<16xf32>
        %add3A_904 = arith.addf %add3A_896, %mul3A_902 : vector<16xf32>
        %sub3A_905 = arith.subf %broadcast_in_dim3A_6, %add3A_707 : vector<16xf32>
        %sub3A_906 = arith.subf %broadcast_in_dim3A_6, %add3A_904 : vector<16xf32>
        %mul3A_907 = arith.mulf %sub3A_905, %sub3A_906 : vector<16xf32>
        %eq3A_908 = arith.cmpf oeq, %mul3A_85, %max3A_879 : vector<16xf32>
        %select_n3A_909 = arith.select %eq3A_908, %broadcast_in_dim3A_6, %broadcast_in_dim3A_4 : vector<16xi1>, vector<16xf32>
        %mul3A_910 = arith.mulf %mul3A_907, %select_n3A_909 : vector<16xf32>
        %add3A_911 = arith.addf %add3A_707, %mul3A_910 : vector<16xf32>
        %add3A_912 = arith.addf %add3A_904, %mul3A_910 : vector<16xf32>
        %sub3A_913 = arith.subf %broadcast_in_dim3A_6, %add3A_715 : vector<16xf32>
        %sub3A_914 = arith.subf %broadcast_in_dim3A_6, %add3A_912 : vector<16xf32>
        %mul3A_915 = arith.mulf %sub3A_913, %sub3A_914 : vector<16xf32>
        %eq3A_916 = arith.cmpf oeq, %mul3A_94, %max3A_879 : vector<16xf32>
        %select_n3A_917 = arith.select %eq3A_916, %broadcast_in_dim3A_6, %broadcast_in_dim3A_4 : vector<16xi1>, vector<16xf32>
        %mul3A_918 = arith.mulf %mul3A_915, %select_n3A_917 : vector<16xf32>
        %add3A_919 = arith.addf %add3A_715, %mul3A_918 : vector<16xf32>
        %add3A_920 = arith.addf %add3A_912, %mul3A_918 : vector<16xf32>
        %sub3A_921 = arith.subf %broadcast_in_dim3A_6, %add3A_723 : vector<16xf32>
        %sub3A_922 = arith.subf %broadcast_in_dim3A_6, %add3A_920 : vector<16xf32>
        %mul3A_923 = arith.mulf %sub3A_921, %sub3A_922 : vector<16xf32>
        %eq3A_924 = arith.cmpf oeq, %mul3A_103, %max3A_879 : vector<16xf32>
        %select_n3A_925 = arith.select %eq3A_924, %broadcast_in_dim3A_6, %broadcast_in_dim3A_4 : vector<16xi1>, vector<16xf32>
        %mul3A_926 = arith.mulf %mul3A_923, %select_n3A_925 : vector<16xf32>
        %add3A_927 = arith.addf %add3A_723, %mul3A_926 : vector<16xf32>
        %add3A_928 = arith.addf %add3A_920, %mul3A_926 : vector<16xf32>
        %sub3A_929 = arith.subf %broadcast_in_dim3A_6, %add3A_731 : vector<16xf32>
        %sub3A_930 = arith.subf %broadcast_in_dim3A_6, %add3A_928 : vector<16xf32>
        %mul3A_931 = arith.mulf %sub3A_929, %sub3A_930 : vector<16xf32>
        %eq3A_932 = arith.cmpf oeq, %mul3A_112, %max3A_879 : vector<16xf32>
        %select_n3A_933 = arith.select %eq3A_932, %broadcast_in_dim3A_6, %broadcast_in_dim3A_4 : vector<16xi1>, vector<16xf32>
        %mul3A_934 = arith.mulf %mul3A_931, %select_n3A_933 : vector<16xf32>
        %add3A_935 = arith.addf %add3A_731, %mul3A_934 : vector<16xf32>
        %add3A_936 = arith.addf %add3A_928, %mul3A_934 : vector<16xf32>
        %sub3A_937 = arith.subf %broadcast_in_dim3A_6, %add3A_739 : vector<16xf32>
        %sub3A_938 = arith.subf %broadcast_in_dim3A_6, %add3A_936 : vector<16xf32>
        %mul3A_939 = arith.mulf %sub3A_937, %sub3A_938 : vector<16xf32>
        %eq3A_940 = arith.cmpf oeq, %mul3A_121, %max3A_879 : vector<16xf32>
        %select_n3A_941 = arith.select %eq3A_940, %broadcast_in_dim3A_6, %broadcast_in_dim3A_4 : vector<16xi1>, vector<16xf32>
        %mul3A_942 = arith.mulf %mul3A_939, %select_n3A_941 : vector<16xf32>
        %add3A_943 = arith.addf %add3A_739, %mul3A_942 : vector<16xf32>
        %add3A_944 = arith.addf %add3A_936, %mul3A_942 : vector<16xf32>
        %sub3A_945 = arith.subf %broadcast_in_dim3A_6, %add3A_747 : vector<16xf32>
        %sub3A_946 = arith.subf %broadcast_in_dim3A_6, %add3A_944 : vector<16xf32>
        %mul3A_947 = arith.mulf %sub3A_945, %sub3A_946 : vector<16xf32>
        %eq3A_948 = arith.cmpf oeq, %mul3A_130, %max3A_879 : vector<16xf32>
        %select_n3A_949 = arith.select %eq3A_948, %broadcast_in_dim3A_6, %broadcast_in_dim3A_4 : vector<16xi1>, vector<16xf32>
        %mul3A_950 = arith.mulf %mul3A_947, %select_n3A_949 : vector<16xf32>
        %add3A_951 = arith.addf %add3A_747, %mul3A_950 : vector<16xf32>
        %add3A_952 = arith.addf %add3A_944, %mul3A_950 : vector<16xf32>
        %sub3A_953 = arith.subf %broadcast_in_dim3A_6, %add3A_755 : vector<16xf32>
        %sub3A_954 = arith.subf %broadcast_in_dim3A_6, %add3A_952 : vector<16xf32>
        %mul3A_955 = arith.mulf %sub3A_953, %sub3A_954 : vector<16xf32>
        %eq3A_956 = arith.cmpf oeq, %mul3A_139, %max3A_879 : vector<16xf32>
        %select_n3A_957 = arith.select %eq3A_956, %broadcast_in_dim3A_6, %broadcast_in_dim3A_4 : vector<16xi1>, vector<16xf32>
        %mul3A_958 = arith.mulf %mul3A_955, %select_n3A_957 : vector<16xf32>
        %add3A_959 = arith.addf %add3A_755, %mul3A_958 : vector<16xf32>
        %add3A_960 = arith.addf %add3A_952, %mul3A_958 : vector<16xf32>
        %sub3A_961 = arith.subf %broadcast_in_dim3A_6, %add3A_763 : vector<16xf32>
        %sub3A_962 = arith.subf %broadcast_in_dim3A_6, %add3A_960 : vector<16xf32>
        %mul3A_963 = arith.mulf %sub3A_961, %sub3A_962 : vector<16xf32>
        %eq3A_964 = arith.cmpf oeq, %mul3A_148, %max3A_879 : vector<16xf32>
        %select_n3A_965 = arith.select %eq3A_964, %broadcast_in_dim3A_6, %broadcast_in_dim3A_4 : vector<16xi1>, vector<16xf32>
        %mul3A_966 = arith.mulf %mul3A_963, %select_n3A_965 : vector<16xf32>
        %add3A_967 = arith.addf %add3A_763, %mul3A_966 : vector<16xf32>
        %add3A_968 = arith.addf %add3A_960, %mul3A_966 : vector<16xf32>
        %sub3A_969 = arith.subf %broadcast_in_dim3A_6, %add3A_771 : vector<16xf32>
        %sub3A_970 = arith.subf %broadcast_in_dim3A_6, %add3A_968 : vector<16xf32>
        %mul3A_971 = arith.mulf %sub3A_969, %sub3A_970 : vector<16xf32>
        %eq3A_972 = arith.cmpf oeq, %mul3A_157, %max3A_879 : vector<16xf32>
        %select_n3A_973 = arith.select %eq3A_972, %broadcast_in_dim3A_6, %broadcast_in_dim3A_4 : vector<16xi1>, vector<16xf32>
        %mul3A_974 = arith.mulf %mul3A_971, %select_n3A_973 : vector<16xf32>
        %add3A_975 = arith.addf %add3A_771, %mul3A_974 : vector<16xf32>
        %add3A_976 = arith.addf %add3A_968, %mul3A_974 : vector<16xf32>
        %sub3A_977 = arith.subf %broadcast_in_dim3A_6, %add3A_779 : vector<16xf32>
        %sub3A_978 = arith.subf %broadcast_in_dim3A_6, %add3A_976 : vector<16xf32>
        %mul3A_979 = arith.mulf %sub3A_977, %sub3A_978 : vector<16xf32>
        %eq3A_980 = arith.cmpf oeq, %mul3A_166, %max3A_879 : vector<16xf32>
        %select_n3A_981 = arith.select %eq3A_980, %broadcast_in_dim3A_6, %broadcast_in_dim3A_4 : vector<16xi1>, vector<16xf32>
        %mul3A_982 = arith.mulf %mul3A_979, %select_n3A_981 : vector<16xf32>
        %add3A_983 = arith.addf %add3A_779, %mul3A_982 : vector<16xf32>
        %add3A_984 = arith.addf %add3A_976, %mul3A_982 : vector<16xf32>
        %sub3A_985 = arith.subf %broadcast_in_dim3A_6, %add3A_787 : vector<16xf32>
        %sub3A_986 = arith.subf %broadcast_in_dim3A_6, %add3A_984 : vector<16xf32>
        %mul3A_987 = arith.mulf %sub3A_985, %sub3A_986 : vector<16xf32>
        %eq3A_988 = arith.cmpf oeq, %mul3A_175, %max3A_879 : vector<16xf32>
        %select_n3A_989 = arith.select %eq3A_988, %broadcast_in_dim3A_6, %broadcast_in_dim3A_4 : vector<16xi1>, vector<16xf32>
        %mul3A_990 = arith.mulf %mul3A_987, %select_n3A_989 : vector<16xf32>
        %add3A_991 = arith.addf %add3A_787, %mul3A_990 : vector<16xf32>
        %add3A_992 = arith.addf %add3A_984, %mul3A_990 : vector<16xf32>
        %sub3A_993 = arith.subf %broadcast_in_dim3A_6, %add3A_795 : vector<16xf32>
        %sub3A_994 = arith.subf %broadcast_in_dim3A_6, %add3A_992 : vector<16xf32>
        %mul3A_995 = arith.mulf %sub3A_993, %sub3A_994 : vector<16xf32>
        %eq3A_996 = arith.cmpf oeq, %mul3A_184, %max3A_879 : vector<16xf32>
        %select_n3A_997 = arith.select %eq3A_996, %broadcast_in_dim3A_6, %broadcast_in_dim3A_4 : vector<16xi1>, vector<16xf32>
        %mul3A_998 = arith.mulf %mul3A_995, %select_n3A_997 : vector<16xf32>
        %add3A_999 = arith.addf %add3A_795, %mul3A_998 : vector<16xf32>
        %add3A_1000 = arith.addf %add3A_992, %mul3A_998 : vector<16xf32>
        %sub3A_1001 = arith.subf %broadcast_in_dim3A_6, %add3A_803 : vector<16xf32>
        %sub3A_1002 = arith.subf %broadcast_in_dim3A_6, %add3A_1000 : vector<16xf32>
        %mul3A_1003 = arith.mulf %sub3A_1001, %sub3A_1002 : vector<16xf32>
        %eq3A_1004 = arith.cmpf oeq, %mul3A_193, %max3A_879 : vector<16xf32>
        %select_n3A_1005 = arith.select %eq3A_1004, %broadcast_in_dim3A_6, %broadcast_in_dim3A_4 : vector<16xi1>, vector<16xf32>
        %mul3A_1006 = arith.mulf %mul3A_1003, %select_n3A_1005 : vector<16xf32>
        %add3A_1007 = arith.addf %add3A_803, %mul3A_1006 : vector<16xf32>
        %add3A_1008 = arith.addf %add3A_1000, %mul3A_1006 : vector<16xf32>
        %sub3A_1009 = arith.subf %broadcast_in_dim3A_6, %add3A_811 : vector<16xf32>
        %sub3A_1010 = arith.subf %broadcast_in_dim3A_6, %add3A_1008 : vector<16xf32>
        %mul3A_1011 = arith.mulf %sub3A_1009, %sub3A_1010 : vector<16xf32>
        %eq3A_1012 = arith.cmpf oeq, %mul3A_202, %max3A_879 : vector<16xf32>
        %select_n3A_1013 = arith.select %eq3A_1012, %broadcast_in_dim3A_6, %broadcast_in_dim3A_4 : vector<16xi1>, vector<16xf32>
        %mul3A_1014 = arith.mulf %mul3A_1011, %select_n3A_1013 : vector<16xf32>
        %add3A_1015 = arith.addf %add3A_811, %mul3A_1014 : vector<16xf32>
        %add3A_1016 = arith.addf %add3A_1008, %mul3A_1014 : vector<16xf32>
        %mul3A_1017 = vector.broadcast %scan3A : f32 to vector<16xf32>
        %mul3A_1018 = arith.mulf %add3A_887, %mul3A_1017 : vector<16xf32>
        %add3A_1019 = arith.addf %mul3A_58, %mul3A_1018 : vector<16xf32>
        %mul3A_1020 = vector.broadcast %scan3A : f32 to vector<16xf32>
        %mul3A_1021 = arith.mulf %add3A_895, %mul3A_1020 : vector<16xf32>
        %add3A_1022 = arith.addf %mul3A_67, %mul3A_1021 : vector<16xf32>
        %max3A_1023 = arith.maximumf %add3A_1019, %add3A_1022 : vector<16xf32>
        %mul3A_1024 = vector.broadcast %scan3A : f32 to vector<16xf32>
        %mul3A_1025 = arith.mulf %add3A_903, %mul3A_1024 : vector<16xf32>
        %add3A_1026 = arith.addf %mul3A_76, %mul3A_1025 : vector<16xf32>
        %max3A_1027 = arith.maximumf %max3A_1023, %add3A_1026 : vector<16xf32>
        %mul3A_1028 = vector.broadcast %scan3A : f32 to vector<16xf32>
        %mul3A_1029 = arith.mulf %add3A_911, %mul3A_1028 : vector<16xf32>
        %add3A_1030 = arith.addf %mul3A_85, %mul3A_1029 : vector<16xf32>
        %max3A_1031 = arith.maximumf %max3A_1027, %add3A_1030 : vector<16xf32>
        %mul3A_1032 = vector.broadcast %scan3A : f32 to vector<16xf32>
        %mul3A_1033 = arith.mulf %add3A_919, %mul3A_1032 : vector<16xf32>
        %add3A_1034 = arith.addf %mul3A_94, %mul3A_1033 : vector<16xf32>
        %max3A_1035 = arith.maximumf %max3A_1031, %add3A_1034 : vector<16xf32>
        %mul3A_1036 = vector.broadcast %scan3A : f32 to vector<16xf32>
        %mul3A_1037 = arith.mulf %add3A_927, %mul3A_1036 : vector<16xf32>
        %add3A_1038 = arith.addf %mul3A_103, %mul3A_1037 : vector<16xf32>
        %max3A_1039 = arith.maximumf %max3A_1035, %add3A_1038 : vector<16xf32>
        %mul3A_1040 = vector.broadcast %scan3A : f32 to vector<16xf32>
        %mul3A_1041 = arith.mulf %add3A_935, %mul3A_1040 : vector<16xf32>
        %add3A_1042 = arith.addf %mul3A_112, %mul3A_1041 : vector<16xf32>
        %max3A_1043 = arith.maximumf %max3A_1039, %add3A_1042 : vector<16xf32>
        %mul3A_1044 = vector.broadcast %scan3A : f32 to vector<16xf32>
        %mul3A_1045 = arith.mulf %add3A_943, %mul3A_1044 : vector<16xf32>
        %add3A_1046 = arith.addf %mul3A_121, %mul3A_1045 : vector<16xf32>
        %max3A_1047 = arith.maximumf %max3A_1043, %add3A_1046 : vector<16xf32>
        %mul3A_1048 = vector.broadcast %scan3A : f32 to vector<16xf32>
        %mul3A_1049 = arith.mulf %add3A_951, %mul3A_1048 : vector<16xf32>
        %add3A_1050 = arith.addf %mul3A_130, %mul3A_1049 : vector<16xf32>
        %max3A_1051 = arith.maximumf %max3A_1047, %add3A_1050 : vector<16xf32>
        %mul3A_1052 = vector.broadcast %scan3A : f32 to vector<16xf32>
        %mul3A_1053 = arith.mulf %add3A_959, %mul3A_1052 : vector<16xf32>
        %add3A_1054 = arith.addf %mul3A_139, %mul3A_1053 : vector<16xf32>
        %max3A_1055 = arith.maximumf %max3A_1051, %add3A_1054 : vector<16xf32>
        %mul3A_1056 = vector.broadcast %scan3A : f32 to vector<16xf32>
        %mul3A_1057 = arith.mulf %add3A_967, %mul3A_1056 : vector<16xf32>
        %add3A_1058 = arith.addf %mul3A_148, %mul3A_1057 : vector<16xf32>
        %max3A_1059 = arith.maximumf %max3A_1055, %add3A_1058 : vector<16xf32>
        %mul3A_1060 = vector.broadcast %scan3A : f32 to vector<16xf32>
        %mul3A_1061 = arith.mulf %add3A_975, %mul3A_1060 : vector<16xf32>
        %add3A_1062 = arith.addf %mul3A_157, %mul3A_1061 : vector<16xf32>
        %max3A_1063 = arith.maximumf %max3A_1059, %add3A_1062 : vector<16xf32>
        %mul3A_1064 = vector.broadcast %scan3A : f32 to vector<16xf32>
        %mul3A_1065 = arith.mulf %add3A_983, %mul3A_1064 : vector<16xf32>
        %add3A_1066 = arith.addf %mul3A_166, %mul3A_1065 : vector<16xf32>
        %max3A_1067 = arith.maximumf %max3A_1063, %add3A_1066 : vector<16xf32>
        %mul3A_1068 = vector.broadcast %scan3A : f32 to vector<16xf32>
        %mul3A_1069 = arith.mulf %add3A_991, %mul3A_1068 : vector<16xf32>
        %add3A_1070 = arith.addf %mul3A_175, %mul3A_1069 : vector<16xf32>
        %max3A_1071 = arith.maximumf %max3A_1067, %add3A_1070 : vector<16xf32>
        %mul3A_1072 = vector.broadcast %scan3A : f32 to vector<16xf32>
        %mul3A_1073 = arith.mulf %add3A_999, %mul3A_1072 : vector<16xf32>
        %add3A_1074 = arith.addf %mul3A_184, %mul3A_1073 : vector<16xf32>
        %max3A_1075 = arith.maximumf %max3A_1071, %add3A_1074 : vector<16xf32>
        %mul3A_1076 = vector.broadcast %scan3A : f32 to vector<16xf32>
        %mul3A_1077 = arith.mulf %add3A_1007, %mul3A_1076 : vector<16xf32>
        %add3A_1078 = arith.addf %mul3A_193, %mul3A_1077 : vector<16xf32>
        %max3A_1079 = arith.maximumf %max3A_1075, %add3A_1078 : vector<16xf32>
        %mul3A_1080 = vector.broadcast %scan3A : f32 to vector<16xf32>
        %mul3A_1081 = arith.mulf %add3A_1015, %mul3A_1080 : vector<16xf32>
        %add3A_1082 = arith.addf %mul3A_202, %mul3A_1081 : vector<16xf32>
        %max3A_1083 = arith.maximumf %max3A_1079, %add3A_1082 : vector<16xf32>
        %add3A_1084 = arith.addf %add3A_880, %max3A_1083 : vector<16xf32>
        %sub3A_1085 = arith.subf %broadcast_in_dim3A_6, %add3A_887 : vector<16xf32>
        %sub3A_1086 = arith.subf %broadcast_in_dim3A_6, %broadcast_in_dim3A_4 : vector<16xf32>
        %mul3A_1087 = arith.mulf %sub3A_1085, %sub3A_1086 : vector<16xf32>
        %eq3A_1088 = arith.cmpf oeq, %mul3A_58, %max3A_1083 : vector<16xf32>
        %select_n3A_1089 = arith.select %eq3A_1088, %broadcast_in_dim3A_6, %broadcast_in_dim3A_4 : vector<16xi1>, vector<16xf32>
        %mul3A_1090 = arith.mulf %mul3A_1087, %select_n3A_1089 : vector<16xf32>
        %add3A_1091 = arith.addf %add3A_887, %mul3A_1090 : vector<16xf32>
        %add3A_1092 = arith.addf %broadcast_in_dim3A_4, %mul3A_1090 : vector<16xf32>
        %sub3A_1093 = arith.subf %broadcast_in_dim3A_6, %add3A_895 : vector<16xf32>
        %sub3A_1094 = arith.subf %broadcast_in_dim3A_6, %add3A_1092 : vector<16xf32>
        %mul3A_1095 = arith.mulf %sub3A_1093, %sub3A_1094 : vector<16xf32>
        %eq3A_1096 = arith.cmpf oeq, %mul3A_67, %max3A_1083 : vector<16xf32>
        %select_n3A_1097 = arith.select %eq3A_1096, %broadcast_in_dim3A_6, %broadcast_in_dim3A_4 : vector<16xi1>, vector<16xf32>
        %mul3A_1098 = arith.mulf %mul3A_1095, %select_n3A_1097 : vector<16xf32>
        %add3A_1099 = arith.addf %add3A_895, %mul3A_1098 : vector<16xf32>
        %add3A_1100 = arith.addf %add3A_1092, %mul3A_1098 : vector<16xf32>
        %sub3A_1101 = arith.subf %broadcast_in_dim3A_6, %add3A_903 : vector<16xf32>
        %sub3A_1102 = arith.subf %broadcast_in_dim3A_6, %add3A_1100 : vector<16xf32>
        %mul3A_1103 = arith.mulf %sub3A_1101, %sub3A_1102 : vector<16xf32>
        %eq3A_1104 = arith.cmpf oeq, %mul3A_76, %max3A_1083 : vector<16xf32>
        %select_n3A_1105 = arith.select %eq3A_1104, %broadcast_in_dim3A_6, %broadcast_in_dim3A_4 : vector<16xi1>, vector<16xf32>
        %mul3A_1106 = arith.mulf %mul3A_1103, %select_n3A_1105 : vector<16xf32>
        %add3A_1107 = arith.addf %add3A_903, %mul3A_1106 : vector<16xf32>
        %add3A_1108 = arith.addf %add3A_1100, %mul3A_1106 : vector<16xf32>
        %sub3A_1109 = arith.subf %broadcast_in_dim3A_6, %add3A_911 : vector<16xf32>
        %sub3A_1110 = arith.subf %broadcast_in_dim3A_6, %add3A_1108 : vector<16xf32>
        %mul3A_1111 = arith.mulf %sub3A_1109, %sub3A_1110 : vector<16xf32>
        %eq3A_1112 = arith.cmpf oeq, %mul3A_85, %max3A_1083 : vector<16xf32>
        %select_n3A_1113 = arith.select %eq3A_1112, %broadcast_in_dim3A_6, %broadcast_in_dim3A_4 : vector<16xi1>, vector<16xf32>
        %mul3A_1114 = arith.mulf %mul3A_1111, %select_n3A_1113 : vector<16xf32>
        %add3A_1115 = arith.addf %add3A_911, %mul3A_1114 : vector<16xf32>
        %add3A_1116 = arith.addf %add3A_1108, %mul3A_1114 : vector<16xf32>
        %sub3A_1117 = arith.subf %broadcast_in_dim3A_6, %add3A_919 : vector<16xf32>
        %sub3A_1118 = arith.subf %broadcast_in_dim3A_6, %add3A_1116 : vector<16xf32>
        %mul3A_1119 = arith.mulf %sub3A_1117, %sub3A_1118 : vector<16xf32>
        %eq3A_1120 = arith.cmpf oeq, %mul3A_94, %max3A_1083 : vector<16xf32>
        %select_n3A_1121 = arith.select %eq3A_1120, %broadcast_in_dim3A_6, %broadcast_in_dim3A_4 : vector<16xi1>, vector<16xf32>
        %mul3A_1122 = arith.mulf %mul3A_1119, %select_n3A_1121 : vector<16xf32>
        %add3A_1123 = arith.addf %add3A_919, %mul3A_1122 : vector<16xf32>
        %add3A_1124 = arith.addf %add3A_1116, %mul3A_1122 : vector<16xf32>
        %sub3A_1125 = arith.subf %broadcast_in_dim3A_6, %add3A_927 : vector<16xf32>
        %sub3A_1126 = arith.subf %broadcast_in_dim3A_6, %add3A_1124 : vector<16xf32>
        %mul3A_1127 = arith.mulf %sub3A_1125, %sub3A_1126 : vector<16xf32>
        %eq3A_1128 = arith.cmpf oeq, %mul3A_103, %max3A_1083 : vector<16xf32>
        %select_n3A_1129 = arith.select %eq3A_1128, %broadcast_in_dim3A_6, %broadcast_in_dim3A_4 : vector<16xi1>, vector<16xf32>
        %mul3A_1130 = arith.mulf %mul3A_1127, %select_n3A_1129 : vector<16xf32>
        %add3A_1131 = arith.addf %add3A_927, %mul3A_1130 : vector<16xf32>
        %add3A_1132 = arith.addf %add3A_1124, %mul3A_1130 : vector<16xf32>
        %sub3A_1133 = arith.subf %broadcast_in_dim3A_6, %add3A_935 : vector<16xf32>
        %sub3A_1134 = arith.subf %broadcast_in_dim3A_6, %add3A_1132 : vector<16xf32>
        %mul3A_1135 = arith.mulf %sub3A_1133, %sub3A_1134 : vector<16xf32>
        %eq3A_1136 = arith.cmpf oeq, %mul3A_112, %max3A_1083 : vector<16xf32>
        %select_n3A_1137 = arith.select %eq3A_1136, %broadcast_in_dim3A_6, %broadcast_in_dim3A_4 : vector<16xi1>, vector<16xf32>
        %mul3A_1138 = arith.mulf %mul3A_1135, %select_n3A_1137 : vector<16xf32>
        %add3A_1139 = arith.addf %add3A_935, %mul3A_1138 : vector<16xf32>
        %add3A_1140 = arith.addf %add3A_1132, %mul3A_1138 : vector<16xf32>
        %sub3A_1141 = arith.subf %broadcast_in_dim3A_6, %add3A_943 : vector<16xf32>
        %sub3A_1142 = arith.subf %broadcast_in_dim3A_6, %add3A_1140 : vector<16xf32>
        %mul3A_1143 = arith.mulf %sub3A_1141, %sub3A_1142 : vector<16xf32>
        %eq3A_1144 = arith.cmpf oeq, %mul3A_121, %max3A_1083 : vector<16xf32>
        %select_n3A_1145 = arith.select %eq3A_1144, %broadcast_in_dim3A_6, %broadcast_in_dim3A_4 : vector<16xi1>, vector<16xf32>
        %mul3A_1146 = arith.mulf %mul3A_1143, %select_n3A_1145 : vector<16xf32>
        %add3A_1147 = arith.addf %add3A_943, %mul3A_1146 : vector<16xf32>
        %add3A_1148 = arith.addf %add3A_1140, %mul3A_1146 : vector<16xf32>
        %sub3A_1149 = arith.subf %broadcast_in_dim3A_6, %add3A_951 : vector<16xf32>
        %sub3A_1150 = arith.subf %broadcast_in_dim3A_6, %add3A_1148 : vector<16xf32>
        %mul3A_1151 = arith.mulf %sub3A_1149, %sub3A_1150 : vector<16xf32>
        %eq3A_1152 = arith.cmpf oeq, %mul3A_130, %max3A_1083 : vector<16xf32>
        %select_n3A_1153 = arith.select %eq3A_1152, %broadcast_in_dim3A_6, %broadcast_in_dim3A_4 : vector<16xi1>, vector<16xf32>
        %mul3A_1154 = arith.mulf %mul3A_1151, %select_n3A_1153 : vector<16xf32>
        %add3A_1155 = arith.addf %add3A_951, %mul3A_1154 : vector<16xf32>
        %add3A_1156 = arith.addf %add3A_1148, %mul3A_1154 : vector<16xf32>
        %sub3A_1157 = arith.subf %broadcast_in_dim3A_6, %add3A_959 : vector<16xf32>
        %sub3A_1158 = arith.subf %broadcast_in_dim3A_6, %add3A_1156 : vector<16xf32>
        %mul3A_1159 = arith.mulf %sub3A_1157, %sub3A_1158 : vector<16xf32>
        %eq3A_1160 = arith.cmpf oeq, %mul3A_139, %max3A_1083 : vector<16xf32>
        %select_n3A_1161 = arith.select %eq3A_1160, %broadcast_in_dim3A_6, %broadcast_in_dim3A_4 : vector<16xi1>, vector<16xf32>
        %mul3A_1162 = arith.mulf %mul3A_1159, %select_n3A_1161 : vector<16xf32>
        %add3A_1163 = arith.addf %add3A_959, %mul3A_1162 : vector<16xf32>
        %add3A_1164 = arith.addf %add3A_1156, %mul3A_1162 : vector<16xf32>
        %sub3A_1165 = arith.subf %broadcast_in_dim3A_6, %add3A_967 : vector<16xf32>
        %sub3A_1166 = arith.subf %broadcast_in_dim3A_6, %add3A_1164 : vector<16xf32>
        %mul3A_1167 = arith.mulf %sub3A_1165, %sub3A_1166 : vector<16xf32>
        %eq3A_1168 = arith.cmpf oeq, %mul3A_148, %max3A_1083 : vector<16xf32>
        %select_n3A_1169 = arith.select %eq3A_1168, %broadcast_in_dim3A_6, %broadcast_in_dim3A_4 : vector<16xi1>, vector<16xf32>
        %mul3A_1170 = arith.mulf %mul3A_1167, %select_n3A_1169 : vector<16xf32>
        %add3A_1171 = arith.addf %add3A_967, %mul3A_1170 : vector<16xf32>
        %add3A_1172 = arith.addf %add3A_1164, %mul3A_1170 : vector<16xf32>
        %sub3A_1173 = arith.subf %broadcast_in_dim3A_6, %add3A_975 : vector<16xf32>
        %sub3A_1174 = arith.subf %broadcast_in_dim3A_6, %add3A_1172 : vector<16xf32>
        %mul3A_1175 = arith.mulf %sub3A_1173, %sub3A_1174 : vector<16xf32>
        %eq3A_1176 = arith.cmpf oeq, %mul3A_157, %max3A_1083 : vector<16xf32>
        %select_n3A_1177 = arith.select %eq3A_1176, %broadcast_in_dim3A_6, %broadcast_in_dim3A_4 : vector<16xi1>, vector<16xf32>
        %mul3A_1178 = arith.mulf %mul3A_1175, %select_n3A_1177 : vector<16xf32>
        %add3A_1179 = arith.addf %add3A_975, %mul3A_1178 : vector<16xf32>
        %add3A_1180 = arith.addf %add3A_1172, %mul3A_1178 : vector<16xf32>
        %sub3A_1181 = arith.subf %broadcast_in_dim3A_6, %add3A_983 : vector<16xf32>
        %sub3A_1182 = arith.subf %broadcast_in_dim3A_6, %add3A_1180 : vector<16xf32>
        %mul3A_1183 = arith.mulf %sub3A_1181, %sub3A_1182 : vector<16xf32>
        %eq3A_1184 = arith.cmpf oeq, %mul3A_166, %max3A_1083 : vector<16xf32>
        %select_n3A_1185 = arith.select %eq3A_1184, %broadcast_in_dim3A_6, %broadcast_in_dim3A_4 : vector<16xi1>, vector<16xf32>
        %mul3A_1186 = arith.mulf %mul3A_1183, %select_n3A_1185 : vector<16xf32>
        %add3A_1187 = arith.addf %add3A_983, %mul3A_1186 : vector<16xf32>
        %add3A_1188 = arith.addf %add3A_1180, %mul3A_1186 : vector<16xf32>
        %sub3A_1189 = arith.subf %broadcast_in_dim3A_6, %add3A_991 : vector<16xf32>
        %sub3A_1190 = arith.subf %broadcast_in_dim3A_6, %add3A_1188 : vector<16xf32>
        %mul3A_1191 = arith.mulf %sub3A_1189, %sub3A_1190 : vector<16xf32>
        %eq3A_1192 = arith.cmpf oeq, %mul3A_175, %max3A_1083 : vector<16xf32>
        %select_n3A_1193 = arith.select %eq3A_1192, %broadcast_in_dim3A_6, %broadcast_in_dim3A_4 : vector<16xi1>, vector<16xf32>
        %mul3A_1194 = arith.mulf %mul3A_1191, %select_n3A_1193 : vector<16xf32>
        %add3A_1195 = arith.addf %add3A_991, %mul3A_1194 : vector<16xf32>
        %add3A_1196 = arith.addf %add3A_1188, %mul3A_1194 : vector<16xf32>
        %sub3A_1197 = arith.subf %broadcast_in_dim3A_6, %add3A_999 : vector<16xf32>
        %sub3A_1198 = arith.subf %broadcast_in_dim3A_6, %add3A_1196 : vector<16xf32>
        %mul3A_1199 = arith.mulf %sub3A_1197, %sub3A_1198 : vector<16xf32>
        %eq3A_1200 = arith.cmpf oeq, %mul3A_184, %max3A_1083 : vector<16xf32>
        %select_n3A_1201 = arith.select %eq3A_1200, %broadcast_in_dim3A_6, %broadcast_in_dim3A_4 : vector<16xi1>, vector<16xf32>
        %mul3A_1202 = arith.mulf %mul3A_1199, %select_n3A_1201 : vector<16xf32>
        %add3A_1203 = arith.addf %add3A_999, %mul3A_1202 : vector<16xf32>
        %add3A_1204 = arith.addf %add3A_1196, %mul3A_1202 : vector<16xf32>
        %sub3A_1205 = arith.subf %broadcast_in_dim3A_6, %add3A_1007 : vector<16xf32>
        %sub3A_1206 = arith.subf %broadcast_in_dim3A_6, %add3A_1204 : vector<16xf32>
        %mul3A_1207 = arith.mulf %sub3A_1205, %sub3A_1206 : vector<16xf32>
        %eq3A_1208 = arith.cmpf oeq, %mul3A_193, %max3A_1083 : vector<16xf32>
        %select_n3A_1209 = arith.select %eq3A_1208, %broadcast_in_dim3A_6, %broadcast_in_dim3A_4 : vector<16xi1>, vector<16xf32>
        %mul3A_1210 = arith.mulf %mul3A_1207, %select_n3A_1209 : vector<16xf32>
        %add3A_1211 = arith.addf %add3A_1007, %mul3A_1210 : vector<16xf32>
        %add3A_1212 = arith.addf %add3A_1204, %mul3A_1210 : vector<16xf32>
        %sub3A_1213 = arith.subf %broadcast_in_dim3A_6, %add3A_1015 : vector<16xf32>
        %sub3A_1214 = arith.subf %broadcast_in_dim3A_6, %add3A_1212 : vector<16xf32>
        %mul3A_1215 = arith.mulf %sub3A_1213, %sub3A_1214 : vector<16xf32>
        %eq3A_1216 = arith.cmpf oeq, %mul3A_202, %max3A_1083 : vector<16xf32>
        %select_n3A_1217 = arith.select %eq3A_1216, %broadcast_in_dim3A_6, %broadcast_in_dim3A_4 : vector<16xi1>, vector<16xf32>
        %mul3A_1218 = arith.mulf %mul3A_1215, %select_n3A_1217 : vector<16xf32>
        %add3A_1219 = arith.addf %add3A_1015, %mul3A_1218 : vector<16xf32>
        %add3A_1220 = arith.addf %add3A_1212, %mul3A_1218 : vector<16xf32>
        %mul3A_1221 = vector.broadcast %scan3A : f32 to vector<16xf32>
        %mul3A_1222 = arith.mulf %add3A_1091, %mul3A_1221 : vector<16xf32>
        %add3A_1223 = arith.addf %mul3A_58, %mul3A_1222 : vector<16xf32>
        %mul3A_1224 = vector.broadcast %scan3A : f32 to vector<16xf32>
        %mul3A_1225 = arith.mulf %add3A_1099, %mul3A_1224 : vector<16xf32>
        %add3A_1226 = arith.addf %mul3A_67, %mul3A_1225 : vector<16xf32>
        %max3A_1227 = arith.maximumf %add3A_1223, %add3A_1226 : vector<16xf32>
        %mul3A_1228 = vector.broadcast %scan3A : f32 to vector<16xf32>
        %mul3A_1229 = arith.mulf %add3A_1107, %mul3A_1228 : vector<16xf32>
        %add3A_1230 = arith.addf %mul3A_76, %mul3A_1229 : vector<16xf32>
        %max3A_1231 = arith.maximumf %max3A_1227, %add3A_1230 : vector<16xf32>
        %mul3A_1232 = vector.broadcast %scan3A : f32 to vector<16xf32>
        %mul3A_1233 = arith.mulf %add3A_1115, %mul3A_1232 : vector<16xf32>
        %add3A_1234 = arith.addf %mul3A_85, %mul3A_1233 : vector<16xf32>
        %max3A_1235 = arith.maximumf %max3A_1231, %add3A_1234 : vector<16xf32>
        %mul3A_1236 = vector.broadcast %scan3A : f32 to vector<16xf32>
        %mul3A_1237 = arith.mulf %add3A_1123, %mul3A_1236 : vector<16xf32>
        %add3A_1238 = arith.addf %mul3A_94, %mul3A_1237 : vector<16xf32>
        %max3A_1239 = arith.maximumf %max3A_1235, %add3A_1238 : vector<16xf32>
        %mul3A_1240 = vector.broadcast %scan3A : f32 to vector<16xf32>
        %mul3A_1241 = arith.mulf %add3A_1131, %mul3A_1240 : vector<16xf32>
        %add3A_1242 = arith.addf %mul3A_103, %mul3A_1241 : vector<16xf32>
        %max3A_1243 = arith.maximumf %max3A_1239, %add3A_1242 : vector<16xf32>
        %mul3A_1244 = vector.broadcast %scan3A : f32 to vector<16xf32>
        %mul3A_1245 = arith.mulf %add3A_1139, %mul3A_1244 : vector<16xf32>
        %add3A_1246 = arith.addf %mul3A_112, %mul3A_1245 : vector<16xf32>
        %max3A_1247 = arith.maximumf %max3A_1243, %add3A_1246 : vector<16xf32>
        %mul3A_1248 = vector.broadcast %scan3A : f32 to vector<16xf32>
        %mul3A_1249 = arith.mulf %add3A_1147, %mul3A_1248 : vector<16xf32>
        %add3A_1250 = arith.addf %mul3A_121, %mul3A_1249 : vector<16xf32>
        %max3A_1251 = arith.maximumf %max3A_1247, %add3A_1250 : vector<16xf32>
        %mul3A_1252 = vector.broadcast %scan3A : f32 to vector<16xf32>
        %mul3A_1253 = arith.mulf %add3A_1155, %mul3A_1252 : vector<16xf32>
        %add3A_1254 = arith.addf %mul3A_130, %mul3A_1253 : vector<16xf32>
        %max3A_1255 = arith.maximumf %max3A_1251, %add3A_1254 : vector<16xf32>
        %mul3A_1256 = vector.broadcast %scan3A : f32 to vector<16xf32>
        %mul3A_1257 = arith.mulf %add3A_1163, %mul3A_1256 : vector<16xf32>
        %add3A_1258 = arith.addf %mul3A_139, %mul3A_1257 : vector<16xf32>
        %max3A_1259 = arith.maximumf %max3A_1255, %add3A_1258 : vector<16xf32>
        %mul3A_1260 = vector.broadcast %scan3A : f32 to vector<16xf32>
        %mul3A_1261 = arith.mulf %add3A_1171, %mul3A_1260 : vector<16xf32>
        %add3A_1262 = arith.addf %mul3A_148, %mul3A_1261 : vector<16xf32>
        %max3A_1263 = arith.maximumf %max3A_1259, %add3A_1262 : vector<16xf32>
        %mul3A_1264 = vector.broadcast %scan3A : f32 to vector<16xf32>
        %mul3A_1265 = arith.mulf %add3A_1179, %mul3A_1264 : vector<16xf32>
        %add3A_1266 = arith.addf %mul3A_157, %mul3A_1265 : vector<16xf32>
        %max3A_1267 = arith.maximumf %max3A_1263, %add3A_1266 : vector<16xf32>
        %mul3A_1268 = vector.broadcast %scan3A : f32 to vector<16xf32>
        %mul3A_1269 = arith.mulf %add3A_1187, %mul3A_1268 : vector<16xf32>
        %add3A_1270 = arith.addf %mul3A_166, %mul3A_1269 : vector<16xf32>
        %max3A_1271 = arith.maximumf %max3A_1267, %add3A_1270 : vector<16xf32>
        %mul3A_1272 = vector.broadcast %scan3A : f32 to vector<16xf32>
        %mul3A_1273 = arith.mulf %add3A_1195, %mul3A_1272 : vector<16xf32>
        %add3A_1274 = arith.addf %mul3A_175, %mul3A_1273 : vector<16xf32>
        %max3A_1275 = arith.maximumf %max3A_1271, %add3A_1274 : vector<16xf32>
        %mul3A_1276 = vector.broadcast %scan3A : f32 to vector<16xf32>
        %mul3A_1277 = arith.mulf %add3A_1203, %mul3A_1276 : vector<16xf32>
        %add3A_1278 = arith.addf %mul3A_184, %mul3A_1277 : vector<16xf32>
        %max3A_1279 = arith.maximumf %max3A_1275, %add3A_1278 : vector<16xf32>
        %mul3A_1280 = vector.broadcast %scan3A : f32 to vector<16xf32>
        %mul3A_1281 = arith.mulf %add3A_1211, %mul3A_1280 : vector<16xf32>
        %add3A_1282 = arith.addf %mul3A_193, %mul3A_1281 : vector<16xf32>
        %max3A_1283 = arith.maximumf %max3A_1279, %add3A_1282 : vector<16xf32>
        %mul3A_1284 = vector.broadcast %scan3A : f32 to vector<16xf32>
        %mul3A_1285 = arith.mulf %add3A_1219, %mul3A_1284 : vector<16xf32>
        %add3A_1286 = arith.addf %mul3A_202, %mul3A_1285 : vector<16xf32>
        %max3A_1287 = arith.maximumf %max3A_1283, %add3A_1286 : vector<16xf32>
        %add3A_1288 = arith.addf %add3A_1084, %max3A_1287 : vector<16xf32>
        %sub3A_1289 = arith.subf %broadcast_in_dim3A_6, %add3A_1091 : vector<16xf32>
        %sub3A_1290 = arith.subf %broadcast_in_dim3A_6, %broadcast_in_dim3A_4 : vector<16xf32>
        %mul3A_1291 = arith.mulf %sub3A_1289, %sub3A_1290 : vector<16xf32>
        %eq3A_1292 = arith.cmpf oeq, %mul3A_58, %max3A_1287 : vector<16xf32>
        %select_n3A_1293 = arith.select %eq3A_1292, %broadcast_in_dim3A_6, %broadcast_in_dim3A_4 : vector<16xi1>, vector<16xf32>
        %mul3A_1294 = arith.mulf %mul3A_1291, %select_n3A_1293 : vector<16xf32>
        %add3A_1295 = arith.addf %add3A_1091, %mul3A_1294 : vector<16xf32>
        %add3A_1296 = arith.addf %broadcast_in_dim3A_4, %mul3A_1294 : vector<16xf32>
        %sub3A_1297 = arith.subf %broadcast_in_dim3A_6, %add3A_1099 : vector<16xf32>
        %sub3A_1298 = arith.subf %broadcast_in_dim3A_6, %add3A_1296 : vector<16xf32>
        %mul3A_1299 = arith.mulf %sub3A_1297, %sub3A_1298 : vector<16xf32>
        %eq3A_1300 = arith.cmpf oeq, %mul3A_67, %max3A_1287 : vector<16xf32>
        %select_n3A_1301 = arith.select %eq3A_1300, %broadcast_in_dim3A_6, %broadcast_in_dim3A_4 : vector<16xi1>, vector<16xf32>
        %mul3A_1302 = arith.mulf %mul3A_1299, %select_n3A_1301 : vector<16xf32>
        %add3A_1303 = arith.addf %add3A_1099, %mul3A_1302 : vector<16xf32>
        %add3A_1304 = arith.addf %add3A_1296, %mul3A_1302 : vector<16xf32>
        %sub3A_1305 = arith.subf %broadcast_in_dim3A_6, %add3A_1107 : vector<16xf32>
        %sub3A_1306 = arith.subf %broadcast_in_dim3A_6, %add3A_1304 : vector<16xf32>
        %mul3A_1307 = arith.mulf %sub3A_1305, %sub3A_1306 : vector<16xf32>
        %eq3A_1308 = arith.cmpf oeq, %mul3A_76, %max3A_1287 : vector<16xf32>
        %select_n3A_1309 = arith.select %eq3A_1308, %broadcast_in_dim3A_6, %broadcast_in_dim3A_4 : vector<16xi1>, vector<16xf32>
        %mul3A_1310 = arith.mulf %mul3A_1307, %select_n3A_1309 : vector<16xf32>
        %add3A_1311 = arith.addf %add3A_1107, %mul3A_1310 : vector<16xf32>
        %add3A_1312 = arith.addf %add3A_1304, %mul3A_1310 : vector<16xf32>
        %sub3A_1313 = arith.subf %broadcast_in_dim3A_6, %add3A_1115 : vector<16xf32>
        %sub3A_1314 = arith.subf %broadcast_in_dim3A_6, %add3A_1312 : vector<16xf32>
        %mul3A_1315 = arith.mulf %sub3A_1313, %sub3A_1314 : vector<16xf32>
        %eq3A_1316 = arith.cmpf oeq, %mul3A_85, %max3A_1287 : vector<16xf32>
        %select_n3A_1317 = arith.select %eq3A_1316, %broadcast_in_dim3A_6, %broadcast_in_dim3A_4 : vector<16xi1>, vector<16xf32>
        %mul3A_1318 = arith.mulf %mul3A_1315, %select_n3A_1317 : vector<16xf32>
        %add3A_1319 = arith.addf %add3A_1115, %mul3A_1318 : vector<16xf32>
        %add3A_1320 = arith.addf %add3A_1312, %mul3A_1318 : vector<16xf32>
        %sub3A_1321 = arith.subf %broadcast_in_dim3A_6, %add3A_1123 : vector<16xf32>
        %sub3A_1322 = arith.subf %broadcast_in_dim3A_6, %add3A_1320 : vector<16xf32>
        %mul3A_1323 = arith.mulf %sub3A_1321, %sub3A_1322 : vector<16xf32>
        %eq3A_1324 = arith.cmpf oeq, %mul3A_94, %max3A_1287 : vector<16xf32>
        %select_n3A_1325 = arith.select %eq3A_1324, %broadcast_in_dim3A_6, %broadcast_in_dim3A_4 : vector<16xi1>, vector<16xf32>
        %mul3A_1326 = arith.mulf %mul3A_1323, %select_n3A_1325 : vector<16xf32>
        %add3A_1327 = arith.addf %add3A_1123, %mul3A_1326 : vector<16xf32>
        %add3A_1328 = arith.addf %add3A_1320, %mul3A_1326 : vector<16xf32>
        %sub3A_1329 = arith.subf %broadcast_in_dim3A_6, %add3A_1131 : vector<16xf32>
        %sub3A_1330 = arith.subf %broadcast_in_dim3A_6, %add3A_1328 : vector<16xf32>
        %mul3A_1331 = arith.mulf %sub3A_1329, %sub3A_1330 : vector<16xf32>
        %eq3A_1332 = arith.cmpf oeq, %mul3A_103, %max3A_1287 : vector<16xf32>
        %select_n3A_1333 = arith.select %eq3A_1332, %broadcast_in_dim3A_6, %broadcast_in_dim3A_4 : vector<16xi1>, vector<16xf32>
        %mul3A_1334 = arith.mulf %mul3A_1331, %select_n3A_1333 : vector<16xf32>
        %add3A_1335 = arith.addf %add3A_1131, %mul3A_1334 : vector<16xf32>
        %add3A_1336 = arith.addf %add3A_1328, %mul3A_1334 : vector<16xf32>
        %sub3A_1337 = arith.subf %broadcast_in_dim3A_6, %add3A_1139 : vector<16xf32>
        %sub3A_1338 = arith.subf %broadcast_in_dim3A_6, %add3A_1336 : vector<16xf32>
        %mul3A_1339 = arith.mulf %sub3A_1337, %sub3A_1338 : vector<16xf32>
        %eq3A_1340 = arith.cmpf oeq, %mul3A_112, %max3A_1287 : vector<16xf32>
        %select_n3A_1341 = arith.select %eq3A_1340, %broadcast_in_dim3A_6, %broadcast_in_dim3A_4 : vector<16xi1>, vector<16xf32>
        %mul3A_1342 = arith.mulf %mul3A_1339, %select_n3A_1341 : vector<16xf32>
        %add3A_1343 = arith.addf %add3A_1139, %mul3A_1342 : vector<16xf32>
        %add3A_1344 = arith.addf %add3A_1336, %mul3A_1342 : vector<16xf32>
        %sub3A_1345 = arith.subf %broadcast_in_dim3A_6, %add3A_1147 : vector<16xf32>
        %sub3A_1346 = arith.subf %broadcast_in_dim3A_6, %add3A_1344 : vector<16xf32>
        %mul3A_1347 = arith.mulf %sub3A_1345, %sub3A_1346 : vector<16xf32>
        %eq3A_1348 = arith.cmpf oeq, %mul3A_121, %max3A_1287 : vector<16xf32>
        %select_n3A_1349 = arith.select %eq3A_1348, %broadcast_in_dim3A_6, %broadcast_in_dim3A_4 : vector<16xi1>, vector<16xf32>
        %mul3A_1350 = arith.mulf %mul3A_1347, %select_n3A_1349 : vector<16xf32>
        %add3A_1351 = arith.addf %add3A_1147, %mul3A_1350 : vector<16xf32>
        %add3A_1352 = arith.addf %add3A_1344, %mul3A_1350 : vector<16xf32>
        %sub3A_1353 = arith.subf %broadcast_in_dim3A_6, %add3A_1155 : vector<16xf32>
        %sub3A_1354 = arith.subf %broadcast_in_dim3A_6, %add3A_1352 : vector<16xf32>
        %mul3A_1355 = arith.mulf %sub3A_1353, %sub3A_1354 : vector<16xf32>
        %eq3A_1356 = arith.cmpf oeq, %mul3A_130, %max3A_1287 : vector<16xf32>
        %select_n3A_1357 = arith.select %eq3A_1356, %broadcast_in_dim3A_6, %broadcast_in_dim3A_4 : vector<16xi1>, vector<16xf32>
        %mul3A_1358 = arith.mulf %mul3A_1355, %select_n3A_1357 : vector<16xf32>
        %add3A_1359 = arith.addf %add3A_1155, %mul3A_1358 : vector<16xf32>
        %add3A_1360 = arith.addf %add3A_1352, %mul3A_1358 : vector<16xf32>
        %sub3A_1361 = arith.subf %broadcast_in_dim3A_6, %add3A_1163 : vector<16xf32>
        %sub3A_1362 = arith.subf %broadcast_in_dim3A_6, %add3A_1360 : vector<16xf32>
        %mul3A_1363 = arith.mulf %sub3A_1361, %sub3A_1362 : vector<16xf32>
        %eq3A_1364 = arith.cmpf oeq, %mul3A_139, %max3A_1287 : vector<16xf32>
        %select_n3A_1365 = arith.select %eq3A_1364, %broadcast_in_dim3A_6, %broadcast_in_dim3A_4 : vector<16xi1>, vector<16xf32>
        %mul3A_1366 = arith.mulf %mul3A_1363, %select_n3A_1365 : vector<16xf32>
        %add3A_1367 = arith.addf %add3A_1163, %mul3A_1366 : vector<16xf32>
        %add3A_1368 = arith.addf %add3A_1360, %mul3A_1366 : vector<16xf32>
        %sub3A_1369 = arith.subf %broadcast_in_dim3A_6, %add3A_1171 : vector<16xf32>
        %sub3A_1370 = arith.subf %broadcast_in_dim3A_6, %add3A_1368 : vector<16xf32>
        %mul3A_1371 = arith.mulf %sub3A_1369, %sub3A_1370 : vector<16xf32>
        %eq3A_1372 = arith.cmpf oeq, %mul3A_148, %max3A_1287 : vector<16xf32>
        %select_n3A_1373 = arith.select %eq3A_1372, %broadcast_in_dim3A_6, %broadcast_in_dim3A_4 : vector<16xi1>, vector<16xf32>
        %mul3A_1374 = arith.mulf %mul3A_1371, %select_n3A_1373 : vector<16xf32>
        %add3A_1375 = arith.addf %add3A_1171, %mul3A_1374 : vector<16xf32>
        %add3A_1376 = arith.addf %add3A_1368, %mul3A_1374 : vector<16xf32>
        %sub3A_1377 = arith.subf %broadcast_in_dim3A_6, %add3A_1179 : vector<16xf32>
        %sub3A_1378 = arith.subf %broadcast_in_dim3A_6, %add3A_1376 : vector<16xf32>
        %mul3A_1379 = arith.mulf %sub3A_1377, %sub3A_1378 : vector<16xf32>
        %eq3A_1380 = arith.cmpf oeq, %mul3A_157, %max3A_1287 : vector<16xf32>
        %select_n3A_1381 = arith.select %eq3A_1380, %broadcast_in_dim3A_6, %broadcast_in_dim3A_4 : vector<16xi1>, vector<16xf32>
        %mul3A_1382 = arith.mulf %mul3A_1379, %select_n3A_1381 : vector<16xf32>
        %add3A_1383 = arith.addf %add3A_1179, %mul3A_1382 : vector<16xf32>
        %add3A_1384 = arith.addf %add3A_1376, %mul3A_1382 : vector<16xf32>
        %sub3A_1385 = arith.subf %broadcast_in_dim3A_6, %add3A_1187 : vector<16xf32>
        %sub3A_1386 = arith.subf %broadcast_in_dim3A_6, %add3A_1384 : vector<16xf32>
        %mul3A_1387 = arith.mulf %sub3A_1385, %sub3A_1386 : vector<16xf32>
        %eq3A_1388 = arith.cmpf oeq, %mul3A_166, %max3A_1287 : vector<16xf32>
        %select_n3A_1389 = arith.select %eq3A_1388, %broadcast_in_dim3A_6, %broadcast_in_dim3A_4 : vector<16xi1>, vector<16xf32>
        %mul3A_1390 = arith.mulf %mul3A_1387, %select_n3A_1389 : vector<16xf32>
        %add3A_1391 = arith.addf %add3A_1187, %mul3A_1390 : vector<16xf32>
        %add3A_1392 = arith.addf %add3A_1384, %mul3A_1390 : vector<16xf32>
        %sub3A_1393 = arith.subf %broadcast_in_dim3A_6, %add3A_1195 : vector<16xf32>
        %sub3A_1394 = arith.subf %broadcast_in_dim3A_6, %add3A_1392 : vector<16xf32>
        %mul3A_1395 = arith.mulf %sub3A_1393, %sub3A_1394 : vector<16xf32>
        %eq3A_1396 = arith.cmpf oeq, %mul3A_175, %max3A_1287 : vector<16xf32>
        %select_n3A_1397 = arith.select %eq3A_1396, %broadcast_in_dim3A_6, %broadcast_in_dim3A_4 : vector<16xi1>, vector<16xf32>
        %mul3A_1398 = arith.mulf %mul3A_1395, %select_n3A_1397 : vector<16xf32>
        %add3A_1399 = arith.addf %add3A_1195, %mul3A_1398 : vector<16xf32>
        %add3A_1400 = arith.addf %add3A_1392, %mul3A_1398 : vector<16xf32>
        %sub3A_1401 = arith.subf %broadcast_in_dim3A_6, %add3A_1203 : vector<16xf32>
        %sub3A_1402 = arith.subf %broadcast_in_dim3A_6, %add3A_1400 : vector<16xf32>
        %mul3A_1403 = arith.mulf %sub3A_1401, %sub3A_1402 : vector<16xf32>
        %eq3A_1404 = arith.cmpf oeq, %mul3A_184, %max3A_1287 : vector<16xf32>
        %select_n3A_1405 = arith.select %eq3A_1404, %broadcast_in_dim3A_6, %broadcast_in_dim3A_4 : vector<16xi1>, vector<16xf32>
        %mul3A_1406 = arith.mulf %mul3A_1403, %select_n3A_1405 : vector<16xf32>
        %add3A_1407 = arith.addf %add3A_1203, %mul3A_1406 : vector<16xf32>
        %add3A_1408 = arith.addf %add3A_1400, %mul3A_1406 : vector<16xf32>
        %sub3A_1409 = arith.subf %broadcast_in_dim3A_6, %add3A_1211 : vector<16xf32>
        %sub3A_1410 = arith.subf %broadcast_in_dim3A_6, %add3A_1408 : vector<16xf32>
        %mul3A_1411 = arith.mulf %sub3A_1409, %sub3A_1410 : vector<16xf32>
        %eq3A_1412 = arith.cmpf oeq, %mul3A_193, %max3A_1287 : vector<16xf32>
        %select_n3A_1413 = arith.select %eq3A_1412, %broadcast_in_dim3A_6, %broadcast_in_dim3A_4 : vector<16xi1>, vector<16xf32>
        %mul3A_1414 = arith.mulf %mul3A_1411, %select_n3A_1413 : vector<16xf32>
        %add3A_1415 = arith.addf %add3A_1211, %mul3A_1414 : vector<16xf32>
        %add3A_1416 = arith.addf %add3A_1408, %mul3A_1414 : vector<16xf32>
        %sub3A_1417 = arith.subf %broadcast_in_dim3A_6, %add3A_1219 : vector<16xf32>
        %sub3A_1418 = arith.subf %broadcast_in_dim3A_6, %add3A_1416 : vector<16xf32>
        %mul3A_1419 = arith.mulf %sub3A_1417, %sub3A_1418 : vector<16xf32>
        %eq3A_1420 = arith.cmpf oeq, %mul3A_202, %max3A_1287 : vector<16xf32>
        %select_n3A_1421 = arith.select %eq3A_1420, %broadcast_in_dim3A_6, %broadcast_in_dim3A_4 : vector<16xi1>, vector<16xf32>
        %mul3A_1422 = arith.mulf %mul3A_1419, %select_n3A_1421 : vector<16xf32>
        %add3A_1423 = arith.addf %add3A_1219, %mul3A_1422 : vector<16xf32>
        %add3A_1424 = arith.addf %add3A_1416, %mul3A_1422 : vector<16xf32>
        %mul3A_1425 = vector.broadcast %scan3A : f32 to vector<16xf32>
        %mul3A_1426 = arith.mulf %add3A_1295, %mul3A_1425 : vector<16xf32>
        %add3A_1427 = arith.addf %mul3A_58, %mul3A_1426 : vector<16xf32>
        %mul3A_1428 = vector.broadcast %scan3A : f32 to vector<16xf32>
        %mul3A_1429 = arith.mulf %add3A_1303, %mul3A_1428 : vector<16xf32>
        %add3A_1430 = arith.addf %mul3A_67, %mul3A_1429 : vector<16xf32>
        %max3A_1431 = arith.maximumf %add3A_1427, %add3A_1430 : vector<16xf32>
        %mul3A_1432 = vector.broadcast %scan3A : f32 to vector<16xf32>
        %mul3A_1433 = arith.mulf %add3A_1311, %mul3A_1432 : vector<16xf32>
        %add3A_1434 = arith.addf %mul3A_76, %mul3A_1433 : vector<16xf32>
        %max3A_1435 = arith.maximumf %max3A_1431, %add3A_1434 : vector<16xf32>
        %mul3A_1436 = vector.broadcast %scan3A : f32 to vector<16xf32>
        %mul3A_1437 = arith.mulf %add3A_1319, %mul3A_1436 : vector<16xf32>
        %add3A_1438 = arith.addf %mul3A_85, %mul3A_1437 : vector<16xf32>
        %max3A_1439 = arith.maximumf %max3A_1435, %add3A_1438 : vector<16xf32>
        %mul3A_1440 = vector.broadcast %scan3A : f32 to vector<16xf32>
        %mul3A_1441 = arith.mulf %add3A_1327, %mul3A_1440 : vector<16xf32>
        %add3A_1442 = arith.addf %mul3A_94, %mul3A_1441 : vector<16xf32>
        %max3A_1443 = arith.maximumf %max3A_1439, %add3A_1442 : vector<16xf32>
        %mul3A_1444 = vector.broadcast %scan3A : f32 to vector<16xf32>
        %mul3A_1445 = arith.mulf %add3A_1335, %mul3A_1444 : vector<16xf32>
        %add3A_1446 = arith.addf %mul3A_103, %mul3A_1445 : vector<16xf32>
        %max3A_1447 = arith.maximumf %max3A_1443, %add3A_1446 : vector<16xf32>
        %mul3A_1448 = vector.broadcast %scan3A : f32 to vector<16xf32>
        %mul3A_1449 = arith.mulf %add3A_1343, %mul3A_1448 : vector<16xf32>
        %add3A_1450 = arith.addf %mul3A_112, %mul3A_1449 : vector<16xf32>
        %max3A_1451 = arith.maximumf %max3A_1447, %add3A_1450 : vector<16xf32>
        %mul3A_1452 = vector.broadcast %scan3A : f32 to vector<16xf32>
        %mul3A_1453 = arith.mulf %add3A_1351, %mul3A_1452 : vector<16xf32>
        %add3A_1454 = arith.addf %mul3A_121, %mul3A_1453 : vector<16xf32>
        %max3A_1455 = arith.maximumf %max3A_1451, %add3A_1454 : vector<16xf32>
        %mul3A_1456 = vector.broadcast %scan3A : f32 to vector<16xf32>
        %mul3A_1457 = arith.mulf %add3A_1359, %mul3A_1456 : vector<16xf32>
        %add3A_1458 = arith.addf %mul3A_130, %mul3A_1457 : vector<16xf32>
        %max3A_1459 = arith.maximumf %max3A_1455, %add3A_1458 : vector<16xf32>
        %mul3A_1460 = vector.broadcast %scan3A : f32 to vector<16xf32>
        %mul3A_1461 = arith.mulf %add3A_1367, %mul3A_1460 : vector<16xf32>
        %add3A_1462 = arith.addf %mul3A_139, %mul3A_1461 : vector<16xf32>
        %max3A_1463 = arith.maximumf %max3A_1459, %add3A_1462 : vector<16xf32>
        %mul3A_1464 = vector.broadcast %scan3A : f32 to vector<16xf32>
        %mul3A_1465 = arith.mulf %add3A_1375, %mul3A_1464 : vector<16xf32>
        %add3A_1466 = arith.addf %mul3A_148, %mul3A_1465 : vector<16xf32>
        %max3A_1467 = arith.maximumf %max3A_1463, %add3A_1466 : vector<16xf32>
        %mul3A_1468 = vector.broadcast %scan3A : f32 to vector<16xf32>
        %mul3A_1469 = arith.mulf %add3A_1383, %mul3A_1468 : vector<16xf32>
        %add3A_1470 = arith.addf %mul3A_157, %mul3A_1469 : vector<16xf32>
        %max3A_1471 = arith.maximumf %max3A_1467, %add3A_1470 : vector<16xf32>
        %mul3A_1472 = vector.broadcast %scan3A : f32 to vector<16xf32>
        %mul3A_1473 = arith.mulf %add3A_1391, %mul3A_1472 : vector<16xf32>
        %add3A_1474 = arith.addf %mul3A_166, %mul3A_1473 : vector<16xf32>
        %max3A_1475 = arith.maximumf %max3A_1471, %add3A_1474 : vector<16xf32>
        %mul3A_1476 = vector.broadcast %scan3A : f32 to vector<16xf32>
        %mul3A_1477 = arith.mulf %add3A_1399, %mul3A_1476 : vector<16xf32>
        %add3A_1478 = arith.addf %mul3A_175, %mul3A_1477 : vector<16xf32>
        %max3A_1479 = arith.maximumf %max3A_1475, %add3A_1478 : vector<16xf32>
        %mul3A_1480 = vector.broadcast %scan3A : f32 to vector<16xf32>
        %mul3A_1481 = arith.mulf %add3A_1407, %mul3A_1480 : vector<16xf32>
        %add3A_1482 = arith.addf %mul3A_184, %mul3A_1481 : vector<16xf32>
        %max3A_1483 = arith.maximumf %max3A_1479, %add3A_1482 : vector<16xf32>
        %mul3A_1484 = vector.broadcast %scan3A : f32 to vector<16xf32>
        %mul3A_1485 = arith.mulf %add3A_1415, %mul3A_1484 : vector<16xf32>
        %add3A_1486 = arith.addf %mul3A_193, %mul3A_1485 : vector<16xf32>
        %max3A_1487 = arith.maximumf %max3A_1483, %add3A_1486 : vector<16xf32>
        %mul3A_1488 = vector.broadcast %scan3A : f32 to vector<16xf32>
        %mul3A_1489 = arith.mulf %add3A_1423, %mul3A_1488 : vector<16xf32>
        %add3A_1490 = arith.addf %mul3A_202, %mul3A_1489 : vector<16xf32>
        %max3A_1491 = arith.maximumf %max3A_1487, %add3A_1490 : vector<16xf32>
        %add3A_1492 = arith.addf %add3A_1288, %max3A_1491 : vector<16xf32>
        %sub3A_1493 = arith.subf %broadcast_in_dim3A_6, %add3A_1295 : vector<16xf32>
        %sub3A_1494 = arith.subf %broadcast_in_dim3A_6, %broadcast_in_dim3A_4 : vector<16xf32>
        %mul3A_1495 = arith.mulf %sub3A_1493, %sub3A_1494 : vector<16xf32>
        %eq3A_1496 = arith.cmpf oeq, %mul3A_58, %max3A_1491 : vector<16xf32>
        %select_n3A_1497 = arith.select %eq3A_1496, %broadcast_in_dim3A_6, %broadcast_in_dim3A_4 : vector<16xi1>, vector<16xf32>
        %mul3A_1498 = arith.mulf %mul3A_1495, %select_n3A_1497 : vector<16xf32>
        %add3A_1499 = arith.addf %add3A_1295, %mul3A_1498 : vector<16xf32>
        %add3A_1500 = arith.addf %broadcast_in_dim3A_4, %mul3A_1498 : vector<16xf32>
        %sub3A_1501 = arith.subf %broadcast_in_dim3A_6, %add3A_1303 : vector<16xf32>
        %sub3A_1502 = arith.subf %broadcast_in_dim3A_6, %add3A_1500 : vector<16xf32>
        %mul3A_1503 = arith.mulf %sub3A_1501, %sub3A_1502 : vector<16xf32>
        %eq3A_1504 = arith.cmpf oeq, %mul3A_67, %max3A_1491 : vector<16xf32>
        %select_n3A_1505 = arith.select %eq3A_1504, %broadcast_in_dim3A_6, %broadcast_in_dim3A_4 : vector<16xi1>, vector<16xf32>
        %mul3A_1506 = arith.mulf %mul3A_1503, %select_n3A_1505 : vector<16xf32>
        %add3A_1507 = arith.addf %add3A_1303, %mul3A_1506 : vector<16xf32>
        %add3A_1508 = arith.addf %add3A_1500, %mul3A_1506 : vector<16xf32>
        %sub3A_1509 = arith.subf %broadcast_in_dim3A_6, %add3A_1311 : vector<16xf32>
        %sub3A_1510 = arith.subf %broadcast_in_dim3A_6, %add3A_1508 : vector<16xf32>
        %mul3A_1511 = arith.mulf %sub3A_1509, %sub3A_1510 : vector<16xf32>
        %eq3A_1512 = arith.cmpf oeq, %mul3A_76, %max3A_1491 : vector<16xf32>
        %select_n3A_1513 = arith.select %eq3A_1512, %broadcast_in_dim3A_6, %broadcast_in_dim3A_4 : vector<16xi1>, vector<16xf32>
        %mul3A_1514 = arith.mulf %mul3A_1511, %select_n3A_1513 : vector<16xf32>
        %add3A_1515 = arith.addf %add3A_1311, %mul3A_1514 : vector<16xf32>
        %add3A_1516 = arith.addf %add3A_1508, %mul3A_1514 : vector<16xf32>
        %sub3A_1517 = arith.subf %broadcast_in_dim3A_6, %add3A_1319 : vector<16xf32>
        %sub3A_1518 = arith.subf %broadcast_in_dim3A_6, %add3A_1516 : vector<16xf32>
        %mul3A_1519 = arith.mulf %sub3A_1517, %sub3A_1518 : vector<16xf32>
        %eq3A_1520 = arith.cmpf oeq, %mul3A_85, %max3A_1491 : vector<16xf32>
        %select_n3A_1521 = arith.select %eq3A_1520, %broadcast_in_dim3A_6, %broadcast_in_dim3A_4 : vector<16xi1>, vector<16xf32>
        %mul3A_1522 = arith.mulf %mul3A_1519, %select_n3A_1521 : vector<16xf32>
        %add3A_1523 = arith.addf %add3A_1319, %mul3A_1522 : vector<16xf32>
        %add3A_1524 = arith.addf %add3A_1516, %mul3A_1522 : vector<16xf32>
        %sub3A_1525 = arith.subf %broadcast_in_dim3A_6, %add3A_1327 : vector<16xf32>
        %sub3A_1526 = arith.subf %broadcast_in_dim3A_6, %add3A_1524 : vector<16xf32>
        %mul3A_1527 = arith.mulf %sub3A_1525, %sub3A_1526 : vector<16xf32>
        %eq3A_1528 = arith.cmpf oeq, %mul3A_94, %max3A_1491 : vector<16xf32>
        %select_n3A_1529 = arith.select %eq3A_1528, %broadcast_in_dim3A_6, %broadcast_in_dim3A_4 : vector<16xi1>, vector<16xf32>
        %mul3A_1530 = arith.mulf %mul3A_1527, %select_n3A_1529 : vector<16xf32>
        %add3A_1531 = arith.addf %add3A_1327, %mul3A_1530 : vector<16xf32>
        %add3A_1532 = arith.addf %add3A_1524, %mul3A_1530 : vector<16xf32>
        %sub3A_1533 = arith.subf %broadcast_in_dim3A_6, %add3A_1335 : vector<16xf32>
        %sub3A_1534 = arith.subf %broadcast_in_dim3A_6, %add3A_1532 : vector<16xf32>
        %mul3A_1535 = arith.mulf %sub3A_1533, %sub3A_1534 : vector<16xf32>
        %eq3A_1536 = arith.cmpf oeq, %mul3A_103, %max3A_1491 : vector<16xf32>
        %select_n3A_1537 = arith.select %eq3A_1536, %broadcast_in_dim3A_6, %broadcast_in_dim3A_4 : vector<16xi1>, vector<16xf32>
        %mul3A_1538 = arith.mulf %mul3A_1535, %select_n3A_1537 : vector<16xf32>
        %add3A_1539 = arith.addf %add3A_1335, %mul3A_1538 : vector<16xf32>
        %add3A_1540 = arith.addf %add3A_1532, %mul3A_1538 : vector<16xf32>
        %sub3A_1541 = arith.subf %broadcast_in_dim3A_6, %add3A_1343 : vector<16xf32>
        %sub3A_1542 = arith.subf %broadcast_in_dim3A_6, %add3A_1540 : vector<16xf32>
        %mul3A_1543 = arith.mulf %sub3A_1541, %sub3A_1542 : vector<16xf32>
        %eq3A_1544 = arith.cmpf oeq, %mul3A_112, %max3A_1491 : vector<16xf32>
        %select_n3A_1545 = arith.select %eq3A_1544, %broadcast_in_dim3A_6, %broadcast_in_dim3A_4 : vector<16xi1>, vector<16xf32>
        %mul3A_1546 = arith.mulf %mul3A_1543, %select_n3A_1545 : vector<16xf32>
        %add3A_1547 = arith.addf %add3A_1343, %mul3A_1546 : vector<16xf32>
        %add3A_1548 = arith.addf %add3A_1540, %mul3A_1546 : vector<16xf32>
        %sub3A_1549 = arith.subf %broadcast_in_dim3A_6, %add3A_1351 : vector<16xf32>
        %sub3A_1550 = arith.subf %broadcast_in_dim3A_6, %add3A_1548 : vector<16xf32>
        %mul3A_1551 = arith.mulf %sub3A_1549, %sub3A_1550 : vector<16xf32>
        %eq3A_1552 = arith.cmpf oeq, %mul3A_121, %max3A_1491 : vector<16xf32>
        %select_n3A_1553 = arith.select %eq3A_1552, %broadcast_in_dim3A_6, %broadcast_in_dim3A_4 : vector<16xi1>, vector<16xf32>
        %mul3A_1554 = arith.mulf %mul3A_1551, %select_n3A_1553 : vector<16xf32>
        %add3A_1555 = arith.addf %add3A_1351, %mul3A_1554 : vector<16xf32>
        %add3A_1556 = arith.addf %add3A_1548, %mul3A_1554 : vector<16xf32>
        %sub3A_1557 = arith.subf %broadcast_in_dim3A_6, %add3A_1359 : vector<16xf32>
        %sub3A_1558 = arith.subf %broadcast_in_dim3A_6, %add3A_1556 : vector<16xf32>
        %mul3A_1559 = arith.mulf %sub3A_1557, %sub3A_1558 : vector<16xf32>
        %eq3A_1560 = arith.cmpf oeq, %mul3A_130, %max3A_1491 : vector<16xf32>
        %select_n3A_1561 = arith.select %eq3A_1560, %broadcast_in_dim3A_6, %broadcast_in_dim3A_4 : vector<16xi1>, vector<16xf32>
        %mul3A_1562 = arith.mulf %mul3A_1559, %select_n3A_1561 : vector<16xf32>
        %add3A_1563 = arith.addf %add3A_1359, %mul3A_1562 : vector<16xf32>
        %add3A_1564 = arith.addf %add3A_1556, %mul3A_1562 : vector<16xf32>
        %sub3A_1565 = arith.subf %broadcast_in_dim3A_6, %add3A_1367 : vector<16xf32>
        %sub3A_1566 = arith.subf %broadcast_in_dim3A_6, %add3A_1564 : vector<16xf32>
        %mul3A_1567 = arith.mulf %sub3A_1565, %sub3A_1566 : vector<16xf32>
        %eq3A_1568 = arith.cmpf oeq, %mul3A_139, %max3A_1491 : vector<16xf32>
        %select_n3A_1569 = arith.select %eq3A_1568, %broadcast_in_dim3A_6, %broadcast_in_dim3A_4 : vector<16xi1>, vector<16xf32>
        %mul3A_1570 = arith.mulf %mul3A_1567, %select_n3A_1569 : vector<16xf32>
        %add3A_1571 = arith.addf %add3A_1367, %mul3A_1570 : vector<16xf32>
        %add3A_1572 = arith.addf %add3A_1564, %mul3A_1570 : vector<16xf32>
        %sub3A_1573 = arith.subf %broadcast_in_dim3A_6, %add3A_1375 : vector<16xf32>
        %sub3A_1574 = arith.subf %broadcast_in_dim3A_6, %add3A_1572 : vector<16xf32>
        %mul3A_1575 = arith.mulf %sub3A_1573, %sub3A_1574 : vector<16xf32>
        %eq3A_1576 = arith.cmpf oeq, %mul3A_148, %max3A_1491 : vector<16xf32>
        %select_n3A_1577 = arith.select %eq3A_1576, %broadcast_in_dim3A_6, %broadcast_in_dim3A_4 : vector<16xi1>, vector<16xf32>
        %mul3A_1578 = arith.mulf %mul3A_1575, %select_n3A_1577 : vector<16xf32>
        %add3A_1579 = arith.addf %add3A_1375, %mul3A_1578 : vector<16xf32>
        %add3A_1580 = arith.addf %add3A_1572, %mul3A_1578 : vector<16xf32>
        %sub3A_1581 = arith.subf %broadcast_in_dim3A_6, %add3A_1383 : vector<16xf32>
        %sub3A_1582 = arith.subf %broadcast_in_dim3A_6, %add3A_1580 : vector<16xf32>
        %mul3A_1583 = arith.mulf %sub3A_1581, %sub3A_1582 : vector<16xf32>
        %eq3A_1584 = arith.cmpf oeq, %mul3A_157, %max3A_1491 : vector<16xf32>
        %select_n3A_1585 = arith.select %eq3A_1584, %broadcast_in_dim3A_6, %broadcast_in_dim3A_4 : vector<16xi1>, vector<16xf32>
        %mul3A_1586 = arith.mulf %mul3A_1583, %select_n3A_1585 : vector<16xf32>
        %add3A_1587 = arith.addf %add3A_1383, %mul3A_1586 : vector<16xf32>
        %add3A_1588 = arith.addf %add3A_1580, %mul3A_1586 : vector<16xf32>
        %sub3A_1589 = arith.subf %broadcast_in_dim3A_6, %add3A_1391 : vector<16xf32>
        %sub3A_1590 = arith.subf %broadcast_in_dim3A_6, %add3A_1588 : vector<16xf32>
        %mul3A_1591 = arith.mulf %sub3A_1589, %sub3A_1590 : vector<16xf32>
        %eq3A_1592 = arith.cmpf oeq, %mul3A_166, %max3A_1491 : vector<16xf32>
        %select_n3A_1593 = arith.select %eq3A_1592, %broadcast_in_dim3A_6, %broadcast_in_dim3A_4 : vector<16xi1>, vector<16xf32>
        %mul3A_1594 = arith.mulf %mul3A_1591, %select_n3A_1593 : vector<16xf32>
        %add3A_1595 = arith.addf %add3A_1391, %mul3A_1594 : vector<16xf32>
        %add3A_1596 = arith.addf %add3A_1588, %mul3A_1594 : vector<16xf32>
        %sub3A_1597 = arith.subf %broadcast_in_dim3A_6, %add3A_1399 : vector<16xf32>
        %sub3A_1598 = arith.subf %broadcast_in_dim3A_6, %add3A_1596 : vector<16xf32>
        %mul3A_1599 = arith.mulf %sub3A_1597, %sub3A_1598 : vector<16xf32>
        %eq3A_1600 = arith.cmpf oeq, %mul3A_175, %max3A_1491 : vector<16xf32>
        %select_n3A_1601 = arith.select %eq3A_1600, %broadcast_in_dim3A_6, %broadcast_in_dim3A_4 : vector<16xi1>, vector<16xf32>
        %mul3A_1602 = arith.mulf %mul3A_1599, %select_n3A_1601 : vector<16xf32>
        %add3A_1603 = arith.addf %add3A_1399, %mul3A_1602 : vector<16xf32>
        %add3A_1604 = arith.addf %add3A_1596, %mul3A_1602 : vector<16xf32>
        %sub3A_1605 = arith.subf %broadcast_in_dim3A_6, %add3A_1407 : vector<16xf32>
        %sub3A_1606 = arith.subf %broadcast_in_dim3A_6, %add3A_1604 : vector<16xf32>
        %mul3A_1607 = arith.mulf %sub3A_1605, %sub3A_1606 : vector<16xf32>
        %eq3A_1608 = arith.cmpf oeq, %mul3A_184, %max3A_1491 : vector<16xf32>
        %select_n3A_1609 = arith.select %eq3A_1608, %broadcast_in_dim3A_6, %broadcast_in_dim3A_4 : vector<16xi1>, vector<16xf32>
        %mul3A_1610 = arith.mulf %mul3A_1607, %select_n3A_1609 : vector<16xf32>
        %add3A_1611 = arith.addf %add3A_1407, %mul3A_1610 : vector<16xf32>
        %add3A_1612 = arith.addf %add3A_1604, %mul3A_1610 : vector<16xf32>
        %sub3A_1613 = arith.subf %broadcast_in_dim3A_6, %add3A_1415 : vector<16xf32>
        %sub3A_1614 = arith.subf %broadcast_in_dim3A_6, %add3A_1612 : vector<16xf32>
        %mul3A_1615 = arith.mulf %sub3A_1613, %sub3A_1614 : vector<16xf32>
        %eq3A_1616 = arith.cmpf oeq, %mul3A_193, %max3A_1491 : vector<16xf32>
        %select_n3A_1617 = arith.select %eq3A_1616, %broadcast_in_dim3A_6, %broadcast_in_dim3A_4 : vector<16xi1>, vector<16xf32>
        %mul3A_1618 = arith.mulf %mul3A_1615, %select_n3A_1617 : vector<16xf32>
        %add3A_1619 = arith.addf %add3A_1415, %mul3A_1618 : vector<16xf32>
        %add3A_1620 = arith.addf %add3A_1612, %mul3A_1618 : vector<16xf32>
        %sub3A_1621 = arith.subf %broadcast_in_dim3A_6, %add3A_1423 : vector<16xf32>
        %sub3A_1622 = arith.subf %broadcast_in_dim3A_6, %add3A_1620 : vector<16xf32>
        %mul3A_1623 = arith.mulf %sub3A_1621, %sub3A_1622 : vector<16xf32>
        %eq3A_1624 = arith.cmpf oeq, %mul3A_202, %max3A_1491 : vector<16xf32>
        %select_n3A_1625 = arith.select %eq3A_1624, %broadcast_in_dim3A_6, %broadcast_in_dim3A_4 : vector<16xi1>, vector<16xf32>
        %mul3A_1626 = arith.mulf %mul3A_1623, %select_n3A_1625 : vector<16xf32>
        %add3A_1627 = arith.addf %add3A_1423, %mul3A_1626 : vector<16xf32>
        %add3A_1628 = arith.addf %add3A_1620, %mul3A_1626 : vector<16xf32>
        %mul3A_1629 = vector.broadcast %scan3A : f32 to vector<16xf32>
        %mul3A_1630 = arith.mulf %add3A_1499, %mul3A_1629 : vector<16xf32>
        %add3A_1631 = arith.addf %mul3A_58, %mul3A_1630 : vector<16xf32>
        %mul3A_1632 = vector.broadcast %scan3A : f32 to vector<16xf32>
        %mul3A_1633 = arith.mulf %add3A_1507, %mul3A_1632 : vector<16xf32>
        %add3A_1634 = arith.addf %mul3A_67, %mul3A_1633 : vector<16xf32>
        %max3A_1635 = arith.maximumf %add3A_1631, %add3A_1634 : vector<16xf32>
        %mul3A_1636 = vector.broadcast %scan3A : f32 to vector<16xf32>
        %mul3A_1637 = arith.mulf %add3A_1515, %mul3A_1636 : vector<16xf32>
        %add3A_1638 = arith.addf %mul3A_76, %mul3A_1637 : vector<16xf32>
        %max3A_1639 = arith.maximumf %max3A_1635, %add3A_1638 : vector<16xf32>
        %mul3A_1640 = vector.broadcast %scan3A : f32 to vector<16xf32>
        %mul3A_1641 = arith.mulf %add3A_1523, %mul3A_1640 : vector<16xf32>
        %add3A_1642 = arith.addf %mul3A_85, %mul3A_1641 : vector<16xf32>
        %max3A_1643 = arith.maximumf %max3A_1639, %add3A_1642 : vector<16xf32>
        %mul3A_1644 = vector.broadcast %scan3A : f32 to vector<16xf32>
        %mul3A_1645 = arith.mulf %add3A_1531, %mul3A_1644 : vector<16xf32>
        %add3A_1646 = arith.addf %mul3A_94, %mul3A_1645 : vector<16xf32>
        %max3A_1647 = arith.maximumf %max3A_1643, %add3A_1646 : vector<16xf32>
        %mul3A_1648 = vector.broadcast %scan3A : f32 to vector<16xf32>
        %mul3A_1649 = arith.mulf %add3A_1539, %mul3A_1648 : vector<16xf32>
        %add3A_1650 = arith.addf %mul3A_103, %mul3A_1649 : vector<16xf32>
        %max3A_1651 = arith.maximumf %max3A_1647, %add3A_1650 : vector<16xf32>
        %mul3A_1652 = vector.broadcast %scan3A : f32 to vector<16xf32>
        %mul3A_1653 = arith.mulf %add3A_1547, %mul3A_1652 : vector<16xf32>
        %add3A_1654 = arith.addf %mul3A_112, %mul3A_1653 : vector<16xf32>
        %max3A_1655 = arith.maximumf %max3A_1651, %add3A_1654 : vector<16xf32>
        %mul3A_1656 = vector.broadcast %scan3A : f32 to vector<16xf32>
        %mul3A_1657 = arith.mulf %add3A_1555, %mul3A_1656 : vector<16xf32>
        %add3A_1658 = arith.addf %mul3A_121, %mul3A_1657 : vector<16xf32>
        %max3A_1659 = arith.maximumf %max3A_1655, %add3A_1658 : vector<16xf32>
        %mul3A_1660 = vector.broadcast %scan3A : f32 to vector<16xf32>
        %mul3A_1661 = arith.mulf %add3A_1563, %mul3A_1660 : vector<16xf32>
        %add3A_1662 = arith.addf %mul3A_130, %mul3A_1661 : vector<16xf32>
        %max3A_1663 = arith.maximumf %max3A_1659, %add3A_1662 : vector<16xf32>
        %mul3A_1664 = vector.broadcast %scan3A : f32 to vector<16xf32>
        %mul3A_1665 = arith.mulf %add3A_1571, %mul3A_1664 : vector<16xf32>
        %add3A_1666 = arith.addf %mul3A_139, %mul3A_1665 : vector<16xf32>
        %max3A_1667 = arith.maximumf %max3A_1663, %add3A_1666 : vector<16xf32>
        %mul3A_1668 = vector.broadcast %scan3A : f32 to vector<16xf32>
        %mul3A_1669 = arith.mulf %add3A_1579, %mul3A_1668 : vector<16xf32>
        %add3A_1670 = arith.addf %mul3A_148, %mul3A_1669 : vector<16xf32>
        %max3A_1671 = arith.maximumf %max3A_1667, %add3A_1670 : vector<16xf32>
        %mul3A_1672 = vector.broadcast %scan3A : f32 to vector<16xf32>
        %mul3A_1673 = arith.mulf %add3A_1587, %mul3A_1672 : vector<16xf32>
        %add3A_1674 = arith.addf %mul3A_157, %mul3A_1673 : vector<16xf32>
        %max3A_1675 = arith.maximumf %max3A_1671, %add3A_1674 : vector<16xf32>
        %mul3A_1676 = vector.broadcast %scan3A : f32 to vector<16xf32>
        %mul3A_1677 = arith.mulf %add3A_1595, %mul3A_1676 : vector<16xf32>
        %add3A_1678 = arith.addf %mul3A_166, %mul3A_1677 : vector<16xf32>
        %max3A_1679 = arith.maximumf %max3A_1675, %add3A_1678 : vector<16xf32>
        %mul3A_1680 = vector.broadcast %scan3A : f32 to vector<16xf32>
        %mul3A_1681 = arith.mulf %add3A_1603, %mul3A_1680 : vector<16xf32>
        %add3A_1682 = arith.addf %mul3A_175, %mul3A_1681 : vector<16xf32>
        %max3A_1683 = arith.maximumf %max3A_1679, %add3A_1682 : vector<16xf32>
        %mul3A_1684 = vector.broadcast %scan3A : f32 to vector<16xf32>
        %mul3A_1685 = arith.mulf %add3A_1611, %mul3A_1684 : vector<16xf32>
        %add3A_1686 = arith.addf %mul3A_184, %mul3A_1685 : vector<16xf32>
        %max3A_1687 = arith.maximumf %max3A_1683, %add3A_1686 : vector<16xf32>
        %mul3A_1688 = vector.broadcast %scan3A : f32 to vector<16xf32>
        %mul3A_1689 = arith.mulf %add3A_1619, %mul3A_1688 : vector<16xf32>
        %add3A_1690 = arith.addf %mul3A_193, %mul3A_1689 : vector<16xf32>
        %max3A_1691 = arith.maximumf %max3A_1687, %add3A_1690 : vector<16xf32>
        %mul3A_1692 = vector.broadcast %scan3A : f32 to vector<16xf32>
        %mul3A_1693 = arith.mulf %add3A_1627, %mul3A_1692 : vector<16xf32>
        %add3A_1694 = arith.addf %mul3A_202, %mul3A_1693 : vector<16xf32>
        %max3A_1695 = arith.maximumf %max3A_1691, %add3A_1694 : vector<16xf32>
        %add3A_1696 = arith.addf %add3A_1492, %max3A_1695 : vector<16xf32>
        %sub3A_1697 = arith.subf %broadcast_in_dim3A_6, %add3A_1499 : vector<16xf32>
        %sub3A_1698 = arith.subf %broadcast_in_dim3A_6, %broadcast_in_dim3A_4 : vector<16xf32>
        %mul3A_1699 = arith.mulf %sub3A_1697, %sub3A_1698 : vector<16xf32>
        %eq3A_1700 = arith.cmpf oeq, %mul3A_58, %max3A_1695 : vector<16xf32>
        %select_n3A_1701 = arith.select %eq3A_1700, %broadcast_in_dim3A_6, %broadcast_in_dim3A_4 : vector<16xi1>, vector<16xf32>
        %mul3A_1702 = arith.mulf %mul3A_1699, %select_n3A_1701 : vector<16xf32>
        %add3A_1703 = arith.addf %add3A_1499, %mul3A_1702 : vector<16xf32>
        %add3A_1704 = arith.addf %broadcast_in_dim3A_4, %mul3A_1702 : vector<16xf32>
        %sub3A_1705 = arith.subf %broadcast_in_dim3A_6, %add3A_1507 : vector<16xf32>
        %sub3A_1706 = arith.subf %broadcast_in_dim3A_6, %add3A_1704 : vector<16xf32>
        %mul3A_1707 = arith.mulf %sub3A_1705, %sub3A_1706 : vector<16xf32>
        %eq3A_1708 = arith.cmpf oeq, %mul3A_67, %max3A_1695 : vector<16xf32>
        %select_n3A_1709 = arith.select %eq3A_1708, %broadcast_in_dim3A_6, %broadcast_in_dim3A_4 : vector<16xi1>, vector<16xf32>
        %mul3A_1710 = arith.mulf %mul3A_1707, %select_n3A_1709 : vector<16xf32>
        %add3A_1711 = arith.addf %add3A_1507, %mul3A_1710 : vector<16xf32>
        %add3A_1712 = arith.addf %add3A_1704, %mul3A_1710 : vector<16xf32>
        %sub3A_1713 = arith.subf %broadcast_in_dim3A_6, %add3A_1515 : vector<16xf32>
        %sub3A_1714 = arith.subf %broadcast_in_dim3A_6, %add3A_1712 : vector<16xf32>
        %mul3A_1715 = arith.mulf %sub3A_1713, %sub3A_1714 : vector<16xf32>
        %eq3A_1716 = arith.cmpf oeq, %mul3A_76, %max3A_1695 : vector<16xf32>
        %select_n3A_1717 = arith.select %eq3A_1716, %broadcast_in_dim3A_6, %broadcast_in_dim3A_4 : vector<16xi1>, vector<16xf32>
        %mul3A_1718 = arith.mulf %mul3A_1715, %select_n3A_1717 : vector<16xf32>
        %add3A_1719 = arith.addf %add3A_1515, %mul3A_1718 : vector<16xf32>
        %add3A_1720 = arith.addf %add3A_1712, %mul3A_1718 : vector<16xf32>
        %sub3A_1721 = arith.subf %broadcast_in_dim3A_6, %add3A_1523 : vector<16xf32>
        %sub3A_1722 = arith.subf %broadcast_in_dim3A_6, %add3A_1720 : vector<16xf32>
        %mul3A_1723 = arith.mulf %sub3A_1721, %sub3A_1722 : vector<16xf32>
        %eq3A_1724 = arith.cmpf oeq, %mul3A_85, %max3A_1695 : vector<16xf32>
        %select_n3A_1725 = arith.select %eq3A_1724, %broadcast_in_dim3A_6, %broadcast_in_dim3A_4 : vector<16xi1>, vector<16xf32>
        %mul3A_1726 = arith.mulf %mul3A_1723, %select_n3A_1725 : vector<16xf32>
        %add3A_1727 = arith.addf %add3A_1523, %mul3A_1726 : vector<16xf32>
        %add3A_1728 = arith.addf %add3A_1720, %mul3A_1726 : vector<16xf32>
        %sub3A_1729 = arith.subf %broadcast_in_dim3A_6, %add3A_1531 : vector<16xf32>
        %sub3A_1730 = arith.subf %broadcast_in_dim3A_6, %add3A_1728 : vector<16xf32>
        %mul3A_1731 = arith.mulf %sub3A_1729, %sub3A_1730 : vector<16xf32>
        %eq3A_1732 = arith.cmpf oeq, %mul3A_94, %max3A_1695 : vector<16xf32>
        %select_n3A_1733 = arith.select %eq3A_1732, %broadcast_in_dim3A_6, %broadcast_in_dim3A_4 : vector<16xi1>, vector<16xf32>
        %mul3A_1734 = arith.mulf %mul3A_1731, %select_n3A_1733 : vector<16xf32>
        %add3A_1735 = arith.addf %add3A_1531, %mul3A_1734 : vector<16xf32>
        %add3A_1736 = arith.addf %add3A_1728, %mul3A_1734 : vector<16xf32>
        %sub3A_1737 = arith.subf %broadcast_in_dim3A_6, %add3A_1539 : vector<16xf32>
        %sub3A_1738 = arith.subf %broadcast_in_dim3A_6, %add3A_1736 : vector<16xf32>
        %mul3A_1739 = arith.mulf %sub3A_1737, %sub3A_1738 : vector<16xf32>
        %eq3A_1740 = arith.cmpf oeq, %mul3A_103, %max3A_1695 : vector<16xf32>
        %select_n3A_1741 = arith.select %eq3A_1740, %broadcast_in_dim3A_6, %broadcast_in_dim3A_4 : vector<16xi1>, vector<16xf32>
        %mul3A_1742 = arith.mulf %mul3A_1739, %select_n3A_1741 : vector<16xf32>
        %add3A_1743 = arith.addf %add3A_1539, %mul3A_1742 : vector<16xf32>
        %add3A_1744 = arith.addf %add3A_1736, %mul3A_1742 : vector<16xf32>
        %sub3A_1745 = arith.subf %broadcast_in_dim3A_6, %add3A_1547 : vector<16xf32>
        %sub3A_1746 = arith.subf %broadcast_in_dim3A_6, %add3A_1744 : vector<16xf32>
        %mul3A_1747 = arith.mulf %sub3A_1745, %sub3A_1746 : vector<16xf32>
        %eq3A_1748 = arith.cmpf oeq, %mul3A_112, %max3A_1695 : vector<16xf32>
        %select_n3A_1749 = arith.select %eq3A_1748, %broadcast_in_dim3A_6, %broadcast_in_dim3A_4 : vector<16xi1>, vector<16xf32>
        %mul3A_1750 = arith.mulf %mul3A_1747, %select_n3A_1749 : vector<16xf32>
        %add3A_1751 = arith.addf %add3A_1547, %mul3A_1750 : vector<16xf32>
        %add3A_1752 = arith.addf %add3A_1744, %mul3A_1750 : vector<16xf32>
        %sub3A_1753 = arith.subf %broadcast_in_dim3A_6, %add3A_1555 : vector<16xf32>
        %sub3A_1754 = arith.subf %broadcast_in_dim3A_6, %add3A_1752 : vector<16xf32>
        %mul3A_1755 = arith.mulf %sub3A_1753, %sub3A_1754 : vector<16xf32>
        %eq3A_1756 = arith.cmpf oeq, %mul3A_121, %max3A_1695 : vector<16xf32>
        %select_n3A_1757 = arith.select %eq3A_1756, %broadcast_in_dim3A_6, %broadcast_in_dim3A_4 : vector<16xi1>, vector<16xf32>
        %mul3A_1758 = arith.mulf %mul3A_1755, %select_n3A_1757 : vector<16xf32>
        %add3A_1759 = arith.addf %add3A_1555, %mul3A_1758 : vector<16xf32>
        %add3A_1760 = arith.addf %add3A_1752, %mul3A_1758 : vector<16xf32>
        %sub3A_1761 = arith.subf %broadcast_in_dim3A_6, %add3A_1563 : vector<16xf32>
        %sub3A_1762 = arith.subf %broadcast_in_dim3A_6, %add3A_1760 : vector<16xf32>
        %mul3A_1763 = arith.mulf %sub3A_1761, %sub3A_1762 : vector<16xf32>
        %eq3A_1764 = arith.cmpf oeq, %mul3A_130, %max3A_1695 : vector<16xf32>
        %select_n3A_1765 = arith.select %eq3A_1764, %broadcast_in_dim3A_6, %broadcast_in_dim3A_4 : vector<16xi1>, vector<16xf32>
        %mul3A_1766 = arith.mulf %mul3A_1763, %select_n3A_1765 : vector<16xf32>
        %add3A_1767 = arith.addf %add3A_1563, %mul3A_1766 : vector<16xf32>
        %add3A_1768 = arith.addf %add3A_1760, %mul3A_1766 : vector<16xf32>
        %sub3A_1769 = arith.subf %broadcast_in_dim3A_6, %add3A_1571 : vector<16xf32>
        %sub3A_1770 = arith.subf %broadcast_in_dim3A_6, %add3A_1768 : vector<16xf32>
        %mul3A_1771 = arith.mulf %sub3A_1769, %sub3A_1770 : vector<16xf32>
        %eq3A_1772 = arith.cmpf oeq, %mul3A_139, %max3A_1695 : vector<16xf32>
        %select_n3A_1773 = arith.select %eq3A_1772, %broadcast_in_dim3A_6, %broadcast_in_dim3A_4 : vector<16xi1>, vector<16xf32>
        %mul3A_1774 = arith.mulf %mul3A_1771, %select_n3A_1773 : vector<16xf32>
        %add3A_1775 = arith.addf %add3A_1571, %mul3A_1774 : vector<16xf32>
        %add3A_1776 = arith.addf %add3A_1768, %mul3A_1774 : vector<16xf32>
        %sub3A_1777 = arith.subf %broadcast_in_dim3A_6, %add3A_1579 : vector<16xf32>
        %sub3A_1778 = arith.subf %broadcast_in_dim3A_6, %add3A_1776 : vector<16xf32>
        %mul3A_1779 = arith.mulf %sub3A_1777, %sub3A_1778 : vector<16xf32>
        %eq3A_1780 = arith.cmpf oeq, %mul3A_148, %max3A_1695 : vector<16xf32>
        %select_n3A_1781 = arith.select %eq3A_1780, %broadcast_in_dim3A_6, %broadcast_in_dim3A_4 : vector<16xi1>, vector<16xf32>
        %mul3A_1782 = arith.mulf %mul3A_1779, %select_n3A_1781 : vector<16xf32>
        %add3A_1783 = arith.addf %add3A_1579, %mul3A_1782 : vector<16xf32>
        %add3A_1784 = arith.addf %add3A_1776, %mul3A_1782 : vector<16xf32>
        %sub3A_1785 = arith.subf %broadcast_in_dim3A_6, %add3A_1587 : vector<16xf32>
        %sub3A_1786 = arith.subf %broadcast_in_dim3A_6, %add3A_1784 : vector<16xf32>
        %mul3A_1787 = arith.mulf %sub3A_1785, %sub3A_1786 : vector<16xf32>
        %eq3A_1788 = arith.cmpf oeq, %mul3A_157, %max3A_1695 : vector<16xf32>
        %select_n3A_1789 = arith.select %eq3A_1788, %broadcast_in_dim3A_6, %broadcast_in_dim3A_4 : vector<16xi1>, vector<16xf32>
        %mul3A_1790 = arith.mulf %mul3A_1787, %select_n3A_1789 : vector<16xf32>
        %add3A_1791 = arith.addf %add3A_1587, %mul3A_1790 : vector<16xf32>
        %add3A_1792 = arith.addf %add3A_1784, %mul3A_1790 : vector<16xf32>
        %sub3A_1793 = arith.subf %broadcast_in_dim3A_6, %add3A_1595 : vector<16xf32>
        %sub3A_1794 = arith.subf %broadcast_in_dim3A_6, %add3A_1792 : vector<16xf32>
        %mul3A_1795 = arith.mulf %sub3A_1793, %sub3A_1794 : vector<16xf32>
        %eq3A_1796 = arith.cmpf oeq, %mul3A_166, %max3A_1695 : vector<16xf32>
        %select_n3A_1797 = arith.select %eq3A_1796, %broadcast_in_dim3A_6, %broadcast_in_dim3A_4 : vector<16xi1>, vector<16xf32>
        %mul3A_1798 = arith.mulf %mul3A_1795, %select_n3A_1797 : vector<16xf32>
        %add3A_1799 = arith.addf %add3A_1595, %mul3A_1798 : vector<16xf32>
        %add3A_1800 = arith.addf %add3A_1792, %mul3A_1798 : vector<16xf32>
        %sub3A_1801 = arith.subf %broadcast_in_dim3A_6, %add3A_1603 : vector<16xf32>
        %sub3A_1802 = arith.subf %broadcast_in_dim3A_6, %add3A_1800 : vector<16xf32>
        %mul3A_1803 = arith.mulf %sub3A_1801, %sub3A_1802 : vector<16xf32>
        %eq3A_1804 = arith.cmpf oeq, %mul3A_175, %max3A_1695 : vector<16xf32>
        %select_n3A_1805 = arith.select %eq3A_1804, %broadcast_in_dim3A_6, %broadcast_in_dim3A_4 : vector<16xi1>, vector<16xf32>
        %mul3A_1806 = arith.mulf %mul3A_1803, %select_n3A_1805 : vector<16xf32>
        %add3A_1807 = arith.addf %add3A_1603, %mul3A_1806 : vector<16xf32>
        %add3A_1808 = arith.addf %add3A_1800, %mul3A_1806 : vector<16xf32>
        %sub3A_1809 = arith.subf %broadcast_in_dim3A_6, %add3A_1611 : vector<16xf32>
        %sub3A_1810 = arith.subf %broadcast_in_dim3A_6, %add3A_1808 : vector<16xf32>
        %mul3A_1811 = arith.mulf %sub3A_1809, %sub3A_1810 : vector<16xf32>
        %eq3A_1812 = arith.cmpf oeq, %mul3A_184, %max3A_1695 : vector<16xf32>
        %select_n3A_1813 = arith.select %eq3A_1812, %broadcast_in_dim3A_6, %broadcast_in_dim3A_4 : vector<16xi1>, vector<16xf32>
        %mul3A_1814 = arith.mulf %mul3A_1811, %select_n3A_1813 : vector<16xf32>
        %add3A_1815 = arith.addf %add3A_1611, %mul3A_1814 : vector<16xf32>
        %add3A_1816 = arith.addf %add3A_1808, %mul3A_1814 : vector<16xf32>
        %sub3A_1817 = arith.subf %broadcast_in_dim3A_6, %add3A_1619 : vector<16xf32>
        %sub3A_1818 = arith.subf %broadcast_in_dim3A_6, %add3A_1816 : vector<16xf32>
        %mul3A_1819 = arith.mulf %sub3A_1817, %sub3A_1818 : vector<16xf32>
        %eq3A_1820 = arith.cmpf oeq, %mul3A_193, %max3A_1695 : vector<16xf32>
        %select_n3A_1821 = arith.select %eq3A_1820, %broadcast_in_dim3A_6, %broadcast_in_dim3A_4 : vector<16xi1>, vector<16xf32>
        %mul3A_1822 = arith.mulf %mul3A_1819, %select_n3A_1821 : vector<16xf32>
        %add3A_1823 = arith.addf %add3A_1619, %mul3A_1822 : vector<16xf32>
        %add3A_1824 = arith.addf %add3A_1816, %mul3A_1822 : vector<16xf32>
        %sub3A_1825 = arith.subf %broadcast_in_dim3A_6, %add3A_1627 : vector<16xf32>
        %sub3A_1826 = arith.subf %broadcast_in_dim3A_6, %add3A_1824 : vector<16xf32>
        %mul3A_1827 = arith.mulf %sub3A_1825, %sub3A_1826 : vector<16xf32>
        %eq3A_1828 = arith.cmpf oeq, %mul3A_202, %max3A_1695 : vector<16xf32>
        %select_n3A_1829 = arith.select %eq3A_1828, %broadcast_in_dim3A_6, %broadcast_in_dim3A_4 : vector<16xi1>, vector<16xf32>
        %mul3A_1830 = arith.mulf %mul3A_1827, %select_n3A_1829 : vector<16xf32>
        %add3A_1831 = arith.addf %add3A_1627, %mul3A_1830 : vector<16xf32>
        %add3A_1832 = arith.addf %add3A_1824, %mul3A_1830 : vector<16xf32>
        %add3A_1833 = arith.addf %scan3A_47, %add3A_1696 : vector<16xf32>
        %mul3A_1834 = arith.constant 2 : i32
        %mul3A_1835 = arith.muli %scan3A_46, %mul3A_1834 : i32
        %add3A_1836 = arith.constant 1 : i32
        %add3A_1837 = arith.addi %mul3A_1835, %add3A_1836 : i32
        %get3A_1838 = arith.constant 0 : i32
        %get3A_1839 = arith.index_cast %add3A_1837 : i32 to index
        %get3A_1840 = arith.index_cast %get3A_1838 : i32 to index
        %get3A_1841 = arith.constant 0 : index
        %get3A_1842 = tpu.vector_load %arg4[%get3A_1839, %get3A_1840, %get3A_1841] {strides = array<i32>} : memref<8x17x16xf32, #tpu.memory_space<vmem>>, vector<1x1x16xf32>,
        %get3A_1843 = vector.shape_cast %get3A_1842 : vector<1x1x16xf32> to vector<16xf32>
        %mul3A_1844 = arith.constant 7.23379635E-5 : f32
        %mul3A_1845 = vector.broadcast %mul3A_1844 : f32 to vector<16xf32>
        %mul3A_1846 = arith.mulf %mul3A_1845, %get3A_1843 : vector<16xf32>
        %get3A_1847 = arith.constant 1 : i32
        %get3A_1848 = arith.index_cast %add3A_1837 : i32 to index
        %get3A_1849 = arith.index_cast %get3A_1847 : i32 to index
        %get3A_1850 = arith.constant 0 : index
        %get3A_1851 = tpu.vector_load %arg4[%get3A_1848, %get3A_1849, %get3A_1850] {strides = array<i32>} : memref<8x17x16xf32, #tpu.memory_space<vmem>>, vector<1x1x16xf32>,
        %get3A_1852 = vector.shape_cast %get3A_1851 : vector<1x1x16xf32> to vector<16xf32>
        %mul3A_1853 = arith.constant 7.23379635E-5 : f32
        %mul3A_1854 = vector.broadcast %mul3A_1853 : f32 to vector<16xf32>
        %mul3A_1855 = arith.mulf %mul3A_1854, %get3A_1852 : vector<16xf32>
        %get3A_1856 = arith.constant 2 : i32
        %get3A_1857 = arith.index_cast %add3A_1837 : i32 to index
        %get3A_1858 = arith.index_cast %get3A_1856 : i32 to index
        %get3A_1859 = arith.constant 0 : index
        %get3A_1860 = tpu.vector_load %arg4[%get3A_1857, %get3A_1858, %get3A_1859] {strides = array<i32>} : memref<8x17x16xf32, #tpu.memory_space<vmem>>, vector<1x1x16xf32>,
        %get3A_1861 = vector.shape_cast %get3A_1860 : vector<1x1x16xf32> to vector<16xf32>
        %mul3A_1862 = arith.constant 7.23379635E-5 : f32
        %mul3A_1863 = vector.broadcast %mul3A_1862 : f32 to vector<16xf32>
        %mul3A_1864 = arith.mulf %mul3A_1863, %get3A_1861 : vector<16xf32>
        %get3A_1865 = arith.constant 3 : i32
        %get3A_1866 = arith.index_cast %add3A_1837 : i32 to index
        %get3A_1867 = arith.index_cast %get3A_1865 : i32 to index
        %get3A_1868 = arith.constant 0 : index
        %get3A_1869 = tpu.vector_load %arg4[%get3A_1866, %get3A_1867, %get3A_1868] {strides = array<i32>} : memref<8x17x16xf32, #tpu.memory_space<vmem>>, vector<1x1x16xf32>,
        %get3A_1870 = vector.shape_cast %get3A_1869 : vector<1x1x16xf32> to vector<16xf32>
        %mul3A_1871 = arith.constant 7.23379635E-5 : f32
        %mul3A_1872 = vector.broadcast %mul3A_1871 : f32 to vector<16xf32>
        %mul3A_1873 = arith.mulf %mul3A_1872, %get3A_1870 : vector<16xf32>
        %get3A_1874 = arith.constant 4 : i32
        %get3A_1875 = arith.index_cast %add3A_1837 : i32 to index
        %get3A_1876 = arith.index_cast %get3A_1874 : i32 to index
        %get3A_1877 = arith.constant 0 : index
        %get3A_1878 = tpu.vector_load %arg4[%get3A_1875, %get3A_1876, %get3A_1877] {strides = array<i32>} : memref<8x17x16xf32, #tpu.memory_space<vmem>>, vector<1x1x16xf32>,
        %get3A_1879 = vector.shape_cast %get3A_1878 : vector<1x1x16xf32> to vector<16xf32>
        %mul3A_1880 = arith.constant 7.23379635E-5 : f32
        %mul3A_1881 = vector.broadcast %mul3A_1880 : f32 to vector<16xf32>
        %mul3A_1882 = arith.mulf %mul3A_1881, %get3A_1879 : vector<16xf32>
        %get3A_1883 = arith.constant 5 : i32
        %get3A_1884 = arith.index_cast %add3A_1837 : i32 to index
        %get3A_1885 = arith.index_cast %get3A_1883 : i32 to index
        %get3A_1886 = arith.constant 0 : index
        %get3A_1887 = tpu.vector_load %arg4[%get3A_1884, %get3A_1885, %get3A_1886] {strides = array<i32>} : memref<8x17x16xf32, #tpu.memory_space<vmem>>, vector<1x1x16xf32>,
        %get3A_1888 = vector.shape_cast %get3A_1887 : vector<1x1x16xf32> to vector<16xf32>
        %mul3A_1889 = arith.constant 7.23379635E-5 : f32
        %mul3A_1890 = vector.broadcast %mul3A_1889 : f32 to vector<16xf32>
        %mul3A_1891 = arith.mulf %mul3A_1890, %get3A_1888 : vector<16xf32>
        %get3A_1892 = arith.constant 6 : i32
        %get3A_1893 = arith.index_cast %add3A_1837 : i32 to index
        %get3A_1894 = arith.index_cast %get3A_1892 : i32 to index
        %get3A_1895 = arith.constant 0 : index
        %get3A_1896 = tpu.vector_load %arg4[%get3A_1893, %get3A_1894, %get3A_1895] {strides = array<i32>} : memref<8x17x16xf32, #tpu.memory_space<vmem>>, vector<1x1x16xf32>,
        %get3A_1897 = vector.shape_cast %get3A_1896 : vector<1x1x16xf32> to vector<16xf32>
        %mul3A_1898 = arith.constant 7.23379635E-5 : f32
        %mul3A_1899 = vector.broadcast %mul3A_1898 : f32 to vector<16xf32>
        %mul3A_1900 = arith.mulf %mul3A_1899, %get3A_1897 : vector<16xf32>
        %get3A_1901 = arith.constant 7 : i32
        %get3A_1902 = arith.index_cast %add3A_1837 : i32 to index
        %get3A_1903 = arith.index_cast %get3A_1901 : i32 to index
        %get3A_1904 = arith.constant 0 : index
        %get3A_1905 = tpu.vector_load %arg4[%get3A_1902, %get3A_1903, %get3A_1904] {strides = array<i32>} : memref<8x17x16xf32, #tpu.memory_space<vmem>>, vector<1x1x16xf32>,
        %get3A_1906 = vector.shape_cast %get3A_1905 : vector<1x1x16xf32> to vector<16xf32>
        %mul3A_1907 = arith.constant 7.23379635E-5 : f32
        %mul3A_1908 = vector.broadcast %mul3A_1907 : f32 to vector<16xf32>
        %mul3A_1909 = arith.mulf %mul3A_1908, %get3A_1906 : vector<16xf32>
        %get3A_1910 = arith.constant 8 : i32
        %get3A_1911 = arith.index_cast %add3A_1837 : i32 to index
        %get3A_1912 = arith.index_cast %get3A_1910 : i32 to index
        %get3A_1913 = arith.constant 0 : index
        %get3A_1914 = tpu.vector_load %arg4[%get3A_1911, %get3A_1912, %get3A_1913] {strides = array<i32>} : memref<8x17x16xf32, #tpu.memory_space<vmem>>, vector<1x1x16xf32>,
        %get3A_1915 = vector.shape_cast %get3A_1914 : vector<1x1x16xf32> to vector<16xf32>
        %mul3A_1916 = arith.constant 7.23379635E-5 : f32
        %mul3A_1917 = vector.broadcast %mul3A_1916 : f32 to vector<16xf32>
        %mul3A_1918 = arith.mulf %mul3A_1917, %get3A_1915 : vector<16xf32>
        %get3A_1919 = arith.constant 9 : i32
        %get3A_1920 = arith.index_cast %add3A_1837 : i32 to index
        %get3A_1921 = arith.index_cast %get3A_1919 : i32 to index
        %get3A_1922 = arith.constant 0 : index
        %get3A_1923 = tpu.vector_load %arg4[%get3A_1920, %get3A_1921, %get3A_1922] {strides = array<i32>} : memref<8x17x16xf32, #tpu.memory_space<vmem>>, vector<1x1x16xf32>,
        %get3A_1924 = vector.shape_cast %get3A_1923 : vector<1x1x16xf32> to vector<16xf32>
        %mul3A_1925 = arith.constant 7.23379635E-5 : f32
        %mul3A_1926 = vector.broadcast %mul3A_1925 : f32 to vector<16xf32>
        %mul3A_1927 = arith.mulf %mul3A_1926, %get3A_1924 : vector<16xf32>
        %get3A_1928 = arith.constant 10 : i32
        %get3A_1929 = arith.index_cast %add3A_1837 : i32 to index
        %get3A_1930 = arith.index_cast %get3A_1928 : i32 to index
        %get3A_1931 = arith.constant 0 : index
        %get3A_1932 = tpu.vector_load %arg4[%get3A_1929, %get3A_1930, %get3A_1931] {strides = array<i32>} : memref<8x17x16xf32, #tpu.memory_space<vmem>>, vector<1x1x16xf32>,
        %get3A_1933 = vector.shape_cast %get3A_1932 : vector<1x1x16xf32> to vector<16xf32>
        %mul3A_1934 = arith.constant 7.23379635E-5 : f32
        %mul3A_1935 = vector.broadcast %mul3A_1934 : f32 to vector<16xf32>
        %mul3A_1936 = arith.mulf %mul3A_1935, %get3A_1933 : vector<16xf32>
        %get3A_1937 = arith.constant 11 : i32
        %get3A_1938 = arith.index_cast %add3A_1837 : i32 to index
        %get3A_1939 = arith.index_cast %get3A_1937 : i32 to index
        %get3A_1940 = arith.constant 0 : index
        %get3A_1941 = tpu.vector_load %arg4[%get3A_1938, %get3A_1939, %get3A_1940] {strides = array<i32>} : memref<8x17x16xf32, #tpu.memory_space<vmem>>, vector<1x1x16xf32>,
        %get3A_1942 = vector.shape_cast %get3A_1941 : vector<1x1x16xf32> to vector<16xf32>
        %mul3A_1943 = arith.constant 7.23379635E-5 : f32
        %mul3A_1944 = vector.broadcast %mul3A_1943 : f32 to vector<16xf32>
        %mul3A_1945 = arith.mulf %mul3A_1944, %get3A_1942 : vector<16xf32>
        %get3A_1946 = arith.constant 12 : i32
        %get3A_1947 = arith.index_cast %add3A_1837 : i32 to index
        %get3A_1948 = arith.index_cast %get3A_1946 : i32 to index
        %get3A_1949 = arith.constant 0 : index
        %get3A_1950 = tpu.vector_load %arg4[%get3A_1947, %get3A_1948, %get3A_1949] {strides = array<i32>} : memref<8x17x16xf32, #tpu.memory_space<vmem>>, vector<1x1x16xf32>,
        %get3A_1951 = vector.shape_cast %get3A_1950 : vector<1x1x16xf32> to vector<16xf32>
        %mul3A_1952 = arith.constant 7.23379635E-5 : f32
        %mul3A_1953 = vector.broadcast %mul3A_1952 : f32 to vector<16xf32>
        %mul3A_1954 = arith.mulf %mul3A_1953, %get3A_1951 : vector<16xf32>
        %get3A_1955 = arith.constant 13 : i32
        %get3A_1956 = arith.index_cast %add3A_1837 : i32 to index
        %get3A_1957 = arith.index_cast %get3A_1955 : i32 to index
        %get3A_1958 = arith.constant 0 : index
        %get3A_1959 = tpu.vector_load %arg4[%get3A_1956, %get3A_1957, %get3A_1958] {strides = array<i32>} : memref<8x17x16xf32, #tpu.memory_space<vmem>>, vector<1x1x16xf32>,
        %get3A_1960 = vector.shape_cast %get3A_1959 : vector<1x1x16xf32> to vector<16xf32>
        %mul3A_1961 = arith.constant 7.23379635E-5 : f32
        %mul3A_1962 = vector.broadcast %mul3A_1961 : f32 to vector<16xf32>
        %mul3A_1963 = arith.mulf %mul3A_1962, %get3A_1960 : vector<16xf32>
        %get3A_1964 = arith.constant 14 : i32
        %get3A_1965 = arith.index_cast %add3A_1837 : i32 to index
        %get3A_1966 = arith.index_cast %get3A_1964 : i32 to index
        %get3A_1967 = arith.constant 0 : index
        %get3A_1968 = tpu.vector_load %arg4[%get3A_1965, %get3A_1966, %get3A_1967] {strides = array<i32>} : memref<8x17x16xf32, #tpu.memory_space<vmem>>, vector<1x1x16xf32>,
        %get3A_1969 = vector.shape_cast %get3A_1968 : vector<1x1x16xf32> to vector<16xf32>
        %mul3A_1970 = arith.constant 7.23379635E-5 : f32
        %mul3A_1971 = vector.broadcast %mul3A_1970 : f32 to vector<16xf32>
        %mul3A_1972 = arith.mulf %mul3A_1971, %get3A_1969 : vector<16xf32>
        %get3A_1973 = arith.constant 15 : i32
        %get3A_1974 = arith.index_cast %add3A_1837 : i32 to index
        %get3A_1975 = arith.index_cast %get3A_1973 : i32 to index
        %get3A_1976 = arith.constant 0 : index
        %get3A_1977 = tpu.vector_load %arg4[%get3A_1974, %get3A_1975, %get3A_1976] {strides = array<i32>} : memref<8x17x16xf32, #tpu.memory_space<vmem>>, vector<1x1x16xf32>,
        %get3A_1978 = vector.shape_cast %get3A_1977 : vector<1x1x16xf32> to vector<16xf32>
        %mul3A_1979 = arith.constant 7.23379635E-5 : f32
        %mul3A_1980 = vector.broadcast %mul3A_1979 : f32 to vector<16xf32>
        %mul3A_1981 = arith.mulf %mul3A_1980, %get3A_1978 : vector<16xf32>
        %get3A_1982 = arith.constant 16 : i32
        %get3A_1983 = arith.index_cast %add3A_1837 : i32 to index
        %get3A_1984 = arith.index_cast %get3A_1982 : i32 to index
        %get3A_1985 = arith.constant 0 : index
        %get3A_1986 = tpu.vector_load %arg4[%get3A_1983, %get3A_1984, %get3A_1985] {strides = array<i32>} : memref<8x17x16xf32, #tpu.memory_space<vmem>>, vector<1x1x16xf32>,
        %get3A_1987 = vector.shape_cast %get3A_1986 : vector<1x1x16xf32> to vector<16xf32>
        %mul3A_1988 = arith.constant 7.23379635E-5 : f32
        %mul3A_1989 = vector.broadcast %mul3A_1988 : f32 to vector<16xf32>
        %mul3A_1990 = arith.mulf %mul3A_1989, %get3A_1987 : vector<16xf32>
        %mul3A_1991 = vector.broadcast %scan3A : f32 to vector<16xf32>
        %mul3A_1992 = arith.mulf %broadcast_in_dim3A_4, %mul3A_1991 : vector<16xf32>
        %add3A_1993 = arith.addf %mul3A_1846, %mul3A_1992 : vector<16xf32>
        %mul3A_1994 = vector.broadcast %scan3A : f32 to vector<16xf32>
        %mul3A_1995 = arith.mulf %broadcast_in_dim3A_4, %mul3A_1994 : vector<16xf32>
        %add3A_1996 = arith.addf %mul3A_1855, %mul3A_1995 : vector<16xf32>
        %max3A_1997 = arith.maximumf %add3A_1993, %add3A_1996 : vector<16xf32>
        %mul3A_1998 = vector.broadcast %scan3A : f32 to vector<16xf32>
        %mul3A_1999 = arith.mulf %broadcast_in_dim3A_4, %mul3A_1998 : vector<16xf32>
        %add3A_2000 = arith.addf %mul3A_1864, %mul3A_1999 : vector<16xf32>
        %max3A_2001 = arith.maximumf %max3A_1997, %add3A_2000 : vector<16xf32>
        %mul3A_2002 = vector.broadcast %scan3A : f32 to vector<16xf32>
        %mul3A_2003 = arith.mulf %broadcast_in_dim3A_4, %mul3A_2002 : vector<16xf32>
        %add3A_2004 = arith.addf %mul3A_1873, %mul3A_2003 : vector<16xf32>
        %max3A_2005 = arith.maximumf %max3A_2001, %add3A_2004 : vector<16xf32>
        %mul3A_2006 = vector.broadcast %scan3A : f32 to vector<16xf32>
        %mul3A_2007 = arith.mulf %broadcast_in_dim3A_4, %mul3A_2006 : vector<16xf32>
        %add3A_2008 = arith.addf %mul3A_1882, %mul3A_2007 : vector<16xf32>
        %max3A_2009 = arith.maximumf %max3A_2005, %add3A_2008 : vector<16xf32>
        %mul3A_2010 = vector.broadcast %scan3A : f32 to vector<16xf32>
        %mul3A_2011 = arith.mulf %broadcast_in_dim3A_4, %mul3A_2010 : vector<16xf32>
        %add3A_2012 = arith.addf %mul3A_1891, %mul3A_2011 : vector<16xf32>
        %max3A_2013 = arith.maximumf %max3A_2009, %add3A_2012 : vector<16xf32>
        %mul3A_2014 = vector.broadcast %scan3A : f32 to vector<16xf32>
        %mul3A_2015 = arith.mulf %broadcast_in_dim3A_4, %mul3A_2014 : vector<16xf32>
        %add3A_2016 = arith.addf %mul3A_1900, %mul3A_2015 : vector<16xf32>
        %max3A_2017 = arith.maximumf %max3A_2013, %add3A_2016 : vector<16xf32>
        %mul3A_2018 = vector.broadcast %scan3A : f32 to vector<16xf32>
        %mul3A_2019 = arith.mulf %broadcast_in_dim3A_4, %mul3A_2018 : vector<16xf32>
        %add3A_2020 = arith.addf %mul3A_1909, %mul3A_2019 : vector<16xf32>
        %max3A_2021 = arith.maximumf %max3A_2017, %add3A_2020 : vector<16xf32>
        %mul3A_2022 = vector.broadcast %scan3A : f32 to vector<16xf32>
        %mul3A_2023 = arith.mulf %broadcast_in_dim3A_4, %mul3A_2022 : vector<16xf32>
        %add3A_2024 = arith.addf %mul3A_1918, %mul3A_2023 : vector<16xf32>
        %max3A_2025 = arith.maximumf %max3A_2021, %add3A_2024 : vector<16xf32>
        %mul3A_2026 = vector.broadcast %scan3A : f32 to vector<16xf32>
        %mul3A_2027 = arith.mulf %broadcast_in_dim3A_4, %mul3A_2026 : vector<16xf32>
        %add3A_2028 = arith.addf %mul3A_1927, %mul3A_2027 : vector<16xf32>
        %max3A_2029 = arith.maximumf %max3A_2025, %add3A_2028 : vector<16xf32>
        %mul3A_2030 = vector.broadcast %scan3A : f32 to vector<16xf32>
        %mul3A_2031 = arith.mulf %broadcast_in_dim3A_4, %mul3A_2030 : vector<16xf32>
        %add3A_2032 = arith.addf %mul3A_1936, %mul3A_2031 : vector<16xf32>
        %max3A_2033 = arith.maximumf %max3A_2029, %add3A_2032 : vector<16xf32>
        %mul3A_2034 = vector.broadcast %scan3A : f32 to vector<16xf32>
        %mul3A_2035 = arith.mulf %broadcast_in_dim3A_4, %mul3A_2034 : vector<16xf32>
        %add3A_2036 = arith.addf %mul3A_1945, %mul3A_2035 : vector<16xf32>
        %max3A_2037 = arith.maximumf %max3A_2033, %add3A_2036 : vector<16xf32>
        %mul3A_2038 = vector.broadcast %scan3A : f32 to vector<16xf32>
        %mul3A_2039 = arith.mulf %broadcast_in_dim3A_4, %mul3A_2038 : vector<16xf32>
        %add3A_2040 = arith.addf %mul3A_1954, %mul3A_2039 : vector<16xf32>
        %max3A_2041 = arith.maximumf %max3A_2037, %add3A_2040 : vector<16xf32>
        %mul3A_2042 = vector.broadcast %scan3A : f32 to vector<16xf32>
        %mul3A_2043 = arith.mulf %broadcast_in_dim3A_4, %mul3A_2042 : vector<16xf32>
        %add3A_2044 = arith.addf %mul3A_1963, %mul3A_2043 : vector<16xf32>
        %max3A_2045 = arith.maximumf %max3A_2041, %add3A_2044 : vector<16xf32>
        %mul3A_2046 = vector.broadcast %scan3A : f32 to vector<16xf32>
        %mul3A_2047 = arith.mulf %broadcast_in_dim3A_4, %mul3A_2046 : vector<16xf32>
        %add3A_2048 = arith.addf %mul3A_1972, %mul3A_2047 : vector<16xf32>
        %max3A_2049 = arith.maximumf %max3A_2045, %add3A_2048 : vector<16xf32>
        %mul3A_2050 = vector.broadcast %scan3A : f32 to vector<16xf32>
        %mul3A_2051 = arith.mulf %broadcast_in_dim3A_4, %mul3A_2050 : vector<16xf32>
        %add3A_2052 = arith.addf %mul3A_1981, %mul3A_2051 : vector<16xf32>
        %max3A_2053 = arith.maximumf %max3A_2049, %add3A_2052 : vector<16xf32>
        %mul3A_2054 = vector.broadcast %scan3A : f32 to vector<16xf32>
        %mul3A_2055 = arith.mulf %broadcast_in_dim3A_4, %mul3A_2054 : vector<16xf32>
        %add3A_2056 = arith.addf %mul3A_1990, %mul3A_2055 : vector<16xf32>
        %max3A_2057 = arith.maximumf %max3A_2053, %add3A_2056 : vector<16xf32>
        %add3A_2058 = arith.addf %broadcast_in_dim3A_4, %max3A_2057 : vector<16xf32>
        %sub3A_2059 = arith.subf %broadcast_in_dim3A_6, %broadcast_in_dim3A_4 : vector<16xf32>
        %sub3A_2060 = arith.subf %broadcast_in_dim3A_6, %broadcast_in_dim3A_4 : vector<16xf32>
        %mul3A_2061 = arith.mulf %sub3A_2059, %sub3A_2060 : vector<16xf32>
        %eq3A_2062 = arith.cmpf oeq, %mul3A_1846, %max3A_2057 : vector<16xf32>
        %select_n3A_2063 = arith.select %eq3A_2062, %broadcast_in_dim3A_6, %broadcast_in_dim3A_4 : vector<16xi1>, vector<16xf32>
        %mul3A_2064 = arith.mulf %mul3A_2061, %select_n3A_2063 : vector<16xf32>
        %add3A_2065 = arith.addf %broadcast_in_dim3A_4, %mul3A_2064 : vector<16xf32>
        %add3A_2066 = arith.addf %broadcast_in_dim3A_4, %mul3A_2064 : vector<16xf32>
        %sub3A_2067 = arith.subf %broadcast_in_dim3A_6, %broadcast_in_dim3A_4 : vector<16xf32>
        %sub3A_2068 = arith.subf %broadcast_in_dim3A_6, %add3A_2066 : vector<16xf32>
        %mul3A_2069 = arith.mulf %sub3A_2067, %sub3A_2068 : vector<16xf32>
        %eq3A_2070 = arith.cmpf oeq, %mul3A_1855, %max3A_2057 : vector<16xf32>
        %select_n3A_2071 = arith.select %eq3A_2070, %broadcast_in_dim3A_6, %broadcast_in_dim3A_4 : vector<16xi1>, vector<16xf32>
        %mul3A_2072 = arith.mulf %mul3A_2069, %select_n3A_2071 : vector<16xf32>
        %add3A_2073 = arith.addf %broadcast_in_dim3A_4, %mul3A_2072 : vector<16xf32>
        %add3A_2074 = arith.addf %add3A_2066, %mul3A_2072 : vector<16xf32>
        %sub3A_2075 = arith.subf %broadcast_in_dim3A_6, %broadcast_in_dim3A_4 : vector<16xf32>
        %sub3A_2076 = arith.subf %broadcast_in_dim3A_6, %add3A_2074 : vector<16xf32>
        %mul3A_2077 = arith.mulf %sub3A_2075, %sub3A_2076 : vector<16xf32>
        %eq3A_2078 = arith.cmpf oeq, %mul3A_1864, %max3A_2057 : vector<16xf32>
        %select_n3A_2079 = arith.select %eq3A_2078, %broadcast_in_dim3A_6, %broadcast_in_dim3A_4 : vector<16xi1>, vector<16xf32>
        %mul3A_2080 = arith.mulf %mul3A_2077, %select_n3A_2079 : vector<16xf32>
        %add3A_2081 = arith.addf %broadcast_in_dim3A_4, %mul3A_2080 : vector<16xf32>
        %add3A_2082 = arith.addf %add3A_2074, %mul3A_2080 : vector<16xf32>
        %sub3A_2083 = arith.subf %broadcast_in_dim3A_6, %broadcast_in_dim3A_4 : vector<16xf32>
        %sub3A_2084 = arith.subf %broadcast_in_dim3A_6, %add3A_2082 : vector<16xf32>
        %mul3A_2085 = arith.mulf %sub3A_2083, %sub3A_2084 : vector<16xf32>
        %eq3A_2086 = arith.cmpf oeq, %mul3A_1873, %max3A_2057 : vector<16xf32>
        %select_n3A_2087 = arith.select %eq3A_2086, %broadcast_in_dim3A_6, %broadcast_in_dim3A_4 : vector<16xi1>, vector<16xf32>
        %mul3A_2088 = arith.mulf %mul3A_2085, %select_n3A_2087 : vector<16xf32>
        %add3A_2089 = arith.addf %broadcast_in_dim3A_4, %mul3A_2088 : vector<16xf32>
        %add3A_2090 = arith.addf %add3A_2082, %mul3A_2088 : vector<16xf32>
        %sub3A_2091 = arith.subf %broadcast_in_dim3A_6, %broadcast_in_dim3A_4 : vector<16xf32>
        %sub3A_2092 = arith.subf %broadcast_in_dim3A_6, %add3A_2090 : vector<16xf32>
        %mul3A_2093 = arith.mulf %sub3A_2091, %sub3A_2092 : vector<16xf32>
        %eq3A_2094 = arith.cmpf oeq, %mul3A_1882, %max3A_2057 : vector<16xf32>
        %select_n3A_2095 = arith.select %eq3A_2094, %broadcast_in_dim3A_6, %broadcast_in_dim3A_4 : vector<16xi1>, vector<16xf32>
        %mul3A_2096 = arith.mulf %mul3A_2093, %select_n3A_2095 : vector<16xf32>
        %add3A_2097 = arith.addf %broadcast_in_dim3A_4, %mul3A_2096 : vector<16xf32>
        %add3A_2098 = arith.addf %add3A_2090, %mul3A_2096 : vector<16xf32>
        %sub3A_2099 = arith.subf %broadcast_in_dim3A_6, %broadcast_in_dim3A_4 : vector<16xf32>
        %sub3A_2100 = arith.subf %broadcast_in_dim3A_6, %add3A_2098 : vector<16xf32>
        %mul3A_2101 = arith.mulf %sub3A_2099, %sub3A_2100 : vector<16xf32>
        %eq3A_2102 = arith.cmpf oeq, %mul3A_1891, %max3A_2057 : vector<16xf32>
        %select_n3A_2103 = arith.select %eq3A_2102, %broadcast_in_dim3A_6, %broadcast_in_dim3A_4 : vector<16xi1>, vector<16xf32>
        %mul3A_2104 = arith.mulf %mul3A_2101, %select_n3A_2103 : vector<16xf32>
        %add3A_2105 = arith.addf %broadcast_in_dim3A_4, %mul3A_2104 : vector<16xf32>
        %add3A_2106 = arith.addf %add3A_2098, %mul3A_2104 : vector<16xf32>
        %sub3A_2107 = arith.subf %broadcast_in_dim3A_6, %broadcast_in_dim3A_4 : vector<16xf32>
        %sub3A_2108 = arith.subf %broadcast_in_dim3A_6, %add3A_2106 : vector<16xf32>
        %mul3A_2109 = arith.mulf %sub3A_2107, %sub3A_2108 : vector<16xf32>
        %eq3A_2110 = arith.cmpf oeq, %mul3A_1900, %max3A_2057 : vector<16xf32>
        %select_n3A_2111 = arith.select %eq3A_2110, %broadcast_in_dim3A_6, %broadcast_in_dim3A_4 : vector<16xi1>, vector<16xf32>
        %mul3A_2112 = arith.mulf %mul3A_2109, %select_n3A_2111 : vector<16xf32>
        %add3A_2113 = arith.addf %broadcast_in_dim3A_4, %mul3A_2112 : vector<16xf32>
        %add3A_2114 = arith.addf %add3A_2106, %mul3A_2112 : vector<16xf32>
        %sub3A_2115 = arith.subf %broadcast_in_dim3A_6, %broadcast_in_dim3A_4 : vector<16xf32>
        %sub3A_2116 = arith.subf %broadcast_in_dim3A_6, %add3A_2114 : vector<16xf32>
        %mul3A_2117 = arith.mulf %sub3A_2115, %sub3A_2116 : vector<16xf32>
        %eq3A_2118 = arith.cmpf oeq, %mul3A_1909, %max3A_2057 : vector<16xf32>
        %select_n3A_2119 = arith.select %eq3A_2118, %broadcast_in_dim3A_6, %broadcast_in_dim3A_4 : vector<16xi1>, vector<16xf32>
        %mul3A_2120 = arith.mulf %mul3A_2117, %select_n3A_2119 : vector<16xf32>
        %add3A_2121 = arith.addf %broadcast_in_dim3A_4, %mul3A_2120 : vector<16xf32>
        %add3A_2122 = arith.addf %add3A_2114, %mul3A_2120 : vector<16xf32>
        %sub3A_2123 = arith.subf %broadcast_in_dim3A_6, %broadcast_in_dim3A_4 : vector<16xf32>
        %sub3A_2124 = arith.subf %broadcast_in_dim3A_6, %add3A_2122 : vector<16xf32>
        %mul3A_2125 = arith.mulf %sub3A_2123, %sub3A_2124 : vector<16xf32>
        %eq3A_2126 = arith.cmpf oeq, %mul3A_1918, %max3A_2057 : vector<16xf32>
        %select_n3A_2127 = arith.select %eq3A_2126, %broadcast_in_dim3A_6, %broadcast_in_dim3A_4 : vector<16xi1>, vector<16xf32>
        %mul3A_2128 = arith.mulf %mul3A_2125, %select_n3A_2127 : vector<16xf32>
        %add3A_2129 = arith.addf %broadcast_in_dim3A_4, %mul3A_2128 : vector<16xf32>
        %add3A_2130 = arith.addf %add3A_2122, %mul3A_2128 : vector<16xf32>
        %sub3A_2131 = arith.subf %broadcast_in_dim3A_6, %broadcast_in_dim3A_4 : vector<16xf32>
        %sub3A_2132 = arith.subf %broadcast_in_dim3A_6, %add3A_2130 : vector<16xf32>
        %mul3A_2133 = arith.mulf %sub3A_2131, %sub3A_2132 : vector<16xf32>
        %eq3A_2134 = arith.cmpf oeq, %mul3A_1927, %max3A_2057 : vector<16xf32>
        %select_n3A_2135 = arith.select %eq3A_2134, %broadcast_in_dim3A_6, %broadcast_in_dim3A_4 : vector<16xi1>, vector<16xf32>
        %mul3A_2136 = arith.mulf %mul3A_2133, %select_n3A_2135 : vector<16xf32>
        %add3A_2137 = arith.addf %broadcast_in_dim3A_4, %mul3A_2136 : vector<16xf32>
        %add3A_2138 = arith.addf %add3A_2130, %mul3A_2136 : vector<16xf32>
        %sub3A_2139 = arith.subf %broadcast_in_dim3A_6, %broadcast_in_dim3A_4 : vector<16xf32>
        %sub3A_2140 = arith.subf %broadcast_in_dim3A_6, %add3A_2138 : vector<16xf32>
        %mul3A_2141 = arith.mulf %sub3A_2139, %sub3A_2140 : vector<16xf32>
        %eq3A_2142 = arith.cmpf oeq, %mul3A_1936, %max3A_2057 : vector<16xf32>
        %select_n3A_2143 = arith.select %eq3A_2142, %broadcast_in_dim3A_6, %broadcast_in_dim3A_4 : vector<16xi1>, vector<16xf32>
        %mul3A_2144 = arith.mulf %mul3A_2141, %select_n3A_2143 : vector<16xf32>
        %add3A_2145 = arith.addf %broadcast_in_dim3A_4, %mul3A_2144 : vector<16xf32>
        %add3A_2146 = arith.addf %add3A_2138, %mul3A_2144 : vector<16xf32>
        %sub3A_2147 = arith.subf %broadcast_in_dim3A_6, %broadcast_in_dim3A_4 : vector<16xf32>
        %sub3A_2148 = arith.subf %broadcast_in_dim3A_6, %add3A_2146 : vector<16xf32>
        %mul3A_2149 = arith.mulf %sub3A_2147, %sub3A_2148 : vector<16xf32>
        %eq3A_2150 = arith.cmpf oeq, %mul3A_1945, %max3A_2057 : vector<16xf32>
        %select_n3A_2151 = arith.select %eq3A_2150, %broadcast_in_dim3A_6, %broadcast_in_dim3A_4 : vector<16xi1>, vector<16xf32>
        %mul3A_2152 = arith.mulf %mul3A_2149, %select_n3A_2151 : vector<16xf32>
        %add3A_2153 = arith.addf %broadcast_in_dim3A_4, %mul3A_2152 : vector<16xf32>
        %add3A_2154 = arith.addf %add3A_2146, %mul3A_2152 : vector<16xf32>
        %sub3A_2155 = arith.subf %broadcast_in_dim3A_6, %broadcast_in_dim3A_4 : vector<16xf32>
        %sub3A_2156 = arith.subf %broadcast_in_dim3A_6, %add3A_2154 : vector<16xf32>
        %mul3A_2157 = arith.mulf %sub3A_2155, %sub3A_2156 : vector<16xf32>
        %eq3A_2158 = arith.cmpf oeq, %mul3A_1954, %max3A_2057 : vector<16xf32>
        %select_n3A_2159 = arith.select %eq3A_2158, %broadcast_in_dim3A_6, %broadcast_in_dim3A_4 : vector<16xi1>, vector<16xf32>
        %mul3A_2160 = arith.mulf %mul3A_2157, %select_n3A_2159 : vector<16xf32>
        %add3A_2161 = arith.addf %broadcast_in_dim3A_4, %mul3A_2160 : vector<16xf32>
        %add3A_2162 = arith.addf %add3A_2154, %mul3A_2160 : vector<16xf32>
        %sub3A_2163 = arith.subf %broadcast_in_dim3A_6, %broadcast_in_dim3A_4 : vector<16xf32>
        %sub3A_2164 = arith.subf %broadcast_in_dim3A_6, %add3A_2162 : vector<16xf32>
        %mul3A_2165 = arith.mulf %sub3A_2163, %sub3A_2164 : vector<16xf32>
        %eq3A_2166 = arith.cmpf oeq, %mul3A_1963, %max3A_2057 : vector<16xf32>
        %select_n3A_2167 = arith.select %eq3A_2166, %broadcast_in_dim3A_6, %broadcast_in_dim3A_4 : vector<16xi1>, vector<16xf32>
        %mul3A_2168 = arith.mulf %mul3A_2165, %select_n3A_2167 : vector<16xf32>
        %add3A_2169 = arith.addf %broadcast_in_dim3A_4, %mul3A_2168 : vector<16xf32>
        %add3A_2170 = arith.addf %add3A_2162, %mul3A_2168 : vector<16xf32>
        %sub3A_2171 = arith.subf %broadcast_in_dim3A_6, %broadcast_in_dim3A_4 : vector<16xf32>
        %sub3A_2172 = arith.subf %broadcast_in_dim3A_6, %add3A_2170 : vector<16xf32>
        %mul3A_2173 = arith.mulf %sub3A_2171, %sub3A_2172 : vector<16xf32>
        %eq3A_2174 = arith.cmpf oeq, %mul3A_1972, %max3A_2057 : vector<16xf32>
        %select_n3A_2175 = arith.select %eq3A_2174, %broadcast_in_dim3A_6, %broadcast_in_dim3A_4 : vector<16xi1>, vector<16xf32>
        %mul3A_2176 = arith.mulf %mul3A_2173, %select_n3A_2175 : vector<16xf32>
        %add3A_2177 = arith.addf %broadcast_in_dim3A_4, %mul3A_2176 : vector<16xf32>
        %add3A_2178 = arith.addf %add3A_2170, %mul3A_2176 : vector<16xf32>
        %sub3A_2179 = arith.subf %broadcast_in_dim3A_6, %broadcast_in_dim3A_4 : vector<16xf32>
        %sub3A_2180 = arith.subf %broadcast_in_dim3A_6, %add3A_2178 : vector<16xf32>
        %mul3A_2181 = arith.mulf %sub3A_2179, %sub3A_2180 : vector<16xf32>
        %eq3A_2182 = arith.cmpf oeq, %mul3A_1981, %max3A_2057 : vector<16xf32>
        %select_n3A_2183 = arith.select %eq3A_2182, %broadcast_in_dim3A_6, %broadcast_in_dim3A_4 : vector<16xi1>, vector<16xf32>
        %mul3A_2184 = arith.mulf %mul3A_2181, %select_n3A_2183 : vector<16xf32>
        %add3A_2185 = arith.addf %broadcast_in_dim3A_4, %mul3A_2184 : vector<16xf32>
        %add3A_2186 = arith.addf %add3A_2178, %mul3A_2184 : vector<16xf32>
        %sub3A_2187 = arith.subf %broadcast_in_dim3A_6, %broadcast_in_dim3A_4 : vector<16xf32>
        %sub3A_2188 = arith.subf %broadcast_in_dim3A_6, %add3A_2186 : vector<16xf32>
        %mul3A_2189 = arith.mulf %sub3A_2187, %sub3A_2188 : vector<16xf32>
        %eq3A_2190 = arith.cmpf oeq, %mul3A_1990, %max3A_2057 : vector<16xf32>
        %select_n3A_2191 = arith.select %eq3A_2190, %broadcast_in_dim3A_6, %broadcast_in_dim3A_4 : vector<16xi1>, vector<16xf32>
        %mul3A_2192 = arith.mulf %mul3A_2189, %select_n3A_2191 : vector<16xf32>
        %add3A_2193 = arith.addf %broadcast_in_dim3A_4, %mul3A_2192 : vector<16xf32>
        %add3A_2194 = arith.addf %add3A_2186, %mul3A_2192 : vector<16xf32>
        %mul3A_2195 = vector.broadcast %scan3A : f32 to vector<16xf32>
        %mul3A_2196 = arith.mulf %add3A_2065, %mul3A_2195 : vector<16xf32>
        %add3A_2197 = arith.addf %mul3A_1846, %mul3A_2196 : vector<16xf32>
        %mul3A_2198 = vector.broadcast %scan3A : f32 to vector<16xf32>
        %mul3A_2199 = arith.mulf %add3A_2073, %mul3A_2198 : vector<16xf32>
        %add3A_2200 = arith.addf %mul3A_1855, %mul3A_2199 : vector<16xf32>
        %max3A_2201 = arith.maximumf %add3A_2197, %add3A_2200 : vector<16xf32>
        %mul3A_2202 = vector.broadcast %scan3A : f32 to vector<16xf32>
        %mul3A_2203 = arith.mulf %add3A_2081, %mul3A_2202 : vector<16xf32>
        %add3A_2204 = arith.addf %mul3A_1864, %mul3A_2203 : vector<16xf32>
        %max3A_2205 = arith.maximumf %max3A_2201, %add3A_2204 : vector<16xf32>
        %mul3A_2206 = vector.broadcast %scan3A : f32 to vector<16xf32>
        %mul3A_2207 = arith.mulf %add3A_2089, %mul3A_2206 : vector<16xf32>
        %add3A_2208 = arith.addf %mul3A_1873, %mul3A_2207 : vector<16xf32>
        %max3A_2209 = arith.maximumf %max3A_2205, %add3A_2208 : vector<16xf32>
        %mul3A_2210 = vector.broadcast %scan3A : f32 to vector<16xf32>
        %mul3A_2211 = arith.mulf %add3A_2097, %mul3A_2210 : vector<16xf32>
        %add3A_2212 = arith.addf %mul3A_1882, %mul3A_2211 : vector<16xf32>
        %max3A_2213 = arith.maximumf %max3A_2209, %add3A_2212 : vector<16xf32>
        %mul3A_2214 = vector.broadcast %scan3A : f32 to vector<16xf32>
        %mul3A_2215 = arith.mulf %add3A_2105, %mul3A_2214 : vector<16xf32>
        %add3A_2216 = arith.addf %mul3A_1891, %mul3A_2215 : vector<16xf32>
        %max3A_2217 = arith.maximumf %max3A_2213, %add3A_2216 : vector<16xf32>
        %mul3A_2218 = vector.broadcast %scan3A : f32 to vector<16xf32>
        %mul3A_2219 = arith.mulf %add3A_2113, %mul3A_2218 : vector<16xf32>
        %add3A_2220 = arith.addf %mul3A_1900, %mul3A_2219 : vector<16xf32>
        %max3A_2221 = arith.maximumf %max3A_2217, %add3A_2220 : vector<16xf32>
        %mul3A_2222 = vector.broadcast %scan3A : f32 to vector<16xf32>
        %mul3A_2223 = arith.mulf %add3A_2121, %mul3A_2222 : vector<16xf32>
        %add3A_2224 = arith.addf %mul3A_1909, %mul3A_2223 : vector<16xf32>
        %max3A_2225 = arith.maximumf %max3A_2221, %add3A_2224 : vector<16xf32>
        %mul3A_2226 = vector.broadcast %scan3A : f32 to vector<16xf32>
        %mul3A_2227 = arith.mulf %add3A_2129, %mul3A_2226 : vector<16xf32>
        %add3A_2228 = arith.addf %mul3A_1918, %mul3A_2227 : vector<16xf32>
        %max3A_2229 = arith.maximumf %max3A_2225, %add3A_2228 : vector<16xf32>
        %mul3A_2230 = vector.broadcast %scan3A : f32 to vector<16xf32>
        %mul3A_2231 = arith.mulf %add3A_2137, %mul3A_2230 : vector<16xf32>
        %add3A_2232 = arith.addf %mul3A_1927, %mul3A_2231 : vector<16xf32>
        %max3A_2233 = arith.maximumf %max3A_2229, %add3A_2232 : vector<16xf32>
        %mul3A_2234 = vector.broadcast %scan3A : f32 to vector<16xf32>
        %mul3A_2235 = arith.mulf %add3A_2145, %mul3A_2234 : vector<16xf32>
        %add3A_2236 = arith.addf %mul3A_1936, %mul3A_2235 : vector<16xf32>
        %max3A_2237 = arith.maximumf %max3A_2233, %add3A_2236 : vector<16xf32>
        %mul3A_2238 = vector.broadcast %scan3A : f32 to vector<16xf32>
        %mul3A_2239 = arith.mulf %add3A_2153, %mul3A_2238 : vector<16xf32>
        %add3A_2240 = arith.addf %mul3A_1945, %mul3A_2239 : vector<16xf32>
        %max3A_2241 = arith.maximumf %max3A_2237, %add3A_2240 : vector<16xf32>
        %mul3A_2242 = vector.broadcast %scan3A : f32 to vector<16xf32>
        %mul3A_2243 = arith.mulf %add3A_2161, %mul3A_2242 : vector<16xf32>
        %add3A_2244 = arith.addf %mul3A_1954, %mul3A_2243 : vector<16xf32>
        %max3A_2245 = arith.maximumf %max3A_2241, %add3A_2244 : vector<16xf32>
        %mul3A_2246 = vector.broadcast %scan3A : f32 to vector<16xf32>
        %mul3A_2247 = arith.mulf %add3A_2169, %mul3A_2246 : vector<16xf32>
        %add3A_2248 = arith.addf %mul3A_1963, %mul3A_2247 : vector<16xf32>
        %max3A_2249 = arith.maximumf %max3A_2245, %add3A_2248 : vector<16xf32>
        %mul3A_2250 = vector.broadcast %scan3A : f32 to vector<16xf32>
        %mul3A_2251 = arith.mulf %add3A_2177, %mul3A_2250 : vector<16xf32>
        %add3A_2252 = arith.addf %mul3A_1972, %mul3A_2251 : vector<16xf32>
        %max3A_2253 = arith.maximumf %max3A_2249, %add3A_2252 : vector<16xf32>
        %mul3A_2254 = vector.broadcast %scan3A : f32 to vector<16xf32>
        %mul3A_2255 = arith.mulf %add3A_2185, %mul3A_2254 : vector<16xf32>
        %add3A_2256 = arith.addf %mul3A_1981, %mul3A_2255 : vector<16xf32>
        %max3A_2257 = arith.maximumf %max3A_2253, %add3A_2256 : vector<16xf32>
        %mul3A_2258 = vector.broadcast %scan3A : f32 to vector<16xf32>
        %mul3A_2259 = arith.mulf %add3A_2193, %mul3A_2258 : vector<16xf32>
        %add3A_2260 = arith.addf %mul3A_1990, %mul3A_2259 : vector<16xf32>
        %max3A_2261 = arith.maximumf %max3A_2257, %add3A_2260 : vector<16xf32>
        %add3A_2262 = arith.addf %add3A_2058, %max3A_2261 : vector<16xf32>
        %sub3A_2263 = arith.subf %broadcast_in_dim3A_6, %add3A_2065 : vector<16xf32>
        %sub3A_2264 = arith.subf %broadcast_in_dim3A_6, %broadcast_in_dim3A_4 : vector<16xf32>
        %mul3A_2265 = arith.mulf %sub3A_2263, %sub3A_2264 : vector<16xf32>
        %eq3A_2266 = arith.cmpf oeq, %mul3A_1846, %max3A_2261 : vector<16xf32>
        %select_n3A_2267 = arith.select %eq3A_2266, %broadcast_in_dim3A_6, %broadcast_in_dim3A_4 : vector<16xi1>, vector<16xf32>
        %mul3A_2268 = arith.mulf %mul3A_2265, %select_n3A_2267 : vector<16xf32>
        %add3A_2269 = arith.addf %add3A_2065, %mul3A_2268 : vector<16xf32>
        %add3A_2270 = arith.addf %broadcast_in_dim3A_4, %mul3A_2268 : vector<16xf32>
        %sub3A_2271 = arith.subf %broadcast_in_dim3A_6, %add3A_2073 : vector<16xf32>
        %sub3A_2272 = arith.subf %broadcast_in_dim3A_6, %add3A_2270 : vector<16xf32>
        %mul3A_2273 = arith.mulf %sub3A_2271, %sub3A_2272 : vector<16xf32>
        %eq3A_2274 = arith.cmpf oeq, %mul3A_1855, %max3A_2261 : vector<16xf32>
        %select_n3A_2275 = arith.select %eq3A_2274, %broadcast_in_dim3A_6, %broadcast_in_dim3A_4 : vector<16xi1>, vector<16xf32>
        %mul3A_2276 = arith.mulf %mul3A_2273, %select_n3A_2275 : vector<16xf32>
        %add3A_2277 = arith.addf %add3A_2073, %mul3A_2276 : vector<16xf32>
        %add3A_2278 = arith.addf %add3A_2270, %mul3A_2276 : vector<16xf32>
        %sub3A_2279 = arith.subf %broadcast_in_dim3A_6, %add3A_2081 : vector<16xf32>
        %sub3A_2280 = arith.subf %broadcast_in_dim3A_6, %add3A_2278 : vector<16xf32>
        %mul3A_2281 = arith.mulf %sub3A_2279, %sub3A_2280 : vector<16xf32>
        %eq3A_2282 = arith.cmpf oeq, %mul3A_1864, %max3A_2261 : vector<16xf32>
        %select_n3A_2283 = arith.select %eq3A_2282, %broadcast_in_dim3A_6, %broadcast_in_dim3A_4 : vector<16xi1>, vector<16xf32>
        %mul3A_2284 = arith.mulf %mul3A_2281, %select_n3A_2283 : vector<16xf32>
        %add3A_2285 = arith.addf %add3A_2081, %mul3A_2284 : vector<16xf32>
        %add3A_2286 = arith.addf %add3A_2278, %mul3A_2284 : vector<16xf32>
        %sub3A_2287 = arith.subf %broadcast_in_dim3A_6, %add3A_2089 : vector<16xf32>
        %sub3A_2288 = arith.subf %broadcast_in_dim3A_6, %add3A_2286 : vector<16xf32>
        %mul3A_2289 = arith.mulf %sub3A_2287, %sub3A_2288 : vector<16xf32>
        %eq3A_2290 = arith.cmpf oeq, %mul3A_1873, %max3A_2261 : vector<16xf32>
        %select_n3A_2291 = arith.select %eq3A_2290, %broadcast_in_dim3A_6, %broadcast_in_dim3A_4 : vector<16xi1>, vector<16xf32>
        %mul3A_2292 = arith.mulf %mul3A_2289, %select_n3A_2291 : vector<16xf32>
        %add3A_2293 = arith.addf %add3A_2089, %mul3A_2292 : vector<16xf32>
        %add3A_2294 = arith.addf %add3A_2286, %mul3A_2292 : vector<16xf32>
        %sub3A_2295 = arith.subf %broadcast_in_dim3A_6, %add3A_2097 : vector<16xf32>
        %sub3A_2296 = arith.subf %broadcast_in_dim3A_6, %add3A_2294 : vector<16xf32>
        %mul3A_2297 = arith.mulf %sub3A_2295, %sub3A_2296 : vector<16xf32>
        %eq3A_2298 = arith.cmpf oeq, %mul3A_1882, %max3A_2261 : vector<16xf32>
        %select_n3A_2299 = arith.select %eq3A_2298, %broadcast_in_dim3A_6, %broadcast_in_dim3A_4 : vector<16xi1>, vector<16xf32>
        %mul3A_2300 = arith.mulf %mul3A_2297, %select_n3A_2299 : vector<16xf32>
        %add3A_2301 = arith.addf %add3A_2097, %mul3A_2300 : vector<16xf32>
        %add3A_2302 = arith.addf %add3A_2294, %mul3A_2300 : vector<16xf32>
        %sub3A_2303 = arith.subf %broadcast_in_dim3A_6, %add3A_2105 : vector<16xf32>
        %sub3A_2304 = arith.subf %broadcast_in_dim3A_6, %add3A_2302 : vector<16xf32>
        %mul3A_2305 = arith.mulf %sub3A_2303, %sub3A_2304 : vector<16xf32>
        %eq3A_2306 = arith.cmpf oeq, %mul3A_1891, %max3A_2261 : vector<16xf32>
        %select_n3A_2307 = arith.select %eq3A_2306, %broadcast_in_dim3A_6, %broadcast_in_dim3A_4 : vector<16xi1>, vector<16xf32>
        %mul3A_2308 = arith.mulf %mul3A_2305, %select_n3A_2307 : vector<16xf32>
        %add3A_2309 = arith.addf %add3A_2105, %mul3A_2308 : vector<16xf32>
        %add3A_2310 = arith.addf %add3A_2302, %mul3A_2308 : vector<16xf32>
        %sub3A_2311 = arith.subf %broadcast_in_dim3A_6, %add3A_2113 : vector<16xf32>
        %sub3A_2312 = arith.subf %broadcast_in_dim3A_6, %add3A_2310 : vector<16xf32>
        %mul3A_2313 = arith.mulf %sub3A_2311, %sub3A_2312 : vector<16xf32>
        %eq3A_2314 = arith.cmpf oeq, %mul3A_1900, %max3A_2261 : vector<16xf32>
        %select_n3A_2315 = arith.select %eq3A_2314, %broadcast_in_dim3A_6, %broadcast_in_dim3A_4 : vector<16xi1>, vector<16xf32>
        %mul3A_2316 = arith.mulf %mul3A_2313, %select_n3A_2315 : vector<16xf32>
        %add3A_2317 = arith.addf %add3A_2113, %mul3A_2316 : vector<16xf32>
        %add3A_2318 = arith.addf %add3A_2310, %mul3A_2316 : vector<16xf32>
        %sub3A_2319 = arith.subf %broadcast_in_dim3A_6, %add3A_2121 : vector<16xf32>
        %sub3A_2320 = arith.subf %broadcast_in_dim3A_6, %add3A_2318 : vector<16xf32>
        %mul3A_2321 = arith.mulf %sub3A_2319, %sub3A_2320 : vector<16xf32>
        %eq3A_2322 = arith.cmpf oeq, %mul3A_1909, %max3A_2261 : vector<16xf32>
        %select_n3A_2323 = arith.select %eq3A_2322, %broadcast_in_dim3A_6, %broadcast_in_dim3A_4 : vector<16xi1>, vector<16xf32>
        %mul3A_2324 = arith.mulf %mul3A_2321, %select_n3A_2323 : vector<16xf32>
        %add3A_2325 = arith.addf %add3A_2121, %mul3A_2324 : vector<16xf32>
        %add3A_2326 = arith.addf %add3A_2318, %mul3A_2324 : vector<16xf32>
        %sub3A_2327 = arith.subf %broadcast_in_dim3A_6, %add3A_2129 : vector<16xf32>
        %sub3A_2328 = arith.subf %broadcast_in_dim3A_6, %add3A_2326 : vector<16xf32>
        %mul3A_2329 = arith.mulf %sub3A_2327, %sub3A_2328 : vector<16xf32>
        %eq3A_2330 = arith.cmpf oeq, %mul3A_1918, %max3A_2261 : vector<16xf32>
        %select_n3A_2331 = arith.select %eq3A_2330, %broadcast_in_dim3A_6, %broadcast_in_dim3A_4 : vector<16xi1>, vector<16xf32>
        %mul3A_2332 = arith.mulf %mul3A_2329, %select_n3A_2331 : vector<16xf32>
        %add3A_2333 = arith.addf %add3A_2129, %mul3A_2332 : vector<16xf32>
        %add3A_2334 = arith.addf %add3A_2326, %mul3A_2332 : vector<16xf32>
        %sub3A_2335 = arith.subf %broadcast_in_dim3A_6, %add3A_2137 : vector<16xf32>
        %sub3A_2336 = arith.subf %broadcast_in_dim3A_6, %add3A_2334 : vector<16xf32>
        %mul3A_2337 = arith.mulf %sub3A_2335, %sub3A_2336 : vector<16xf32>
        %eq3A_2338 = arith.cmpf oeq, %mul3A_1927, %max3A_2261 : vector<16xf32>
        %select_n3A_2339 = arith.select %eq3A_2338, %broadcast_in_dim3A_6, %broadcast_in_dim3A_4 : vector<16xi1>, vector<16xf32>
        %mul3A_2340 = arith.mulf %mul3A_2337, %select_n3A_2339 : vector<16xf32>
        %add3A_2341 = arith.addf %add3A_2137, %mul3A_2340 : vector<16xf32>
        %add3A_2342 = arith.addf %add3A_2334, %mul3A_2340 : vector<16xf32>
        %sub3A_2343 = arith.subf %broadcast_in_dim3A_6, %add3A_2145 : vector<16xf32>
        %sub3A_2344 = arith.subf %broadcast_in_dim3A_6, %add3A_2342 : vector<16xf32>
        %mul3A_2345 = arith.mulf %sub3A_2343, %sub3A_2344 : vector<16xf32>
        %eq3A_2346 = arith.cmpf oeq, %mul3A_1936, %max3A_2261 : vector<16xf32>
        %select_n3A_2347 = arith.select %eq3A_2346, %broadcast_in_dim3A_6, %broadcast_in_dim3A_4 : vector<16xi1>, vector<16xf32>
        %mul3A_2348 = arith.mulf %mul3A_2345, %select_n3A_2347 : vector<16xf32>
        %add3A_2349 = arith.addf %add3A_2145, %mul3A_2348 : vector<16xf32>
        %add3A_2350 = arith.addf %add3A_2342, %mul3A_2348 : vector<16xf32>
        %sub3A_2351 = arith.subf %broadcast_in_dim3A_6, %add3A_2153 : vector<16xf32>
        %sub3A_2352 = arith.subf %broadcast_in_dim3A_6, %add3A_2350 : vector<16xf32>
        %mul3A_2353 = arith.mulf %sub3A_2351, %sub3A_2352 : vector<16xf32>
        %eq3A_2354 = arith.cmpf oeq, %mul3A_1945, %max3A_2261 : vector<16xf32>
        %select_n3A_2355 = arith.select %eq3A_2354, %broadcast_in_dim3A_6, %broadcast_in_dim3A_4 : vector<16xi1>, vector<16xf32>
        %mul3A_2356 = arith.mulf %mul3A_2353, %select_n3A_2355 : vector<16xf32>
        %add3A_2357 = arith.addf %add3A_2153, %mul3A_2356 : vector<16xf32>
        %add3A_2358 = arith.addf %add3A_2350, %mul3A_2356 : vector<16xf32>
        %sub3A_2359 = arith.subf %broadcast_in_dim3A_6, %add3A_2161 : vector<16xf32>
        %sub3A_2360 = arith.subf %broadcast_in_dim3A_6, %add3A_2358 : vector<16xf32>
        %mul3A_2361 = arith.mulf %sub3A_2359, %sub3A_2360 : vector<16xf32>
        %eq3A_2362 = arith.cmpf oeq, %mul3A_1954, %max3A_2261 : vector<16xf32>
        %select_n3A_2363 = arith.select %eq3A_2362, %broadcast_in_dim3A_6, %broadcast_in_dim3A_4 : vector<16xi1>, vector<16xf32>
        %mul3A_2364 = arith.mulf %mul3A_2361, %select_n3A_2363 : vector<16xf32>
        %add3A_2365 = arith.addf %add3A_2161, %mul3A_2364 : vector<16xf32>
        %add3A_2366 = arith.addf %add3A_2358, %mul3A_2364 : vector<16xf32>
        %sub3A_2367 = arith.subf %broadcast_in_dim3A_6, %add3A_2169 : vector<16xf32>
        %sub3A_2368 = arith.subf %broadcast_in_dim3A_6, %add3A_2366 : vector<16xf32>
        %mul3A_2369 = arith.mulf %sub3A_2367, %sub3A_2368 : vector<16xf32>
        %eq3A_2370 = arith.cmpf oeq, %mul3A_1963, %max3A_2261 : vector<16xf32>
        %select_n3A_2371 = arith.select %eq3A_2370, %broadcast_in_dim3A_6, %broadcast_in_dim3A_4 : vector<16xi1>, vector<16xf32>
        %mul3A_2372 = arith.mulf %mul3A_2369, %select_n3A_2371 : vector<16xf32>
        %add3A_2373 = arith.addf %add3A_2169, %mul3A_2372 : vector<16xf32>
        %add3A_2374 = arith.addf %add3A_2366, %mul3A_2372 : vector<16xf32>
        %sub3A_2375 = arith.subf %broadcast_in_dim3A_6, %add3A_2177 : vector<16xf32>
        %sub3A_2376 = arith.subf %broadcast_in_dim3A_6, %add3A_2374 : vector<16xf32>
        %mul3A_2377 = arith.mulf %sub3A_2375, %sub3A_2376 : vector<16xf32>
        %eq3A_2378 = arith.cmpf oeq, %mul3A_1972, %max3A_2261 : vector<16xf32>
        %select_n3A_2379 = arith.select %eq3A_2378, %broadcast_in_dim3A_6, %broadcast_in_dim3A_4 : vector<16xi1>, vector<16xf32>
        %mul3A_2380 = arith.mulf %mul3A_2377, %select_n3A_2379 : vector<16xf32>
        %add3A_2381 = arith.addf %add3A_2177, %mul3A_2380 : vector<16xf32>
        %add3A_2382 = arith.addf %add3A_2374, %mul3A_2380 : vector<16xf32>
        %sub3A_2383 = arith.subf %broadcast_in_dim3A_6, %add3A_2185 : vector<16xf32>
        %sub3A_2384 = arith.subf %broadcast_in_dim3A_6, %add3A_2382 : vector<16xf32>
        %mul3A_2385 = arith.mulf %sub3A_2383, %sub3A_2384 : vector<16xf32>
        %eq3A_2386 = arith.cmpf oeq, %mul3A_1981, %max3A_2261 : vector<16xf32>
        %select_n3A_2387 = arith.select %eq3A_2386, %broadcast_in_dim3A_6, %broadcast_in_dim3A_4 : vector<16xi1>, vector<16xf32>
        %mul3A_2388 = arith.mulf %mul3A_2385, %select_n3A_2387 : vector<16xf32>
        %add3A_2389 = arith.addf %add3A_2185, %mul3A_2388 : vector<16xf32>
        %add3A_2390 = arith.addf %add3A_2382, %mul3A_2388 : vector<16xf32>
        %sub3A_2391 = arith.subf %broadcast_in_dim3A_6, %add3A_2193 : vector<16xf32>
        %sub3A_2392 = arith.subf %broadcast_in_dim3A_6, %add3A_2390 : vector<16xf32>
        %mul3A_2393 = arith.mulf %sub3A_2391, %sub3A_2392 : vector<16xf32>
        %eq3A_2394 = arith.cmpf oeq, %mul3A_1990, %max3A_2261 : vector<16xf32>
        %select_n3A_2395 = arith.select %eq3A_2394, %broadcast_in_dim3A_6, %broadcast_in_dim3A_4 : vector<16xi1>, vector<16xf32>
        %mul3A_2396 = arith.mulf %mul3A_2393, %select_n3A_2395 : vector<16xf32>
        %add3A_2397 = arith.addf %add3A_2193, %mul3A_2396 : vector<16xf32>
        %add3A_2398 = arith.addf %add3A_2390, %mul3A_2396 : vector<16xf32>
        %mul3A_2399 = vector.broadcast %scan3A : f32 to vector<16xf32>
        %mul3A_2400 = arith.mulf %add3A_2269, %mul3A_2399 : vector<16xf32>
        %add3A_2401 = arith.addf %mul3A_1846, %mul3A_2400 : vector<16xf32>
        %mul3A_2402 = vector.broadcast %scan3A : f32 to vector<16xf32>
        %mul3A_2403 = arith.mulf %add3A_2277, %mul3A_2402 : vector<16xf32>
        %add3A_2404 = arith.addf %mul3A_1855, %mul3A_2403 : vector<16xf32>
        %max3A_2405 = arith.maximumf %add3A_2401, %add3A_2404 : vector<16xf32>
        %mul3A_2406 = vector.broadcast %scan3A : f32 to vector<16xf32>
        %mul3A_2407 = arith.mulf %add3A_2285, %mul3A_2406 : vector<16xf32>
        %add3A_2408 = arith.addf %mul3A_1864, %mul3A_2407 : vector<16xf32>
        %max3A_2409 = arith.maximumf %max3A_2405, %add3A_2408 : vector<16xf32>
        %mul3A_2410 = vector.broadcast %scan3A : f32 to vector<16xf32>
        %mul3A_2411 = arith.mulf %add3A_2293, %mul3A_2410 : vector<16xf32>
        %add3A_2412 = arith.addf %mul3A_1873, %mul3A_2411 : vector<16xf32>
        %max3A_2413 = arith.maximumf %max3A_2409, %add3A_2412 : vector<16xf32>
        %mul3A_2414 = vector.broadcast %scan3A : f32 to vector<16xf32>
        %mul3A_2415 = arith.mulf %add3A_2301, %mul3A_2414 : vector<16xf32>
        %add3A_2416 = arith.addf %mul3A_1882, %mul3A_2415 : vector<16xf32>
        %max3A_2417 = arith.maximumf %max3A_2413, %add3A_2416 : vector<16xf32>
        %mul3A_2418 = vector.broadcast %scan3A : f32 to vector<16xf32>
        %mul3A_2419 = arith.mulf %add3A_2309, %mul3A_2418 : vector<16xf32>
        %add3A_2420 = arith.addf %mul3A_1891, %mul3A_2419 : vector<16xf32>
        %max3A_2421 = arith.maximumf %max3A_2417, %add3A_2420 : vector<16xf32>
        %mul3A_2422 = vector.broadcast %scan3A : f32 to vector<16xf32>
        %mul3A_2423 = arith.mulf %add3A_2317, %mul3A_2422 : vector<16xf32>
        %add3A_2424 = arith.addf %mul3A_1900, %mul3A_2423 : vector<16xf32>
        %max3A_2425 = arith.maximumf %max3A_2421, %add3A_2424 : vector<16xf32>
        %mul3A_2426 = vector.broadcast %scan3A : f32 to vector<16xf32>
        %mul3A_2427 = arith.mulf %add3A_2325, %mul3A_2426 : vector<16xf32>
        %add3A_2428 = arith.addf %mul3A_1909, %mul3A_2427 : vector<16xf32>
        %max3A_2429 = arith.maximumf %max3A_2425, %add3A_2428 : vector<16xf32>
        %mul3A_2430 = vector.broadcast %scan3A : f32 to vector<16xf32>
        %mul3A_2431 = arith.mulf %add3A_2333, %mul3A_2430 : vector<16xf32>
        %add3A_2432 = arith.addf %mul3A_1918, %mul3A_2431 : vector<16xf32>
        %max3A_2433 = arith.maximumf %max3A_2429, %add3A_2432 : vector<16xf32>
        %mul3A_2434 = vector.broadcast %scan3A : f32 to vector<16xf32>
        %mul3A_2435 = arith.mulf %add3A_2341, %mul3A_2434 : vector<16xf32>
        %add3A_2436 = arith.addf %mul3A_1927, %mul3A_2435 : vector<16xf32>
        %max3A_2437 = arith.maximumf %max3A_2433, %add3A_2436 : vector<16xf32>
        %mul3A_2438 = vector.broadcast %scan3A : f32 to vector<16xf32>
        %mul3A_2439 = arith.mulf %add3A_2349, %mul3A_2438 : vector<16xf32>
        %add3A_2440 = arith.addf %mul3A_1936, %mul3A_2439 : vector<16xf32>
        %max3A_2441 = arith.maximumf %max3A_2437, %add3A_2440 : vector<16xf32>
        %mul3A_2442 = vector.broadcast %scan3A : f32 to vector<16xf32>
        %mul3A_2443 = arith.mulf %add3A_2357, %mul3A_2442 : vector<16xf32>
        %add3A_2444 = arith.addf %mul3A_1945, %mul3A_2443 : vector<16xf32>
        %max3A_2445 = arith.maximumf %max3A_2441, %add3A_2444 : vector<16xf32>
        %mul3A_2446 = vector.broadcast %scan3A : f32 to vector<16xf32>
        %mul3A_2447 = arith.mulf %add3A_2365, %mul3A_2446 : vector<16xf32>
        %add3A_2448 = arith.addf %mul3A_1954, %mul3A_2447 : vector<16xf32>
        %max3A_2449 = arith.maximumf %max3A_2445, %add3A_2448 : vector<16xf32>
        %mul3A_2450 = vector.broadcast %scan3A : f32 to vector<16xf32>
        %mul3A_2451 = arith.mulf %add3A_2373, %mul3A_2450 : vector<16xf32>
        %add3A_2452 = arith.addf %mul3A_1963, %mul3A_2451 : vector<16xf32>
        %max3A_2453 = arith.maximumf %max3A_2449, %add3A_2452 : vector<16xf32>
        %mul3A_2454 = vector.broadcast %scan3A : f32 to vector<16xf32>
        %mul3A_2455 = arith.mulf %add3A_2381, %mul3A_2454 : vector<16xf32>
        %add3A_2456 = arith.addf %mul3A_1972, %mul3A_2455 : vector<16xf32>
        %max3A_2457 = arith.maximumf %max3A_2453, %add3A_2456 : vector<16xf32>
        %mul3A_2458 = vector.broadcast %scan3A : f32 to vector<16xf32>
        %mul3A_2459 = arith.mulf %add3A_2389, %mul3A_2458 : vector<16xf32>
        %add3A_2460 = arith.addf %mul3A_1981, %mul3A_2459 : vector<16xf32>
        %max3A_2461 = arith.maximumf %max3A_2457, %add3A_2460 : vector<16xf32>
        %mul3A_2462 = vector.broadcast %scan3A : f32 to vector<16xf32>
        %mul3A_2463 = arith.mulf %add3A_2397, %mul3A_2462 : vector<16xf32>
        %add3A_2464 = arith.addf %mul3A_1990, %mul3A_2463 : vector<16xf32>
        %max3A_2465 = arith.maximumf %max3A_2461, %add3A_2464 : vector<16xf32>
        %add3A_2466 = arith.addf %add3A_2262, %max3A_2465 : vector<16xf32>
        %sub3A_2467 = arith.subf %broadcast_in_dim3A_6, %add3A_2269 : vector<16xf32>
        %sub3A_2468 = arith.subf %broadcast_in_dim3A_6, %broadcast_in_dim3A_4 : vector<16xf32>
        %mul3A_2469 = arith.mulf %sub3A_2467, %sub3A_2468 : vector<16xf32>
        %eq3A_2470 = arith.cmpf oeq, %mul3A_1846, %max3A_2465 : vector<16xf32>
        %select_n3A_2471 = arith.select %eq3A_2470, %broadcast_in_dim3A_6, %broadcast_in_dim3A_4 : vector<16xi1>, vector<16xf32>
        %mul3A_2472 = arith.mulf %mul3A_2469, %select_n3A_2471 : vector<16xf32>
        %add3A_2473 = arith.addf %add3A_2269, %mul3A_2472 : vector<16xf32>
        %add3A_2474 = arith.addf %broadcast_in_dim3A_4, %mul3A_2472 : vector<16xf32>
        %sub3A_2475 = arith.subf %broadcast_in_dim3A_6, %add3A_2277 : vector<16xf32>
        %sub3A_2476 = arith.subf %broadcast_in_dim3A_6, %add3A_2474 : vector<16xf32>
        %mul3A_2477 = arith.mulf %sub3A_2475, %sub3A_2476 : vector<16xf32>
        %eq3A_2478 = arith.cmpf oeq, %mul3A_1855, %max3A_2465 : vector<16xf32>
        %select_n3A_2479 = arith.select %eq3A_2478, %broadcast_in_dim3A_6, %broadcast_in_dim3A_4 : vector<16xi1>, vector<16xf32>
        %mul3A_2480 = arith.mulf %mul3A_2477, %select_n3A_2479 : vector<16xf32>
        %add3A_2481 = arith.addf %add3A_2277, %mul3A_2480 : vector<16xf32>
        %add3A_2482 = arith.addf %add3A_2474, %mul3A_2480 : vector<16xf32>
        %sub3A_2483 = arith.subf %broadcast_in_dim3A_6, %add3A_2285 : vector<16xf32>
        %sub3A_2484 = arith.subf %broadcast_in_dim3A_6, %add3A_2482 : vector<16xf32>
        %mul3A_2485 = arith.mulf %sub3A_2483, %sub3A_2484 : vector<16xf32>
        %eq3A_2486 = arith.cmpf oeq, %mul3A_1864, %max3A_2465 : vector<16xf32>
        %select_n3A_2487 = arith.select %eq3A_2486, %broadcast_in_dim3A_6, %broadcast_in_dim3A_4 : vector<16xi1>, vector<16xf32>
        %mul3A_2488 = arith.mulf %mul3A_2485, %select_n3A_2487 : vector<16xf32>
        %add3A_2489 = arith.addf %add3A_2285, %mul3A_2488 : vector<16xf32>
        %add3A_2490 = arith.addf %add3A_2482, %mul3A_2488 : vector<16xf32>
        %sub3A_2491 = arith.subf %broadcast_in_dim3A_6, %add3A_2293 : vector<16xf32>
        %sub3A_2492 = arith.subf %broadcast_in_dim3A_6, %add3A_2490 : vector<16xf32>
        %mul3A_2493 = arith.mulf %sub3A_2491, %sub3A_2492 : vector<16xf32>
        %eq3A_2494 = arith.cmpf oeq, %mul3A_1873, %max3A_2465 : vector<16xf32>
        %select_n3A_2495 = arith.select %eq3A_2494, %broadcast_in_dim3A_6, %broadcast_in_dim3A_4 : vector<16xi1>, vector<16xf32>
        %mul3A_2496 = arith.mulf %mul3A_2493, %select_n3A_2495 : vector<16xf32>
        %add3A_2497 = arith.addf %add3A_2293, %mul3A_2496 : vector<16xf32>
        %add3A_2498 = arith.addf %add3A_2490, %mul3A_2496 : vector<16xf32>
        %sub3A_2499 = arith.subf %broadcast_in_dim3A_6, %add3A_2301 : vector<16xf32>
        %sub3A_2500 = arith.subf %broadcast_in_dim3A_6, %add3A_2498 : vector<16xf32>
        %mul3A_2501 = arith.mulf %sub3A_2499, %sub3A_2500 : vector<16xf32>
        %eq3A_2502 = arith.cmpf oeq, %mul3A_1882, %max3A_2465 : vector<16xf32>
        %select_n3A_2503 = arith.select %eq3A_2502, %broadcast_in_dim3A_6, %broadcast_in_dim3A_4 : vector<16xi1>, vector<16xf32>
        %mul3A_2504 = arith.mulf %mul3A_2501, %select_n3A_2503 : vector<16xf32>
        %add3A_2505 = arith.addf %add3A_2301, %mul3A_2504 : vector<16xf32>
        %add3A_2506 = arith.addf %add3A_2498, %mul3A_2504 : vector<16xf32>
        %sub3A_2507 = arith.subf %broadcast_in_dim3A_6, %add3A_2309 : vector<16xf32>
        %sub3A_2508 = arith.subf %broadcast_in_dim3A_6, %add3A_2506 : vector<16xf32>
        %mul3A_2509 = arith.mulf %sub3A_2507, %sub3A_2508 : vector<16xf32>
        %eq3A_2510 = arith.cmpf oeq, %mul3A_1891, %max3A_2465 : vector<16xf32>
        %select_n3A_2511 = arith.select %eq3A_2510, %broadcast_in_dim3A_6, %broadcast_in_dim3A_4 : vector<16xi1>, vector<16xf32>
        %mul3A_2512 = arith.mulf %mul3A_2509, %select_n3A_2511 : vector<16xf32>
        %add3A_2513 = arith.addf %add3A_2309, %mul3A_2512 : vector<16xf32>
        %add3A_2514 = arith.addf %add3A_2506, %mul3A_2512 : vector<16xf32>
        %sub3A_2515 = arith.subf %broadcast_in_dim3A_6, %add3A_2317 : vector<16xf32>
        %sub3A_2516 = arith.subf %broadcast_in_dim3A_6, %add3A_2514 : vector<16xf32>
        %mul3A_2517 = arith.mulf %sub3A_2515, %sub3A_2516 : vector<16xf32>
        %eq3A_2518 = arith.cmpf oeq, %mul3A_1900, %max3A_2465 : vector<16xf32>
        %select_n3A_2519 = arith.select %eq3A_2518, %broadcast_in_dim3A_6, %broadcast_in_dim3A_4 : vector<16xi1>, vector<16xf32>
        %mul3A_2520 = arith.mulf %mul3A_2517, %select_n3A_2519 : vector<16xf32>
        %add3A_2521 = arith.addf %add3A_2317, %mul3A_2520 : vector<16xf32>
        %add3A_2522 = arith.addf %add3A_2514, %mul3A_2520 : vector<16xf32>
        %sub3A_2523 = arith.subf %broadcast_in_dim3A_6, %add3A_2325 : vector<16xf32>
        %sub3A_2524 = arith.subf %broadcast_in_dim3A_6, %add3A_2522 : vector<16xf32>
        %mul3A_2525 = arith.mulf %sub3A_2523, %sub3A_2524 : vector<16xf32>
        %eq3A_2526 = arith.cmpf oeq, %mul3A_1909, %max3A_2465 : vector<16xf32>
        %select_n3A_2527 = arith.select %eq3A_2526, %broadcast_in_dim3A_6, %broadcast_in_dim3A_4 : vector<16xi1>, vector<16xf32>
        %mul3A_2528 = arith.mulf %mul3A_2525, %select_n3A_2527 : vector<16xf32>
        %add3A_2529 = arith.addf %add3A_2325, %mul3A_2528 : vector<16xf32>
        %add3A_2530 = arith.addf %add3A_2522, %mul3A_2528 : vector<16xf32>
        %sub3A_2531 = arith.subf %broadcast_in_dim3A_6, %add3A_2333 : vector<16xf32>
        %sub3A_2532 = arith.subf %broadcast_in_dim3A_6, %add3A_2530 : vector<16xf32>
        %mul3A_2533 = arith.mulf %sub3A_2531, %sub3A_2532 : vector<16xf32>
        %eq3A_2534 = arith.cmpf oeq, %mul3A_1918, %max3A_2465 : vector<16xf32>
        %select_n3A_2535 = arith.select %eq3A_2534, %broadcast_in_dim3A_6, %broadcast_in_dim3A_4 : vector<16xi1>, vector<16xf32>
        %mul3A_2536 = arith.mulf %mul3A_2533, %select_n3A_2535 : vector<16xf32>
        %add3A_2537 = arith.addf %add3A_2333, %mul3A_2536 : vector<16xf32>
        %add3A_2538 = arith.addf %add3A_2530, %mul3A_2536 : vector<16xf32>
        %sub3A_2539 = arith.subf %broadcast_in_dim3A_6, %add3A_2341 : vector<16xf32>
        %sub3A_2540 = arith.subf %broadcast_in_dim3A_6, %add3A_2538 : vector<16xf32>
        %mul3A_2541 = arith.mulf %sub3A_2539, %sub3A_2540 : vector<16xf32>
        %eq3A_2542 = arith.cmpf oeq, %mul3A_1927, %max3A_2465 : vector<16xf32>
        %select_n3A_2543 = arith.select %eq3A_2542, %broadcast_in_dim3A_6, %broadcast_in_dim3A_4 : vector<16xi1>, vector<16xf32>
        %mul3A_2544 = arith.mulf %mul3A_2541, %select_n3A_2543 : vector<16xf32>
        %add3A_2545 = arith.addf %add3A_2341, %mul3A_2544 : vector<16xf32>
        %add3A_2546 = arith.addf %add3A_2538, %mul3A_2544 : vector<16xf32>
        %sub3A_2547 = arith.subf %broadcast_in_dim3A_6, %add3A_2349 : vector<16xf32>
        %sub3A_2548 = arith.subf %broadcast_in_dim3A_6, %add3A_2546 : vector<16xf32>
        %mul3A_2549 = arith.mulf %sub3A_2547, %sub3A_2548 : vector<16xf32>
        %eq3A_2550 = arith.cmpf oeq, %mul3A_1936, %max3A_2465 : vector<16xf32>
        %select_n3A_2551 = arith.select %eq3A_2550, %broadcast_in_dim3A_6, %broadcast_in_dim3A_4 : vector<16xi1>, vector<16xf32>
        %mul3A_2552 = arith.mulf %mul3A_2549, %select_n3A_2551 : vector<16xf32>
        %add3A_2553 = arith.addf %add3A_2349, %mul3A_2552 : vector<16xf32>
        %add3A_2554 = arith.addf %add3A_2546, %mul3A_2552 : vector<16xf32>
        %sub3A_2555 = arith.subf %broadcast_in_dim3A_6, %add3A_2357 : vector<16xf32>
        %sub3A_2556 = arith.subf %broadcast_in_dim3A_6, %add3A_2554 : vector<16xf32>
        %mul3A_2557 = arith.mulf %sub3A_2555, %sub3A_2556 : vector<16xf32>
        %eq3A_2558 = arith.cmpf oeq, %mul3A_1945, %max3A_2465 : vector<16xf32>
        %select_n3A_2559 = arith.select %eq3A_2558, %broadcast_in_dim3A_6, %broadcast_in_dim3A_4 : vector<16xi1>, vector<16xf32>
        %mul3A_2560 = arith.mulf %mul3A_2557, %select_n3A_2559 : vector<16xf32>
        %add3A_2561 = arith.addf %add3A_2357, %mul3A_2560 : vector<16xf32>
        %add3A_2562 = arith.addf %add3A_2554, %mul3A_2560 : vector<16xf32>
        %sub3A_2563 = arith.subf %broadcast_in_dim3A_6, %add3A_2365 : vector<16xf32>
        %sub3A_2564 = arith.subf %broadcast_in_dim3A_6, %add3A_2562 : vector<16xf32>
        %mul3A_2565 = arith.mulf %sub3A_2563, %sub3A_2564 : vector<16xf32>
        %eq3A_2566 = arith.cmpf oeq, %mul3A_1954, %max3A_2465 : vector<16xf32>
        %select_n3A_2567 = arith.select %eq3A_2566, %broadcast_in_dim3A_6, %broadcast_in_dim3A_4 : vector<16xi1>, vector<16xf32>
        %mul3A_2568 = arith.mulf %mul3A_2565, %select_n3A_2567 : vector<16xf32>
        %add3A_2569 = arith.addf %add3A_2365, %mul3A_2568 : vector<16xf32>
        %add3A_2570 = arith.addf %add3A_2562, %mul3A_2568 : vector<16xf32>
        %sub3A_2571 = arith.subf %broadcast_in_dim3A_6, %add3A_2373 : vector<16xf32>
        %sub3A_2572 = arith.subf %broadcast_in_dim3A_6, %add3A_2570 : vector<16xf32>
        %mul3A_2573 = arith.mulf %sub3A_2571, %sub3A_2572 : vector<16xf32>
        %eq3A_2574 = arith.cmpf oeq, %mul3A_1963, %max3A_2465 : vector<16xf32>
        %select_n3A_2575 = arith.select %eq3A_2574, %broadcast_in_dim3A_6, %broadcast_in_dim3A_4 : vector<16xi1>, vector<16xf32>
        %mul3A_2576 = arith.mulf %mul3A_2573, %select_n3A_2575 : vector<16xf32>
        %add3A_2577 = arith.addf %add3A_2373, %mul3A_2576 : vector<16xf32>
        %add3A_2578 = arith.addf %add3A_2570, %mul3A_2576 : vector<16xf32>
        %sub3A_2579 = arith.subf %broadcast_in_dim3A_6, %add3A_2381 : vector<16xf32>
        %sub3A_2580 = arith.subf %broadcast_in_dim3A_6, %add3A_2578 : vector<16xf32>
        %mul3A_2581 = arith.mulf %sub3A_2579, %sub3A_2580 : vector<16xf32>
        %eq3A_2582 = arith.cmpf oeq, %mul3A_1972, %max3A_2465 : vector<16xf32>
        %select_n3A_2583 = arith.select %eq3A_2582, %broadcast_in_dim3A_6, %broadcast_in_dim3A_4 : vector<16xi1>, vector<16xf32>
        %mul3A_2584 = arith.mulf %mul3A_2581, %select_n3A_2583 : vector<16xf32>
        %add3A_2585 = arith.addf %add3A_2381, %mul3A_2584 : vector<16xf32>
        %add3A_2586 = arith.addf %add3A_2578, %mul3A_2584 : vector<16xf32>
        %sub3A_2587 = arith.subf %broadcast_in_dim3A_6, %add3A_2389 : vector<16xf32>
        %sub3A_2588 = arith.subf %broadcast_in_dim3A_6, %add3A_2586 : vector<16xf32>
        %mul3A_2589 = arith.mulf %sub3A_2587, %sub3A_2588 : vector<16xf32>
        %eq3A_2590 = arith.cmpf oeq, %mul3A_1981, %max3A_2465 : vector<16xf32>
        %select_n3A_2591 = arith.select %eq3A_2590, %broadcast_in_dim3A_6, %broadcast_in_dim3A_4 : vector<16xi1>, vector<16xf32>
        %mul3A_2592 = arith.mulf %mul3A_2589, %select_n3A_2591 : vector<16xf32>
        %add3A_2593 = arith.addf %add3A_2389, %mul3A_2592 : vector<16xf32>
        %add3A_2594 = arith.addf %add3A_2586, %mul3A_2592 : vector<16xf32>
        %sub3A_2595 = arith.subf %broadcast_in_dim3A_6, %add3A_2397 : vector<16xf32>
        %sub3A_2596 = arith.subf %broadcast_in_dim3A_6, %add3A_2594 : vector<16xf32>
        %mul3A_2597 = arith.mulf %sub3A_2595, %sub3A_2596 : vector<16xf32>
        %eq3A_2598 = arith.cmpf oeq, %mul3A_1990, %max3A_2465 : vector<16xf32>
        %select_n3A_2599 = arith.select %eq3A_2598, %broadcast_in_dim3A_6, %broadcast_in_dim3A_4 : vector<16xi1>, vector<16xf32>
        %mul3A_2600 = arith.mulf %mul3A_2597, %select_n3A_2599 : vector<16xf32>
        %add3A_2601 = arith.addf %add3A_2397, %mul3A_2600 : vector<16xf32>
        %add3A_2602 = arith.addf %add3A_2594, %mul3A_2600 : vector<16xf32>
        %mul3A_2603 = vector.broadcast %scan3A : f32 to vector<16xf32>
        %mul3A_2604 = arith.mulf %add3A_2473, %mul3A_2603 : vector<16xf32>
        %add3A_2605 = arith.addf %mul3A_1846, %mul3A_2604 : vector<16xf32>
        %mul3A_2606 = vector.broadcast %scan3A : f32 to vector<16xf32>
        %mul3A_2607 = arith.mulf %add3A_2481, %mul3A_2606 : vector<16xf32>
        %add3A_2608 = arith.addf %mul3A_1855, %mul3A_2607 : vector<16xf32>
        %max3A_2609 = arith.maximumf %add3A_2605, %add3A_2608 : vector<16xf32>
        %mul3A_2610 = vector.broadcast %scan3A : f32 to vector<16xf32>
        %mul3A_2611 = arith.mulf %add3A_2489, %mul3A_2610 : vector<16xf32>
        %add3A_2612 = arith.addf %mul3A_1864, %mul3A_2611 : vector<16xf32>
        %max3A_2613 = arith.maximumf %max3A_2609, %add3A_2612 : vector<16xf32>
        %mul3A_2614 = vector.broadcast %scan3A : f32 to vector<16xf32>
        %mul3A_2615 = arith.mulf %add3A_2497, %mul3A_2614 : vector<16xf32>
        %add3A_2616 = arith.addf %mul3A_1873, %mul3A_2615 : vector<16xf32>
        %max3A_2617 = arith.maximumf %max3A_2613, %add3A_2616 : vector<16xf32>
        %mul3A_2618 = vector.broadcast %scan3A : f32 to vector<16xf32>
        %mul3A_2619 = arith.mulf %add3A_2505, %mul3A_2618 : vector<16xf32>
        %add3A_2620 = arith.addf %mul3A_1882, %mul3A_2619 : vector<16xf32>
        %max3A_2621 = arith.maximumf %max3A_2617, %add3A_2620 : vector<16xf32>
        %mul3A_2622 = vector.broadcast %scan3A : f32 to vector<16xf32>
        %mul3A_2623 = arith.mulf %add3A_2513, %mul3A_2622 : vector<16xf32>
        %add3A_2624 = arith.addf %mul3A_1891, %mul3A_2623 : vector<16xf32>
        %max3A_2625 = arith.maximumf %max3A_2621, %add3A_2624 : vector<16xf32>
        %mul3A_2626 = vector.broadcast %scan3A : f32 to vector<16xf32>
        %mul3A_2627 = arith.mulf %add3A_2521, %mul3A_2626 : vector<16xf32>
        %add3A_2628 = arith.addf %mul3A_1900, %mul3A_2627 : vector<16xf32>
        %max3A_2629 = arith.maximumf %max3A_2625, %add3A_2628 : vector<16xf32>
        %mul3A_2630 = vector.broadcast %scan3A : f32 to vector<16xf32>
        %mul3A_2631 = arith.mulf %add3A_2529, %mul3A_2630 : vector<16xf32>
        %add3A_2632 = arith.addf %mul3A_1909, %mul3A_2631 : vector<16xf32>
        %max3A_2633 = arith.maximumf %max3A_2629, %add3A_2632 : vector<16xf32>
        %mul3A_2634 = vector.broadcast %scan3A : f32 to vector<16xf32>
        %mul3A_2635 = arith.mulf %add3A_2537, %mul3A_2634 : vector<16xf32>
        %add3A_2636 = arith.addf %mul3A_1918, %mul3A_2635 : vector<16xf32>
        %max3A_2637 = arith.maximumf %max3A_2633, %add3A_2636 : vector<16xf32>
        %mul3A_2638 = vector.broadcast %scan3A : f32 to vector<16xf32>
        %mul3A_2639 = arith.mulf %add3A_2545, %mul3A_2638 : vector<16xf32>
        %add3A_2640 = arith.addf %mul3A_1927, %mul3A_2639 : vector<16xf32>
        %max3A_2641 = arith.maximumf %max3A_2637, %add3A_2640 : vector<16xf32>
        %mul3A_2642 = vector.broadcast %scan3A : f32 to vector<16xf32>
        %mul3A_2643 = arith.mulf %add3A_2553, %mul3A_2642 : vector<16xf32>
        %add3A_2644 = arith.addf %mul3A_1936, %mul3A_2643 : vector<16xf32>
        %max3A_2645 = arith.maximumf %max3A_2641, %add3A_2644 : vector<16xf32>
        %mul3A_2646 = vector.broadcast %scan3A : f32 to vector<16xf32>
        %mul3A_2647 = arith.mulf %add3A_2561, %mul3A_2646 : vector<16xf32>
        %add3A_2648 = arith.addf %mul3A_1945, %mul3A_2647 : vector<16xf32>
        %max3A_2649 = arith.maximumf %max3A_2645, %add3A_2648 : vector<16xf32>
        %mul3A_2650 = vector.broadcast %scan3A : f32 to vector<16xf32>
        %mul3A_2651 = arith.mulf %add3A_2569, %mul3A_2650 : vector<16xf32>
        %add3A_2652 = arith.addf %mul3A_1954, %mul3A_2651 : vector<16xf32>
        %max3A_2653 = arith.maximumf %max3A_2649, %add3A_2652 : vector<16xf32>
        %mul3A_2654 = vector.broadcast %scan3A : f32 to vector<16xf32>
        %mul3A_2655 = arith.mulf %add3A_2577, %mul3A_2654 : vector<16xf32>
        %add3A_2656 = arith.addf %mul3A_1963, %mul3A_2655 : vector<16xf32>
        %max3A_2657 = arith.maximumf %max3A_2653, %add3A_2656 : vector<16xf32>
        %mul3A_2658 = vector.broadcast %scan3A : f32 to vector<16xf32>
        %mul3A_2659 = arith.mulf %add3A_2585, %mul3A_2658 : vector<16xf32>
        %add3A_2660 = arith.addf %mul3A_1972, %mul3A_2659 : vector<16xf32>
        %max3A_2661 = arith.maximumf %max3A_2657, %add3A_2660 : vector<16xf32>
        %mul3A_2662 = vector.broadcast %scan3A : f32 to vector<16xf32>
        %mul3A_2663 = arith.mulf %add3A_2593, %mul3A_2662 : vector<16xf32>
        %add3A_2664 = arith.addf %mul3A_1981, %mul3A_2663 : vector<16xf32>
        %max3A_2665 = arith.maximumf %max3A_2661, %add3A_2664 : vector<16xf32>
        %mul3A_2666 = vector.broadcast %scan3A : f32 to vector<16xf32>
        %mul3A_2667 = arith.mulf %add3A_2601, %mul3A_2666 : vector<16xf32>
        %add3A_2668 = arith.addf %mul3A_1990, %mul3A_2667 : vector<16xf32>
        %max3A_2669 = arith.maximumf %max3A_2665, %add3A_2668 : vector<16xf32>
        %add3A_2670 = arith.addf %add3A_2466, %max3A_2669 : vector<16xf32>
        %sub3A_2671 = arith.subf %broadcast_in_dim3A_6, %add3A_2473 : vector<16xf32>
        %sub3A_2672 = arith.subf %broadcast_in_dim3A_6, %broadcast_in_dim3A_4 : vector<16xf32>
        %mul3A_2673 = arith.mulf %sub3A_2671, %sub3A_2672 : vector<16xf32>
        %eq3A_2674 = arith.cmpf oeq, %mul3A_1846, %max3A_2669 : vector<16xf32>
        %select_n3A_2675 = arith.select %eq3A_2674, %broadcast_in_dim3A_6, %broadcast_in_dim3A_4 : vector<16xi1>, vector<16xf32>
        %mul3A_2676 = arith.mulf %mul3A_2673, %select_n3A_2675 : vector<16xf32>
        %add3A_2677 = arith.addf %add3A_2473, %mul3A_2676 : vector<16xf32>
        %add3A_2678 = arith.addf %broadcast_in_dim3A_4, %mul3A_2676 : vector<16xf32>
        %sub3A_2679 = arith.subf %broadcast_in_dim3A_6, %add3A_2481 : vector<16xf32>
        %sub3A_2680 = arith.subf %broadcast_in_dim3A_6, %add3A_2678 : vector<16xf32>
        %mul3A_2681 = arith.mulf %sub3A_2679, %sub3A_2680 : vector<16xf32>
        %eq3A_2682 = arith.cmpf oeq, %mul3A_1855, %max3A_2669 : vector<16xf32>
        %select_n3A_2683 = arith.select %eq3A_2682, %broadcast_in_dim3A_6, %broadcast_in_dim3A_4 : vector<16xi1>, vector<16xf32>
        %mul3A_2684 = arith.mulf %mul3A_2681, %select_n3A_2683 : vector<16xf32>
        %add3A_2685 = arith.addf %add3A_2481, %mul3A_2684 : vector<16xf32>
        %add3A_2686 = arith.addf %add3A_2678, %mul3A_2684 : vector<16xf32>
        %sub3A_2687 = arith.subf %broadcast_in_dim3A_6, %add3A_2489 : vector<16xf32>
        %sub3A_2688 = arith.subf %broadcast_in_dim3A_6, %add3A_2686 : vector<16xf32>
        %mul3A_2689 = arith.mulf %sub3A_2687, %sub3A_2688 : vector<16xf32>
        %eq3A_2690 = arith.cmpf oeq, %mul3A_1864, %max3A_2669 : vector<16xf32>
        %select_n3A_2691 = arith.select %eq3A_2690, %broadcast_in_dim3A_6, %broadcast_in_dim3A_4 : vector<16xi1>, vector<16xf32>
        %mul3A_2692 = arith.mulf %mul3A_2689, %select_n3A_2691 : vector<16xf32>
        %add3A_2693 = arith.addf %add3A_2489, %mul3A_2692 : vector<16xf32>
        %add3A_2694 = arith.addf %add3A_2686, %mul3A_2692 : vector<16xf32>
        %sub3A_2695 = arith.subf %broadcast_in_dim3A_6, %add3A_2497 : vector<16xf32>
        %sub3A_2696 = arith.subf %broadcast_in_dim3A_6, %add3A_2694 : vector<16xf32>
        %mul3A_2697 = arith.mulf %sub3A_2695, %sub3A_2696 : vector<16xf32>
        %eq3A_2698 = arith.cmpf oeq, %mul3A_1873, %max3A_2669 : vector<16xf32>
        %select_n3A_2699 = arith.select %eq3A_2698, %broadcast_in_dim3A_6, %broadcast_in_dim3A_4 : vector<16xi1>, vector<16xf32>
        %mul3A_2700 = arith.mulf %mul3A_2697, %select_n3A_2699 : vector<16xf32>
        %add3A_2701 = arith.addf %add3A_2497, %mul3A_2700 : vector<16xf32>
        %add3A_2702 = arith.addf %add3A_2694, %mul3A_2700 : vector<16xf32>
        %sub3A_2703 = arith.subf %broadcast_in_dim3A_6, %add3A_2505 : vector<16xf32>
        %sub3A_2704 = arith.subf %broadcast_in_dim3A_6, %add3A_2702 : vector<16xf32>
        %mul3A_2705 = arith.mulf %sub3A_2703, %sub3A_2704 : vector<16xf32>
        %eq3A_2706 = arith.cmpf oeq, %mul3A_1882, %max3A_2669 : vector<16xf32>
        %select_n3A_2707 = arith.select %eq3A_2706, %broadcast_in_dim3A_6, %broadcast_in_dim3A_4 : vector<16xi1>, vector<16xf32>
        %mul3A_2708 = arith.mulf %mul3A_2705, %select_n3A_2707 : vector<16xf32>
        %add3A_2709 = arith.addf %add3A_2505, %mul3A_2708 : vector<16xf32>
        %add3A_2710 = arith.addf %add3A_2702, %mul3A_2708 : vector<16xf32>
        %sub3A_2711 = arith.subf %broadcast_in_dim3A_6, %add3A_2513 : vector<16xf32>
        %sub3A_2712 = arith.subf %broadcast_in_dim3A_6, %add3A_2710 : vector<16xf32>
        %mul3A_2713 = arith.mulf %sub3A_2711, %sub3A_2712 : vector<16xf32>
        %eq3A_2714 = arith.cmpf oeq, %mul3A_1891, %max3A_2669 : vector<16xf32>
        %select_n3A_2715 = arith.select %eq3A_2714, %broadcast_in_dim3A_6, %broadcast_in_dim3A_4 : vector<16xi1>, vector<16xf32>
        %mul3A_2716 = arith.mulf %mul3A_2713, %select_n3A_2715 : vector<16xf32>
        %add3A_2717 = arith.addf %add3A_2513, %mul3A_2716 : vector<16xf32>
        %add3A_2718 = arith.addf %add3A_2710, %mul3A_2716 : vector<16xf32>
        %sub3A_2719 = arith.subf %broadcast_in_dim3A_6, %add3A_2521 : vector<16xf32>
        %sub3A_2720 = arith.subf %broadcast_in_dim3A_6, %add3A_2718 : vector<16xf32>
        %mul3A_2721 = arith.mulf %sub3A_2719, %sub3A_2720 : vector<16xf32>
        %eq3A_2722 = arith.cmpf oeq, %mul3A_1900, %max3A_2669 : vector<16xf32>
        %select_n3A_2723 = arith.select %eq3A_2722, %broadcast_in_dim3A_6, %broadcast_in_dim3A_4 : vector<16xi1>, vector<16xf32>
        %mul3A_2724 = arith.mulf %mul3A_2721, %select_n3A_2723 : vector<16xf32>
        %add3A_2725 = arith.addf %add3A_2521, %mul3A_2724 : vector<16xf32>
        %add3A_2726 = arith.addf %add3A_2718, %mul3A_2724 : vector<16xf32>
        %sub3A_2727 = arith.subf %broadcast_in_dim3A_6, %add3A_2529 : vector<16xf32>
        %sub3A_2728 = arith.subf %broadcast_in_dim3A_6, %add3A_2726 : vector<16xf32>
        %mul3A_2729 = arith.mulf %sub3A_2727, %sub3A_2728 : vector<16xf32>
        %eq3A_2730 = arith.cmpf oeq, %mul3A_1909, %max3A_2669 : vector<16xf32>
        %select_n3A_2731 = arith.select %eq3A_2730, %broadcast_in_dim3A_6, %broadcast_in_dim3A_4 : vector<16xi1>, vector<16xf32>
        %mul3A_2732 = arith.mulf %mul3A_2729, %select_n3A_2731 : vector<16xf32>
        %add3A_2733 = arith.addf %add3A_2529, %mul3A_2732 : vector<16xf32>
        %add3A_2734 = arith.addf %add3A_2726, %mul3A_2732 : vector<16xf32>
        %sub3A_2735 = arith.subf %broadcast_in_dim3A_6, %add3A_2537 : vector<16xf32>
        %sub3A_2736 = arith.subf %broadcast_in_dim3A_6, %add3A_2734 : vector<16xf32>
        %mul3A_2737 = arith.mulf %sub3A_2735, %sub3A_2736 : vector<16xf32>
        %eq3A_2738 = arith.cmpf oeq, %mul3A_1918, %max3A_2669 : vector<16xf32>
        %select_n3A_2739 = arith.select %eq3A_2738, %broadcast_in_dim3A_6, %broadcast_in_dim3A_4 : vector<16xi1>, vector<16xf32>
        %mul3A_2740 = arith.mulf %mul3A_2737, %select_n3A_2739 : vector<16xf32>
        %add3A_2741 = arith.addf %add3A_2537, %mul3A_2740 : vector<16xf32>
        %add3A_2742 = arith.addf %add3A_2734, %mul3A_2740 : vector<16xf32>
        %sub3A_2743 = arith.subf %broadcast_in_dim3A_6, %add3A_2545 : vector<16xf32>
        %sub3A_2744 = arith.subf %broadcast_in_dim3A_6, %add3A_2742 : vector<16xf32>
        %mul3A_2745 = arith.mulf %sub3A_2743, %sub3A_2744 : vector<16xf32>
        %eq3A_2746 = arith.cmpf oeq, %mul3A_1927, %max3A_2669 : vector<16xf32>
        %select_n3A_2747 = arith.select %eq3A_2746, %broadcast_in_dim3A_6, %broadcast_in_dim3A_4 : vector<16xi1>, vector<16xf32>
        %mul3A_2748 = arith.mulf %mul3A_2745, %select_n3A_2747 : vector<16xf32>
        %add3A_2749 = arith.addf %add3A_2545, %mul3A_2748 : vector<16xf32>
        %add3A_2750 = arith.addf %add3A_2742, %mul3A_2748 : vector<16xf32>
        %sub3A_2751 = arith.subf %broadcast_in_dim3A_6, %add3A_2553 : vector<16xf32>
        %sub3A_2752 = arith.subf %broadcast_in_dim3A_6, %add3A_2750 : vector<16xf32>
        %mul3A_2753 = arith.mulf %sub3A_2751, %sub3A_2752 : vector<16xf32>
        %eq3A_2754 = arith.cmpf oeq, %mul3A_1936, %max3A_2669 : vector<16xf32>
        %select_n3A_2755 = arith.select %eq3A_2754, %broadcast_in_dim3A_6, %broadcast_in_dim3A_4 : vector<16xi1>, vector<16xf32>
        %mul3A_2756 = arith.mulf %mul3A_2753, %select_n3A_2755 : vector<16xf32>
        %add3A_2757 = arith.addf %add3A_2553, %mul3A_2756 : vector<16xf32>
        %add3A_2758 = arith.addf %add3A_2750, %mul3A_2756 : vector<16xf32>
        %sub3A_2759 = arith.subf %broadcast_in_dim3A_6, %add3A_2561 : vector<16xf32>
        %sub3A_2760 = arith.subf %broadcast_in_dim3A_6, %add3A_2758 : vector<16xf32>
        %mul3A_2761 = arith.mulf %sub3A_2759, %sub3A_2760 : vector<16xf32>
        %eq3A_2762 = arith.cmpf oeq, %mul3A_1945, %max3A_2669 : vector<16xf32>
        %select_n3A_2763 = arith.select %eq3A_2762, %broadcast_in_dim3A_6, %broadcast_in_dim3A_4 : vector<16xi1>, vector<16xf32>
        %mul3A_2764 = arith.mulf %mul3A_2761, %select_n3A_2763 : vector<16xf32>
        %add3A_2765 = arith.addf %add3A_2561, %mul3A_2764 : vector<16xf32>
        %add3A_2766 = arith.addf %add3A_2758, %mul3A_2764 : vector<16xf32>
        %sub3A_2767 = arith.subf %broadcast_in_dim3A_6, %add3A_2569 : vector<16xf32>
        %sub3A_2768 = arith.subf %broadcast_in_dim3A_6, %add3A_2766 : vector<16xf32>
        %mul3A_2769 = arith.mulf %sub3A_2767, %sub3A_2768 : vector<16xf32>
        %eq3A_2770 = arith.cmpf oeq, %mul3A_1954, %max3A_2669 : vector<16xf32>
        %select_n3A_2771 = arith.select %eq3A_2770, %broadcast_in_dim3A_6, %broadcast_in_dim3A_4 : vector<16xi1>, vector<16xf32>
        %mul3A_2772 = arith.mulf %mul3A_2769, %select_n3A_2771 : vector<16xf32>
        %add3A_2773 = arith.addf %add3A_2569, %mul3A_2772 : vector<16xf32>
        %add3A_2774 = arith.addf %add3A_2766, %mul3A_2772 : vector<16xf32>
        %sub3A_2775 = arith.subf %broadcast_in_dim3A_6, %add3A_2577 : vector<16xf32>
        %sub3A_2776 = arith.subf %broadcast_in_dim3A_6, %add3A_2774 : vector<16xf32>
        %mul3A_2777 = arith.mulf %sub3A_2775, %sub3A_2776 : vector<16xf32>
        %eq3A_2778 = arith.cmpf oeq, %mul3A_1963, %max3A_2669 : vector<16xf32>
        %select_n3A_2779 = arith.select %eq3A_2778, %broadcast_in_dim3A_6, %broadcast_in_dim3A_4 : vector<16xi1>, vector<16xf32>
        %mul3A_2780 = arith.mulf %mul3A_2777, %select_n3A_2779 : vector<16xf32>
        %add3A_2781 = arith.addf %add3A_2577, %mul3A_2780 : vector<16xf32>
        %add3A_2782 = arith.addf %add3A_2774, %mul3A_2780 : vector<16xf32>
        %sub3A_2783 = arith.subf %broadcast_in_dim3A_6, %add3A_2585 : vector<16xf32>
        %sub3A_2784 = arith.subf %broadcast_in_dim3A_6, %add3A_2782 : vector<16xf32>
        %mul3A_2785 = arith.mulf %sub3A_2783, %sub3A_2784 : vector<16xf32>
        %eq3A_2786 = arith.cmpf oeq, %mul3A_1972, %max3A_2669 : vector<16xf32>
        %select_n3A_2787 = arith.select %eq3A_2786, %broadcast_in_dim3A_6, %broadcast_in_dim3A_4 : vector<16xi1>, vector<16xf32>
        %mul3A_2788 = arith.mulf %mul3A_2785, %select_n3A_2787 : vector<16xf32>
        %add3A_2789 = arith.addf %add3A_2585, %mul3A_2788 : vector<16xf32>
        %add3A_2790 = arith.addf %add3A_2782, %mul3A_2788 : vector<16xf32>
        %sub3A_2791 = arith.subf %broadcast_in_dim3A_6, %add3A_2593 : vector<16xf32>
        %sub3A_2792 = arith.subf %broadcast_in_dim3A_6, %add3A_2790 : vector<16xf32>
        %mul3A_2793 = arith.mulf %sub3A_2791, %sub3A_2792 : vector<16xf32>
        %eq3A_2794 = arith.cmpf oeq, %mul3A_1981, %max3A_2669 : vector<16xf32>
        %select_n3A_2795 = arith.select %eq3A_2794, %broadcast_in_dim3A_6, %broadcast_in_dim3A_4 : vector<16xi1>, vector<16xf32>
        %mul3A_2796 = arith.mulf %mul3A_2793, %select_n3A_2795 : vector<16xf32>
        %add3A_2797 = arith.addf %add3A_2593, %mul3A_2796 : vector<16xf32>
        %add3A_2798 = arith.addf %add3A_2790, %mul3A_2796 : vector<16xf32>
        %sub3A_2799 = arith.subf %broadcast_in_dim3A_6, %add3A_2601 : vector<16xf32>
        %sub3A_2800 = arith.subf %broadcast_in_dim3A_6, %add3A_2798 : vector<16xf32>
        %mul3A_2801 = arith.mulf %sub3A_2799, %sub3A_2800 : vector<16xf32>
        %eq3A_2802 = arith.cmpf oeq, %mul3A_1990, %max3A_2669 : vector<16xf32>
        %select_n3A_2803 = arith.select %eq3A_2802, %broadcast_in_dim3A_6, %broadcast_in_dim3A_4 : vector<16xi1>, vector<16xf32>
        %mul3A_2804 = arith.mulf %mul3A_2801, %select_n3A_2803 : vector<16xf32>
        %add3A_2805 = arith.addf %add3A_2601, %mul3A_2804 : vector<16xf32>
        %add3A_2806 = arith.addf %add3A_2798, %mul3A_2804 : vector<16xf32>
        %mul3A_2807 = vector.broadcast %scan3A : f32 to vector<16xf32>
        %mul3A_2808 = arith.mulf %add3A_2677, %mul3A_2807 : vector<16xf32>
        %add3A_2809 = arith.addf %mul3A_1846, %mul3A_2808 : vector<16xf32>
        %mul3A_2810 = vector.broadcast %scan3A : f32 to vector<16xf32>
        %mul3A_2811 = arith.mulf %add3A_2685, %mul3A_2810 : vector<16xf32>
        %add3A_2812 = arith.addf %mul3A_1855, %mul3A_2811 : vector<16xf32>
        %max3A_2813 = arith.maximumf %add3A_2809, %add3A_2812 : vector<16xf32>
        %mul3A_2814 = vector.broadcast %scan3A : f32 to vector<16xf32>
        %mul3A_2815 = arith.mulf %add3A_2693, %mul3A_2814 : vector<16xf32>
        %add3A_2816 = arith.addf %mul3A_1864, %mul3A_2815 : vector<16xf32>
        %max3A_2817 = arith.maximumf %max3A_2813, %add3A_2816 : vector<16xf32>
        %mul3A_2818 = vector.broadcast %scan3A : f32 to vector<16xf32>
        %mul3A_2819 = arith.mulf %add3A_2701, %mul3A_2818 : vector<16xf32>
        %add3A_2820 = arith.addf %mul3A_1873, %mul3A_2819 : vector<16xf32>
        %max3A_2821 = arith.maximumf %max3A_2817, %add3A_2820 : vector<16xf32>
        %mul3A_2822 = vector.broadcast %scan3A : f32 to vector<16xf32>
        %mul3A_2823 = arith.mulf %add3A_2709, %mul3A_2822 : vector<16xf32>
        %add3A_2824 = arith.addf %mul3A_1882, %mul3A_2823 : vector<16xf32>
        %max3A_2825 = arith.maximumf %max3A_2821, %add3A_2824 : vector<16xf32>
        %mul3A_2826 = vector.broadcast %scan3A : f32 to vector<16xf32>
        %mul3A_2827 = arith.mulf %add3A_2717, %mul3A_2826 : vector<16xf32>
        %add3A_2828 = arith.addf %mul3A_1891, %mul3A_2827 : vector<16xf32>
        %max3A_2829 = arith.maximumf %max3A_2825, %add3A_2828 : vector<16xf32>
        %mul3A_2830 = vector.broadcast %scan3A : f32 to vector<16xf32>
        %mul3A_2831 = arith.mulf %add3A_2725, %mul3A_2830 : vector<16xf32>
        %add3A_2832 = arith.addf %mul3A_1900, %mul3A_2831 : vector<16xf32>
        %max3A_2833 = arith.maximumf %max3A_2829, %add3A_2832 : vector<16xf32>
        %mul3A_2834 = vector.broadcast %scan3A : f32 to vector<16xf32>
        %mul3A_2835 = arith.mulf %add3A_2733, %mul3A_2834 : vector<16xf32>
        %add3A_2836 = arith.addf %mul3A_1909, %mul3A_2835 : vector<16xf32>
        %max3A_2837 = arith.maximumf %max3A_2833, %add3A_2836 : vector<16xf32>
        %mul3A_2838 = vector.broadcast %scan3A : f32 to vector<16xf32>
        %mul3A_2839 = arith.mulf %add3A_2741, %mul3A_2838 : vector<16xf32>
        %add3A_2840 = arith.addf %mul3A_1918, %mul3A_2839 : vector<16xf32>
        %max3A_2841 = arith.maximumf %max3A_2837, %add3A_2840 : vector<16xf32>
        %mul3A_2842 = vector.broadcast %scan3A : f32 to vector<16xf32>
        %mul3A_2843 = arith.mulf %add3A_2749, %mul3A_2842 : vector<16xf32>
        %add3A_2844 = arith.addf %mul3A_1927, %mul3A_2843 : vector<16xf32>
        %max3A_2845 = arith.maximumf %max3A_2841, %add3A_2844 : vector<16xf32>
        %mul3A_2846 = vector.broadcast %scan3A : f32 to vector<16xf32>
        %mul3A_2847 = arith.mulf %add3A_2757, %mul3A_2846 : vector<16xf32>
        %add3A_2848 = arith.addf %mul3A_1936, %mul3A_2847 : vector<16xf32>
        %max3A_2849 = arith.maximumf %max3A_2845, %add3A_2848 : vector<16xf32>
        %mul3A_2850 = vector.broadcast %scan3A : f32 to vector<16xf32>
        %mul3A_2851 = arith.mulf %add3A_2765, %mul3A_2850 : vector<16xf32>
        %add3A_2852 = arith.addf %mul3A_1945, %mul3A_2851 : vector<16xf32>
        %max3A_2853 = arith.maximumf %max3A_2849, %add3A_2852 : vector<16xf32>
        %mul3A_2854 = vector.broadcast %scan3A : f32 to vector<16xf32>
        %mul3A_2855 = arith.mulf %add3A_2773, %mul3A_2854 : vector<16xf32>
        %add3A_2856 = arith.addf %mul3A_1954, %mul3A_2855 : vector<16xf32>
        %max3A_2857 = arith.maximumf %max3A_2853, %add3A_2856 : vector<16xf32>
        %mul3A_2858 = vector.broadcast %scan3A : f32 to vector<16xf32>
        %mul3A_2859 = arith.mulf %add3A_2781, %mul3A_2858 : vector<16xf32>
        %add3A_2860 = arith.addf %mul3A_1963, %mul3A_2859 : vector<16xf32>
        %max3A_2861 = arith.maximumf %max3A_2857, %add3A_2860 : vector<16xf32>
        %mul3A_2862 = vector.broadcast %scan3A : f32 to vector<16xf32>
        %mul3A_2863 = arith.mulf %add3A_2789, %mul3A_2862 : vector<16xf32>
        %add3A_2864 = arith.addf %mul3A_1972, %mul3A_2863 : vector<16xf32>
        %max3A_2865 = arith.maximumf %max3A_2861, %add3A_2864 : vector<16xf32>
        %mul3A_2866 = vector.broadcast %scan3A : f32 to vector<16xf32>
        %mul3A_2867 = arith.mulf %add3A_2797, %mul3A_2866 : vector<16xf32>
        %add3A_2868 = arith.addf %mul3A_1981, %mul3A_2867 : vector<16xf32>
        %max3A_2869 = arith.maximumf %max3A_2865, %add3A_2868 : vector<16xf32>
        %mul3A_2870 = vector.broadcast %scan3A : f32 to vector<16xf32>
        %mul3A_2871 = arith.mulf %add3A_2805, %mul3A_2870 : vector<16xf32>
        %add3A_2872 = arith.addf %mul3A_1990, %mul3A_2871 : vector<16xf32>
        %max3A_2873 = arith.maximumf %max3A_2869, %add3A_2872 : vector<16xf32>
        %add3A_2874 = arith.addf %add3A_2670, %max3A_2873 : vector<16xf32>
        %sub3A_2875 = arith.subf %broadcast_in_dim3A_6, %add3A_2677 : vector<16xf32>
        %sub3A_2876 = arith.subf %broadcast_in_dim3A_6, %broadcast_in_dim3A_4 : vector<16xf32>
        %mul3A_2877 = arith.mulf %sub3A_2875, %sub3A_2876 : vector<16xf32>
        %eq3A_2878 = arith.cmpf oeq, %mul3A_1846, %max3A_2873 : vector<16xf32>
        %select_n3A_2879 = arith.select %eq3A_2878, %broadcast_in_dim3A_6, %broadcast_in_dim3A_4 : vector<16xi1>, vector<16xf32>
        %mul3A_2880 = arith.mulf %mul3A_2877, %select_n3A_2879 : vector<16xf32>
        %add3A_2881 = arith.addf %add3A_2677, %mul3A_2880 : vector<16xf32>
        %add3A_2882 = arith.addf %broadcast_in_dim3A_4, %mul3A_2880 : vector<16xf32>
        %sub3A_2883 = arith.subf %broadcast_in_dim3A_6, %add3A_2685 : vector<16xf32>
        %sub3A_2884 = arith.subf %broadcast_in_dim3A_6, %add3A_2882 : vector<16xf32>
        %mul3A_2885 = arith.mulf %sub3A_2883, %sub3A_2884 : vector<16xf32>
        %eq3A_2886 = arith.cmpf oeq, %mul3A_1855, %max3A_2873 : vector<16xf32>
        %select_n3A_2887 = arith.select %eq3A_2886, %broadcast_in_dim3A_6, %broadcast_in_dim3A_4 : vector<16xi1>, vector<16xf32>
        %mul3A_2888 = arith.mulf %mul3A_2885, %select_n3A_2887 : vector<16xf32>
        %add3A_2889 = arith.addf %add3A_2685, %mul3A_2888 : vector<16xf32>
        %add3A_2890 = arith.addf %add3A_2882, %mul3A_2888 : vector<16xf32>
        %sub3A_2891 = arith.subf %broadcast_in_dim3A_6, %add3A_2693 : vector<16xf32>
        %sub3A_2892 = arith.subf %broadcast_in_dim3A_6, %add3A_2890 : vector<16xf32>
        %mul3A_2893 = arith.mulf %sub3A_2891, %sub3A_2892 : vector<16xf32>
        %eq3A_2894 = arith.cmpf oeq, %mul3A_1864, %max3A_2873 : vector<16xf32>
        %select_n3A_2895 = arith.select %eq3A_2894, %broadcast_in_dim3A_6, %broadcast_in_dim3A_4 : vector<16xi1>, vector<16xf32>
        %mul3A_2896 = arith.mulf %mul3A_2893, %select_n3A_2895 : vector<16xf32>
        %add3A_2897 = arith.addf %add3A_2693, %mul3A_2896 : vector<16xf32>
        %add3A_2898 = arith.addf %add3A_2890, %mul3A_2896 : vector<16xf32>
        %sub3A_2899 = arith.subf %broadcast_in_dim3A_6, %add3A_2701 : vector<16xf32>
        %sub3A_2900 = arith.subf %broadcast_in_dim3A_6, %add3A_2898 : vector<16xf32>
        %mul3A_2901 = arith.mulf %sub3A_2899, %sub3A_2900 : vector<16xf32>
        %eq3A_2902 = arith.cmpf oeq, %mul3A_1873, %max3A_2873 : vector<16xf32>
        %select_n3A_2903 = arith.select %eq3A_2902, %broadcast_in_dim3A_6, %broadcast_in_dim3A_4 : vector<16xi1>, vector<16xf32>
        %mul3A_2904 = arith.mulf %mul3A_2901, %select_n3A_2903 : vector<16xf32>
        %add3A_2905 = arith.addf %add3A_2701, %mul3A_2904 : vector<16xf32>
        %add3A_2906 = arith.addf %add3A_2898, %mul3A_2904 : vector<16xf32>
        %sub3A_2907 = arith.subf %broadcast_in_dim3A_6, %add3A_2709 : vector<16xf32>
        %sub3A_2908 = arith.subf %broadcast_in_dim3A_6, %add3A_2906 : vector<16xf32>
        %mul3A_2909 = arith.mulf %sub3A_2907, %sub3A_2908 : vector<16xf32>
        %eq3A_2910 = arith.cmpf oeq, %mul3A_1882, %max3A_2873 : vector<16xf32>
        %select_n3A_2911 = arith.select %eq3A_2910, %broadcast_in_dim3A_6, %broadcast_in_dim3A_4 : vector<16xi1>, vector<16xf32>
        %mul3A_2912 = arith.mulf %mul3A_2909, %select_n3A_2911 : vector<16xf32>
        %add3A_2913 = arith.addf %add3A_2709, %mul3A_2912 : vector<16xf32>
        %add3A_2914 = arith.addf %add3A_2906, %mul3A_2912 : vector<16xf32>
        %sub3A_2915 = arith.subf %broadcast_in_dim3A_6, %add3A_2717 : vector<16xf32>
        %sub3A_2916 = arith.subf %broadcast_in_dim3A_6, %add3A_2914 : vector<16xf32>
        %mul3A_2917 = arith.mulf %sub3A_2915, %sub3A_2916 : vector<16xf32>
        %eq3A_2918 = arith.cmpf oeq, %mul3A_1891, %max3A_2873 : vector<16xf32>
        %select_n3A_2919 = arith.select %eq3A_2918, %broadcast_in_dim3A_6, %broadcast_in_dim3A_4 : vector<16xi1>, vector<16xf32>
        %mul3A_2920 = arith.mulf %mul3A_2917, %select_n3A_2919 : vector<16xf32>
        %add3A_2921 = arith.addf %add3A_2717, %mul3A_2920 : vector<16xf32>
        %add3A_2922 = arith.addf %add3A_2914, %mul3A_2920 : vector<16xf32>
        %sub3A_2923 = arith.subf %broadcast_in_dim3A_6, %add3A_2725 : vector<16xf32>
        %sub3A_2924 = arith.subf %broadcast_in_dim3A_6, %add3A_2922 : vector<16xf32>
        %mul3A_2925 = arith.mulf %sub3A_2923, %sub3A_2924 : vector<16xf32>
        %eq3A_2926 = arith.cmpf oeq, %mul3A_1900, %max3A_2873 : vector<16xf32>
        %select_n3A_2927 = arith.select %eq3A_2926, %broadcast_in_dim3A_6, %broadcast_in_dim3A_4 : vector<16xi1>, vector<16xf32>
        %mul3A_2928 = arith.mulf %mul3A_2925, %select_n3A_2927 : vector<16xf32>
        %add3A_2929 = arith.addf %add3A_2725, %mul3A_2928 : vector<16xf32>
        %add3A_2930 = arith.addf %add3A_2922, %mul3A_2928 : vector<16xf32>
        %sub3A_2931 = arith.subf %broadcast_in_dim3A_6, %add3A_2733 : vector<16xf32>
        %sub3A_2932 = arith.subf %broadcast_in_dim3A_6, %add3A_2930 : vector<16xf32>
        %mul3A_2933 = arith.mulf %sub3A_2931, %sub3A_2932 : vector<16xf32>
        %eq3A_2934 = arith.cmpf oeq, %mul3A_1909, %max3A_2873 : vector<16xf32>
        %select_n3A_2935 = arith.select %eq3A_2934, %broadcast_in_dim3A_6, %broadcast_in_dim3A_4 : vector<16xi1>, vector<16xf32>
        %mul3A_2936 = arith.mulf %mul3A_2933, %select_n3A_2935 : vector<16xf32>
        %add3A_2937 = arith.addf %add3A_2733, %mul3A_2936 : vector<16xf32>
        %add3A_2938 = arith.addf %add3A_2930, %mul3A_2936 : vector<16xf32>
        %sub3A_2939 = arith.subf %broadcast_in_dim3A_6, %add3A_2741 : vector<16xf32>
        %sub3A_2940 = arith.subf %broadcast_in_dim3A_6, %add3A_2938 : vector<16xf32>
        %mul3A_2941 = arith.mulf %sub3A_2939, %sub3A_2940 : vector<16xf32>
        %eq3A_2942 = arith.cmpf oeq, %mul3A_1918, %max3A_2873 : vector<16xf32>
        %select_n3A_2943 = arith.select %eq3A_2942, %broadcast_in_dim3A_6, %broadcast_in_dim3A_4 : vector<16xi1>, vector<16xf32>
        %mul3A_2944 = arith.mulf %mul3A_2941, %select_n3A_2943 : vector<16xf32>
        %add3A_2945 = arith.addf %add3A_2741, %mul3A_2944 : vector<16xf32>
        %add3A_2946 = arith.addf %add3A_2938, %mul3A_2944 : vector<16xf32>
        %sub3A_2947 = arith.subf %broadcast_in_dim3A_6, %add3A_2749 : vector<16xf32>
        %sub3A_2948 = arith.subf %broadcast_in_dim3A_6, %add3A_2946 : vector<16xf32>
        %mul3A_2949 = arith.mulf %sub3A_2947, %sub3A_2948 : vector<16xf32>
        %eq3A_2950 = arith.cmpf oeq, %mul3A_1927, %max3A_2873 : vector<16xf32>
        %select_n3A_2951 = arith.select %eq3A_2950, %broadcast_in_dim3A_6, %broadcast_in_dim3A_4 : vector<16xi1>, vector<16xf32>
        %mul3A_2952 = arith.mulf %mul3A_2949, %select_n3A_2951 : vector<16xf32>
        %add3A_2953 = arith.addf %add3A_2749, %mul3A_2952 : vector<16xf32>
        %add3A_2954 = arith.addf %add3A_2946, %mul3A_2952 : vector<16xf32>
        %sub3A_2955 = arith.subf %broadcast_in_dim3A_6, %add3A_2757 : vector<16xf32>
        %sub3A_2956 = arith.subf %broadcast_in_dim3A_6, %add3A_2954 : vector<16xf32>
        %mul3A_2957 = arith.mulf %sub3A_2955, %sub3A_2956 : vector<16xf32>
        %eq3A_2958 = arith.cmpf oeq, %mul3A_1936, %max3A_2873 : vector<16xf32>
        %select_n3A_2959 = arith.select %eq3A_2958, %broadcast_in_dim3A_6, %broadcast_in_dim3A_4 : vector<16xi1>, vector<16xf32>
        %mul3A_2960 = arith.mulf %mul3A_2957, %select_n3A_2959 : vector<16xf32>
        %add3A_2961 = arith.addf %add3A_2757, %mul3A_2960 : vector<16xf32>
        %add3A_2962 = arith.addf %add3A_2954, %mul3A_2960 : vector<16xf32>
        %sub3A_2963 = arith.subf %broadcast_in_dim3A_6, %add3A_2765 : vector<16xf32>
        %sub3A_2964 = arith.subf %broadcast_in_dim3A_6, %add3A_2962 : vector<16xf32>
        %mul3A_2965 = arith.mulf %sub3A_2963, %sub3A_2964 : vector<16xf32>
        %eq3A_2966 = arith.cmpf oeq, %mul3A_1945, %max3A_2873 : vector<16xf32>
        %select_n3A_2967 = arith.select %eq3A_2966, %broadcast_in_dim3A_6, %broadcast_in_dim3A_4 : vector<16xi1>, vector<16xf32>
        %mul3A_2968 = arith.mulf %mul3A_2965, %select_n3A_2967 : vector<16xf32>
        %add3A_2969 = arith.addf %add3A_2765, %mul3A_2968 : vector<16xf32>
        %add3A_2970 = arith.addf %add3A_2962, %mul3A_2968 : vector<16xf32>
        %sub3A_2971 = arith.subf %broadcast_in_dim3A_6, %add3A_2773 : vector<16xf32>
        %sub3A_2972 = arith.subf %broadcast_in_dim3A_6, %add3A_2970 : vector<16xf32>
        %mul3A_2973 = arith.mulf %sub3A_2971, %sub3A_2972 : vector<16xf32>
        %eq3A_2974 = arith.cmpf oeq, %mul3A_1954, %max3A_2873 : vector<16xf32>
        %select_n3A_2975 = arith.select %eq3A_2974, %broadcast_in_dim3A_6, %broadcast_in_dim3A_4 : vector<16xi1>, vector<16xf32>
        %mul3A_2976 = arith.mulf %mul3A_2973, %select_n3A_2975 : vector<16xf32>
        %add3A_2977 = arith.addf %add3A_2773, %mul3A_2976 : vector<16xf32>
        %add3A_2978 = arith.addf %add3A_2970, %mul3A_2976 : vector<16xf32>
        %sub3A_2979 = arith.subf %broadcast_in_dim3A_6, %add3A_2781 : vector<16xf32>
        %sub3A_2980 = arith.subf %broadcast_in_dim3A_6, %add3A_2978 : vector<16xf32>
        %mul3A_2981 = arith.mulf %sub3A_2979, %sub3A_2980 : vector<16xf32>
        %eq3A_2982 = arith.cmpf oeq, %mul3A_1963, %max3A_2873 : vector<16xf32>
        %select_n3A_2983 = arith.select %eq3A_2982, %broadcast_in_dim3A_6, %broadcast_in_dim3A_4 : vector<16xi1>, vector<16xf32>
        %mul3A_2984 = arith.mulf %mul3A_2981, %select_n3A_2983 : vector<16xf32>
        %add3A_2985 = arith.addf %add3A_2781, %mul3A_2984 : vector<16xf32>
        %add3A_2986 = arith.addf %add3A_2978, %mul3A_2984 : vector<16xf32>
        %sub3A_2987 = arith.subf %broadcast_in_dim3A_6, %add3A_2789 : vector<16xf32>
        %sub3A_2988 = arith.subf %broadcast_in_dim3A_6, %add3A_2986 : vector<16xf32>
        %mul3A_2989 = arith.mulf %sub3A_2987, %sub3A_2988 : vector<16xf32>
        %eq3A_2990 = arith.cmpf oeq, %mul3A_1972, %max3A_2873 : vector<16xf32>
        %select_n3A_2991 = arith.select %eq3A_2990, %broadcast_in_dim3A_6, %broadcast_in_dim3A_4 : vector<16xi1>, vector<16xf32>
        %mul3A_2992 = arith.mulf %mul3A_2989, %select_n3A_2991 : vector<16xf32>
        %add3A_2993 = arith.addf %add3A_2789, %mul3A_2992 : vector<16xf32>
        %add3A_2994 = arith.addf %add3A_2986, %mul3A_2992 : vector<16xf32>
        %sub3A_2995 = arith.subf %broadcast_in_dim3A_6, %add3A_2797 : vector<16xf32>
        %sub3A_2996 = arith.subf %broadcast_in_dim3A_6, %add3A_2994 : vector<16xf32>
        %mul3A_2997 = arith.mulf %sub3A_2995, %sub3A_2996 : vector<16xf32>
        %eq3A_2998 = arith.cmpf oeq, %mul3A_1981, %max3A_2873 : vector<16xf32>
        %select_n3A_2999 = arith.select %eq3A_2998, %broadcast_in_dim3A_6, %broadcast_in_dim3A_4 : vector<16xi1>, vector<16xf32>
        %mul3A_3000 = arith.mulf %mul3A_2997, %select_n3A_2999 : vector<16xf32>
        %add3A_3001 = arith.addf %add3A_2797, %mul3A_3000 : vector<16xf32>
        %add3A_3002 = arith.addf %add3A_2994, %mul3A_3000 : vector<16xf32>
        %sub3A_3003 = arith.subf %broadcast_in_dim3A_6, %add3A_2805 : vector<16xf32>
        %sub3A_3004 = arith.subf %broadcast_in_dim3A_6, %add3A_3002 : vector<16xf32>
        %mul3A_3005 = arith.mulf %sub3A_3003, %sub3A_3004 : vector<16xf32>
        %eq3A_3006 = arith.cmpf oeq, %mul3A_1990, %max3A_2873 : vector<16xf32>
        %select_n3A_3007 = arith.select %eq3A_3006, %broadcast_in_dim3A_6, %broadcast_in_dim3A_4 : vector<16xi1>, vector<16xf32>
        %mul3A_3008 = arith.mulf %mul3A_3005, %select_n3A_3007 : vector<16xf32>
        %add3A_3009 = arith.addf %add3A_2805, %mul3A_3008 : vector<16xf32>
        %add3A_3010 = arith.addf %add3A_3002, %mul3A_3008 : vector<16xf32>
        %mul3A_3011 = vector.broadcast %scan3A : f32 to vector<16xf32>
        %mul3A_3012 = arith.mulf %add3A_2881, %mul3A_3011 : vector<16xf32>
        %add3A_3013 = arith.addf %mul3A_1846, %mul3A_3012 : vector<16xf32>
        %mul3A_3014 = vector.broadcast %scan3A : f32 to vector<16xf32>
        %mul3A_3015 = arith.mulf %add3A_2889, %mul3A_3014 : vector<16xf32>
        %add3A_3016 = arith.addf %mul3A_1855, %mul3A_3015 : vector<16xf32>
        %max3A_3017 = arith.maximumf %add3A_3013, %add3A_3016 : vector<16xf32>
        %mul3A_3018 = vector.broadcast %scan3A : f32 to vector<16xf32>
        %mul3A_3019 = arith.mulf %add3A_2897, %mul3A_3018 : vector<16xf32>
        %add3A_3020 = arith.addf %mul3A_1864, %mul3A_3019 : vector<16xf32>
        %max3A_3021 = arith.maximumf %max3A_3017, %add3A_3020 : vector<16xf32>
        %mul3A_3022 = vector.broadcast %scan3A : f32 to vector<16xf32>
        %mul3A_3023 = arith.mulf %add3A_2905, %mul3A_3022 : vector<16xf32>
        %add3A_3024 = arith.addf %mul3A_1873, %mul3A_3023 : vector<16xf32>
        %max3A_3025 = arith.maximumf %max3A_3021, %add3A_3024 : vector<16xf32>
        %mul3A_3026 = vector.broadcast %scan3A : f32 to vector<16xf32>
        %mul3A_3027 = arith.mulf %add3A_2913, %mul3A_3026 : vector<16xf32>
        %add3A_3028 = arith.addf %mul3A_1882, %mul3A_3027 : vector<16xf32>
        %max3A_3029 = arith.maximumf %max3A_3025, %add3A_3028 : vector<16xf32>
        %mul3A_3030 = vector.broadcast %scan3A : f32 to vector<16xf32>
        %mul3A_3031 = arith.mulf %add3A_2921, %mul3A_3030 : vector<16xf32>
        %add3A_3032 = arith.addf %mul3A_1891, %mul3A_3031 : vector<16xf32>
        %max3A_3033 = arith.maximumf %max3A_3029, %add3A_3032 : vector<16xf32>
        %mul3A_3034 = vector.broadcast %scan3A : f32 to vector<16xf32>
        %mul3A_3035 = arith.mulf %add3A_2929, %mul3A_3034 : vector<16xf32>
        %add3A_3036 = arith.addf %mul3A_1900, %mul3A_3035 : vector<16xf32>
        %max3A_3037 = arith.maximumf %max3A_3033, %add3A_3036 : vector<16xf32>
        %mul3A_3038 = vector.broadcast %scan3A : f32 to vector<16xf32>
        %mul3A_3039 = arith.mulf %add3A_2937, %mul3A_3038 : vector<16xf32>
        %add3A_3040 = arith.addf %mul3A_1909, %mul3A_3039 : vector<16xf32>
        %max3A_3041 = arith.maximumf %max3A_3037, %add3A_3040 : vector<16xf32>
        %mul3A_3042 = vector.broadcast %scan3A : f32 to vector<16xf32>
        %mul3A_3043 = arith.mulf %add3A_2945, %mul3A_3042 : vector<16xf32>
        %add3A_3044 = arith.addf %mul3A_1918, %mul3A_3043 : vector<16xf32>
        %max3A_3045 = arith.maximumf %max3A_3041, %add3A_3044 : vector<16xf32>
        %mul3A_3046 = vector.broadcast %scan3A : f32 to vector<16xf32>
        %mul3A_3047 = arith.mulf %add3A_2953, %mul3A_3046 : vector<16xf32>
        %add3A_3048 = arith.addf %mul3A_1927, %mul3A_3047 : vector<16xf32>
        %max3A_3049 = arith.maximumf %max3A_3045, %add3A_3048 : vector<16xf32>
        %mul3A_3050 = vector.broadcast %scan3A : f32 to vector<16xf32>
        %mul3A_3051 = arith.mulf %add3A_2961, %mul3A_3050 : vector<16xf32>
        %add3A_3052 = arith.addf %mul3A_1936, %mul3A_3051 : vector<16xf32>
        %max3A_3053 = arith.maximumf %max3A_3049, %add3A_3052 : vector<16xf32>
        %mul3A_3054 = vector.broadcast %scan3A : f32 to vector<16xf32>
        %mul3A_3055 = arith.mulf %add3A_2969, %mul3A_3054 : vector<16xf32>
        %add3A_3056 = arith.addf %mul3A_1945, %mul3A_3055 : vector<16xf32>
        %max3A_3057 = arith.maximumf %max3A_3053, %add3A_3056 : vector<16xf32>
        %mul3A_3058 = vector.broadcast %scan3A : f32 to vector<16xf32>
        %mul3A_3059 = arith.mulf %add3A_2977, %mul3A_3058 : vector<16xf32>
        %add3A_3060 = arith.addf %mul3A_1954, %mul3A_3059 : vector<16xf32>
        %max3A_3061 = arith.maximumf %max3A_3057, %add3A_3060 : vector<16xf32>
        %mul3A_3062 = vector.broadcast %scan3A : f32 to vector<16xf32>
        %mul3A_3063 = arith.mulf %add3A_2985, %mul3A_3062 : vector<16xf32>
        %add3A_3064 = arith.addf %mul3A_1963, %mul3A_3063 : vector<16xf32>
        %max3A_3065 = arith.maximumf %max3A_3061, %add3A_3064 : vector<16xf32>
        %mul3A_3066 = vector.broadcast %scan3A : f32 to vector<16xf32>
        %mul3A_3067 = arith.mulf %add3A_2993, %mul3A_3066 : vector<16xf32>
        %add3A_3068 = arith.addf %mul3A_1972, %mul3A_3067 : vector<16xf32>
        %max3A_3069 = arith.maximumf %max3A_3065, %add3A_3068 : vector<16xf32>
        %mul3A_3070 = vector.broadcast %scan3A : f32 to vector<16xf32>
        %mul3A_3071 = arith.mulf %add3A_3001, %mul3A_3070 : vector<16xf32>
        %add3A_3072 = arith.addf %mul3A_1981, %mul3A_3071 : vector<16xf32>
        %max3A_3073 = arith.maximumf %max3A_3069, %add3A_3072 : vector<16xf32>
        %mul3A_3074 = vector.broadcast %scan3A : f32 to vector<16xf32>
        %mul3A_3075 = arith.mulf %add3A_3009, %mul3A_3074 : vector<16xf32>
        %add3A_3076 = arith.addf %mul3A_1990, %mul3A_3075 : vector<16xf32>
        %max3A_3077 = arith.maximumf %max3A_3073, %add3A_3076 : vector<16xf32>
        %add3A_3078 = arith.addf %add3A_2874, %max3A_3077 : vector<16xf32>
        %sub3A_3079 = arith.subf %broadcast_in_dim3A_6, %add3A_2881 : vector<16xf32>
        %sub3A_3080 = arith.subf %broadcast_in_dim3A_6, %broadcast_in_dim3A_4 : vector<16xf32>
        %mul3A_3081 = arith.mulf %sub3A_3079, %sub3A_3080 : vector<16xf32>
        %eq3A_3082 = arith.cmpf oeq, %mul3A_1846, %max3A_3077 : vector<16xf32>
        %select_n3A_3083 = arith.select %eq3A_3082, %broadcast_in_dim3A_6, %broadcast_in_dim3A_4 : vector<16xi1>, vector<16xf32>
        %mul3A_3084 = arith.mulf %mul3A_3081, %select_n3A_3083 : vector<16xf32>
        %add3A_3085 = arith.addf %add3A_2881, %mul3A_3084 : vector<16xf32>
        %add3A_3086 = arith.addf %broadcast_in_dim3A_4, %mul3A_3084 : vector<16xf32>
        %sub3A_3087 = arith.subf %broadcast_in_dim3A_6, %add3A_2889 : vector<16xf32>
        %sub3A_3088 = arith.subf %broadcast_in_dim3A_6, %add3A_3086 : vector<16xf32>
        %mul3A_3089 = arith.mulf %sub3A_3087, %sub3A_3088 : vector<16xf32>
        %eq3A_3090 = arith.cmpf oeq, %mul3A_1855, %max3A_3077 : vector<16xf32>
        %select_n3A_3091 = arith.select %eq3A_3090, %broadcast_in_dim3A_6, %broadcast_in_dim3A_4 : vector<16xi1>, vector<16xf32>
        %mul3A_3092 = arith.mulf %mul3A_3089, %select_n3A_3091 : vector<16xf32>
        %add3A_3093 = arith.addf %add3A_2889, %mul3A_3092 : vector<16xf32>
        %add3A_3094 = arith.addf %add3A_3086, %mul3A_3092 : vector<16xf32>
        %sub3A_3095 = arith.subf %broadcast_in_dim3A_6, %add3A_2897 : vector<16xf32>
        %sub3A_3096 = arith.subf %broadcast_in_dim3A_6, %add3A_3094 : vector<16xf32>
        %mul3A_3097 = arith.mulf %sub3A_3095, %sub3A_3096 : vector<16xf32>
        %eq3A_3098 = arith.cmpf oeq, %mul3A_1864, %max3A_3077 : vector<16xf32>
        %select_n3A_3099 = arith.select %eq3A_3098, %broadcast_in_dim3A_6, %broadcast_in_dim3A_4 : vector<16xi1>, vector<16xf32>
        %mul3A_3100 = arith.mulf %mul3A_3097, %select_n3A_3099 : vector<16xf32>
        %add3A_3101 = arith.addf %add3A_2897, %mul3A_3100 : vector<16xf32>
        %add3A_3102 = arith.addf %add3A_3094, %mul3A_3100 : vector<16xf32>
        %sub3A_3103 = arith.subf %broadcast_in_dim3A_6, %add3A_2905 : vector<16xf32>
        %sub3A_3104 = arith.subf %broadcast_in_dim3A_6, %add3A_3102 : vector<16xf32>
        %mul3A_3105 = arith.mulf %sub3A_3103, %sub3A_3104 : vector<16xf32>
        %eq3A_3106 = arith.cmpf oeq, %mul3A_1873, %max3A_3077 : vector<16xf32>
        %select_n3A_3107 = arith.select %eq3A_3106, %broadcast_in_dim3A_6, %broadcast_in_dim3A_4 : vector<16xi1>, vector<16xf32>
        %mul3A_3108 = arith.mulf %mul3A_3105, %select_n3A_3107 : vector<16xf32>
        %add3A_3109 = arith.addf %add3A_2905, %mul3A_3108 : vector<16xf32>
        %add3A_3110 = arith.addf %add3A_3102, %mul3A_3108 : vector<16xf32>
        %sub3A_3111 = arith.subf %broadcast_in_dim3A_6, %add3A_2913 : vector<16xf32>
        %sub3A_3112 = arith.subf %broadcast_in_dim3A_6, %add3A_3110 : vector<16xf32>
        %mul3A_3113 = arith.mulf %sub3A_3111, %sub3A_3112 : vector<16xf32>
        %eq3A_3114 = arith.cmpf oeq, %mul3A_1882, %max3A_3077 : vector<16xf32>
        %select_n3A_3115 = arith.select %eq3A_3114, %broadcast_in_dim3A_6, %broadcast_in_dim3A_4 : vector<16xi1>, vector<16xf32>
        %mul3A_3116 = arith.mulf %mul3A_3113, %select_n3A_3115 : vector<16xf32>
        %add3A_3117 = arith.addf %add3A_2913, %mul3A_3116 : vector<16xf32>
        %add3A_3118 = arith.addf %add3A_3110, %mul3A_3116 : vector<16xf32>
        %sub3A_3119 = arith.subf %broadcast_in_dim3A_6, %add3A_2921 : vector<16xf32>
        %sub3A_3120 = arith.subf %broadcast_in_dim3A_6, %add3A_3118 : vector<16xf32>
        %mul3A_3121 = arith.mulf %sub3A_3119, %sub3A_3120 : vector<16xf32>
        %eq3A_3122 = arith.cmpf oeq, %mul3A_1891, %max3A_3077 : vector<16xf32>
        %select_n3A_3123 = arith.select %eq3A_3122, %broadcast_in_dim3A_6, %broadcast_in_dim3A_4 : vector<16xi1>, vector<16xf32>
        %mul3A_3124 = arith.mulf %mul3A_3121, %select_n3A_3123 : vector<16xf32>
        %add3A_3125 = arith.addf %add3A_2921, %mul3A_3124 : vector<16xf32>
        %add3A_3126 = arith.addf %add3A_3118, %mul3A_3124 : vector<16xf32>
        %sub3A_3127 = arith.subf %broadcast_in_dim3A_6, %add3A_2929 : vector<16xf32>
        %sub3A_3128 = arith.subf %broadcast_in_dim3A_6, %add3A_3126 : vector<16xf32>
        %mul3A_3129 = arith.mulf %sub3A_3127, %sub3A_3128 : vector<16xf32>
        %eq3A_3130 = arith.cmpf oeq, %mul3A_1900, %max3A_3077 : vector<16xf32>
        %select_n3A_3131 = arith.select %eq3A_3130, %broadcast_in_dim3A_6, %broadcast_in_dim3A_4 : vector<16xi1>, vector<16xf32>
        %mul3A_3132 = arith.mulf %mul3A_3129, %select_n3A_3131 : vector<16xf32>
        %add3A_3133 = arith.addf %add3A_2929, %mul3A_3132 : vector<16xf32>
        %add3A_3134 = arith.addf %add3A_3126, %mul3A_3132 : vector<16xf32>
        %sub3A_3135 = arith.subf %broadcast_in_dim3A_6, %add3A_2937 : vector<16xf32>
        %sub3A_3136 = arith.subf %broadcast_in_dim3A_6, %add3A_3134 : vector<16xf32>
        %mul3A_3137 = arith.mulf %sub3A_3135, %sub3A_3136 : vector<16xf32>
        %eq3A_3138 = arith.cmpf oeq, %mul3A_1909, %max3A_3077 : vector<16xf32>
        %select_n3A_3139 = arith.select %eq3A_3138, %broadcast_in_dim3A_6, %broadcast_in_dim3A_4 : vector<16xi1>, vector<16xf32>
        %mul3A_3140 = arith.mulf %mul3A_3137, %select_n3A_3139 : vector<16xf32>
        %add3A_3141 = arith.addf %add3A_2937, %mul3A_3140 : vector<16xf32>
        %add3A_3142 = arith.addf %add3A_3134, %mul3A_3140 : vector<16xf32>
        %sub3A_3143 = arith.subf %broadcast_in_dim3A_6, %add3A_2945 : vector<16xf32>
        %sub3A_3144 = arith.subf %broadcast_in_dim3A_6, %add3A_3142 : vector<16xf32>
        %mul3A_3145 = arith.mulf %sub3A_3143, %sub3A_3144 : vector<16xf32>
        %eq3A_3146 = arith.cmpf oeq, %mul3A_1918, %max3A_3077 : vector<16xf32>
        %select_n3A_3147 = arith.select %eq3A_3146, %broadcast_in_dim3A_6, %broadcast_in_dim3A_4 : vector<16xi1>, vector<16xf32>
        %mul3A_3148 = arith.mulf %mul3A_3145, %select_n3A_3147 : vector<16xf32>
        %add3A_3149 = arith.addf %add3A_2945, %mul3A_3148 : vector<16xf32>
        %add3A_3150 = arith.addf %add3A_3142, %mul3A_3148 : vector<16xf32>
        %sub3A_3151 = arith.subf %broadcast_in_dim3A_6, %add3A_2953 : vector<16xf32>
        %sub3A_3152 = arith.subf %broadcast_in_dim3A_6, %add3A_3150 : vector<16xf32>
        %mul3A_3153 = arith.mulf %sub3A_3151, %sub3A_3152 : vector<16xf32>
        %eq3A_3154 = arith.cmpf oeq, %mul3A_1927, %max3A_3077 : vector<16xf32>
        %select_n3A_3155 = arith.select %eq3A_3154, %broadcast_in_dim3A_6, %broadcast_in_dim3A_4 : vector<16xi1>, vector<16xf32>
        %mul3A_3156 = arith.mulf %mul3A_3153, %select_n3A_3155 : vector<16xf32>
        %add3A_3157 = arith.addf %add3A_2953, %mul3A_3156 : vector<16xf32>
        %add3A_3158 = arith.addf %add3A_3150, %mul3A_3156 : vector<16xf32>
        %sub3A_3159 = arith.subf %broadcast_in_dim3A_6, %add3A_2961 : vector<16xf32>
        %sub3A_3160 = arith.subf %broadcast_in_dim3A_6, %add3A_3158 : vector<16xf32>
        %mul3A_3161 = arith.mulf %sub3A_3159, %sub3A_3160 : vector<16xf32>
        %eq3A_3162 = arith.cmpf oeq, %mul3A_1936, %max3A_3077 : vector<16xf32>
        %select_n3A_3163 = arith.select %eq3A_3162, %broadcast_in_dim3A_6, %broadcast_in_dim3A_4 : vector<16xi1>, vector<16xf32>
        %mul3A_3164 = arith.mulf %mul3A_3161, %select_n3A_3163 : vector<16xf32>
        %add3A_3165 = arith.addf %add3A_2961, %mul3A_3164 : vector<16xf32>
        %add3A_3166 = arith.addf %add3A_3158, %mul3A_3164 : vector<16xf32>
        %sub3A_3167 = arith.subf %broadcast_in_dim3A_6, %add3A_2969 : vector<16xf32>
        %sub3A_3168 = arith.subf %broadcast_in_dim3A_6, %add3A_3166 : vector<16xf32>
        %mul3A_3169 = arith.mulf %sub3A_3167, %sub3A_3168 : vector<16xf32>
        %eq3A_3170 = arith.cmpf oeq, %mul3A_1945, %max3A_3077 : vector<16xf32>
        %select_n3A_3171 = arith.select %eq3A_3170, %broadcast_in_dim3A_6, %broadcast_in_dim3A_4 : vector<16xi1>, vector<16xf32>
        %mul3A_3172 = arith.mulf %mul3A_3169, %select_n3A_3171 : vector<16xf32>
        %add3A_3173 = arith.addf %add3A_2969, %mul3A_3172 : vector<16xf32>
        %add3A_3174 = arith.addf %add3A_3166, %mul3A_3172 : vector<16xf32>
        %sub3A_3175 = arith.subf %broadcast_in_dim3A_6, %add3A_2977 : vector<16xf32>
        %sub3A_3176 = arith.subf %broadcast_in_dim3A_6, %add3A_3174 : vector<16xf32>
        %mul3A_3177 = arith.mulf %sub3A_3175, %sub3A_3176 : vector<16xf32>
        %eq3A_3178 = arith.cmpf oeq, %mul3A_1954, %max3A_3077 : vector<16xf32>
        %select_n3A_3179 = arith.select %eq3A_3178, %broadcast_in_dim3A_6, %broadcast_in_dim3A_4 : vector<16xi1>, vector<16xf32>
        %mul3A_3180 = arith.mulf %mul3A_3177, %select_n3A_3179 : vector<16xf32>
        %add3A_3181 = arith.addf %add3A_2977, %mul3A_3180 : vector<16xf32>
        %add3A_3182 = arith.addf %add3A_3174, %mul3A_3180 : vector<16xf32>
        %sub3A_3183 = arith.subf %broadcast_in_dim3A_6, %add3A_2985 : vector<16xf32>
        %sub3A_3184 = arith.subf %broadcast_in_dim3A_6, %add3A_3182 : vector<16xf32>
        %mul3A_3185 = arith.mulf %sub3A_3183, %sub3A_3184 : vector<16xf32>
        %eq3A_3186 = arith.cmpf oeq, %mul3A_1963, %max3A_3077 : vector<16xf32>
        %select_n3A_3187 = arith.select %eq3A_3186, %broadcast_in_dim3A_6, %broadcast_in_dim3A_4 : vector<16xi1>, vector<16xf32>
        %mul3A_3188 = arith.mulf %mul3A_3185, %select_n3A_3187 : vector<16xf32>
        %add3A_3189 = arith.addf %add3A_2985, %mul3A_3188 : vector<16xf32>
        %add3A_3190 = arith.addf %add3A_3182, %mul3A_3188 : vector<16xf32>
        %sub3A_3191 = arith.subf %broadcast_in_dim3A_6, %add3A_2993 : vector<16xf32>
        %sub3A_3192 = arith.subf %broadcast_in_dim3A_6, %add3A_3190 : vector<16xf32>
        %mul3A_3193 = arith.mulf %sub3A_3191, %sub3A_3192 : vector<16xf32>
        %eq3A_3194 = arith.cmpf oeq, %mul3A_1972, %max3A_3077 : vector<16xf32>
        %select_n3A_3195 = arith.select %eq3A_3194, %broadcast_in_dim3A_6, %broadcast_in_dim3A_4 : vector<16xi1>, vector<16xf32>
        %mul3A_3196 = arith.mulf %mul3A_3193, %select_n3A_3195 : vector<16xf32>
        %add3A_3197 = arith.addf %add3A_2993, %mul3A_3196 : vector<16xf32>
        %add3A_3198 = arith.addf %add3A_3190, %mul3A_3196 : vector<16xf32>
        %sub3A_3199 = arith.subf %broadcast_in_dim3A_6, %add3A_3001 : vector<16xf32>
        %sub3A_3200 = arith.subf %broadcast_in_dim3A_6, %add3A_3198 : vector<16xf32>
        %mul3A_3201 = arith.mulf %sub3A_3199, %sub3A_3200 : vector<16xf32>
        %eq3A_3202 = arith.cmpf oeq, %mul3A_1981, %max3A_3077 : vector<16xf32>
        %select_n3A_3203 = arith.select %eq3A_3202, %broadcast_in_dim3A_6, %broadcast_in_dim3A_4 : vector<16xi1>, vector<16xf32>
        %mul3A_3204 = arith.mulf %mul3A_3201, %select_n3A_3203 : vector<16xf32>
        %add3A_3205 = arith.addf %add3A_3001, %mul3A_3204 : vector<16xf32>
        %add3A_3206 = arith.addf %add3A_3198, %mul3A_3204 : vector<16xf32>
        %sub3A_3207 = arith.subf %broadcast_in_dim3A_6, %add3A_3009 : vector<16xf32>
        %sub3A_3208 = arith.subf %broadcast_in_dim3A_6, %add3A_3206 : vector<16xf32>
        %mul3A_3209 = arith.mulf %sub3A_3207, %sub3A_3208 : vector<16xf32>
        %eq3A_3210 = arith.cmpf oeq, %mul3A_1990, %max3A_3077 : vector<16xf32>
        %select_n3A_3211 = arith.select %eq3A_3210, %broadcast_in_dim3A_6, %broadcast_in_dim3A_4 : vector<16xi1>, vector<16xf32>
        %mul3A_3212 = arith.mulf %mul3A_3209, %select_n3A_3211 : vector<16xf32>
        %add3A_3213 = arith.addf %add3A_3009, %mul3A_3212 : vector<16xf32>
        %add3A_3214 = arith.addf %add3A_3206, %mul3A_3212 : vector<16xf32>
        %mul3A_3215 = vector.broadcast %scan3A : f32 to vector<16xf32>
        %mul3A_3216 = arith.mulf %add3A_3085, %mul3A_3215 : vector<16xf32>
        %add3A_3217 = arith.addf %mul3A_1846, %mul3A_3216 : vector<16xf32>
        %mul3A_3218 = vector.broadcast %scan3A : f32 to vector<16xf32>
        %mul3A_3219 = arith.mulf %add3A_3093, %mul3A_3218 : vector<16xf32>
        %add3A_3220 = arith.addf %mul3A_1855, %mul3A_3219 : vector<16xf32>
        %max3A_3221 = arith.maximumf %add3A_3217, %add3A_3220 : vector<16xf32>
        %mul3A_3222 = vector.broadcast %scan3A : f32 to vector<16xf32>
        %mul3A_3223 = arith.mulf %add3A_3101, %mul3A_3222 : vector<16xf32>
        %add3A_3224 = arith.addf %mul3A_1864, %mul3A_3223 : vector<16xf32>
        %max3A_3225 = arith.maximumf %max3A_3221, %add3A_3224 : vector<16xf32>
        %mul3A_3226 = vector.broadcast %scan3A : f32 to vector<16xf32>
        %mul3A_3227 = arith.mulf %add3A_3109, %mul3A_3226 : vector<16xf32>
        %add3A_3228 = arith.addf %mul3A_1873, %mul3A_3227 : vector<16xf32>
        %max3A_3229 = arith.maximumf %max3A_3225, %add3A_3228 : vector<16xf32>
        %mul3A_3230 = vector.broadcast %scan3A : f32 to vector<16xf32>
        %mul3A_3231 = arith.mulf %add3A_3117, %mul3A_3230 : vector<16xf32>
        %add3A_3232 = arith.addf %mul3A_1882, %mul3A_3231 : vector<16xf32>
        %max3A_3233 = arith.maximumf %max3A_3229, %add3A_3232 : vector<16xf32>
        %mul3A_3234 = vector.broadcast %scan3A : f32 to vector<16xf32>
        %mul3A_3235 = arith.mulf %add3A_3125, %mul3A_3234 : vector<16xf32>
        %add3A_3236 = arith.addf %mul3A_1891, %mul3A_3235 : vector<16xf32>
        %max3A_3237 = arith.maximumf %max3A_3233, %add3A_3236 : vector<16xf32>
        %mul3A_3238 = vector.broadcast %scan3A : f32 to vector<16xf32>
        %mul3A_3239 = arith.mulf %add3A_3133, %mul3A_3238 : vector<16xf32>
        %add3A_3240 = arith.addf %mul3A_1900, %mul3A_3239 : vector<16xf32>
        %max3A_3241 = arith.maximumf %max3A_3237, %add3A_3240 : vector<16xf32>
        %mul3A_3242 = vector.broadcast %scan3A : f32 to vector<16xf32>
        %mul3A_3243 = arith.mulf %add3A_3141, %mul3A_3242 : vector<16xf32>
        %add3A_3244 = arith.addf %mul3A_1909, %mul3A_3243 : vector<16xf32>
        %max3A_3245 = arith.maximumf %max3A_3241, %add3A_3244 : vector<16xf32>
        %mul3A_3246 = vector.broadcast %scan3A : f32 to vector<16xf32>
        %mul3A_3247 = arith.mulf %add3A_3149, %mul3A_3246 : vector<16xf32>
        %add3A_3248 = arith.addf %mul3A_1918, %mul3A_3247 : vector<16xf32>
        %max3A_3249 = arith.maximumf %max3A_3245, %add3A_3248 : vector<16xf32>
        %mul3A_3250 = vector.broadcast %scan3A : f32 to vector<16xf32>
        %mul3A_3251 = arith.mulf %add3A_3157, %mul3A_3250 : vector<16xf32>
        %add3A_3252 = arith.addf %mul3A_1927, %mul3A_3251 : vector<16xf32>
        %max3A_3253 = arith.maximumf %max3A_3249, %add3A_3252 : vector<16xf32>
        %mul3A_3254 = vector.broadcast %scan3A : f32 to vector<16xf32>
        %mul3A_3255 = arith.mulf %add3A_3165, %mul3A_3254 : vector<16xf32>
        %add3A_3256 = arith.addf %mul3A_1936, %mul3A_3255 : vector<16xf32>
        %max3A_3257 = arith.maximumf %max3A_3253, %add3A_3256 : vector<16xf32>
        %mul3A_3258 = vector.broadcast %scan3A : f32 to vector<16xf32>
        %mul3A_3259 = arith.mulf %add3A_3173, %mul3A_3258 : vector<16xf32>
        %add3A_3260 = arith.addf %mul3A_1945, %mul3A_3259 : vector<16xf32>
        %max3A_3261 = arith.maximumf %max3A_3257, %add3A_3260 : vector<16xf32>
        %mul3A_3262 = vector.broadcast %scan3A : f32 to vector<16xf32>
        %mul3A_3263 = arith.mulf %add3A_3181, %mul3A_3262 : vector<16xf32>
        %add3A_3264 = arith.addf %mul3A_1954, %mul3A_3263 : vector<16xf32>
        %max3A_3265 = arith.maximumf %max3A_3261, %add3A_3264 : vector<16xf32>
        %mul3A_3266 = vector.broadcast %scan3A : f32 to vector<16xf32>
        %mul3A_3267 = arith.mulf %add3A_3189, %mul3A_3266 : vector<16xf32>
        %add3A_3268 = arith.addf %mul3A_1963, %mul3A_3267 : vector<16xf32>
        %max3A_3269 = arith.maximumf %max3A_3265, %add3A_3268 : vector<16xf32>
        %mul3A_3270 = vector.broadcast %scan3A : f32 to vector<16xf32>
        %mul3A_3271 = arith.mulf %add3A_3197, %mul3A_3270 : vector<16xf32>
        %add3A_3272 = arith.addf %mul3A_1972, %mul3A_3271 : vector<16xf32>
        %max3A_3273 = arith.maximumf %max3A_3269, %add3A_3272 : vector<16xf32>
        %mul3A_3274 = vector.broadcast %scan3A : f32 to vector<16xf32>
        %mul3A_3275 = arith.mulf %add3A_3205, %mul3A_3274 : vector<16xf32>
        %add3A_3276 = arith.addf %mul3A_1981, %mul3A_3275 : vector<16xf32>
        %max3A_3277 = arith.maximumf %max3A_3273, %add3A_3276 : vector<16xf32>
        %mul3A_3278 = vector.broadcast %scan3A : f32 to vector<16xf32>
        %mul3A_3279 = arith.mulf %add3A_3213, %mul3A_3278 : vector<16xf32>
        %add3A_3280 = arith.addf %mul3A_1990, %mul3A_3279 : vector<16xf32>
        %max3A_3281 = arith.maximumf %max3A_3277, %add3A_3280 : vector<16xf32>
        %add3A_3282 = arith.addf %add3A_3078, %max3A_3281 : vector<16xf32>
        %sub3A_3283 = arith.subf %broadcast_in_dim3A_6, %add3A_3085 : vector<16xf32>
        %sub3A_3284 = arith.subf %broadcast_in_dim3A_6, %broadcast_in_dim3A_4 : vector<16xf32>
        %mul3A_3285 = arith.mulf %sub3A_3283, %sub3A_3284 : vector<16xf32>
        %eq3A_3286 = arith.cmpf oeq, %mul3A_1846, %max3A_3281 : vector<16xf32>
        %select_n3A_3287 = arith.select %eq3A_3286, %broadcast_in_dim3A_6, %broadcast_in_dim3A_4 : vector<16xi1>, vector<16xf32>
        %mul3A_3288 = arith.mulf %mul3A_3285, %select_n3A_3287 : vector<16xf32>
        %add3A_3289 = arith.addf %add3A_3085, %mul3A_3288 : vector<16xf32>
        %add3A_3290 = arith.addf %broadcast_in_dim3A_4, %mul3A_3288 : vector<16xf32>
        %sub3A_3291 = arith.subf %broadcast_in_dim3A_6, %add3A_3093 : vector<16xf32>
        %sub3A_3292 = arith.subf %broadcast_in_dim3A_6, %add3A_3290 : vector<16xf32>
        %mul3A_3293 = arith.mulf %sub3A_3291, %sub3A_3292 : vector<16xf32>
        %eq3A_3294 = arith.cmpf oeq, %mul3A_1855, %max3A_3281 : vector<16xf32>
        %select_n3A_3295 = arith.select %eq3A_3294, %broadcast_in_dim3A_6, %broadcast_in_dim3A_4 : vector<16xi1>, vector<16xf32>
        %mul3A_3296 = arith.mulf %mul3A_3293, %select_n3A_3295 : vector<16xf32>
        %add3A_3297 = arith.addf %add3A_3093, %mul3A_3296 : vector<16xf32>
        %add3A_3298 = arith.addf %add3A_3290, %mul3A_3296 : vector<16xf32>
        %sub3A_3299 = arith.subf %broadcast_in_dim3A_6, %add3A_3101 : vector<16xf32>
        %sub3A_3300 = arith.subf %broadcast_in_dim3A_6, %add3A_3298 : vector<16xf32>
        %mul3A_3301 = arith.mulf %sub3A_3299, %sub3A_3300 : vector<16xf32>
        %eq3A_3302 = arith.cmpf oeq, %mul3A_1864, %max3A_3281 : vector<16xf32>
        %select_n3A_3303 = arith.select %eq3A_3302, %broadcast_in_dim3A_6, %broadcast_in_dim3A_4 : vector<16xi1>, vector<16xf32>
        %mul3A_3304 = arith.mulf %mul3A_3301, %select_n3A_3303 : vector<16xf32>
        %add3A_3305 = arith.addf %add3A_3101, %mul3A_3304 : vector<16xf32>
        %add3A_3306 = arith.addf %add3A_3298, %mul3A_3304 : vector<16xf32>
        %sub3A_3307 = arith.subf %broadcast_in_dim3A_6, %add3A_3109 : vector<16xf32>
        %sub3A_3308 = arith.subf %broadcast_in_dim3A_6, %add3A_3306 : vector<16xf32>
        %mul3A_3309 = arith.mulf %sub3A_3307, %sub3A_3308 : vector<16xf32>
        %eq3A_3310 = arith.cmpf oeq, %mul3A_1873, %max3A_3281 : vector<16xf32>
        %select_n3A_3311 = arith.select %eq3A_3310, %broadcast_in_dim3A_6, %broadcast_in_dim3A_4 : vector<16xi1>, vector<16xf32>
        %mul3A_3312 = arith.mulf %mul3A_3309, %select_n3A_3311 : vector<16xf32>
        %add3A_3313 = arith.addf %add3A_3109, %mul3A_3312 : vector<16xf32>
        %add3A_3314 = arith.addf %add3A_3306, %mul3A_3312 : vector<16xf32>
        %sub3A_3315 = arith.subf %broadcast_in_dim3A_6, %add3A_3117 : vector<16xf32>
        %sub3A_3316 = arith.subf %broadcast_in_dim3A_6, %add3A_3314 : vector<16xf32>
        %mul3A_3317 = arith.mulf %sub3A_3315, %sub3A_3316 : vector<16xf32>
        %eq3A_3318 = arith.cmpf oeq, %mul3A_1882, %max3A_3281 : vector<16xf32>
        %select_n3A_3319 = arith.select %eq3A_3318, %broadcast_in_dim3A_6, %broadcast_in_dim3A_4 : vector<16xi1>, vector<16xf32>
        %mul3A_3320 = arith.mulf %mul3A_3317, %select_n3A_3319 : vector<16xf32>
        %add3A_3321 = arith.addf %add3A_3117, %mul3A_3320 : vector<16xf32>
        %add3A_3322 = arith.addf %add3A_3314, %mul3A_3320 : vector<16xf32>
        %sub3A_3323 = arith.subf %broadcast_in_dim3A_6, %add3A_3125 : vector<16xf32>
        %sub3A_3324 = arith.subf %broadcast_in_dim3A_6, %add3A_3322 : vector<16xf32>
        %mul3A_3325 = arith.mulf %sub3A_3323, %sub3A_3324 : vector<16xf32>
        %eq3A_3326 = arith.cmpf oeq, %mul3A_1891, %max3A_3281 : vector<16xf32>
        %select_n3A_3327 = arith.select %eq3A_3326, %broadcast_in_dim3A_6, %broadcast_in_dim3A_4 : vector<16xi1>, vector<16xf32>
        %mul3A_3328 = arith.mulf %mul3A_3325, %select_n3A_3327 : vector<16xf32>
        %add3A_3329 = arith.addf %add3A_3125, %mul3A_3328 : vector<16xf32>
        %add3A_3330 = arith.addf %add3A_3322, %mul3A_3328 : vector<16xf32>
        %sub3A_3331 = arith.subf %broadcast_in_dim3A_6, %add3A_3133 : vector<16xf32>
        %sub3A_3332 = arith.subf %broadcast_in_dim3A_6, %add3A_3330 : vector<16xf32>
        %mul3A_3333 = arith.mulf %sub3A_3331, %sub3A_3332 : vector<16xf32>
        %eq3A_3334 = arith.cmpf oeq, %mul3A_1900, %max3A_3281 : vector<16xf32>
        %select_n3A_3335 = arith.select %eq3A_3334, %broadcast_in_dim3A_6, %broadcast_in_dim3A_4 : vector<16xi1>, vector<16xf32>
        %mul3A_3336 = arith.mulf %mul3A_3333, %select_n3A_3335 : vector<16xf32>
        %add3A_3337 = arith.addf %add3A_3133, %mul3A_3336 : vector<16xf32>
        %add3A_3338 = arith.addf %add3A_3330, %mul3A_3336 : vector<16xf32>
        %sub3A_3339 = arith.subf %broadcast_in_dim3A_6, %add3A_3141 : vector<16xf32>
        %sub3A_3340 = arith.subf %broadcast_in_dim3A_6, %add3A_3338 : vector<16xf32>
        %mul3A_3341 = arith.mulf %sub3A_3339, %sub3A_3340 : vector<16xf32>
        %eq3A_3342 = arith.cmpf oeq, %mul3A_1909, %max3A_3281 : vector<16xf32>
        %select_n3A_3343 = arith.select %eq3A_3342, %broadcast_in_dim3A_6, %broadcast_in_dim3A_4 : vector<16xi1>, vector<16xf32>
        %mul3A_3344 = arith.mulf %mul3A_3341, %select_n3A_3343 : vector<16xf32>
        %add3A_3345 = arith.addf %add3A_3141, %mul3A_3344 : vector<16xf32>
        %add3A_3346 = arith.addf %add3A_3338, %mul3A_3344 : vector<16xf32>
        %sub3A_3347 = arith.subf %broadcast_in_dim3A_6, %add3A_3149 : vector<16xf32>
        %sub3A_3348 = arith.subf %broadcast_in_dim3A_6, %add3A_3346 : vector<16xf32>
        %mul3A_3349 = arith.mulf %sub3A_3347, %sub3A_3348 : vector<16xf32>
        %eq3A_3350 = arith.cmpf oeq, %mul3A_1918, %max3A_3281 : vector<16xf32>
        %select_n3A_3351 = arith.select %eq3A_3350, %broadcast_in_dim3A_6, %broadcast_in_dim3A_4 : vector<16xi1>, vector<16xf32>
        %mul3A_3352 = arith.mulf %mul3A_3349, %select_n3A_3351 : vector<16xf32>
        %add3A_3353 = arith.addf %add3A_3149, %mul3A_3352 : vector<16xf32>
        %add3A_3354 = arith.addf %add3A_3346, %mul3A_3352 : vector<16xf32>
        %sub3A_3355 = arith.subf %broadcast_in_dim3A_6, %add3A_3157 : vector<16xf32>
        %sub3A_3356 = arith.subf %broadcast_in_dim3A_6, %add3A_3354 : vector<16xf32>
        %mul3A_3357 = arith.mulf %sub3A_3355, %sub3A_3356 : vector<16xf32>
        %eq3A_3358 = arith.cmpf oeq, %mul3A_1927, %max3A_3281 : vector<16xf32>
        %select_n3A_3359 = arith.select %eq3A_3358, %broadcast_in_dim3A_6, %broadcast_in_dim3A_4 : vector<16xi1>, vector<16xf32>
        %mul3A_3360 = arith.mulf %mul3A_3357, %select_n3A_3359 : vector<16xf32>
        %add3A_3361 = arith.addf %add3A_3157, %mul3A_3360 : vector<16xf32>
        %add3A_3362 = arith.addf %add3A_3354, %mul3A_3360 : vector<16xf32>
        %sub3A_3363 = arith.subf %broadcast_in_dim3A_6, %add3A_3165 : vector<16xf32>
        %sub3A_3364 = arith.subf %broadcast_in_dim3A_6, %add3A_3362 : vector<16xf32>
        %mul3A_3365 = arith.mulf %sub3A_3363, %sub3A_3364 : vector<16xf32>
        %eq3A_3366 = arith.cmpf oeq, %mul3A_1936, %max3A_3281 : vector<16xf32>
        %select_n3A_3367 = arith.select %eq3A_3366, %broadcast_in_dim3A_6, %broadcast_in_dim3A_4 : vector<16xi1>, vector<16xf32>
        %mul3A_3368 = arith.mulf %mul3A_3365, %select_n3A_3367 : vector<16xf32>
        %add3A_3369 = arith.addf %add3A_3165, %mul3A_3368 : vector<16xf32>
        %add3A_3370 = arith.addf %add3A_3362, %mul3A_3368 : vector<16xf32>
        %sub3A_3371 = arith.subf %broadcast_in_dim3A_6, %add3A_3173 : vector<16xf32>
        %sub3A_3372 = arith.subf %broadcast_in_dim3A_6, %add3A_3370 : vector<16xf32>
        %mul3A_3373 = arith.mulf %sub3A_3371, %sub3A_3372 : vector<16xf32>
        %eq3A_3374 = arith.cmpf oeq, %mul3A_1945, %max3A_3281 : vector<16xf32>
        %select_n3A_3375 = arith.select %eq3A_3374, %broadcast_in_dim3A_6, %broadcast_in_dim3A_4 : vector<16xi1>, vector<16xf32>
        %mul3A_3376 = arith.mulf %mul3A_3373, %select_n3A_3375 : vector<16xf32>
        %add3A_3377 = arith.addf %add3A_3173, %mul3A_3376 : vector<16xf32>
        %add3A_3378 = arith.addf %add3A_3370, %mul3A_3376 : vector<16xf32>
        %sub3A_3379 = arith.subf %broadcast_in_dim3A_6, %add3A_3181 : vector<16xf32>
        %sub3A_3380 = arith.subf %broadcast_in_dim3A_6, %add3A_3378 : vector<16xf32>
        %mul3A_3381 = arith.mulf %sub3A_3379, %sub3A_3380 : vector<16xf32>
        %eq3A_3382 = arith.cmpf oeq, %mul3A_1954, %max3A_3281 : vector<16xf32>
        %select_n3A_3383 = arith.select %eq3A_3382, %broadcast_in_dim3A_6, %broadcast_in_dim3A_4 : vector<16xi1>, vector<16xf32>
        %mul3A_3384 = arith.mulf %mul3A_3381, %select_n3A_3383 : vector<16xf32>
        %add3A_3385 = arith.addf %add3A_3181, %mul3A_3384 : vector<16xf32>
        %add3A_3386 = arith.addf %add3A_3378, %mul3A_3384 : vector<16xf32>
        %sub3A_3387 = arith.subf %broadcast_in_dim3A_6, %add3A_3189 : vector<16xf32>
        %sub3A_3388 = arith.subf %broadcast_in_dim3A_6, %add3A_3386 : vector<16xf32>
        %mul3A_3389 = arith.mulf %sub3A_3387, %sub3A_3388 : vector<16xf32>
        %eq3A_3390 = arith.cmpf oeq, %mul3A_1963, %max3A_3281 : vector<16xf32>
        %select_n3A_3391 = arith.select %eq3A_3390, %broadcast_in_dim3A_6, %broadcast_in_dim3A_4 : vector<16xi1>, vector<16xf32>
        %mul3A_3392 = arith.mulf %mul3A_3389, %select_n3A_3391 : vector<16xf32>
        %add3A_3393 = arith.addf %add3A_3189, %mul3A_3392 : vector<16xf32>
        %add3A_3394 = arith.addf %add3A_3386, %mul3A_3392 : vector<16xf32>
        %sub3A_3395 = arith.subf %broadcast_in_dim3A_6, %add3A_3197 : vector<16xf32>
        %sub3A_3396 = arith.subf %broadcast_in_dim3A_6, %add3A_3394 : vector<16xf32>
        %mul3A_3397 = arith.mulf %sub3A_3395, %sub3A_3396 : vector<16xf32>
        %eq3A_3398 = arith.cmpf oeq, %mul3A_1972, %max3A_3281 : vector<16xf32>
        %select_n3A_3399 = arith.select %eq3A_3398, %broadcast_in_dim3A_6, %broadcast_in_dim3A_4 : vector<16xi1>, vector<16xf32>
        %mul3A_3400 = arith.mulf %mul3A_3397, %select_n3A_3399 : vector<16xf32>
        %add3A_3401 = arith.addf %add3A_3197, %mul3A_3400 : vector<16xf32>
        %add3A_3402 = arith.addf %add3A_3394, %mul3A_3400 : vector<16xf32>
        %sub3A_3403 = arith.subf %broadcast_in_dim3A_6, %add3A_3205 : vector<16xf32>
        %sub3A_3404 = arith.subf %broadcast_in_dim3A_6, %add3A_3402 : vector<16xf32>
        %mul3A_3405 = arith.mulf %sub3A_3403, %sub3A_3404 : vector<16xf32>
        %eq3A_3406 = arith.cmpf oeq, %mul3A_1981, %max3A_3281 : vector<16xf32>
        %select_n3A_3407 = arith.select %eq3A_3406, %broadcast_in_dim3A_6, %broadcast_in_dim3A_4 : vector<16xi1>, vector<16xf32>
        %mul3A_3408 = arith.mulf %mul3A_3405, %select_n3A_3407 : vector<16xf32>
        %add3A_3409 = arith.addf %add3A_3205, %mul3A_3408 : vector<16xf32>
        %add3A_3410 = arith.addf %add3A_3402, %mul3A_3408 : vector<16xf32>
        %sub3A_3411 = arith.subf %broadcast_in_dim3A_6, %add3A_3213 : vector<16xf32>
        %sub3A_3412 = arith.subf %broadcast_in_dim3A_6, %add3A_3410 : vector<16xf32>
        %mul3A_3413 = arith.mulf %sub3A_3411, %sub3A_3412 : vector<16xf32>
        %eq3A_3414 = arith.cmpf oeq, %mul3A_1990, %max3A_3281 : vector<16xf32>
        %select_n3A_3415 = arith.select %eq3A_3414, %broadcast_in_dim3A_6, %broadcast_in_dim3A_4 : vector<16xi1>, vector<16xf32>
        %mul3A_3416 = arith.mulf %mul3A_3413, %select_n3A_3415 : vector<16xf32>
        %add3A_3417 = arith.addf %add3A_3213, %mul3A_3416 : vector<16xf32>
        %add3A_3418 = arith.addf %add3A_3410, %mul3A_3416 : vector<16xf32>
        %mul3A_3419 = vector.broadcast %scan3A : f32 to vector<16xf32>
        %mul3A_3420 = arith.mulf %add3A_3289, %mul3A_3419 : vector<16xf32>
        %add3A_3421 = arith.addf %mul3A_1846, %mul3A_3420 : vector<16xf32>
        %mul3A_3422 = vector.broadcast %scan3A : f32 to vector<16xf32>
        %mul3A_3423 = arith.mulf %add3A_3297, %mul3A_3422 : vector<16xf32>
        %add3A_3424 = arith.addf %mul3A_1855, %mul3A_3423 : vector<16xf32>
        %max3A_3425 = arith.maximumf %add3A_3421, %add3A_3424 : vector<16xf32>
        %mul3A_3426 = vector.broadcast %scan3A : f32 to vector<16xf32>
        %mul3A_3427 = arith.mulf %add3A_3305, %mul3A_3426 : vector<16xf32>
        %add3A_3428 = arith.addf %mul3A_1864, %mul3A_3427 : vector<16xf32>
        %max3A_3429 = arith.maximumf %max3A_3425, %add3A_3428 : vector<16xf32>
        %mul3A_3430 = vector.broadcast %scan3A : f32 to vector<16xf32>
        %mul3A_3431 = arith.mulf %add3A_3313, %mul3A_3430 : vector<16xf32>
        %add3A_3432 = arith.addf %mul3A_1873, %mul3A_3431 : vector<16xf32>
        %max3A_3433 = arith.maximumf %max3A_3429, %add3A_3432 : vector<16xf32>
        %mul3A_3434 = vector.broadcast %scan3A : f32 to vector<16xf32>
        %mul3A_3435 = arith.mulf %add3A_3321, %mul3A_3434 : vector<16xf32>
        %add3A_3436 = arith.addf %mul3A_1882, %mul3A_3435 : vector<16xf32>
        %max3A_3437 = arith.maximumf %max3A_3433, %add3A_3436 : vector<16xf32>
        %mul3A_3438 = vector.broadcast %scan3A : f32 to vector<16xf32>
        %mul3A_3439 = arith.mulf %add3A_3329, %mul3A_3438 : vector<16xf32>
        %add3A_3440 = arith.addf %mul3A_1891, %mul3A_3439 : vector<16xf32>
        %max3A_3441 = arith.maximumf %max3A_3437, %add3A_3440 : vector<16xf32>
        %mul3A_3442 = vector.broadcast %scan3A : f32 to vector<16xf32>
        %mul3A_3443 = arith.mulf %add3A_3337, %mul3A_3442 : vector<16xf32>
        %add3A_3444 = arith.addf %mul3A_1900, %mul3A_3443 : vector<16xf32>
        %max3A_3445 = arith.maximumf %max3A_3441, %add3A_3444 : vector<16xf32>
        %mul3A_3446 = vector.broadcast %scan3A : f32 to vector<16xf32>
        %mul3A_3447 = arith.mulf %add3A_3345, %mul3A_3446 : vector<16xf32>
        %add3A_3448 = arith.addf %mul3A_1909, %mul3A_3447 : vector<16xf32>
        %max3A_3449 = arith.maximumf %max3A_3445, %add3A_3448 : vector<16xf32>
        %mul3A_3450 = vector.broadcast %scan3A : f32 to vector<16xf32>
        %mul3A_3451 = arith.mulf %add3A_3353, %mul3A_3450 : vector<16xf32>
        %add3A_3452 = arith.addf %mul3A_1918, %mul3A_3451 : vector<16xf32>
        %max3A_3453 = arith.maximumf %max3A_3449, %add3A_3452 : vector<16xf32>
        %mul3A_3454 = vector.broadcast %scan3A : f32 to vector<16xf32>
        %mul3A_3455 = arith.mulf %add3A_3361, %mul3A_3454 : vector<16xf32>
        %add3A_3456 = arith.addf %mul3A_1927, %mul3A_3455 : vector<16xf32>
        %max3A_3457 = arith.maximumf %max3A_3453, %add3A_3456 : vector<16xf32>
        %mul3A_3458 = vector.broadcast %scan3A : f32 to vector<16xf32>
        %mul3A_3459 = arith.mulf %add3A_3369, %mul3A_3458 : vector<16xf32>
        %add3A_3460 = arith.addf %mul3A_1936, %mul3A_3459 : vector<16xf32>
        %max3A_3461 = arith.maximumf %max3A_3457, %add3A_3460 : vector<16xf32>
        %mul3A_3462 = vector.broadcast %scan3A : f32 to vector<16xf32>
        %mul3A_3463 = arith.mulf %add3A_3377, %mul3A_3462 : vector<16xf32>
        %add3A_3464 = arith.addf %mul3A_1945, %mul3A_3463 : vector<16xf32>
        %max3A_3465 = arith.maximumf %max3A_3461, %add3A_3464 : vector<16xf32>
        %mul3A_3466 = vector.broadcast %scan3A : f32 to vector<16xf32>
        %mul3A_3467 = arith.mulf %add3A_3385, %mul3A_3466 : vector<16xf32>
        %add3A_3468 = arith.addf %mul3A_1954, %mul3A_3467 : vector<16xf32>
        %max3A_3469 = arith.maximumf %max3A_3465, %add3A_3468 : vector<16xf32>
        %mul3A_3470 = vector.broadcast %scan3A : f32 to vector<16xf32>
        %mul3A_3471 = arith.mulf %add3A_3393, %mul3A_3470 : vector<16xf32>
        %add3A_3472 = arith.addf %mul3A_1963, %mul3A_3471 : vector<16xf32>
        %max3A_3473 = arith.maximumf %max3A_3469, %add3A_3472 : vector<16xf32>
        %mul3A_3474 = vector.broadcast %scan3A : f32 to vector<16xf32>
        %mul3A_3475 = arith.mulf %add3A_3401, %mul3A_3474 : vector<16xf32>
        %add3A_3476 = arith.addf %mul3A_1972, %mul3A_3475 : vector<16xf32>
        %max3A_3477 = arith.maximumf %max3A_3473, %add3A_3476 : vector<16xf32>
        %mul3A_3478 = vector.broadcast %scan3A : f32 to vector<16xf32>
        %mul3A_3479 = arith.mulf %add3A_3409, %mul3A_3478 : vector<16xf32>
        %add3A_3480 = arith.addf %mul3A_1981, %mul3A_3479 : vector<16xf32>
        %max3A_3481 = arith.maximumf %max3A_3477, %add3A_3480 : vector<16xf32>
        %mul3A_3482 = vector.broadcast %scan3A : f32 to vector<16xf32>
        %mul3A_3483 = arith.mulf %add3A_3417, %mul3A_3482 : vector<16xf32>
        %add3A_3484 = arith.addf %mul3A_1990, %mul3A_3483 : vector<16xf32>
        %max3A_3485 = arith.maximumf %max3A_3481, %add3A_3484 : vector<16xf32>
        %add3A_3486 = arith.addf %add3A_3282, %max3A_3485 : vector<16xf32>
        %sub3A_3487 = arith.subf %broadcast_in_dim3A_6, %add3A_3289 : vector<16xf32>
        %sub3A_3488 = arith.subf %broadcast_in_dim3A_6, %broadcast_in_dim3A_4 : vector<16xf32>
        %mul3A_3489 = arith.mulf %sub3A_3487, %sub3A_3488 : vector<16xf32>
        %eq3A_3490 = arith.cmpf oeq, %mul3A_1846, %max3A_3485 : vector<16xf32>
        %select_n3A_3491 = arith.select %eq3A_3490, %broadcast_in_dim3A_6, %broadcast_in_dim3A_4 : vector<16xi1>, vector<16xf32>
        %mul3A_3492 = arith.mulf %mul3A_3489, %select_n3A_3491 : vector<16xf32>
        %add3A_3493 = arith.addf %add3A_3289, %mul3A_3492 : vector<16xf32>
        %add3A_3494 = arith.addf %broadcast_in_dim3A_4, %mul3A_3492 : vector<16xf32>
        %sub3A_3495 = arith.subf %broadcast_in_dim3A_6, %add3A_3297 : vector<16xf32>
        %sub3A_3496 = arith.subf %broadcast_in_dim3A_6, %add3A_3494 : vector<16xf32>
        %mul3A_3497 = arith.mulf %sub3A_3495, %sub3A_3496 : vector<16xf32>
        %eq3A_3498 = arith.cmpf oeq, %mul3A_1855, %max3A_3485 : vector<16xf32>
        %select_n3A_3499 = arith.select %eq3A_3498, %broadcast_in_dim3A_6, %broadcast_in_dim3A_4 : vector<16xi1>, vector<16xf32>
        %mul3A_3500 = arith.mulf %mul3A_3497, %select_n3A_3499 : vector<16xf32>
        %add3A_3501 = arith.addf %add3A_3297, %mul3A_3500 : vector<16xf32>
        %add3A_3502 = arith.addf %add3A_3494, %mul3A_3500 : vector<16xf32>
        %sub3A_3503 = arith.subf %broadcast_in_dim3A_6, %add3A_3305 : vector<16xf32>
        %sub3A_3504 = arith.subf %broadcast_in_dim3A_6, %add3A_3502 : vector<16xf32>
        %mul3A_3505 = arith.mulf %sub3A_3503, %sub3A_3504 : vector<16xf32>
        %eq3A_3506 = arith.cmpf oeq, %mul3A_1864, %max3A_3485 : vector<16xf32>
        %select_n3A_3507 = arith.select %eq3A_3506, %broadcast_in_dim3A_6, %broadcast_in_dim3A_4 : vector<16xi1>, vector<16xf32>
        %mul3A_3508 = arith.mulf %mul3A_3505, %select_n3A_3507 : vector<16xf32>
        %add3A_3509 = arith.addf %add3A_3305, %mul3A_3508 : vector<16xf32>
        %add3A_3510 = arith.addf %add3A_3502, %mul3A_3508 : vector<16xf32>
        %sub3A_3511 = arith.subf %broadcast_in_dim3A_6, %add3A_3313 : vector<16xf32>
        %sub3A_3512 = arith.subf %broadcast_in_dim3A_6, %add3A_3510 : vector<16xf32>
        %mul3A_3513 = arith.mulf %sub3A_3511, %sub3A_3512 : vector<16xf32>
        %eq3A_3514 = arith.cmpf oeq, %mul3A_1873, %max3A_3485 : vector<16xf32>
        %select_n3A_3515 = arith.select %eq3A_3514, %broadcast_in_dim3A_6, %broadcast_in_dim3A_4 : vector<16xi1>, vector<16xf32>
        %mul3A_3516 = arith.mulf %mul3A_3513, %select_n3A_3515 : vector<16xf32>
        %add3A_3517 = arith.addf %add3A_3313, %mul3A_3516 : vector<16xf32>
        %add3A_3518 = arith.addf %add3A_3510, %mul3A_3516 : vector<16xf32>
        %sub3A_3519 = arith.subf %broadcast_in_dim3A_6, %add3A_3321 : vector<16xf32>
        %sub3A_3520 = arith.subf %broadcast_in_dim3A_6, %add3A_3518 : vector<16xf32>
        %mul3A_3521 = arith.mulf %sub3A_3519, %sub3A_3520 : vector<16xf32>
        %eq3A_3522 = arith.cmpf oeq, %mul3A_1882, %max3A_3485 : vector<16xf32>
        %select_n3A_3523 = arith.select %eq3A_3522, %broadcast_in_dim3A_6, %broadcast_in_dim3A_4 : vector<16xi1>, vector<16xf32>
        %mul3A_3524 = arith.mulf %mul3A_3521, %select_n3A_3523 : vector<16xf32>
        %add3A_3525 = arith.addf %add3A_3321, %mul3A_3524 : vector<16xf32>
        %add3A_3526 = arith.addf %add3A_3518, %mul3A_3524 : vector<16xf32>
        %sub3A_3527 = arith.subf %broadcast_in_dim3A_6, %add3A_3329 : vector<16xf32>
        %sub3A_3528 = arith.subf %broadcast_in_dim3A_6, %add3A_3526 : vector<16xf32>
        %mul3A_3529 = arith.mulf %sub3A_3527, %sub3A_3528 : vector<16xf32>
        %eq3A_3530 = arith.cmpf oeq, %mul3A_1891, %max3A_3485 : vector<16xf32>
        %select_n3A_3531 = arith.select %eq3A_3530, %broadcast_in_dim3A_6, %broadcast_in_dim3A_4 : vector<16xi1>, vector<16xf32>
        %mul3A_3532 = arith.mulf %mul3A_3529, %select_n3A_3531 : vector<16xf32>
        %add3A_3533 = arith.addf %add3A_3329, %mul3A_3532 : vector<16xf32>
        %add3A_3534 = arith.addf %add3A_3526, %mul3A_3532 : vector<16xf32>
        %sub3A_3535 = arith.subf %broadcast_in_dim3A_6, %add3A_3337 : vector<16xf32>
        %sub3A_3536 = arith.subf %broadcast_in_dim3A_6, %add3A_3534 : vector<16xf32>
        %mul3A_3537 = arith.mulf %sub3A_3535, %sub3A_3536 : vector<16xf32>
        %eq3A_3538 = arith.cmpf oeq, %mul3A_1900, %max3A_3485 : vector<16xf32>
        %select_n3A_3539 = arith.select %eq3A_3538, %broadcast_in_dim3A_6, %broadcast_in_dim3A_4 : vector<16xi1>, vector<16xf32>
        %mul3A_3540 = arith.mulf %mul3A_3537, %select_n3A_3539 : vector<16xf32>
        %add3A_3541 = arith.addf %add3A_3337, %mul3A_3540 : vector<16xf32>
        %add3A_3542 = arith.addf %add3A_3534, %mul3A_3540 : vector<16xf32>
        %sub3A_3543 = arith.subf %broadcast_in_dim3A_6, %add3A_3345 : vector<16xf32>
        %sub3A_3544 = arith.subf %broadcast_in_dim3A_6, %add3A_3542 : vector<16xf32>
        %mul3A_3545 = arith.mulf %sub3A_3543, %sub3A_3544 : vector<16xf32>
        %eq3A_3546 = arith.cmpf oeq, %mul3A_1909, %max3A_3485 : vector<16xf32>
        %select_n3A_3547 = arith.select %eq3A_3546, %broadcast_in_dim3A_6, %broadcast_in_dim3A_4 : vector<16xi1>, vector<16xf32>
        %mul3A_3548 = arith.mulf %mul3A_3545, %select_n3A_3547 : vector<16xf32>
        %add3A_3549 = arith.addf %add3A_3345, %mul3A_3548 : vector<16xf32>
        %add3A_3550 = arith.addf %add3A_3542, %mul3A_3548 : vector<16xf32>
        %sub3A_3551 = arith.subf %broadcast_in_dim3A_6, %add3A_3353 : vector<16xf32>
        %sub3A_3552 = arith.subf %broadcast_in_dim3A_6, %add3A_3550 : vector<16xf32>
        %mul3A_3553 = arith.mulf %sub3A_3551, %sub3A_3552 : vector<16xf32>
        %eq3A_3554 = arith.cmpf oeq, %mul3A_1918, %max3A_3485 : vector<16xf32>
        %select_n3A_3555 = arith.select %eq3A_3554, %broadcast_in_dim3A_6, %broadcast_in_dim3A_4 : vector<16xi1>, vector<16xf32>
        %mul3A_3556 = arith.mulf %mul3A_3553, %select_n3A_3555 : vector<16xf32>
        %add3A_3557 = arith.addf %add3A_3353, %mul3A_3556 : vector<16xf32>
        %add3A_3558 = arith.addf %add3A_3550, %mul3A_3556 : vector<16xf32>
        %sub3A_3559 = arith.subf %broadcast_in_dim3A_6, %add3A_3361 : vector<16xf32>
        %sub3A_3560 = arith.subf %broadcast_in_dim3A_6, %add3A_3558 : vector<16xf32>
        %mul3A_3561 = arith.mulf %sub3A_3559, %sub3A_3560 : vector<16xf32>
        %eq3A_3562 = arith.cmpf oeq, %mul3A_1927, %max3A_3485 : vector<16xf32>
        %select_n3A_3563 = arith.select %eq3A_3562, %broadcast_in_dim3A_6, %broadcast_in_dim3A_4 : vector<16xi1>, vector<16xf32>
        %mul3A_3564 = arith.mulf %mul3A_3561, %select_n3A_3563 : vector<16xf32>
        %add3A_3565 = arith.addf %add3A_3361, %mul3A_3564 : vector<16xf32>
        %add3A_3566 = arith.addf %add3A_3558, %mul3A_3564 : vector<16xf32>
        %sub3A_3567 = arith.subf %broadcast_in_dim3A_6, %add3A_3369 : vector<16xf32>
        %sub3A_3568 = arith.subf %broadcast_in_dim3A_6, %add3A_3566 : vector<16xf32>
        %mul3A_3569 = arith.mulf %sub3A_3567, %sub3A_3568 : vector<16xf32>
        %eq3A_3570 = arith.cmpf oeq, %mul3A_1936, %max3A_3485 : vector<16xf32>
        %select_n3A_3571 = arith.select %eq3A_3570, %broadcast_in_dim3A_6, %broadcast_in_dim3A_4 : vector<16xi1>, vector<16xf32>
        %mul3A_3572 = arith.mulf %mul3A_3569, %select_n3A_3571 : vector<16xf32>
        %add3A_3573 = arith.addf %add3A_3369, %mul3A_3572 : vector<16xf32>
        %add3A_3574 = arith.addf %add3A_3566, %mul3A_3572 : vector<16xf32>
        %sub3A_3575 = arith.subf %broadcast_in_dim3A_6, %add3A_3377 : vector<16xf32>
        %sub3A_3576 = arith.subf %broadcast_in_dim3A_6, %add3A_3574 : vector<16xf32>
        %mul3A_3577 = arith.mulf %sub3A_3575, %sub3A_3576 : vector<16xf32>
        %eq3A_3578 = arith.cmpf oeq, %mul3A_1945, %max3A_3485 : vector<16xf32>
        %select_n3A_3579 = arith.select %eq3A_3578, %broadcast_in_dim3A_6, %broadcast_in_dim3A_4 : vector<16xi1>, vector<16xf32>
        %mul3A_3580 = arith.mulf %mul3A_3577, %select_n3A_3579 : vector<16xf32>
        %add3A_3581 = arith.addf %add3A_3377, %mul3A_3580 : vector<16xf32>
        %add3A_3582 = arith.addf %add3A_3574, %mul3A_3580 : vector<16xf32>
        %sub3A_3583 = arith.subf %broadcast_in_dim3A_6, %add3A_3385 : vector<16xf32>
        %sub3A_3584 = arith.subf %broadcast_in_dim3A_6, %add3A_3582 : vector<16xf32>
        %mul3A_3585 = arith.mulf %sub3A_3583, %sub3A_3584 : vector<16xf32>
        %eq3A_3586 = arith.cmpf oeq, %mul3A_1954, %max3A_3485 : vector<16xf32>
        %select_n3A_3587 = arith.select %eq3A_3586, %broadcast_in_dim3A_6, %broadcast_in_dim3A_4 : vector<16xi1>, vector<16xf32>
        %mul3A_3588 = arith.mulf %mul3A_3585, %select_n3A_3587 : vector<16xf32>
        %add3A_3589 = arith.addf %add3A_3385, %mul3A_3588 : vector<16xf32>
        %add3A_3590 = arith.addf %add3A_3582, %mul3A_3588 : vector<16xf32>
        %sub3A_3591 = arith.subf %broadcast_in_dim3A_6, %add3A_3393 : vector<16xf32>
        %sub3A_3592 = arith.subf %broadcast_in_dim3A_6, %add3A_3590 : vector<16xf32>
        %mul3A_3593 = arith.mulf %sub3A_3591, %sub3A_3592 : vector<16xf32>
        %eq3A_3594 = arith.cmpf oeq, %mul3A_1963, %max3A_3485 : vector<16xf32>
        %select_n3A_3595 = arith.select %eq3A_3594, %broadcast_in_dim3A_6, %broadcast_in_dim3A_4 : vector<16xi1>, vector<16xf32>
        %mul3A_3596 = arith.mulf %mul3A_3593, %select_n3A_3595 : vector<16xf32>
        %add3A_3597 = arith.addf %add3A_3393, %mul3A_3596 : vector<16xf32>
        %add3A_3598 = arith.addf %add3A_3590, %mul3A_3596 : vector<16xf32>
        %sub3A_3599 = arith.subf %broadcast_in_dim3A_6, %add3A_3401 : vector<16xf32>
        %sub3A_3600 = arith.subf %broadcast_in_dim3A_6, %add3A_3598 : vector<16xf32>
        %mul3A_3601 = arith.mulf %sub3A_3599, %sub3A_3600 : vector<16xf32>
        %eq3A_3602 = arith.cmpf oeq, %mul3A_1972, %max3A_3485 : vector<16xf32>
        %select_n3A_3603 = arith.select %eq3A_3602, %broadcast_in_dim3A_6, %broadcast_in_dim3A_4 : vector<16xi1>, vector<16xf32>
        %mul3A_3604 = arith.mulf %mul3A_3601, %select_n3A_3603 : vector<16xf32>
        %add3A_3605 = arith.addf %add3A_3401, %mul3A_3604 : vector<16xf32>
        %add3A_3606 = arith.addf %add3A_3598, %mul3A_3604 : vector<16xf32>
        %sub3A_3607 = arith.subf %broadcast_in_dim3A_6, %add3A_3409 : vector<16xf32>
        %sub3A_3608 = arith.subf %broadcast_in_dim3A_6, %add3A_3606 : vector<16xf32>
        %mul3A_3609 = arith.mulf %sub3A_3607, %sub3A_3608 : vector<16xf32>
        %eq3A_3610 = arith.cmpf oeq, %mul3A_1981, %max3A_3485 : vector<16xf32>
        %select_n3A_3611 = arith.select %eq3A_3610, %broadcast_in_dim3A_6, %broadcast_in_dim3A_4 : vector<16xi1>, vector<16xf32>
        %mul3A_3612 = arith.mulf %mul3A_3609, %select_n3A_3611 : vector<16xf32>
        %add3A_3613 = arith.addf %add3A_3409, %mul3A_3612 : vector<16xf32>
        %add3A_3614 = arith.addf %add3A_3606, %mul3A_3612 : vector<16xf32>
        %sub3A_3615 = arith.subf %broadcast_in_dim3A_6, %add3A_3417 : vector<16xf32>
        %sub3A_3616 = arith.subf %broadcast_in_dim3A_6, %add3A_3614 : vector<16xf32>
        %mul3A_3617 = arith.mulf %sub3A_3615, %sub3A_3616 : vector<16xf32>
        %eq3A_3618 = arith.cmpf oeq, %mul3A_1990, %max3A_3485 : vector<16xf32>
        %select_n3A_3619 = arith.select %eq3A_3618, %broadcast_in_dim3A_6, %broadcast_in_dim3A_4 : vector<16xi1>, vector<16xf32>
        %mul3A_3620 = arith.mulf %mul3A_3617, %select_n3A_3619 : vector<16xf32>
        %add3A_3621 = arith.addf %add3A_3417, %mul3A_3620 : vector<16xf32>
        %add3A_3622 = arith.addf %add3A_3614, %mul3A_3620 : vector<16xf32>
        %add3A_3623 = arith.addf %add3A_1833, %add3A_3486 : vector<16xf32>
        scf.yield %add3A_3623 : vector<16xf32>
      }
      %scan3A_12 = arith.constant 4 : i32
      %iota3A = tpu.iota {dimensions = array<i32: 0>} : vector<16xi32>
      %xor3A = arith.constant 1 : i32
      %xor3A_13 = vector.broadcast %xor3A : i32 to vector<16xi32>
      %xor3A_14 = arith.xori %iota3A, %xor3A_13 : vector<16xi32>
      %broadcast_in_dim3A_15 = vector.shape_cast %xor3A_14 : vector<16xi32> to vector<16x1xi32>
      %gather3A = vector.shape_cast %broadcast_in_dim3A_15 : vector<16x1xi32> to vector<16xi32>
      %gather3A_16 = tpu.dynamic_gather %scan3A_11[%gather3A] in [0] : vector<16xf32>, vector<16xi32> -> vector<16xf32>
      %add3A = arith.addf %scan3A_11, %gather3A_16 : vector<16xf32>
      %xor3A_17 = arith.constant 2 : i32
      %xor3A_18 = vector.broadcast %xor3A_17 : i32 to vector<16xi32>
      %xor3A_19 = arith.xori %iota3A, %xor3A_18 : vector<16xi32>
      %broadcast_in_dim3A_20 = vector.shape_cast %xor3A_19 : vector<16xi32> to vector<16x1xi32>
      %gather3A_21 = vector.shape_cast %broadcast_in_dim3A_20 : vector<16x1xi32> to vector<16xi32>
      %gather3A_22 = tpu.dynamic_gather %add3A[%gather3A_21] in [0] : vector<16xf32>, vector<16xi32> -> vector<16xf32>
      %add3A_23 = arith.addf %add3A, %gather3A_22 : vector<16xf32>
      %xor3A_24 = arith.constant 4 : i32
      %xor3A_25 = vector.broadcast %xor3A_24 : i32 to vector<16xi32>
      %xor3A_26 = arith.xori %iota3A, %xor3A_25 : vector<16xi32>
      %broadcast_in_dim3A_27 = vector.shape_cast %xor3A_26 : vector<16xi32> to vector<16x1xi32>
      %gather3A_28 = vector.shape_cast %broadcast_in_dim3A_27 : vector<16x1xi32> to vector<16xi32>
      %gather3A_29 = tpu.dynamic_gather %add3A_23[%gather3A_28] in [0] : vector<16xf32>, vector<16xi32> -> vector<16xf32>
      %add3A_30 = arith.addf %add3A_23, %gather3A_29 : vector<16xf32>
      %xor3A_31 = arith.constant 8 : i32
      %xor3A_32 = vector.broadcast %xor3A_31 : i32 to vector<16xi32>
      %xor3A_33 = arith.xori %iota3A, %xor3A_32 : vector<16xi32>
      %broadcast_in_dim3A_34 = vector.shape_cast %xor3A_33 : vector<16xi32> to vector<16x1xi32>
      %gather3A_35 = vector.shape_cast %broadcast_in_dim3A_34 : vector<16x1xi32> to vector<16xi32>
      %gather3A_36 = tpu.dynamic_gather %add3A_30[%gather3A_35] in [0] : vector<16xf32>, vector<16xi32> -> vector<16xf32>
      %add3A_37 = arith.addf %add3A_30, %gather3A_36 : vector<16xf32>
      %div3A = arith.constant 1.024000e+03 : f32
      %div3A_38 = vector.broadcast %div3A : f32 to vector<16xf32>
      %div3A_39 = arith.divf %add3A_37, %div3A_38 : vector<16xf32>
      %lt3A = arith.constant 3 : i32
      %lt3A_40 = vector.broadcast %lt3A : i32 to vector<16xi32>
      %lt3A_41 = arith.cmpi slt, %iota3A, %lt3A_40 : vector<16xi32>
      %jit3A = arith.constant 0.000000e+00 : f32
      %broadcast_in_dim3A_42 = vector.broadcast %jit3A : f32 to vector<16xf32>
      %select_n3A = arith.select %lt3A_41, %div3A_39, %broadcast_in_dim3A_42 : vector<16xi1>, vector<16xf32>
      %swap3A = arith.constant 0 : index
      %swap3A_43 = tpu.vector_load %arg5[%swap3A] {strides = array<i32>} : memref<16xf32, #tpu.memory_space<vmem>>, vector<16xf32>,
      %swap3A_44 = vector.shape_cast %swap3A_43 : vector<16xf32> to vector<16xf32>
      %swap3A_45 = vector.shape_cast %select_n3A : vector<16xf32> to vector<16xf32>
      tpu.vector_store %arg5[%swap3A], %swap3A_45 {strides = array<i32>} : memref<16xf32, #tpu.memory_space<vmem>>, vector<16xf32>,
      "tpu.region"() ({
        %run_scoped3A = tpu.sem_alloc : memref<!tpu.dma_semaphore, #tpu.memory_space<semaphore_mem>>
        tpu.enqueue_dma source(%arg5 : memref<16xf32, #tpu.memory_space<vmem>>) target(%arg3 : memref<16xf32, #tpu.memory_space<hbm>>) target_semaphore(%run_scoped3A : memref<!tpu.dma_semaphore, #tpu.memory_space<semaphore_mem>>)
        tpu.wait_dma2 semaphore(%run_scoped3A : memref<!tpu.dma_semaphore, #tpu.memory_space<semaphore_mem>>) src(%arg5 : memref<16xf32, #tpu.memory_space<vmem>>) dst(%arg3 : memref<16xf32, #tpu.memory_space<hbm>>)
        tpu.yield
      }) : () -> ()
    } else {
    }
    return
  }
}

module attributes {stable_mosaic.version = 14 : i64} {
  func.func @_reduce_kernel(%arg0: i32, %arg1: memref<17x128xf32, #tpu.memory_space<vmem>>, %arg2: memref<1x6912x128xf32, #tpu.memory_space<vmem>>, %arg3: memref<1x6912x128xf32, #tpu.memory_space<vmem>>, %arg4: memref<1x6912x128xf32, #tpu.memory_space<vmem>>, %arg5: memref<17x128xf32, #tpu.memory_space<vmem>>, %arg6: memref<1x1xf32, #tpu.memory_space<smem>>, %arg7: memref<17x128xf32, #tpu.memory_space<vmem>>, %arg8: memref<17x128xf32, #tpu.memory_space<vmem>>, %arg9: memref<17x128xf32, #tpu.memory_space<vmem>>) attributes {dimension_semantics = [#tpu.dimension_semantics<arbitrary>], iteration_bounds = array<i64: 17>, scalar_prefetch = 0 : i64, scratch_operands = 3 : i64, tpu.core_type = #tpu.core_type<tc>, window_params = [{pipeline_mode = #tpu.pipeline_mode<synchronous>, transform_indices = @transform_0, window_bounds = array<i64: 17, 128>}, {transform_indices = @transform_1, window_bounds = array<i64: 1, 6912, 128>}, {transform_indices = @transform_2, window_bounds = array<i64: 1, 6912, 128>}, {transform_indices = @transform_3, window_bounds = array<i64: 1, 6912, 128>}, {pipeline_mode = #tpu.pipeline_mode<synchronous>, transform_indices = @transform_4, window_bounds = array<i64: 17, 128>}, {transform_indices = @transform_5, window_bounds = array<i64: 1, 1>}]} {
    %broadcast_in_dim3A = arith.constant 0.000000e+00 : f32
    %broadcast_in_dim3A_0 = vector.broadcast %broadcast_in_dim3A : f32 to vector<8x128xf32>
    %broadcast_in_dim3A_1 = arith.constant 0xFF800000 : f32
    %broadcast_in_dim3A_2 = vector.broadcast %broadcast_in_dim3A_1 : f32 to vector<8x128xf32>
    %scan3A = arith.constant 0 : i32
    %scan3A_3 = arith.constant 108 : i32
    %scan3A_4 = arith.addi %scan3A, %scan3A_3 : i32
    %scan3A_5 = arith.constant 1 : i32
    %scan3A_6:3 = scf.for %scan3A_25 = %scan3A to %scan3A_4 step %scan3A_5 iter_args(%scan3A_26 = %broadcast_in_dim3A_0, %scan3A_27 = %broadcast_in_dim3A_0, %scan3A_28 = %broadcast_in_dim3A_2) -> (vector<8x128xf32>, vector<8x128xf32>, vector<8x128xf32>)  : i32 {
      %mul3A = arith.constant 64 : i32
      %mul3A_29 = arith.muli %scan3A_25, %mul3A : i32
      %multiple_of3A = tpu.assume_multiple %mul3A_29, 64 : i32
      %get3A = arith.constant 0 : index
      %get3A_30 = arith.index_cast %multiple_of3A : i32 to index
      %get3A_31 = arith.constant 0 : index
      %get3A_32 = vector.load %arg2[%get3A, %get3A_30, %get3A_31] : memref<1x6912x128xf32, #tpu.memory_space<vmem>>, vector<1x64x128xf32>
      %get3A_33 = vector.shape_cast %get3A_32 : vector<1x64x128xf32> to vector<64x128xf32>
      %get3A_34 = arith.constant 0 : index
      %get3A_35 = arith.index_cast %multiple_of3A : i32 to index
      %get3A_36 = arith.constant 0 : index
      %get3A_37 = vector.load %arg3[%get3A_34, %get3A_35, %get3A_36] : memref<1x6912x128xf32, #tpu.memory_space<vmem>>, vector<1x64x128xf32>
      %get3A_38 = vector.shape_cast %get3A_37 : vector<1x64x128xf32> to vector<64x128xf32>
      %get3A_39 = arith.constant 0 : index
      %get3A_40 = arith.index_cast %multiple_of3A : i32 to index
      %get3A_41 = arith.constant 0 : index
      %get3A_42 = vector.load %arg4[%get3A_39, %get3A_40, %get3A_41] : memref<1x6912x128xf32, #tpu.memory_space<vmem>>, vector<1x64x128xf32>
      %get3A_43 = vector.shape_cast %get3A_42 : vector<1x64x128xf32> to vector<64x128xf32>
      %sub3A = arith.subf %get3A_33, %get3A_43 : vector<64x128xf32>
      %sub3A_44 = arith.subf %get3A_33, %get3A_38 : vector<64x128xf32>
      %mul3A_45 = arith.mulf %sub3A, %sub3A : vector<64x128xf32>
      %reshape3A = vector.shape_cast %mul3A_45 : vector<64x128xf32> to vector<8x8x128xf32>
      %reduce_sum3A_46 = arith.constant dense<0.000000e+00> : vector<8x128xf32>
      %reduce_sum3A_47 = vector.multi_reduction <add>, %reshape3A, %reduce_sum3A_46 [0] : vector<8x8x128xf32> to vector<8x128xf32>
      %add3A = arith.addf %scan3A_26, %reduce_sum3A_47 : vector<8x128xf32>
      %mul3A_48 = arith.mulf %sub3A_44, %sub3A_44 : vector<64x128xf32>
      %reshape3A_49 = vector.shape_cast %mul3A_48 : vector<64x128xf32> to vector<8x8x128xf32>
      %reduce_sum3A_50 = arith.constant dense<0.000000e+00> : vector<8x128xf32>
      %reduce_sum3A_51 = vector.multi_reduction <add>, %reshape3A_49, %reduce_sum3A_50 [0] : vector<8x8x128xf32> to vector<8x128xf32>
      %add3A_52 = arith.addf %scan3A_27, %reduce_sum3A_51 : vector<8x128xf32>
      %reshape3A_53 = vector.shape_cast %get3A_43 : vector<64x128xf32> to vector<8x8x128xf32>
      %reduce_max3A_54 = arith.constant dense<0xFF800000> : vector<8x128xf32>
      %reduce_max3A_55 = vector.multi_reduction <maximumf>, %reshape3A_53, %reduce_max3A_54 [0] : vector<8x8x128xf32> to vector<8x128xf32>
      %max3A = arith.maximumf %scan3A_28, %reduce_max3A_55 : vector<8x128xf32>
      scf.yield %add3A, %add3A_52, %max3A : vector<8x128xf32>, vector<8x128xf32>, vector<8x128xf32>
    }
    %scan3A_7 = arith.constant 108 : i32
    %reduce_sum3A = arith.constant dense<0.000000e+00> : vector<128xf32>
    %reduce_sum3A_8 = vector.multi_reduction <add>, %scan3A_6#0, %reduce_sum3A [0] : vector<8x128xf32> to vector<128xf32>
    %broadcast_in_dim3A_9 = vector.shape_cast %reduce_sum3A_8 : vector<128xf32> to vector<1x128xf32>
    %swap3A = arith.index_cast %arg0 : i32 to index
    %swap3A_10 = arith.constant 0 : index
    %swap3A_11 = vector.load %arg7[%swap3A, %swap3A_10] : memref<17x128xf32, #tpu.memory_space<vmem>>, vector<1x128xf32>
    tpu.vector_store %arg7[%swap3A, %swap3A_10], %broadcast_in_dim3A_9 {strides = array<i32>} : memref<17x128xf32, #tpu.memory_space<vmem>>, vector<1x128xf32>,
    %reduce_sum3A_12 = arith.constant dense<0.000000e+00> : vector<128xf32>
    %reduce_sum3A_13 = vector.multi_reduction <add>, %scan3A_6#1, %reduce_sum3A_12 [0] : vector<8x128xf32> to vector<128xf32>
    %broadcast_in_dim3A_14 = vector.shape_cast %reduce_sum3A_13 : vector<128xf32> to vector<1x128xf32>
    %swap3A_15 = arith.index_cast %arg0 : i32 to index
    %swap3A_16 = arith.constant 0 : index
    %swap3A_17 = vector.load %arg8[%swap3A_15, %swap3A_16] : memref<17x128xf32, #tpu.memory_space<vmem>>, vector<1x128xf32>
    tpu.vector_store %arg8[%swap3A_15, %swap3A_16], %broadcast_in_dim3A_14 {strides = array<i32>} : memref<17x128xf32, #tpu.memory_space<vmem>>, vector<1x128xf32>,
    %reduce_max3A = arith.constant dense<0xFF800000> : vector<128xf32>
    %reduce_max3A_18 = vector.multi_reduction <maximumf>, %scan3A_6#2, %reduce_max3A [0] : vector<8x128xf32> to vector<128xf32>
    %broadcast_in_dim3A_19 = vector.shape_cast %reduce_max3A_18 : vector<128xf32> to vector<1x128xf32>
    %swap3A_20 = arith.index_cast %arg0 : i32 to index
    %swap3A_21 = arith.constant 0 : index
    %swap3A_22 = vector.load %arg9[%swap3A_20, %swap3A_21] : memref<17x128xf32, #tpu.memory_space<vmem>>, vector<1x128xf32>
    tpu.vector_store %arg9[%swap3A_20, %swap3A_21], %broadcast_in_dim3A_19 {strides = array<i32>} : memref<17x128xf32, #tpu.memory_space<vmem>>, vector<1x128xf32>,
    %eq3A = arith.constant 16 : i32
    %eq3A_23 = arith.cmpi eq, %arg0, %eq3A : i32
    %convert_element_type3A = arith.extui %eq3A_23 : i1 to i32
    %cond3A = arith.constant 0 : i32
    %cond3A_24 = arith.cmpi ne, %convert_element_type3A, %cond3A : i32
    scf.if %cond3A_24 {
      %get3A = arith.constant 0 : index
      %get3A_25 = arith.constant 0 : index
      %get3A_26 = vector.load %arg1[%get3A, %get3A_25] : memref<17x128xf32, #tpu.memory_space<vmem>>, vector<17x128xf32>
      %mul3A = arith.mulf %get3A_26, %get3A_26 : vector<17x128xf32>
      %get3A_27 = arith.constant 0 : index
      %get3A_28 = arith.constant 0 : index
      %get3A_29 = vector.load %arg9[%get3A_27, %get3A_28] : memref<17x128xf32, #tpu.memory_space<vmem>>, vector<17x128xf32>
      %reduce_max3A_30 = arith.constant dense<0xFF800000> : vector<17xf32>
      %reduce_max3A_31 = vector.multi_reduction <maximumf>, %get3A_29, %reduce_max3A_30 [1] : vector<17x128xf32> to vector<17xf32>
      %broadcast_in_dim3A_32 = vector.shape_cast %reduce_max3A_31 : vector<17xf32> to vector<17x1xf32>
      %eq3A_33 = arith.constant 1.000000e+00 : f32
      %eq3A_34 = vector.broadcast %eq3A_33 : f32 to vector<17x1xf32>
      %eq3A_35 = arith.cmpf oeq, %broadcast_in_dim3A_32, %eq3A_34 : vector<17x1xf32>
      %jit3A = arith.constant 0.000000e+00 : f32
      %jit3A_36 = arith.constant 1.000000e+00 : f32
      %broadcast_in_dim3A_37 = vector.broadcast %jit3A : f32 to vector<17x1xf32>
      %broadcast_in_dim3A_38 = vector.broadcast %jit3A_36 : f32 to vector<17x1xf32>
      %select_n3A = arith.select %eq3A_35, %broadcast_in_dim3A_37, %broadcast_in_dim3A_38 : vector<17x1xi1>, vector<17x1xf32>
      %get3A_39 = arith.constant 0 : index
      %get3A_40 = arith.constant 0 : index
      %get3A_41 = vector.load %arg7[%get3A_39, %get3A_40] : memref<17x128xf32, #tpu.memory_space<vmem>>, vector<17x128xf32>
      %get3A_42 = arith.constant 0 : index
      %get3A_43 = arith.constant 0 : index
      %get3A_44 = vector.load %arg8[%get3A_42, %get3A_43] : memref<17x128xf32, #tpu.memory_space<vmem>>, vector<17x128xf32>
      %mul3A_45 = vector.broadcast %select_n3A : vector<17x1xf32> to vector<17x128xf32>
      %mul3A_46 = arith.mulf %mul3A_45, %get3A_44 : vector<17x128xf32>
      %add3A = arith.addf %get3A_41, %mul3A_46 : vector<17x128xf32>
      %mul3A_47 = arith.mulf %mul3A, %add3A : vector<17x128xf32>
      %swap3A_48 = arith.constant 0 : index
      %swap3A_49 = arith.constant 0 : index
      %swap3A_50 = vector.load %arg5[%swap3A_48, %swap3A_49] : memref<17x128xf32, #tpu.memory_space<vmem>>, vector<17x128xf32>
      tpu.vector_store %arg5[%swap3A_48, %swap3A_49], %mul3A_47 {strides = array<i32>} : memref<17x128xf32, #tpu.memory_space<vmem>>, vector<17x128xf32>,
      %reduce_sum3A_51 = vector.shape_cast %mul3A_47 : vector<17x128xf32> to vector<1x17x128xf32>
      %reduce_sum3A_52 = arith.constant dense<0.000000e+00> : vector<1xf32>
      %reduce_sum3A_53 = vector.multi_reduction <add>, %reduce_sum3A_51, %reduce_sum3A_52 [1, 2] : vector<1x17x128xf32> to vector<1xf32>
      %reduce_sum3A_54 = vector.shape_cast %reduce_sum3A_53 : vector<1xf32> to vector<1x1x1xf32>
      %reduce_sum3A_55 = vector.extract %reduce_sum3A_54[0, 0, 0] : f32 from vector<1x1x1xf32>
      %div3A = arith.constant 8.847360e+05 : f32
      %div3A_56 = arith.divf %reduce_sum3A_55, %div3A : f32
      %swap3A_57 = arith.constant 0 : index
      %swap3A_58 = arith.constant 0 : index
      %swap3A_59 = memref.load %arg6[%swap3A_57, %swap3A_58] : memref<1x1xf32, #tpu.memory_space<smem>>
      memref.store %div3A_56, %arg6[%swap3A_57, %swap3A_58] : memref<1x1xf32, #tpu.memory_space<smem>>
    } else {
    }
    return
  }
  func.func @transform_0(%arg0: i32) -> (i32, i32) {
    %c0_i32 = arith.constant 0 : i32
    %c0_i32_0 = arith.constant 0 : i32
    %c0_i32_1 = arith.constant 0 : i32
    return %c0_i32, %c0_i32_0 : i32, i32
  }
  func.func @transform_1(%arg0: i32) -> (i32, i32, i32) {
    %c0_i32 = arith.constant 0 : i32
    %c0_i32_0 = arith.constant 0 : i32
    %c0_i32_1 = arith.constant 0 : i32
    return %arg0, %c0_i32, %c0_i32_0 : i32, i32, i32
  }
  func.func @transform_2(%arg0: i32) -> (i32, i32, i32) {
    %c0_i32 = arith.constant 0 : i32
    %c0_i32_0 = arith.constant 0 : i32
    %c0_i32_1 = arith.constant 0 : i32
    return %arg0, %c0_i32, %c0_i32_0 : i32, i32, i32
  }
  func.func @transform_3(%arg0: i32) -> (i32, i32, i32) {
    %c0_i32 = arith.constant 0 : i32
    %c0_i32_0 = arith.constant 0 : i32
    %c0_i32_1 = arith.constant 0 : i32
    return %arg0, %c0_i32, %c0_i32_0 : i32, i32, i32
  }
  func.func @transform_4(%arg0: i32) -> (i32, i32) {
    %c0_i32 = arith.constant 0 : i32
    %c0_i32_0 = arith.constant 0 : i32
    %c0_i32_1 = arith.constant 0 : i32
    return %c0_i32, %c0_i32_0 : i32, i32
  }
  func.func @transform_5(%arg0: i32) -> (i32, i32) {
    %c0_i32 = arith.constant 0 : i32
    %c0_i32_0 = arith.constant 0 : i32
    %c0_i32_1 = arith.constant 0 : i32
    return %c0_i32, %c0_i32_0 : i32, i32
  }
}

</mosaic_0001>

<sc_bundles>
// kernel: kernel.4.cloned.1.call-start
scs
__scs_entry_jumppad:
0x0: {  	(pc) =	sbr.rel $0x88, $3  }
0x1: {  	(tag) =	ssettag $0x0;
	lr =	simm.s32 $0x1  }
0x2: {  	[smem:$0x3F9D] =	sst lr;
	_ =	strace $0xD0000000  }
0x3: {  	_ = 	snop  }
0x4: {  	_ = 	snop  }
0x5: {  	_ = 	snop  }
0x6: {  	_ = 	snop  }
0x7: {  	_ = 	snop  }
__scs_overlays_trampoline_lowered:
0x8: {  	[smem:$0x3FAC] =	sst s0  }
0x9: {  	[smem:$0x3FAD] =	sst s1  }
0xa: {  	[smem:$0x3FAE] =	sst s2  }
0xb: {  	[smem:$0x3FAF] =	sst s3  }
0xc: {  	[smem:$0x3FB0] =	sst s4  }
0xd: {  	[smem:$0x3FB1] =	sst s5  }
0xe: {  	[smem:$0x3FB2] =	sst s6  }
0xf: {  	[smem:$0x3FB3] =	sst s7  }
0x10: {  	[smem:$0x3FB4] =	sst s8  }
0x11: {  	[smem:$0x3FB5] =	sst s9;
	s0 =	simm.s32 @!p0 $0x0  }
0x12: {  	s1 =	sld [smem:$0x3F9B];
	s0 =	simm.s32 @p0 $0x1  }
0x13: {  	[smem:$0x3FB6] =	sst s0;
	s0 =	simm.s32 @!p1 $0x0  }
0x14: {  	s2 =	sld [smem:$0x3F9A];
	s0 =	simm.s32 @p1 $0x1  }
0x15: {  	[smem:$0x3FB7] =	sst s0;
	s0 =	simm.s32 @!p2 $0x0  }
0x16: {  	s3 =	sld [smem:$0x3FDB];
	s0 =	simm.s32 @p2 $0x1  }
0x17: {  	s4 =	simm.s32 $0x1BF5;
	[smem:$0x3FB9] =	sst s0  }
0x18: {  	s0 =	sld [smem:$0x3F9C];
	_ =	swait.ge [sflag:s4], $0x0  }
0x19: {  	s7 =	sld [smem:$0x3F9D]  }
0x1a: {  	s8 =	sadd.s32 $0xFFFFE003, lr  }
0x1b: {  	s9 =	sadd.s32 $0xFFFFFEF7, lr;
	s5 =	simm.s32 $0xFFFFFFFF;
	p2 =	slt.u32 s8, $0xFFFFF086  }
0x1c: {  	p1 =	slt.u32 s9, $0xF7A;
	s5 =	simm.s32 @!p2 $0x0  }
0x1d: {  	s5 =	simm.s32 @p1 $0x1;
	p0 =	seq.s32 s7, s2  }
0x1e: {  	s7 =	smul.u32 @!p0 $0xF7A, s2;
	p2 =	seq.s32 @!p0 s5, $0x0  }
0x1f: {  	s9 =	smul.u32 $0xF7A, s1;
	s8 =	simm.s32 @!p0 $0x1BF5;
	p2 =	por !p2, p0  }
0x20: {  	[sflag:s8] =	ssyncset.s32 @!p0 $0xFFFFF086;
	s6 =	sadd.s32 @!p0 s3, s7;
	s7 =	simm.s32 @!p0 $0x108  }
0x21: {  	s3 =	sadd.s32 s3, s9;
	s6 =	sadd.s32 @!p0 $0x88, s6;
	s7 =	simm.s32 @p2 $0x1082  }
0x22: {  	[simem:s7], [sflag:s8] =	dma.local @!p0 [hbm:s6], $0xF7A  }
0x23: {  	s9 =	sor.u32 $0xD0000000, s2;
	s6 =	simm.s32 $0x108;
	_ =	swait.ge @!p0 [sflag:s8], $0x0  }
0x24: {  	s3 =	sadd.s32 $0x88, s3;
	s6 =	simm.s32 @!p1 $0x1082;
	[sflag:s4] =	ssyncset.s32 $0xFFFFF086  }
0x25: {  	[simem:s6], [sflag:s4] =	dma.local [hbm:s3], $0xF7A  }
0x26: {  	[smem:$0x3F9D] =	sst s1;
	(tag) =	ssettag s2;
	_ =	strace s9  }
0x27: {  	s1 =	sld [smem:$0x3FAD]  }
0x28: {  	s2 =	sld [smem:$0x3FAE]  }
0x29: {  	s4 =	sld [smem:$0x3FB0]  }
0x2a: {  	p0 =	seq.s32 s5, $0x0;
	s5 =	sld [smem:$0x3FB1]  }
0x2b: {  	s6 =	sld [smem:$0x3FB2]  }
0x2c: {  	s7 =	sld [smem:$0x3FB3]  }
0x2d: {  	s3 =	simm.s32 $0x108;
	s8 =	sld [smem:$0x3FB4]  }
0x2e: {  	s3 =	simm.s32 @!p0 $0x1082;
	s9 =	sld [smem:$0x3FB5]  }
0x2f: {  	lr =	sadd.s32 s0, s3;
	s0 =	sld [smem:$0x3FAC]  }
0x30: {  	s3 =	sld [smem:$0x3FAF]  }
0x31: {  	[smem:$0x3FB8] =	sst s10  }
0x32: {  	s10 =	sld [smem:$0x3FB6];
	_ =	sdelay $0x3  }
0x33: {  	p0 =	seq.s32 s10, $0x1;
	s10 =	sld [smem:$0x3FB8];
	_ =	sdelay $0x3  }
0x34: {  	[smem:$0x3FB8] =	sst s10  }
0x35: {  	s10 =	sld [smem:$0x3FB7];
	_ =	sdelay $0x3  }
0x36: {  	p1 =	seq.s32 s10, $0x1;
	s10 =	sld [smem:$0x3FB8];
	_ =	sdelay $0x3  }
0x37: {  	[smem:$0x3FB8] =	sst s10  }
0x38: {  	s10 =	sld [smem:$0x3FB9]  }
0x39: {  	_ = 	snop;
	(pc) =	sbr.ind lr, $3  }
0x3a: {  	_ = 	snop  }
0x3b: {  	_ = 	snop  }
0x3c: {  	p2 =	seq.s32 s10, $0x1;
	s10 =	sld [smem:$0x3FB8]  }
0x3d: {  	_ =	shalt  }
0x3e: {  	_ =	shalt  }
0x3f: {  	_ =	shalt  }
0x40: {  	_ =	shalt  }
0x41: {  	_ =	shalt  }
0x42: {  	_ =	shalt  }
0x43: {  	_ =	shalt  }
0x44: {  	_ =	shalt  }
0x45: {  	_ =	shalt  }
0x46: {  	_ =	shalt  }
0x47: {  	_ =	shalt  }
0x48: {  	_ =	shalt  }
0x49: {  	_ =	shalt  }
0x4a: {  	_ =	shalt  }
0x4b: {  	_ =	shalt  }
0x4c: {  	_ =	shalt  }
0x4d: {  	_ =	shalt  }
0x4e: {  	_ =	shalt  }
0x4f: {  	_ =	shalt  }
0x50: {  	_ =	shalt  }
0x51: {  	_ =	shalt  }
0x52: {  	_ =	shalt  }
0x53: {  	_ =	shalt  }
0x54: {  	_ =	shalt  }
0x55: {  	_ =	shalt  }
0x56: {  	_ =	shalt  }
0x57: {  	_ =	shalt  }
0x58: {  	_ =	shalt  }
0x59: {  	_ =	shalt  }
0x5a: {  	_ =	shalt  }
0x5b: {  	_ =	shalt  }
0x5c: {  	_ =	shalt  }
0x5d: {  	_ =	shalt  }
0x5e: {  	_ =	shalt  }
0x5f: {  	_ =	shalt  }
0x60: {  	_ =	shalt  }
0x61: {  	_ =	shalt  }
0x62: {  	_ =	shalt  }
0x63: {  	_ =	shalt  }
0x64: {  	_ =	shalt  }
0x65: {  	_ =	shalt  }
0x66: {  	_ =	shalt  }
0x67: {  	_ =	shalt  }
0x68: {  	_ =	shalt  }
0x69: {  	_ =	shalt  }
0x6a: {  	_ =	shalt  }
0x6b: {  	_ =	shalt  }
0x6c: {  	_ =	shalt  }
0x6d: {  	_ =	shalt  }
0x6e: {  	_ =	shalt  }
0x6f: {  	_ =	shalt  }
0x70: {  	_ =	shalt  }
0x71: {  	_ =	shalt  }
0x72: {  	_ =	shalt  }
0x73: {  	_ =	shalt  }
0x74: {  	_ =	shalt  }
0x75: {  	_ =	shalt  }
0x76: {  	_ =	shalt  }
0x77: {  	_ =	shalt  }
0x78: {  	_ =	shalt  }
0x79: {  	_ =	shalt  }
0x7a: {  	_ =	shalt  }
0x7b: {  	_ =	shalt  }
0x7c: {  	_ =	shalt  }
0x7d: {  	_ =	shalt  }
0x7e: {  	_ =	shalt  }
0x7f: {  	_ =	shalt  }
0x80: {  	_ =	shalt  }
0x81: {  	_ =	shalt  }
0x82: {  	_ =	shalt  }
0x83: {  	_ =	shalt  }
0x84: {  	_ =	shalt  }
0x85: {  	_ =	shalt  }
0x86: {  	_ =	shalt  }
0x87: {  	_ =	shalt  }
.Lfunc_end0:
.L_simem_size_0:
called_computation_lowered:
.L_overlay_start_0:
0x88: {  	s2 =	sld [smem:$0x3FD9]  }
0x89: {  	s3 =	sld [smem:$0x3FFE];
	_ =	sdelay $0x1  }
0x8a: {  	s1 =	srdreg.scid  }
0x8b: {  	s0 =	sand.u32 $0x1, s1  }
0x8c: {  	s14 =	sshll.u32 s0, $0xA;
	s2 =	sadd.s32 s3, s2  }
0x8d: {  	s2 =	sadd.s32 s2, s14  }
0x8e: {  	[smem:$0x3FC4] =	sst s2  }
0x8f: {  	_ = 	snop  }
0x90: {  	s2 =	sld [smem:$0x3FD0];
	_ =	sdelay $0x2  }
0x91: {  	s15 =	simm.s32 $0xA;
	s4 =	simm.s32 $0x10  }
0x92: {  	[smem:s4], [sflag:s15] =	dma.local [hbm:s2], $0x1  }
0x93: {  	_ =	swait.eq [sflag:s15], $0x1  }
0x94: {  	[sflag:s15] =	ssyncset.done $0x0  }
0x95: {  	[sflag:s15] =	ssyncadd.s32 $0xFFFFFFFF  }
0x96: {  	s16 =	sld [smem:$0x10];
	(tm) =	ssettm $0x1  }
0x97: {  	s17 =	sld [smem:$0x3FFB];
	_ =	sdelay $0x3  }
0x98: {  	_ =	strace s17  }
0x99: {  	s3 =	sld [smem:$0x3FFC];
	_ =	sdelay $0x3  }
0x9a: {  	_ =	strace s3  }
0x9b: {  	s3 =	sld [smem:$0x3FFD];
	_ =	sdelay $0x3  }
0x9c: {  	_ =	strace s3  }
0x9d: {  	_ =	strace $0x8FFFFFFF  }
0x9e: {  	s18 =	sld [smem:$0x3FDB];
	_ =	sdelay $0x1  }
0x9f: {  	s19 =	simm.s32 $_scs_section_size  }
0xa0: {  	s5 =	simm.s32 $_size__tile_overlayer_lowered;
	s6 =	simm.s32 $_tile_overlayer_lowered  }
0xa1: {  	s22 =	simm.s32 $0x1BFF;
	s21 =	sshll.u32 s6, $0x1;
	s3 =	sadd.s32 s19, s18  }
0xa2: {  	s7 =	simm.s32 $0x0;
	s20 =	sshll.u32 s5, $0x1;
	s5 =	sadd.s32 s21, s3  }
0xa3: {  	[timem:s7], [sflag:s22] =	dma.local [hbm:s5], s20  }
0xa4: {  	_ =	swait.ge [sflag:s22], s20  }
0xa5: {  	s4 =	ssub.s32 $0x0, s20;
	[sflag:s22] =	ssyncset.done $0x0  }
0xa6: {  	[sflag:s22] =	ssyncadd.s32 s4;
	_ =	sdelay $0x1  }
0xa7: {  	s23 =	simm.s32 $0x1B8B  }
0xa8: {  	_ =	swait.ge [sflag:s23], $0x1  }
0xa9: {  	[sflag:s23] =	ssyncset.done $0x0  }
0xaa: {  	s25 =	simm.s32 $0x1B8E;
	s24 =	sld [smem:$0x3FFE];
	[sflag:s23] =	ssyncadd.s32 $0xFFFFFFFF  }
0xab: {  	s26 =	simm.s32 $execute0_lowered;
	[smem:$0x3FD2] =	sst s25  }
0xac: {  	s5 =	sshll.u32 s26, $0x1;
	_ =	strace $0x80000046;
	[dreg:$0x1] =	wrdreg $0xFFFFFFFF  }
0xad: {  	s28 =	simm.s32 $_size_execute0_lowered;
	s3 =	sadd.s32 s3, s5;
	[dreg:$0x0] =	wrdreg $0x0  }
0xae: {  	s5 =	sshll.u32 s28, $0x1;
	[dreg:$0x2] =	wrdreg s3  }
0xaf: {  	[dreg:$0x3] =	wrdreg s5  }
0xb0: {  	[dreg:$0x4] =	wrdreg $0xC0  }
0xb1: {  	_ =	task [dreg:s7], $0x5FFFF  }
0xb2: {  	[dreg:$0x1] =	wrdreg $0xFFFFFFFF  }
0xb3: {  	[dreg:$0x0] =	wrdreg $0x60  }
0xb4: {  	[dreg:$0x2] =	wrdreg s24  }
0xb5: {  	[dreg:$0x3] =	wrdreg s16  }
0xb6: {  	[dreg:$0x4] =	wrdreg $0x9  }
0xb7: {  	_ =	task.clear_ibuf [dreg:s7], $0x5FFFF;
	_ =	strace $0x90000046  }
0xb8: {  	s29 =	simm.s32 $0x9;
	_ =	strace $0x80000048  }
0xb9: {  	_ =	swait.ge [sflag:s29], $0x1  }
0xba: {  	[sflag:s29] =	ssyncadd.s32 $0xFFFFFFFF  }
0xbb: {  	_ =	strace $0x90000048  }
0xbc: {  	_ =	sfence  }
0xbd: {  	s30 =	sld [smem:$0x0];
	_ =	sdelay $0x2  }
0xbe: {  	s31 =	sshll.u32 s1, $0xD;
	s1 =	sshrl.u32 s1, $0x2  }
0xbf: {  	s3 =	sand.u32 $0x4000, s31;
	s1 =	sadd.s32 s1, s30  }
0xc0: {  	s0 =	sor.u32 s3, s0;
	s1 =	sshll.u32 s1, $0x11  }
0xc1: {  	s0 =	sor.u32 s1, s0  }
0xc2: {  	s0 =	sadd.s32 $0x8F2B, s0  }
0xc3: {  	[sflag:s0] =	ssyncadd.remote.s32 $0x1  }
0xc4: {  	_ =	sfence.sel $0xFFFF  }
0xc5: {  	[dreg:$0x0] =	wrdreg $0xFFFFFFFF;
	(pc) =	sbr.abs _section_cstart, $3  }
0xc6: {  	[dreg:$0x1] =	wrdreg $0xFFFFFFFF  }
0xc7: {  	_ =	task.clear_ibuf [dreg:s7], $0x2FFFF;
	_ =	strace $0x9FFFFFFF  }
0xc8: {  	(tm) =	ssettm $0x7FFFFFFF  }
0xc9: {  	_ =	shalt  }
tec
execute0_lowered:
.L_overlay_start_1:
0x0: {  	(tag) =	ssettag $0x1  }
0x1: {  	s3 =	rddreg [dreg:$0x0]  }
0x2: {  	s1 =	rddreg [dreg:$0x1]  }
0x3: {  	s0 =	rddreg [dreg:$0x2];
	_ =	strace $0x80000047;
	v0 =	vimm.f32 $1.024000000e+03  }
0x4: {  	(erf) = vrcp.f32 v0;
	_ =	sdelay $0x1  }
0x5: {  	s2 =	srdreg.scid  }
0x6: {  	s4 =	sand.u32 $0x1, s2;
	s2 =	stileid.u32  }
0x7: {  	s5 =	sor.u32 s2, s4  }
0x8: {  	p0 =	sne.s32 s5, $0x0  }
.Ltmp0:
0x9: {  	_ = 	snop;
	(pc) =	sbr.rel @p0 .LBB2_5-.Ltmp0, $3  }
0xa: {  	_ =	sdelay $0x1  }
0xb: {  	v0 =	vpop (erf)  }
0xc: {  	[tilespmem:$0x1FFF0] =	vst v0  }
0xd: {  	v0 =	vimm.s32 $0xEFCDAB89;
	v1 =	vimm.s32 $0x67452301;
	v2 =	vimm.s32 $0xDCFE98BA  }
0xe: {  	v3 =	vimm.s32 $0x54761032;
	v4 =	vimm.s32 $0xBA98FEDC;
	v5 =	vimm.s32 $0xFEDCBA98  }
0xf: {  	v6 =	vimm.s32 $0x32107654;
	v7 =	vimm.s32 $0x76543210;
	v0 =	vunpack.c.l.s4.s8 v0  }
0x10: {  	v1 =	vunpack.c.l.s4.s8 v1;
	v2 =	vunpack.c.l.s4.s8 v2;
	v3 =	vunpack.c.l.s4.s8 v3  }
0x11: {  	v5 =	vunpack.c.l.s4.s8 v5;
	v4 =	vunpack.c.l.s4.s8 v4;
	v6 =	vunpack.c.l.s4.s8 v6  }
0x12: {  	s3 =	sadd.s32 $0x600, s3;
	v7 =	vunpack.c.l.s4.s8 v7;
	v0 =	vunpack.c.0.s8.s32 v0;
	v1 =	vunpack.c.0.s8.s32 v1  }
0x13: {  	s5 =	ssub.s32 $0x2, s4;
	s12 =	simm.s32 $0x0;
	s13 =	simm.s32 $0xC00;
	v2 =	vunpack.c.0.s8.s32 v2;
	v3 =	vunpack.c.0.s8.s32 v3;
	v5 =	vunpack.c.0.s8.s32 v5  }
0x14: {  	s14 =	simm.s32 $0x1800;
	s15 =	simm.s32 $0x2400;
	s16 =	simm.s32 $0x3000;
	v4 =	vunpack.c.0.s8.s32 v4;
	v6 =	vunpack.c.0.s8.s32 v6;
	v0 =	vcombine.low v1, v0  }
0x15: {  	s17 =	simm.s32 $0x3C00;
	s18 =	simm.s32 $0x4800;
	s19 =	simm.s32 $0x5400;
	v7 =	vunpack.c.0.s8.s32 v7;
	v61 =	vcombine.low v3, v2  }
0x16: {  	s20 =	simm.s32 $0x1;
	s21 =	simm.s32 $0x6000;
	s22 =	simm.s32 $0x0;
	v62 =	vand.u32 $0xF, v5;
	v63 =	vcombine.low v6, v4;
	[tilespmem:$0x1FFB0] =	vst v0  }
0x17: {  	s6 =	sshrl.u32 s5, $0x1;
	s4 =	sadd.s32 $0x180, s3;
	s7 =	sadd.s32 $0x480, s3;
	[tilespmem:$0x1FFC0] =	vst v61;
	v0 =	vcombine.low v62, v7  }
0x18: {  	s8 =	sadd.s32 $0x600, s3;
	s9 =	sadd.s32 $0x780, s3;
	s10 =	sadd.s32 $0x900, s3;
	[tilespmem:$0x1FFD0] =	vst v63  }
0x19: {  	v25 =	vimm.f32 $0.0e+00;
	s11 =	sadd.s32 $0xA80, s3;
	s5 =	ssub.s32 s5, s6;
	s6 =	sadd.s32 $0x300, s3;
	[tilespmem:$0x1FFE0] =	vst v0  }
.LBB2_2:
0x1a: {  	[tilespmem:s12], [sflag:$0x1] =	stream.linear.gather [hbm4b:s3+s12], $0x880, $0x38;
	[tilespmem:$0x6080] =	vst v63  }
0x1b: {  	_ = 	snop  }
0x1c: {  	[tilespmem:s13], [sflag:$0x1] =	stream.linear.gather [hbm4b:s4+s12], $0x880, $0x38;
	[tilespmem:$0x6080] =	vst v63  }
0x1d: {  	_ = 	snop  }
0x1e: {  	[tilespmem:s14], [sflag:$0x1] =	stream.linear.gather [hbm4b:s6+s12], $0x880, $0x38;
	[tilespmem:$0x6080] =	vst v63  }
0x1f: {  	_ = 	snop  }
0x20: {  	[tilespmem:s15], [sflag:$0x1] =	stream.linear.gather [hbm4b:s7+s12], $0x880, $0x38;
	[tilespmem:$0x6080] =	vst v63  }
0x21: {  	_ = 	snop  }
0x22: {  	[tilespmem:s16], [sflag:$0x1] =	stream.linear.gather [hbm4b:s8+s12], $0x880, $0x38;
	[tilespmem:$0x6080] =	vst v63  }
0x23: {  	_ = 	snop  }
0x24: {  	[tilespmem:s17], [sflag:$0x1] =	stream.linear.gather [hbm4b:s9+s12], $0x880, $0x38;
	[tilespmem:$0x6080] =	vst v63  }
0x25: {  	_ = 	snop  }
0x26: {  	[tilespmem:s18], [sflag:$0x1] =	stream.linear.gather [hbm4b:s10+s12], $0x880, $0x38;
	[tilespmem:$0x6080] =	vst v63  }
0x27: {  	_ = 	snop  }
0x28: {  	[tilespmem:s19], [sflag:$0x1] =	stream.linear.gather [hbm4b:s11+s12], $0x880, $0x38;
	[tilespmem:$0x6080] =	vst v63  }
0x29: {  	_ =	swait.ge [sflag:s20], $0x4400  }
0x2a: {  	[sflag:s20] =	ssyncset.done $0x0  }
0x2b: {  	s23 =	simm.s32 $0x0;
	v1 =	vimm.f32 $0.0e+00;
	[sflag:s20] =	ssyncadd.s32 $0xFFFFBC00  }
.LBB2_3:
0x2c: {  	s24 =	sshra.s32 s23, $0x2  }
0x2d: {  	v0 =	vld [tilespmem:s24+$0x0]  }
0x2e: {  	[tilespmem:$0x1FFA0] =	vst v1;
	v1 =	vld [tilespmem:s24+$0x80]  }
0x2f: {  	v2 =	vld [tilespmem:s24+$0x100]  }
0x30: {  	v3 =	vld [tilespmem:s24+$0x180]  }
0x31: {  	v5 =	vld [tilespmem:s24+$0x200]  }
0x32: {  	v6 =	vld [tilespmem:s24+$0x280]  }
0x33: {  	v58 =	vmul.f32 $7.233796350e-05, v0;
	v23 =	vmul.f32 $7.233796350e-05, v1;
	v0 =	vld [tilespmem:s24+$0x300]  }
0x34: {  	v26 =	vmul.f32 $7.233796350e-05, v2;
	v1 =	vld [tilespmem:s24+$0x380]  }
0x35: {  	v28 =	vmul.f32 $7.233796350e-05, v3;
	v2 =	vld [tilespmem:s24+$0x400];
	v3 =	vmax.f32 v58, v23  }
0x36: {  	v21 =	vld [tilespmem:s24+$0x480];
	v30 =	vmul.f32 $7.233796350e-05, v5;
	v3 =	vmax.f32 v3, v26  }
0x37: {  	v22 =	vld [tilespmem:s24+$0x500];
	v29 =	vmul.f32 $7.233796350e-05, v6;
	v3 =	vmax.f32 v3, v28  }
0x38: {  	v34 =	vmul.f32 $7.233796350e-05, v0;
	v0 =	vld [tilespmem:s24+$0x580];
	v3 =	vmax.f32 v3, v30  }
0x39: {  	v31 =	vmul.f32 $7.233796350e-05, v1;
	v1 =	vld [tilespmem:s24+$0x600];
	v3 =	vmax.f32 v3, v29  }
0x3a: {  	v53 =	vmul.f32 $7.233796350e-05, v2;
	v2 =	vld [tilespmem:s24+$0x680];
	v3 =	vmax.f32 v3, v34  }
0x3b: {  	v33 =	vld [tilespmem:s24+$0x700];
	v57 =	vmul.f32 $7.233796350e-05, v21;
	v3 =	vmax.f32 v3, v31  }
0x3c: {  	v35 =	vld [tilespmem:s24+$0x780];
	v36 =	vmul.f32 $7.233796350e-05, v22;
	v3 =	vmax.f32 v3, v53  }
0x3d: {  	v38 =	vmul.f32 $7.233796350e-05, v0;
	v0 =	vld [tilespmem:s24+$0x800];
	v3 =	vmax.f32 v3, v57  }
0x3e: {  	v47 =	vmul.f32 $7.233796350e-05, v1;
	v1 =	vmax.f32 v3, v36  }
0x3f: {  	v59 =	vmul.f32 $7.233796350e-05, v2;
	v1 =	vmax.f32 v1, v38  }
0x40: {  	v52 =	vmul.f32 $7.233796350e-05, v33;
	v1 =	vmax.f32 v1, v47  }
0x41: {  	v62 =	vmul.f32 $7.233796350e-05, v35;
	v1 =	vmax.f32 v1, v59  }
0x42: {  	v27 =	vmul.f32 $7.233796350e-05, v0;
	v0 =	vmax.f32 v1, v52  }
0x43: {  	v0 =	vmax.f32 v0, v62  }
0x44: {  	v24 =	vmax.f32 v0, v27  }
0x45: {  	vm0 =	veq.f32 v58, v24  }
0x46: {  	v0 =	vsel vm0, $0x3F800000, v25  }
0x47: {  	vm8 =	veq.f32 v23, v24;
	v12 =	vsub.f32 $1.000000000e+00, v0  }
0x48: {  	v1 =	vsel vm8, $0x3F800000, v25  }
0x49: {  	v1 =	vmul.f32 v12, v1;
	_ =	sdelay $0x1  }
0x4a: {  	v2 =	vadd.f32 v1, v0;
	_ =	sdelay $0x1  }
0x4b: {  	vm9 =	veq.f32 v26, v24;
	v3 =	vsub.f32 $1.000000000e+00, v2  }
0x4c: {  	v39 =	vsel vm9, $0x3F800000, v25  }
0x4d: {  	v3 =	vmul.f32 v3, v39;
	_ =	sdelay $0x1  }
0x4e: {  	v2 =	vadd.f32 v3, v2;
	_ =	sdelay $0x1  }
0x4f: {  	vm10 =	veq.f32 v28, v24;
	v40 =	vsub.f32 $1.000000000e+00, v2  }
0x50: {  	v41 =	vsel vm10, $0x3F800000, v25  }
0x51: {  	v5 =	vmul.f32 v40, v41;
	_ =	sdelay $0x1  }
0x52: {  	v2 =	vadd.f32 v5, v2;
	_ =	sdelay $0x1  }
0x53: {  	vm11 =	veq.f32 v30, v24;
	v42 =	vsub.f32 $1.000000000e+00, v2  }
0x54: {  	v7 =	vsel vm11, $0x3F800000, v25  }
0x55: {  	v6 =	vmul.f32 v42, v7;
	_ =	sdelay $0x1  }
0x56: {  	v2 =	vadd.f32 v6, v2;
	_ =	sdelay $0x1  }
0x57: {  	vm12 =	veq.f32 v29, v24;
	v43 =	vsub.f32 $1.000000000e+00, v2  }
0x58: {  	v8 =	vsel vm12, $0x3F800000, v25  }
0x59: {  	v7 =	vmul.f32 v43, v8;
	_ =	sdelay $0x1  }
0x5a: {  	v2 =	vadd.f32 v7, v2;
	_ =	sdelay $0x1  }
0x5b: {  	vm13 =	veq.f32 v34, v24;
	v44 =	vsub.f32 $1.000000000e+00, v2  }
0x5c: {  	v9 =	vsel vm13, $0x3F800000, v25  }
0x5d: {  	v8 =	vmul.f32 v44, v9;
	_ =	sdelay $0x1  }
0x5e: {  	v2 =	vadd.f32 v8, v2;
	_ =	sdelay $0x1  }
0x5f: {  	vm14 =	veq.f32 v31, v24;
	v45 =	vsub.f32 $1.000000000e+00, v2  }
0x60: {  	v10 =	vsel vm14, $0x3F800000, v25  }
0x61: {  	v10 =	vmul.f32 v45, v10;
	_ =	sdelay $0x1  }
0x62: {  	v2 =	vadd.f32 v10, v2;
	_ =	sdelay $0x1  }
0x63: {  	vm15 =	veq.f32 v53, v24;
	v46 =	vsub.f32 $1.000000000e+00, v2  }
0x64: {  	v11 =	vsel vm15, $0x3F800000, v25  }
0x65: {  	v11 =	vmul.f32 v46, v11;
	_ =	sdelay $0x1  }
0x66: {  	v2 =	vadd.f32 v11, v2;
	_ =	sdelay $0x1  }
0x67: {  	vm4 =	veq.f32 v57, v24;
	v48 =	vsub.f32 $1.000000000e+00, v2  }
0x68: {  	v13 =	vsel vm4, $0x3F800000, v25  }
0x69: {  	v13 =	vmul.f32 v48, v13;
	_ =	sdelay $0x1  }
0x6a: {  	v2 =	vadd.f32 v13, v2;
	_ =	sdelay $0x1  }
0x6b: {  	vm5 =	veq.f32 v36, v24;
	v49 =	vsub.f32 $1.000000000e+00, v2  }
0x6c: {  	v14 =	vsel vm5, $0x3F800000, v25  }
0x6d: {  	v14 =	vmul.f32 v49, v14;
	_ =	sdelay $0x1  }
0x6e: {  	v2 =	vadd.f32 v14, v2;
	_ =	sdelay $0x1  }
0x6f: {  	vm6 =	veq.f32 v38, v24;
	v50 =	vsub.f32 $1.000000000e+00, v2  }
0x70: {  	v15 =	vsel vm6, $0x3F800000, v25  }
0x71: {  	v15 =	vmul.f32 v50, v15;
	_ =	sdelay $0x1  }
0x72: {  	v2 =	vadd.f32 v15, v2;
	_ =	sdelay $0x1  }
0x73: {  	vm7 =	veq.f32 v47, v24;
	v51 =	vsub.f32 $1.000000000e+00, v2  }
0x74: {  	v16 =	vsel vm7, $0x3F800000, v25  }
0x75: {  	v19 =	vmul.f32 v51, v16;
	_ =	sdelay $0x1  }
0x76: {  	v2 =	vadd.f32 v19, v2;
	_ =	sdelay $0x1  }
0x77: {  	vm8 =	veq.f32 v59, v24;
	v54 =	vsub.f32 $1.000000000e+00, v2  }
0x78: {  	vm9 =	veq.f32 v52, v24;
	v55 =	vsel vm8, $0x3F800000, v25  }
0x79: {  	vm10 =	veq.f32 v62, v24;
	v33 =	vmul.f32 $3.399999950e+38, v0;
	v20 =	vmul.f32 v54, v55  }
0x7a: {  	vm11 =	veq.f32 v27, v24;
	v56 =	vsel vm9, $0x3F800000, v25;
	v3 =	vadd.f32 $0.0e+00, v3  }
0x7b: {  	v61 =	vsel vm10, $0x3F800000, v25;
	v40 =	vsub.f32 v58, v33;
	v9 =	vadd.f32 v20, v2  }
0x7c: {  	v32 =	vsel vm11, $0x3F800000, v25;
	v18 =	vadd.f32 $0.0e+00, v7;
	v17 =	vadd.f32 $0.0e+00, v8  }
0x7d: {  	v39 =	vmul.f32 $3.399999950e+38, v3;
	v10 =	vadd.f32 $0.0e+00, v10;
	v2 =	vsub.f32 $1.000000000e+00, v9  }
0x7e: {  	v46 =	vmul.f32 $3.399999950e+38, v18;
	v8 =	vadd.f32 $0.0e+00, v11;
	v7 =	vadd.f32 $0.0e+00, v13  }
0x7f: {  	v14 =	vadd.f32 $0.0e+00, v14;
	v16 =	vadd.f32 $0.0e+00, v6;
	v21 =	vmul.f32 v2, v56  }
0x80: {  	v4 =	vmul.f32 $3.399999950e+38, v7;
	v15 =	vadd.f32 $0.0e+00, v15;
	v2 =	vadd.f32 $0.0e+00, v1  }
0x81: {  	v45 =	vadd.f32 $0.0e+00, v19;
	v43 =	vmul.f32 $3.399999950e+38, v16;
	v22 =	vadd.f32 v21, v9  }
0x82: {  	v19 =	vsub.f32 v26, v39;
	v9 =	vadd.f32 $0.0e+00, v5;
	v35 =	vmul.f32 $3.399999950e+38, v2  }
0x83: {  	v51 =	vmul.f32 $3.399999950e+38, v17;
	v49 =	vsub.f32 v30, v43;
	v60 =	vsub.f32 $1.000000000e+00, v22  }
0x84: {  	[tilespmem:$0x1FA20] =	vst v29;
	v55 =	vmul.f32 $3.399999950e+38, v10;
	v41 =	vsub.f32 v23, v35;
	v42 =	vmul.f32 $3.399999950e+38, v9  }
0x85: {  	[tilespmem:$0x1FBF0] =	vst v24;
	v24 =	vmovc v29;
	v54 =	vsub.f32 v29, v46;
	v29 =	vmul.f32 $3.399999950e+38, v14;
	v63 =	vmul.f32 v60, v61  }
0x86: {  	v48 =	vadd.f32 $0.0e+00, v20;
	v20 =	vmax.f32 v40, v41;
	v44 =	vsub.f32 v28, v42  }
0x87: {  	v33 =	vsub.f32 v36, v29;
	v19 =	vmax.f32 v20, v19;
	v5 =	vadd.f32 v63, v22  }
0x88: {  	v50 =	vadd.f32 $0.0e+00, v21;
	v60 =	vsub.f32 v34, v51;
	v19 =	vmax.f32 v19, v44  }
0x89: {  	v61 =	vmul.f32 $3.399999950e+38, v8;
	v19 =	vmax.f32 v19, v49;
	v6 =	vsub.f32 $1.000000000e+00, v5  }
0x8a: {  	v13 =	vadd.f32 $0.0e+00, v63;
	v63 =	vsub.f32 v31, v55;
	v19 =	vmax.f32 v19, v54  }
0x8b: {  	v11 =	vsub.f32 v53, v61;
	v19 =	vmax.f32 v19, v60;
	v37 =	vmul.f32 v6, v32  }
0x8c: {  	[tilespmem:$0x1FA30] =	vst v31;
	v39 =	vmovc v31;
	v31 =	vsub.f32 v57, v4;
	v19 =	vmax.f32 v19, v63;
	v32 =	vmul.f32 $3.399999950e+38, v15  }
0x8d: {  	v35 =	vmul.f32 $3.399999950e+38, v45;
	v19 =	vmax.f32 v19, v11;
	v56 =	vadd.f32 $0.0e+00, v37  }
0x8e: {  	v49 =	vmovc v38;
	v19 =	vmax.f32 v19, v31;
	v37 =	vsub.f32 v38, v32;
	v38 =	vmul.f32 $3.399999950e+38, v48  }
0x8f: {  	v40 =	vsub.f32 v47, v35;
	v41 =	vmul.f32 $3.399999950e+38, v50;
	v19 =	vmax.f32 v19, v33  }
0x90: {  	v43 =	vmul.f32 $3.399999950e+38, v13;
	v19 =	vmax.f32 v19, v37;
	v42 =	vsub.f32 v59, v38  }
0x91: {  	v44 =	vsub.f32 v52, v41;
	v46 =	vmul.f32 $3.399999950e+38, v56;
	v19 =	vmax.f32 v19, v40  }
0x92: {  	v51 =	vsub.f32 v62, v43;
	v19 =	vmax.f32 v19, v42  }
0x93: {  	v54 =	vsub.f32 v27, v46;
	v19 =	vmax.f32 v19, v44  }
0x94: {  	v19 =	vmax.f32 v19, v51  }
0x95: {  	v37 =	vmax.f32 v19, v54  }
0x96: {  	vm12 =	veq.f32 v58, v37  }
0x97: {  	v55 =	vsel vm12, $0x3F800000, v25  }
0x98: {  	[tilespmem:$0x1FD50] =	vst v23;
	v5 =	vmov v23;
	v23 =	vmul.f32 v55, v12;
	_ =	sdelay $0x1  }
0x99: {  	v12 =	vadd.f32 $0.0e+00, v23;
	_ =	sdelay $0x1  }
0x9a: {  	v60 =	vsub.f32 $1.000000000e+00, v2;
	v61 =	vsub.f32 $1.000000000e+00, v12;
	_ =	sdelay $0x1  }
0x9b: {  	vm13 =	veq.f32 v5, v37;
	v19 =	vmul.f32 v61, v60  }
0x9c: {  	v63 =	vsel vm13, $0x3F800000, v25  }
0x9d: {  	[tilespmem:$0x1FD60] =	vst v26;
	v6 =	vmov v26;
	v26 =	vmul.f32 v19, v63;
	_ =	sdelay $0x1  }
0x9e: {  	v12 =	vadd.f32 v26, v12;
	_ =	sdelay $0x1  }
0x9f: {  	v4 =	vsub.f32 $1.000000000e+00, v3;
	v5 =	vsub.f32 $1.000000000e+00, v12;
	_ =	sdelay $0x1  }
0xa0: {  	vm14 =	veq.f32 v6, v37;
	v19 =	vmul.f32 v5, v4  }
0xa1: {  	v6 =	vsel vm14, $0x3F800000, v25  }
0xa2: {  	[tilespmem:$0x1FD10] =	vst v27;
	v27 =	vmul.f32 v19, v6;
	_ =	sdelay $0x1  }
0xa3: {  	v12 =	vadd.f32 v27, v12;
	_ =	sdelay $0x1  }
0xa4: {  	v11 =	vsub.f32 $1.000000000e+00, v9;
	v29 =	vsub.f32 $1.000000000e+00, v12;
	_ =	sdelay $0x1  }
0xa5: {  	vm15 =	veq.f32 v28, v37;
	v19 =	vmul.f32 v29, v11  }
0xa6: {  	v31 =	vsel vm15, $0x3F800000, v25  }
0xa7: {  	[tilespmem:$0x1FD70] =	vst v28;
	v28 =	vmul.f32 v19, v31;
	_ =	sdelay $0x1  }
0xa8: {  	v12 =	vadd.f32 v28, v12;
	_ =	sdelay $0x1  }
0xa9: {  	v32 =	vsub.f32 $1.000000000e+00, v16;
	v33 =	vsub.f32 $1.000000000e+00, v12;
	_ =	sdelay $0x1  }
0xaa: {  	vm4 =	veq.f32 v30, v37;
	v19 =	vmul.f32 v33, v32  }
0xab: {  	v35 =	vsel vm4, $0x3F800000, v25  }
0xac: {  	v29 =	vmul.f32 v19, v35;
	_ =	sdelay $0x1  }
0xad: {  	v12 =	vadd.f32 v29, v12;
	_ =	sdelay $0x1  }
0xae: {  	v38 =	vsub.f32 $1.000000000e+00, v18;
	v40 =	vsub.f32 $1.000000000e+00, v12;
	_ =	sdelay $0x1  }
0xaf: {  	vm5 =	veq.f32 v24, v37;
	v19 =	vmul.f32 v40, v38  }
0xb0: {  	v41 =	vsel vm5, $0x3F800000, v25  }
0xb1: {  	[tilespmem:$0x1FD80] =	vst v30;
	v30 =	vmul.f32 v19, v41;
	_ =	sdelay $0x1  }
0xb2: {  	v12 =	vadd.f32 v30, v12;
	_ =	sdelay $0x1  }
0xb3: {  	v42 =	vsub.f32 $1.000000000e+00, v17;
	v43 =	vsub.f32 $1.000000000e+00, v12;
	_ =	sdelay $0x1  }
0xb4: {  	v46 =	vld [tilespmem:s24+$0xC00];
	vm6 =	veq.f32 v34, v37;
	v19 =	vmul.f32 v43, v42  }
0xb5: {  	v51 =	vld [tilespmem:s24+$0xC80];
	v44 =	vsel vm6, $0x3F800000, v25  }
0xb6: {  	v54 =	vld [tilespmem:s24+$0xD00];
	v31 =	vmul.f32 v19, v44  }
0xb7: {  	v55 =	vld [tilespmem:s24+$0xD80]  }
0xb8: {  	v24 =	vld [tilespmem:s24+$0xE00];
	v12 =	vadd.f32 v31, v12  }
0xb9: {  	v25 =	vsub.f32 $1.000000000e+00, v10;
	v33 =	vld [tilespmem:s24+$0xE80]  }
0xba: {  	v60 =	vmul.f32 $7.233796350e-05, v46;
	v63 =	vld [tilespmem:s24+$0xF00];
	v44 =	vmul.f32 $7.233796350e-05, v51;
	v32 =	vsub.f32 $1.000000000e+00, v12  }
0xbb: {  	vm7 =	veq.f32 v39, v37;
	v46 =	vld [tilespmem:s24+$0xF80];
	v35 =	vmul.f32 $7.233796350e-05, v54  }
0xbc: {  	v41 =	vmul.f32 $7.233796350e-05, v55;
	v51 =	vld [tilespmem:s24+$0x1000];
	v11 =	vmul.f32 v32, v25;
	v25 =	vmax.f32 v60, v44  }
0xbd: {  	v4 =	vimm.f32 $0.0e+00;
	v38 =	vmul.f32 $7.233796350e-05, v24;
	v24 =	vld [tilespmem:s24+$0x1080];
	v25 =	vmax.f32 v25, v35  }
0xbe: {  	v54 =	vsel vm7, $0x3F800000, v4;
	v40 =	vmul.f32 $7.233796350e-05, v33;
	v55 =	vld [tilespmem:s24+$0x1100];
	v25 =	vmax.f32 v25, v41  }
0xbf: {  	v42 =	vmul.f32 $7.233796350e-05, v63;
	v32 =	vmul.f32 v11, v54;
	v11 =	vld [tilespmem:s24+$0x1180];
	v25 =	vmax.f32 v25, v38  }
0xc0: {  	v39 =	vld [tilespmem:s24+$0x1200];
	vm8 =	veq.f32 v53, v37;
	v43 =	vmul.f32 $7.233796350e-05, v46;
	v25 =	vmax.f32 v25, v40  }
0xc1: {  	v61 =	vld [tilespmem:s24+$0x1280];
	v5 =	vmul.f32 $7.233796350e-05, v51;
	v12 =	vadd.f32 v32, v12;
	v25 =	vmax.f32 v25, v42  }
0xc2: {  	v46 =	vsub.f32 $1.000000000e+00, v8;
	v51 =	vmul.f32 $7.233796350e-05, v24;
	v24 =	vld [tilespmem:s24+$0x1300];
	v25 =	vmax.f32 v25, v43  }
0xc3: {  	v54 =	vmul.f32 $7.233796350e-05, v55;
	v63 =	vsub.f32 $1.000000000e+00, v12;
	v4 =	vmax.f32 v25, v5;
	v25 =	vld [tilespmem:s24+$0x1380]  }
0xc4: {  	[tilespmem:$0x1FDA0] =	vst v34;
	v21 =	vld [tilespmem:s24+$0x1400];
	v34 =	vimm.f32 $0.0e+00;
	v11 =	vmul.f32 $7.233796350e-05, v11;
	v6 =	vmax.f32 v4, v51  }
0xc5: {  	v55 =	vmul.f32 $7.233796350e-05, v39;
	v33 =	vmul.f32 v63, v46;
	v19 =	vmax.f32 v6, v54  }
0xc6: {  	v39 =	vsel vm8, $0x3F800000, v34;
	v63 =	vmul.f32 $7.233796350e-05, v61;
	v19 =	vmax.f32 v19, v11  }
0xc7: {  	v46 =	vmul.f32 $7.233796350e-05, v24;
	v33 =	vmul.f32 v33, v39;
	v19 =	vmax.f32 v19, v55  }
0xc8: {  	v61 =	vmul.f32 $7.233796350e-05, v25;
	v19 =	vmax.f32 v19, v63  }
0xc9: {  	v1 =	vmul.f32 $7.233796350e-05, v21;
	v20 =	vadd.f32 v33, v12;
	v22 =	vmax.f32 v19, v46  }
0xca: {  	vm1 =	veq.f32 v57, v37;
	v12 =	vmax.f32 v22, v61  }
0xcb: {  	v34 =	vsub.f32 $1.000000000e+00, v7;
	[tilespmem:$0x1FDF0] =	vst v46;
	v39 =	vsub.f32 $1.000000000e+00, v20;
	v21 =	vmax.f32 v12, v1  }
0xcc: {  	v46 =	vimm.f32 $0.0e+00;
	[tilespmem:$0x1FE70] =	vst v61;
	v61 =	vimm.f32 $0.0e+00;
	vm9 =	veq.f32 v60, v21  }
0xcd: {  	v22 =	vimm.f32 $0.0e+00;
	v19 =	vmul.f32 v39, v34;
	v12 =	vsel vm9, $0x3F800000, v46  }
0xce: {  	[tilespmem:$0x1FEE0] =	vst v1;
	v6 =	vsel vm1, $0x3F800000, v61;
	vm10 =	veq.f32 v44, v21;
	v1 =	vsub.f32 $1.000000000e+00, v12  }
0xcf: {  	v39 =	vsel vm10, $0x3F800000, v22;
	v34 =	vmul.f32 v19, v6  }
0xd0: {  	v19 =	vmul.f32 v1, v39  }
0xd1: {  	[tilespmem:$0x1FF00] =	vst v44;
	v44 =	vmov v21;
	v21 =	vadd.f32 v34, v20  }
0xd2: {  	v46 =	vadd.f32 v19, v12  }
0xd3: {  	vm12 =	veq.f32 v36, v37;
	v6 =	vsub.f32 $1.000000000e+00, v14;
	v24 =	vsub.f32 $1.000000000e+00, v21  }
0xd4: {  	[tilespmem:$0x1FF10] =	vst v35;
	vm11 =	veq.f32 v35, v44;
	v35 =	vimm.f32 $0.0e+00;
	v25 =	vsub.f32 $1.000000000e+00, v46  }
0xd5: {  	v61 =	vmovc v36;
	v36 =	vsel vm11, $0x3F800000, v35;
	v39 =	vmovc v37;
	v37 =	vimm.f32 $0.0e+00;
	v24 =	vmul.f32 v24, v6  }
0xd6: {  	v20 =	vmul.f32 v25, v36;
	v25 =	vsel vm12, $0x3F800000, v37  }
0xd7: {  	v35 =	vmul.f32 v24, v25;
	_ =	sdelay $0x1  }
0xd8: {  	v24 =	vadd.f32 v35, v21  }
0xd9: {  	v22 =	vadd.f32 v20, v46  }
0xda: {  	[tilespmem:$0x1FF20] =	vst v41;
	vm13 =	veq.f32 v41, v44;
	v41 =	vsub.f32 $1.000000000e+00, v24  }
0xdb: {  	v46 =	vimm.f32 $0.0e+00;
	v21 =	vsub.f32 $1.000000000e+00, v22  }
0xdc: {  	v25 =	vsub.f32 $1.000000000e+00, v15;
	v6 =	vsel vm13, $0x3F800000, v46  }
0xdd: {  	v21 =	vmul.f32 v21, v6  }
0xde: {  	vm14 =	veq.f32 v49, v39;
	v25 =	vmul.f32 v41, v25;
	v41 =	vmovc v39;
	v39 =	vimm.f32 $0.0e+00  }
0xdf: {  	v22 =	vadd.f32 v21, v22;
	v46 =	vsel vm14, $0x3F800000, v39  }
0xe0: {  	v36 =	vmul.f32 v25, v46  }
0xe1: {  	vm15 =	veq.f32 v38, v44;
	v6 =	vmovc v49;
	v49 =	vimm.f32 $0.0e+00;
	v25 =	vsub.f32 $1.000000000e+00, v22  }
0xe2: {  	v37 =	vadd.f32 v36, v24;
	v24 =	vsel vm15, $0x3F800000, v49  }
0xe3: {  	v24 =	vmul.f32 v25, v24  }
0xe4: {  	v25 =	vsub.f32 $1.000000000e+00, v45;
	v4 =	vsub.f32 $1.000000000e+00, v37  }
0xe5: {  	vm5 =	veq.f32 v40, v44;
	v39 =	vadd.f32 v24, v22  }
0xe6: {  	[tilespmem:$0x1FF30] =	vst v38;
	v38 =	vimm.f32 $0.0e+00;
	vm4 =	veq.f32 v47, v41;
	v46 =	vmul.f32 v4, v25  }
0xe7: {  	[tilespmem:$0x1FF40] =	vst v40;
	v40 =	vimm.f32 $0.0e+00;
	v25 =	vsel vm4, $0x3F800000, v38;
	v38 =	vsub.f32 $1.000000000e+00, v39  }
0xe8: {  	v49 =	vmov v41;
	v41 =	vmul.f32 v46, v25;
	v46 =	vsel vm5, $0x3F800000, v40  }
0xe9: {  	v22 =	vmul.f32 v38, v46  }
0xea: {  	v37 =	vadd.f32 v41, v37  }
0xeb: {  	v38 =	vadd.f32 v22, v39  }
0xec: {  	[tilespmem:$0x1FC60] =	vst v52;
	v25 =	vsub.f32 $1.000000000e+00, v48;
	v4 =	vsub.f32 $1.000000000e+00, v37  }
0xed: {  	[tilespmem:$0x1FF50] =	vst v42;
	vm6 =	veq.f32 v42, v44;
	v42 =	vimm.f32 $0.0e+00;
	v46 =	vmovc v44;
	v44 =	vsub.f32 $1.000000000e+00, v38  }
0xee: {  	[tilespmem:$0x1FCE0] =	vst v62;
	v39 =	vmul.f32 v4, v25;
	v25 =	vsel vm6, $0x3F800000, v42  }
0xef: {  	[tilespmem:$0x1FD40] =	vst v58;
	vm7 =	veq.f32 v59, v49;
	v25 =	vmul.f32 v44, v25;
	v44 =	vimm.f32 $0.0e+00  }
0xf0: {  	[tilespmem:$0x1FBE0] =	vst v47;
	v4 =	vsel vm7, $0x3F800000, v44  }
0xf1: {  	[tilespmem:$0x1F390] =	vst v1;
	v1 =	vadd.f32 v23, v0;
	v23 =	vmul.f32 v39, v4  }
0xf2: {  	[tilespmem:$0x1FC30] =	vst v59;
	v33 =	vadd.f32 v33, v8  }
0xf3: {  	v3 =	vadd.f32 v27, v3;
	[tilespmem:$0x1FF60] =	vst v43;
	v27 =	vadd.f32 v23, v37  }
0xf4: {  	[tilespmem:$0x1F3F0] =	vst v33;
	v8 =	vadd.f32 v35, v14;
	v40 =	vadd.f32 v28, v9  }
0xf5: {  	[tilespmem:$0x1F480] =	vst v12;
	v0 =	vimm.f32 $0.0e+00;
	v28 =	vsub.f32 $1.000000000e+00, v50;
	v37 =	vsub.f32 $1.000000000e+00, v27  }
0xf6: {  	[tilespmem:$0x1F440] =	vst v1;
	vm9 =	veq.f32 v52, v49;
	vm8 =	veq.f32 v43, v46;
	v38 =	vadd.f32 v25, v38  }
0xf7: {  	[tilespmem:$0x1F410] =	vst v8;
	v9 =	vsel vm8, $0x3F800000, v0;
	v0 =	vimm.f32 $0.0e+00;
	v39 =	vmul.f32 v37, v28  }
0xf8: {  	[tilespmem:$0x1F3A0] =	vst v40;
	v42 =	vadd.f32 v26, v2;
	v2 =	vmovc v52;
	v52 =	vsel vm9, $0x3F800000, v0;
	v26 =	vsub.f32 $1.000000000e+00, v38  }
0xf9: {  	v43 =	vadd.f32 v29, v16;
	v29 =	vmovc v49;
	v49 =	vadd.f32 v32, v10;
	v28 =	vmul.f32 v39, v52  }
0xfa: {  	v10 =	vsub.f32 $1.000000000e+00, v13;
	[tilespmem:$0x1FC00] =	vst v29;
	v4 =	vmovc v46;
	v46 =	vadd.f32 v31, v17;
	v26 =	vmul.f32 v26, v9  }
0xfb: {  	[tilespmem:$0x1F3B0] =	vst v43;
	v31 =	vadd.f32 v36, v15;
	v15 =	vadd.f32 v28, v27  }
0xfc: {  	vm11 =	veq.f32 v62, v29;
	[tilespmem:$0x1F3E0] =	vst v49;
	v44 =	vadd.f32 v30, v18;
	v18 =	vadd.f32 v26, v38  }
0xfd: {  	v0 =	vimm.f32 $0.0e+00;
	[tilespmem:$0x1F450] =	vst v42;
	v38 =	vadd.f32 v23, v48;
	v23 =	vsub.f32 $1.000000000e+00, v15  }
0xfe: {  	[tilespmem:$0x1F3C0] =	vst v44;
	v36 =	vadd.f32 v41, v45;
	vm10 =	veq.f32 v5, v4;
	v9 =	vadd.f32 v34, v7  }
0xff: {  	[tilespmem:$0x1F3D0] =	vst v46;
	v7 =	vsel vm10, $0x3F800000, v0;
	v0 =	vimm.f32 $0.0e+00;
	v14 =	vmul.f32 v23, v10  }
0x100: {  	[tilespmem:$0x1F420] =	vst v31;
	v39 =	vsel vm11, $0x3F800000, v0  }
0x101: {  	[tilespmem:$0x1F430] =	vst v36;
	v14 =	vmul.f32 v14, v39  }
0x102: {  	v30 =	vmov v4;
	[tilespmem:$0x1F400] =	vst v9;
	v4 =	vsub.f32 $1.000000000e+00, v18;
	v37 =	vadd.f32 v28, v50  }
0x103: {  	[tilespmem:$0x1F460] =	vst v38;
	v35 =	vadd.f32 v14, v13  }
0x104: {  	v17 =	vmul.f32 v4, v7;
	[tilespmem:$0x1F470] =	vst v37  }
0x105: {  	v41 =	vmul.f32 $3.399999950e+38, v1;
	v45 =	vmul.f32 $3.399999950e+38, v3;
	v10 =	vmov v3;
	v3 =	vld [tilespmem:$0x1FD50];
	[tilespmem:$0x1F490] =	vst v35  }
0x106: {  	v43 =	vmul.f32 $3.399999950e+38, v43;
	v18 =	vadd.f32 v17, v18;
	v48 =	vld [tilespmem:$0x1FD70]  }
0x107: {  	vm12 =	veq.f32 v51, v30;
	vm13 =	veq.f32 v54, v30;
	v23 =	vsub.f32 v58, v41;
	v41 =	vld [tilespmem:$0x1FD60]  }
0x108: {  	v52 =	vmovc v42;
	v0 =	vimm.f32 $0.0e+00;
	v27 =	vmul.f32 $3.399999950e+38, v42;
	v42 =	vsub.f32 $1.000000000e+00, v18  }
0x109: {  	vm14 =	veq.f32 v11, v30;
	v7 =	vsel vm12, $0x3F800000, v0;
	v4 =	vmovc v51;
	v39 =	vmul.f32 $3.399999950e+38, v40;
	v51 =	vld [tilespmem:$0x1FA20]  }
0x10a: {  	v32 =	vmovc v1;
	v1 =	vmovc v11;
	v11 =	vmul.f32 $3.399999950e+38, v33;
	vm4 =	veq.f32 v55, v30;
	v50 =	vmul.f32 v42, v7  }
0x10b: {  	vm5 =	veq.f32 v63, v30;
	v27 =	vsub.f32 v3, v27;
	v42 =	vsub.f32 v48, v39;
	v39 =	vld [tilespmem:$0x1FD80]  }
0x10c: {  	v34 =	vmovc v29;
	v18 =	vadd.f32 v50, v18;
	v29 =	vsub.f32 v41, v45;
	v45 =	vmul.f32 $3.399999950e+38, v44  }
0x10d: {  	v28 =	vmul.f32 $3.399999950e+38, v46;
	v0 =	vimm.f32 $0.0e+00;
	v40 =	vmax.f32 v23, v27  }
0x10e: {  	v27 =	vsub.f32 $1.000000000e+00, v18;
	v13 =	vmax.f32 v40, v29;
	v40 =	vsub.f32 v51, v45;
	v45 =	vld [tilespmem:$0x1FDA0]  }
0x10f: {  	v7 =	vsel vm13, $0x3F800000, v0;
	v0 =	vimm.f32 $0.0e+00;
	v14 =	vadd.f32 v14, v15;
	v29 =	vld [tilespmem:$0x1FD10]  }
0x110: {  	v33 =	vsel vm14, $0x3F800000, v0;
	v16 =	vsub.f32 v39, v43;
	v43 =	vmul.f32 v27, v7  }
0x111: {  	v14 =	vsub.f32 $1.000000000e+00, v14;
	v44 =	vmul.f32 $3.399999950e+38, v49;
	v49 =	vsub.f32 $1.000000000e+00, v56;
	v7 =	vld [tilespmem:$0x1FA30]  }
0x112: {  	v0 =	vimm.f32 $0.0e+00;
	v13 =	vmax.f32 v13, v42;
	v15 =	vadd.f32 v43, v18  }
0x113: {  	v14 =	vmul.f32 v14, v49;
	v49 =	vmul.f32 $3.399999950e+38, v9;
	v13 =	vmax.f32 v13, v16  }
0x114: {  	v42 =	vsub.f32 v45, v28;
	vm15 =	veq.f32 v29, v34;
	v27 =	vsub.f32 $1.000000000e+00, v15  }
0x115: {  	v34 =	vmul.f32 $3.399999950e+38, v31;
	v13 =	vmax.f32 v13, v40;
	v40 =	vsub.f32 v53, v11  }
0x116: {  	[tilespmem:$0x1FB60] =	vst v53;
	v13 =	vmax.f32 v13, v42;
	v46 =	vsub.f32 v7, v44;
	v33 =	vmul.f32 v27, v33  }
0x117: {  	[tilespmem:$0x1FB80] =	vst v57;
	v44 =	vmovc v53;
	v53 =	vsub.f32 v57, v49;
	v27 =	vmul.f32 $3.399999950e+38, v8;
	v8 =	vmovc v57;
	v57 =	vmul.f32 $3.399999950e+38, v37  }
0x118: {  	v13 =	vmax.f32 v13, v46;
	v46 =	vsel vm15, $0x3F800000, v0;
	v15 =	vadd.f32 v33, v15  }
0x119: {  	v0 =	vimm.f32 $0.0e+00;
	v14 =	vmul.f32 v14, v46;
	v13 =	vmax.f32 v13, v40  }
0x11a: {  	v11 =	vsub.f32 v61, v27;
	v27 =	vmul.f32 $3.399999950e+38, v36;
	v36 =	vsub.f32 $1.000000000e+00, v15  }
0x11b: {  	v40 =	vsub.f32 v6, v34;
	v46 =	vsel vm4, $0x3F800000, v0;
	v31 =	vsub.f32 v2, v57  }
0x11c: {  	v13 =	vmax.f32 v13, v53;
	v53 =	vmul.f32 $3.399999950e+38, v38;
	v34 =	vmul.f32 v36, v46  }
0x11d: {  	[tilespmem:$0x1FBC0] =	vst v6;
	v13 =	vmax.f32 v13, v11;
	v47 =	vsub.f32 v47, v27;
	v0 =	vadd.f32 v14, v56  }
0x11e: {  	v49 =	vmovc v6;
	v13 =	vmax.f32 v13, v40;
	v28 =	vsub.f32 v59, v53;
	v6 =	vadd.f32 v34, v15  }
0x11f: {  	[tilespmem:$0x1FBA0] =	vst v61;
	v42 =	vmovc v61;
	v61 =	vmax.f32 v13, v47;
	v36 =	vmul.f32 $3.399999950e+38, v35;
	v37 =	vmul.f32 $3.399999950e+38, v0  }
0x120: {  	[tilespmem:$0x1F4D0] =	vst v0;
	v0 =	vimm.f32 $0.0e+00;
	v11 =	vmax.f32 v61, v28;
	v61 =	vld [tilespmem:$0x1FDF0];
	v38 =	vsub.f32 $1.000000000e+00, v6  }
0x121: {  	v46 =	vsel vm5, $0x3F800000, v0;
	v40 =	vsub.f32 v62, v36  }
0x122: {  	v11 =	vmax.f32 v11, v31;
	v47 =	vsub.f32 v29, v37;
	v35 =	vmul.f32 v38, v46  }
0x123: {  	v11 =	vmax.f32 v11, v40  }
0x124: {  	v0 =	vmax.f32 v11, v47;
	v53 =	vadd.f32 v35, v6  }
0x125: {  	vm6 =	veq.f32 v58, v0;
	v58 =	vmovc v0;
	vm7 =	veq.f32 v61, v30;
	v0 =	vimm.f32 $0.0e+00  }
0x126: {  	v23 =	vsel vm6, $0x3F800000, v0;
	v0 =	vimm.f32 $0.0e+00;
	v9 =	vsub.f32 $1.000000000e+00, v53  }
0x127: {  	v57 =	vld [tilespmem:$0x1FE70];
	v28 =	vsel vm7, $0x3F800000, v0  }
0x128: {  	v36 =	vmul.f32 v9, v28  }
0x129: {  	v6 =	vsub.f32 $1.000000000e+00, v32  }
0x12a: {  	v11 =	vadd.f32 v36, v53  }
0x12b: {  	v14 =	vmul.f32 v23, v6  }
0x12c: {  	vm8 =	veq.f32 v57, v30;
	v0 =	vimm.f32 $0.0e+00;
	v32 =	vsub.f32 $1.000000000e+00, v11  }
0x12d: {  	v38 =	vsel vm8, $0x3F800000, v0;
	v6 =	vld [tilespmem:$0x1FEE0];
	v37 =	vadd.f32 $0.0e+00, v14  }
0x12e: {  	v38 =	vmul.f32 v32, v38  }
0x12f: {  	v29 =	vsub.f32 $1.000000000e+00, v52;
	v46 =	vmul.f32 $3.399999950e+38, v12;
	v31 =	vsub.f32 $1.000000000e+00, v37  }
0x130: {  	vm9 =	veq.f32 v3, v58;
	v0 =	vimm.f32 $0.0e+00;
	v18 =	vadd.f32 v38, v11  }
0x131: {  	v40 =	vsel vm9, $0x3F800000, v0;
	v0 =	vimm.f32 $0.0e+00;
	v13 =	vmul.f32 v31, v29  }
0x132: {  	v3 =	vld [tilespmem:$0x1FF00];
	v9 =	vadd.f32 $0.0e+00, v24;
	vm10 =	veq.f32 v6, v30;
	v18 =	vsub.f32 $1.000000000e+00, v18  }
0x133: {  	v2 =	vld [tilespmem:$0x1FF10];
	v24 =	vsel vm10, $0x3F800000, v0;
	v23 =	vmul.f32 v13, v40;
	v40 =	vadd.f32 $0.0e+00, v19  }
0x134: {  	v47 =	vadd.f32 $0.0e+00, v20;
	v24 =	vmul.f32 v18, v24;
	v18 =	vld [tilespmem:$0x1FF20]  }
0x135: {  	[tilespmem:$0x1FEF0] =	vst v60;
	v52 =	vadd.f32 $0.0e+00, v21;
	v19 =	vsub.f32 v60, v46;
	v53 =	vmul.f32 $3.399999950e+38, v40;
	v13 =	vmovc v60;
	v60 =	vld [tilespmem:$0x1FF30]  }
0x136: {  	v56 =	vmul.f32 $3.399999950e+38, v47  }
0x137: {  	v27 =	vmul.f32 $3.399999950e+38, v52;
	v20 =	vsub.f32 v3, v53  }
0x138: {  	v21 =	vsub.f32 v2, v56;
	v59 =	vmul.f32 $3.399999950e+38, v9  }
0x139: {  	v19 =	vmax.f32 v19, v20;
	v11 =	vsub.f32 v18, v27  }
0x13a: {  	v19 =	vmax.f32 v19, v21;
	v12 =	vsub.f32 v60, v59;
	v59 =	vld [tilespmem:$0x1FF40]  }
0x13b: {  	v46 =	vadd.f32 $0.0e+00, v22;
	v27 =	vadd.f32 $0.0e+00, v50;
	v50 =	vld [tilespmem:$0x1FF50];
	v19 =	vmax.f32 v19, v11  }
0x13c: {  	v28 =	vadd.f32 $0.0e+00, v25;
	v19 =	vmax.f32 v19, v12;
	v12 =	vld [tilespmem:$0x1FF60]  }
0x13d: {  	v29 =	vadd.f32 $0.0e+00, v26;
	v15 =	vmul.f32 $3.399999950e+38, v46  }
0x13e: {  	[tilespmem:$0x1FDC0] =	vst v30;
	v30 =	vadd.f32 $0.0e+00, v17;
	v31 =	vmul.f32 $3.399999950e+38, v28  }
0x13f: {  	v32 =	vmul.f32 $3.399999950e+38, v29;
	v20 =	vsub.f32 v59, v15  }
0x140: {  	v43 =	vadd.f32 $0.0e+00, v43;
	v25 =	vmul.f32 $3.399999950e+38, v30;
	v21 =	vsub.f32 v50, v31  }
0x141: {  	v56 =	vmul.f32 $3.399999950e+38, v27;
	v19 =	vmax.f32 v19, v20;
	v53 =	vsub.f32 v12, v32  }
0x142: {  	v62 =	vsub.f32 v5, v25;
	v25 =	vmul.f32 $3.399999950e+38, v43;
	v19 =	vmax.f32 v19, v21  }
0x143: {  	v26 =	vadd.f32 $0.0e+00, v33;
	v22 =	vsub.f32 v4, v56;
	v20 =	vmax.f32 v19, v53  }
0x144: {  	[tilespmem:$0x1FF70] =	vst v5;
	v15 =	vmovc v5;
	v5 =	vsub.f32 v54, v25;
	v53 =	vadd.f32 $0.0e+00, v34;
	v20 =	vmax.f32 v20, v62  }
0x145: {  	v16 =	vmul.f32 $3.399999950e+38, v26;
	v25 =	vadd.f32 $0.0e+00, v35;
	v20 =	vmax.f32 v20, v22  }
0x146: {  	v17 =	vmax.f32 v20, v5;
	v20 =	vadd.f32 $0.0e+00, v36;
	v36 =	vmul.f32 $3.399999950e+38, v53  }
0x147: {  	v0 =	vadd.f32 $0.0e+00, v38;
	v38 =	vmul.f32 $3.399999950e+38, v25;
	v31 =	vsub.f32 v1, v16  }
0x148: {  	v11 =	vmovc v54;
	v21 =	vmovc v1;
	v1 =	vadd.f32 $0.0e+00, v24;
	v24 =	vsub.f32 v55, v36;
	v54 =	vmul.f32 $3.399999950e+38, v20  }
0x149: {  	[tilespmem:$0x1FD30] =	vst v55;
	v56 =	vmul.f32 $3.399999950e+38, v0;
	v31 =	vmax.f32 v17, v31;
	v55 =	vsub.f32 v63, v38  }
0x14a: {  	v62 =	vmul.f32 $3.399999950e+38, v1;
	v24 =	vmax.f32 v31, v24;
	v61 =	vsub.f32 v61, v54  }
0x14b: {  	[tilespmem:$0x1FDB0] =	vst v63;
	v63 =	vsub.f32 v57, v56;
	v24 =	vmax.f32 v24, v55  }
0x14c: {  	v33 =	vsub.f32 v6, v62;
	v24 =	vmax.f32 v24, v61  }
0x14d: {  	v24 =	vmax.f32 v24, v63  }
0x14e: {  	[tilespmem:$0x1F4C0] =	vst v1;
	v1 =	vmax.f32 v24, v33  }
0x14f: {  	[tilespmem:$0x1F4B0] =	vst v0;
	v0 =	vimm.f32 $0.0e+00;
	vm11 =	veq.f32 v13, v1  }
0x150: {  	v13 =	vsel vm11, $0x3F800000, v0;
	v0 =	vld [tilespmem:$0x1F390];
	_ =	sdelay $0x2  }
0x151: {  	v5 =	vadd.f32 v23, v37;
	_ =	sdelay $0x1  }
0x152: {  	v17 =	vmovc v10;
	v24 =	vsub.f32 $1.000000000e+00, v10;
	v10 =	vsub.f32 $1.000000000e+00, v5;
	v19 =	vmul.f32 v13, v0  }
0x153: {  	vm12 =	veq.f32 v41, v58  }
0x154: {  	v24 =	vmul.f32 v10, v24;
	v0 =	vimm.f32 $0.0e+00;
	v22 =	vadd.f32 $0.0e+00, v19  }
0x155: {  	v13 =	vld [tilespmem:$0x1F3A0];
	v16 =	vsel vm12, $0x3F800000, v0  }
0x156: {  	v54 =	vsub.f32 $1.000000000e+00, v40;
	v24 =	vmul.f32 v24, v16;
	v55 =	vsub.f32 $1.000000000e+00, v22  }
0x157: {  	vm13 =	veq.f32 v3, v1  }
0x158: {  	v0 =	vimm.f32 $0.0e+00;
	v41 =	vadd.f32 v24, v5;
	v31 =	vmul.f32 v55, v54  }
0x159: {  	v61 =	vsel vm13, $0x3F800000, v0  }
0x15a: {  	v56 =	vsub.f32 $1.000000000e+00, v13;
	v57 =	vsub.f32 $1.000000000e+00, v41;
	v33 =	vmul.f32 v31, v61  }
0x15b: {  	vm14 =	veq.f32 v48, v58  }
0x15c: {  	v0 =	vimm.f32 $0.0e+00;
	v35 =	vmul.f32 v57, v56;
	v63 =	vadd.f32 v33, v22  }
0x15d: {  	v48 =	vld [tilespmem:$0x1F3B0];
	v62 =	vsel vm14, $0x3F800000, v0  }
0x15e: {  	v6 =	vsub.f32 $1.000000000e+00, v47;
	v31 =	vmul.f32 v35, v62;
	v10 =	vsub.f32 $1.000000000e+00, v63  }
0x15f: {  	vm15 =	veq.f32 v2, v1  }
0x160: {  	v0 =	vimm.f32 $0.0e+00;
	v5 =	vadd.f32 v31, v41;
	v32 =	vmul.f32 v10, v6  }
0x161: {  	vm4 =	veq.f32 v39, v58;
	v39 =	vsel vm15, $0x3F800000, v0  }
0x162: {  	v16 =	vsub.f32 $1.000000000e+00, v48;
	v22 =	vsub.f32 $1.000000000e+00, v5;
	v34 =	vmul.f32 v32, v39;
	_ =	sdelay $0x1  }
0x163: {  	v0 =	vimm.f32 $0.0e+00;
	v37 =	vmul.f32 v22, v16;
	v54 =	vadd.f32 v34, v63  }
0x164: {  	v41 =	vsel vm4, $0x3F800000, v0;
	v10 =	vld [tilespmem:$0x1F3C0]  }
0x165: {  	v55 =	vsub.f32 $1.000000000e+00, v52;
	v16 =	vmul.f32 v37, v41;
	v56 =	vsub.f32 $1.000000000e+00, v54  }
0x166: {  	vm5 =	veq.f32 v18, v1  }
0x167: {  	v0 =	vimm.f32 $0.0e+00;
	v36 =	vadd.f32 v16, v5;
	v35 =	vmul.f32 v56, v55  }
0x168: {  	v63 =	vsel vm5, $0x3F800000, v0  }
0x169: {  	v57 =	vsub.f32 $1.000000000e+00, v10;
	v61 =	vsub.f32 $1.000000000e+00, v36;
	v35 =	vmul.f32 v35, v63  }
0x16a: {  	vm6 =	veq.f32 v51, v58  }
0x16b: {  	v0 =	vimm.f32 $0.0e+00;
	v62 =	vmul.f32 v61, v57;
	v37 =	vadd.f32 v35, v54  }
0x16c: {  	v5 =	vsel vm6, $0x3F800000, v0  }
0x16d: {  	[tilespmem:$0x1F4A0] =	vst v52;
	v51 =	vld [tilespmem:$0x1F3D0];
	v52 =	vmovc v9;
	v6 =	vsub.f32 $1.000000000e+00, v9;
	v38 =	vmul.f32 v62, v5;
	v9 =	vsub.f32 $1.000000000e+00, v37  }
0x16e: {  	vm7 =	veq.f32 v60, v1  }
0x16f: {  	v0 =	vimm.f32 $0.0e+00;
	v39 =	vadd.f32 v38, v36;
	v36 =	vmul.f32 v9, v6  }
0x170: {  	v57 =	vsel vm7, $0x3F800000, v0  }
0x171: {  	v36 =	vmul.f32 v36, v57  }
0x172: {  	v18 =	vsub.f32 $1.000000000e+00, v51;
	v22 =	vsub.f32 $1.000000000e+00, v39  }
0x173: {  	v61 =	vadd.f32 v36, v37  }
0x174: {  	vm8 =	veq.f32 v45, v58;
	v0 =	vimm.f32 $0.0e+00;
	v32 =	vmul.f32 v22, v18  }
0x175: {  	v60 =	vsel vm8, $0x3F800000, v0;
	v62 =	vsub.f32 $1.000000000e+00, v46;
	v9 =	vld [tilespmem:$0x1F3E0];
	v63 =	vsub.f32 $1.000000000e+00, v61  }
0x176: {  	v41 =	vmul.f32 v32, v60  }
0x177: {  	vm9 =	veq.f32 v59, v1;
	v0 =	vimm.f32 $0.0e+00;
	v37 =	vmul.f32 v63, v62  }
0x178: {  	v22 =	vsel vm9, $0x3F800000, v0;
	v39 =	vadd.f32 v41, v39  }
0x179: {  	v37 =	vmul.f32 v37, v22  }
0x17a: {  	v5 =	vsub.f32 $1.000000000e+00, v9;
	v6 =	vsub.f32 $1.000000000e+00, v39  }
0x17b: {  	v54 =	vadd.f32 v37, v61  }
0x17c: {  	vm10 =	veq.f32 v7, v58;
	v0 =	vimm.f32 $0.0e+00;
	v18 =	vmul.f32 v6, v5  }
0x17d: {  	v45 =	vsub.f32 $1.000000000e+00, v28;
	v32 =	vsel vm10, $0x3F800000, v0;
	v6 =	vld [tilespmem:$0x1F3F0];
	v60 =	vsub.f32 $1.000000000e+00, v54  }
0x17e: {  	v7 =	vmul.f32 v18, v32  }
0x17f: {  	vm11 =	veq.f32 v50, v1;
	v0 =	vimm.f32 $0.0e+00;
	v56 =	vmul.f32 v60, v45  }
0x180: {  	v5 =	vsel vm11, $0x3F800000, v0;
	v39 =	vadd.f32 v7, v39  }
0x181: {  	v56 =	vmul.f32 v56, v5  }
0x182: {  	v61 =	vsub.f32 $1.000000000e+00, v6;
	v62 =	vsub.f32 $1.000000000e+00, v39  }
0x183: {  	v3 =	vmov v58;
	v54 =	vadd.f32 v56, v54  }
0x184: {  	vm12 =	veq.f32 v44, v3;
	v0 =	vimm.f32 $0.0e+00;
	v63 =	vmul.f32 v62, v61  }
0x185: {  	v22 =	vsub.f32 $1.000000000e+00, v29;
	v18 =	vsel vm12, $0x3F800000, v0;
	v32 =	vsub.f32 $1.000000000e+00, v54  }
0x186: {  	v57 =	vmul.f32 v63, v18;
	v18 =	vld [tilespmem:$0x1F400]  }
0x187: {  	vm13 =	veq.f32 v12, v1;
	v0 =	vimm.f32 $0.0e+00;
	v58 =	vmul.f32 v32, v22  }
0x188: {  	v55 =	vsel vm13, $0x3F800000, v0;
	v39 =	vadd.f32 v57, v39  }
0x189: {  	v58 =	vmul.f32 v58, v55  }
0x18a: {  	v45 =	vsub.f32 $1.000000000e+00, v39  }
0x18b: {  	v44 =	vsub.f32 $1.000000000e+00, v18;
	v54 =	vadd.f32 v58, v54  }
0x18c: {  	vm14 =	veq.f32 v8, v3;
	v8 =	vsub.f32 $1.000000000e+00, v30  }
0x18d: {  	v0 =	vimm.f32 $0.0e+00;
	v50 =	vmul.f32 v45, v44;
	v12 =	vsub.f32 $1.000000000e+00, v54  }
0x18e: {  	vm15 =	veq.f32 v15, v1;
	v5 =	vsel vm14, $0x3F800000, v0  }
0x18f: {  	v0 =	vimm.f32 $0.0e+00;
	v59 =	vmul.f32 v50, v5;
	v5 =	vld [tilespmem:$0x1F410];
	v60 =	vmul.f32 v12, v8  }
0x190: {  	v45 =	vsel vm15, $0x3F800000, v0  }
0x191: {  	v15 =	vmul.f32 v60, v45  }
0x192: {  	v39 =	vadd.f32 v59, v39  }
0x193: {  	v54 =	vadd.f32 v15, v54  }
0x194: {  	v32 =	vsub.f32 $1.000000000e+00, v39;
	v22 =	vsub.f32 $1.000000000e+00, v5  }
0x195: {  	vm4 =	veq.f32 v42, v3;
	v55 =	vsub.f32 $1.000000000e+00, v27;
	v12 =	vsub.f32 $1.000000000e+00, v54  }
0x196: {  	vm5 =	veq.f32 v4, v1;
	v0 =	vimm.f32 $0.0e+00;
	v44 =	vmul.f32 v32, v22  }
0x197: {  	v2 =	vmovc v1;
	v1 =	vimm.f32 $0.0e+00;
	v50 =	vsel vm4, $0x3F800000, v0;
	v8 =	vld [tilespmem:$0x1F420];
	v61 =	vmul.f32 v12, v55  }
0x198: {  	v32 =	vsel vm5, $0x3F800000, v1;
	v60 =	vmul.f32 v44, v50  }
0x199: {  	v63 =	vmul.f32 v61, v32  }
0x19a: {  	v39 =	vadd.f32 v60, v39  }
0x19b: {  	v61 =	vadd.f32 v63, v54  }
0x19c: {  	v22 =	vsub.f32 $1.000000000e+00, v8;
	v0 =	vsub.f32 $1.000000000e+00, v39  }
0x19d: {  	v45 =	vsub.f32 $1.000000000e+00, v61  }
0x19e: {  	vm6 =	veq.f32 v49, v3;
	v1 =	vimm.f32 $0.0e+00;
	v0 =	vmul.f32 v0, v22  }
0x19f: {  	v49 =	vld [tilespmem:$0x1F430];
	v42 =	vsel vm6, $0x3F800000, v1;
	v44 =	vsub.f32 $1.000000000e+00, v43  }
0x1a0: {  	v1 =	vmul.f32 v0, v42  }
0x1a1: {  	vm7 =	veq.f32 v11, v2;
	v54 =	vmul.f32 v45, v44;
	v45 =	vmov v11;
	v11 =	vld [tilespmem:$0x1FBE0]  }
0x1a2: {  	v39 =	vadd.f32 v1, v39;
	_ =	sdelay $0x1  }
0x1a3: {  	v0 =	vsub.f32 $1.000000000e+00, v49;
	v50 =	vsub.f32 $1.000000000e+00, v39  }
0x1a4: {  	v44 =	vld [tilespmem:$0x1F450]  }
0x1a5: {  	v22 =	vimm.f32 $0.0e+00;
	v42 =	vld [tilespmem:$0x1F440];
	v0 =	vmul.f32 v50, v0;
	vm8 =	veq.f32 v11, v3  }
0x1a6: {  	v12 =	vimm.f32 $0.0e+00;
	v32 =	vsel vm8, $0x3F800000, v22  }
0x1a7: {  	[tilespmem:$0x1FF80] =	vst v4;
	v4 =	vsel vm7, $0x3F800000, v12;
	v0 =	vmul.f32 v0, v32  }
0x1a8: {  	v11 =	vmul.f32 v54, v4;
	v22 =	vld [tilespmem:$0x1F460]  }
0x1a9: {  	v4 =	vadd.f32 v23, v44;
	v23 =	vadd.f32 v0, v39  }
0x1aa: {  	v55 =	vadd.f32 v14, v42;
	v14 =	vadd.f32 v11, v61;
	v61 =	vld [tilespmem:$0x1FC30]  }
0x1ab: {  	v44 =	vsub.f32 $1.000000000e+00, v23  }
0x1ac: {  	v50 =	vsub.f32 $1.000000000e+00, v26;
	v54 =	vsub.f32 $1.000000000e+00, v14  }
0x1ad: {  	v32 =	vsub.f32 $1.000000000e+00, v22  }
0x1ae: {  	vm9 =	veq.f32 v21, v2;
	v12 =	vadd.f32 v24, v17;
	v24 =	vmul.f32 v54, v50  }
0x1af: {  	vm10 =	veq.f32 v61, v3;
	v50 =	vmul.f32 v44, v32;
	v44 =	vmovc v3;
	v3 =	vimm.f32 $0.0e+00  }
0x1b0: {  	v54 =	vmovc v21;
	v21 =	vadd.f32 v16, v48;
	v62 =	vsel vm9, $0x3F800000, v3;
	v3 =	vimm.f32 $0.0e+00  }
0x1b1: {  	v48 =	vadd.f32 v7, v9;
	v7 =	vld [tilespmem:$0x1F470];
	v42 =	vmul.f32 v24, v62;
	v24 =	vsel vm10, $0x3F800000, v3  }
0x1b2: {  	v32 =	vadd.f32 v31, v13;
	v31 =	vmul.f32 v50, v24;
	_ =	sdelay $0x1  }
0x1b3: {  	v62 =	vadd.f32 v38, v10;
	v10 =	vadd.f32 v31, v23;
	_ =	sdelay $0x1  }
0x1b4: {  	v16 =	vsub.f32 $1.000000000e+00, v7;
	v17 =	vsub.f32 $1.000000000e+00, v10  }
0x1b5: {  	v24 =	vadd.f32 v41, v51;
	v51 =	vld [tilespmem:$0x1FD30]  }
0x1b6: {  	v14 =	vadd.f32 v42, v14;
	v50 =	vmul.f32 v17, v16;
	v17 =	vld [tilespmem:$0x1FC60]  }
0x1b7: {  	v9 =	vsub.f32 $1.000000000e+00, v53  }
0x1b8: {  	v3 =	vadd.f32 v57, v6;
	v13 =	vsub.f32 $1.000000000e+00, v14  }
0x1b9: {  	v1 =	vadd.f32 v1, v8  }
0x1ba: {  	[tilespmem:$0x1F680] =	vst v3;
	v3 =	vimm.f32 $0.0e+00;
	v13 =	vmul.f32 v13, v9;
	vm11 =	veq.f32 v51, v2  }
0x1bb: {  	v6 =	vsel vm11, $0x3F800000, v3;
	v3 =	vimm.f32 $0.0e+00;
	vm12 =	veq.f32 v17, v44  }
0x1bc: {  	v6 =	vmul.f32 v13, v6;
	v13 =	vsel vm12, $0x3F800000, v3  }
0x1bd: {  	[tilespmem:$0x1F4E0] =	vst v1;
	v1 =	vmul.f32 v50, v13  }
0x1be: {  	v0 =	vadd.f32 v0, v49;
	v38 =	vld [tilespmem:$0x1FDB0];
	v41 =	vadd.f32 v31, v22  }
0x1bf: {  	v22 =	vadd.f32 v1, v7;
	v23 =	vadd.f32 v1, v10;
	v1 =	vld [tilespmem:$0x1F480]  }
0x1c0: {  	[tilespmem:$0x1F4F0] =	vst v0;
	v0 =	vadd.f32 v6, v14  }
0x1c1: {  	v59 =	vadd.f32 v59, v18  }
0x1c2: {  	v57 =	vld [tilespmem:$0x1FCE0];
	v16 =	vsub.f32 $1.000000000e+00, v25;
	v18 =	vsub.f32 $1.000000000e+00, v0  }
0x1c3: {  	vm13 =	veq.f32 v38, v2;
	v9 =	vmov v2;
	v2 =	vld [tilespmem:$0x1F4A0]  }
0x1c4: {  	v49 =	vadd.f32 v19, v1;
	v1 =	vmul.f32 v18, v16;
	v16 =	vld [tilespmem:$0x1F490];
	_ =	sdelay $0x2  }
0x1c5: {  	v39 =	vadd.f32 v33, v40;
	v3 =	vimm.f32 $0.0e+00  }
0x1c6: {  	vm14 =	veq.f32 v57, v44;
	v40 =	vadd.f32 v35, v2;
	v33 =	vsel vm13, $0x3F800000, v3  }
0x1c7: {  	v31 =	vsub.f32 $1.000000000e+00, v23;
	v1 =	vmul.f32 v1, v33;
	v19 =	vsub.f32 $1.000000000e+00, v16  }
0x1c8: {  	v8 =	vld [tilespmem:$0x1FD50];
	v2 =	vimm.f32 $0.0e+00;
	v35 =	vsub.f32 $1.000000000e+00, v20;
	v50 =	vadd.f32 v34, v47  }
0x1c9: {  	v14 =	vld [tilespmem:$0x1FDF0];
	v47 =	vadd.f32 v36, v52;
	v0 =	vadd.f32 v1, v0;
	v34 =	vmul.f32 v31, v19  }
0x1ca: {  	v2 =	vsel vm14, $0x3F800000, v2;
	v36 =	vadd.f32 v37, v46;
	v10 =	vadd.f32 v58, v29;
	v58 =	vld [tilespmem:$0x1FD40]  }
0x1cb: {  	v37 =	vadd.f32 v56, v28;
	v52 =	vsub.f32 $1.000000000e+00, v0;
	v2 =	vmul.f32 v34, v2;
	v34 =	vld [tilespmem:$0x1FD60]  }
0x1cc: {  	v46 =	vadd.f32 v63, v27;
	v27 =	vmul.f32 $3.399999950e+38, v55;
	v13 =	vmovc v55;
	v55 =	vmul.f32 $3.399999950e+38, v4  }
0x1cd: {  	v63 =	vmul.f32 $3.399999950e+38, v12;
	v3 =	vimm.f32 $0.0e+00;
	v18 =	vmul.f32 v52, v35;
	v35 =	vld [tilespmem:$0x1FD70]  }
0x1ce: {  	[tilespmem:$0x1F510] =	vst v12;
	v12 =	vmul.f32 $3.399999950e+38, v32;
	vm15 =	veq.f32 v14, v9;
	v29 =	vsub.f32 v8, v55  }
0x1cf: {  	v7 =	vsel vm15, $0x3F800000, v3;
	v27 =	vsub.f32 v58, v27;
	v19 =	vadd.f32 v6, v53;
	v53 =	vld [tilespmem:$0x1F4B0]  }
0x1d0: {  	v31 =	vadd.f32 v15, v30;
	v30 =	vmul.f32 v18, v7;
	v28 =	vsub.f32 v34, v63  }
0x1d1: {  	v27 =	vmax.f32 v27, v29  }
0x1d2: {  	v0 =	vadd.f32 v30, v0;
	v15 =	vmax.f32 v27, v28;
	v27 =	vsub.f32 v35, v12  }
0x1d3: {  	v60 =	vadd.f32 v60, v5;
	v5 =	vld [tilespmem:$0x1FEF0]  }
0x1d4: {  	[tilespmem:$0x1F500] =	vst v4;
	v33 =	vsub.f32 $1.000000000e+00, v0;
	v4 =	vmax.f32 v15, v27;
	v27 =	vsub.f32 $1.000000000e+00, v53;
	v15 =	vld [tilespmem:$0x1FF00];
	_ =	sdelay $0x1  }
0x1d5: {  	v43 =	vadd.f32 v11, v43;
	v11 =	vadd.f32 v1, v25;
	v1 =	vmul.f32 v33, v27;
	v33 =	vld [tilespmem:$0x1FF10]  }
0x1d6: {  	[tilespmem:$0x1F520] =	vst v32;
	v32 =	vadd.f32 v42, v26;
	v26 =	vmul.f32 $3.399999950e+38, v39;
	v18 =	vmul.f32 $3.399999950e+38, v49;
	_ =	sdelay $0x1  }
0x1d7: {  	v42 =	vmul.f32 $3.399999950e+38, v50;
	v7 =	vld [tilespmem:$0x1FE70];
	v6 =	vsub.f32 v5, v18;
	v26 =	vsub.f32 v15, v26;
	_ =	sdelay $0x1  }
0x1d8: {  	v6 =	vmax.f32 v6, v26;
	v26 =	vsub.f32 v33, v42;
	v42 =	vld [tilespmem:$0x1FF20];
	_ =	sdelay $0x1  }
0x1d9: {  	v63 =	vmov v36;
	v6 =	vmax.f32 v6, v26;
	v26 =	vmul.f32 $3.399999950e+38, v36;
	v36 =	vld [tilespmem:$0x1FF30]  }
0x1da: {  	v3 =	vimm.f32 $0.0e+00;
	vm4 =	veq.f32 v7, v9;
	v27 =	vmul.f32 $3.399999950e+38, v40  }
0x1db: {  	[tilespmem:$0x1F5B0] =	vst v49;
	v25 =	vld [tilespmem:$0x1FF40];
	v52 =	vmov v49;
	v49 =	vsel vm4, $0x3F800000, v3  }
0x1dc: {  	v55 =	vmul.f32 $3.399999950e+38, v47;
	v1 =	vmul.f32 v1, v49;
	v49 =	vld [tilespmem:$0x1FF50];
	v27 =	vsub.f32 v42, v27;
	_ =	sdelay $0x1  }
0x1dd: {  	v6 =	vmax.f32 v6, v27;
	v27 =	vsub.f32 v36, v55;
	v55 =	vld [tilespmem:$0x1FF70]  }
0x1de: {  	v56 =	vmul.f32 $3.399999950e+38, v37  }
0x1df: {  	v26 =	vsub.f32 v25, v26  }
0x1e0: {  	[tilespmem:$0x1F530] =	vst v37;
	v37 =	vmul.f32 $3.399999950e+38, v31;
	v6 =	vmax.f32 v6, v27;
	v27 =	vsub.f32 v49, v56  }
0x1e1: {  	v6 =	vmax.f32 v6, v26  }
0x1e2: {  	v6 =	vmax.f32 v6, v27;
	v27 =	vsub.f32 v55, v37;
	v37 =	vld [tilespmem:$0x1F4C0];
	_ =	sdelay $0x1  }
0x1e3: {  	v18 =	vld [tilespmem:$0x1FF60]  }
0x1e4: {  	v0 =	vadd.f32 v1, v0  }
0x1e5: {  	[tilespmem:$0x1F600] =	vst v40  }
0x1e6: {  	[tilespmem:$0x1F540] =	vst v10;
	v10 =	vmul.f32 $3.399999950e+38, v10;
	v12 =	vmovc v40;
	v0 =	vsub.f32 $1.000000000e+00, v0;
	v40 =	vsub.f32 $1.000000000e+00, v37  }
0x1e7: {  	[tilespmem:$0x1F550] =	vst v31;
	v31 =	vld [tilespmem:$0x1FF80]  }
0x1e8: {  	v26 =	vsub.f32 v18, v10;
	v0 =	vmul.f32 v0, v40;
	v40 =	vld [tilespmem:$0x1FEE0]  }
0x1e9: {  	v10 =	vadd.f32 v30, v20;
	v20 =	vmul.f32 $3.399999950e+38, v19  }
0x1ea: {  	v6 =	vmax.f32 v6, v26;
	v26 =	vmul.f32 $3.399999950e+38, v46  }
0x1eb: {  	v3 =	vimm.f32 $0.0e+00;
	v56 =	vmul.f32 $3.399999950e+38, v32;
	v51 =	vsub.f32 v51, v20  }
0x1ec: {  	[tilespmem:$0x1F560] =	vst v43;
	v6 =	vmax.f32 v6, v27;
	v27 =	vmul.f32 $3.399999950e+38, v43;
	v26 =	vsub.f32 v31, v26  }
0x1ed: {  	[tilespmem:$0x1FDE0] =	vst v9;
	v43 =	vadd.f32 v1, v53;
	v53 =	vmul.f32 $3.399999950e+38, v11;
	vm5 =	veq.f32 v40, v9  }
0x1ee: {  	[tilespmem:$0x1F590] =	vst v11;
	v11 =	vadd.f32 v2, v16;
	v2 =	vadd.f32 v2, v23;
	v9 =	vsel vm5, $0x3F800000, v3  }
0x1ef: {  	v27 =	vsub.f32 v45, v27;
	v6 =	vmax.f32 v6, v26;
	v0 =	vmul.f32 v0, v9  }
0x1f0: {  	[tilespmem:$0x1F630] =	vst v21;
	v26 =	vsub.f32 v54, v56;
	v56 =	vmul.f32 $3.399999950e+38, v10;
	v20 =	vsub.f32 v38, v53  }
0x1f1: {  	v29 =	vld [tilespmem:$0x1F4D0];
	[tilespmem:$0x1F5A0] =	vst v10;
	v10 =	vmovc v21;
	v21 =	vmul.f32 $3.399999950e+38, v21;
	v1 =	vmax.f32 v6, v27;
	v3 =	vadd.f32 v0, v37  }
0x1f2: {  	v6 =	vsub.f32 v14, v56;
	v56 =	vld [tilespmem:$0x1FA30];
	v0 =	vmax.f32 v1, v26;
	v26 =	vmul.f32 $3.399999950e+38, v43  }
0x1f3: {  	v53 =	vmul.f32 $3.399999950e+38, v48;
	v37 =	vld [tilespmem:$0x1FD80];
	v0 =	vmax.f32 v0, v51;
	v16 =	vmul.f32 $3.399999950e+38, v3  }
0x1f4: {  	[tilespmem:$0x1F5F0] =	vst v43;
	v2 =	vsub.f32 $1.000000000e+00, v2;
	v0 =	vmax.f32 v0, v20;
	v43 =	vsub.f32 v7, v26;
	v7 =	vld [tilespmem:$0x1FA20]  }
0x1f5: {  	[tilespmem:$0x1F670] =	vst v48;
	v9 =	vsub.f32 $1.000000000e+00, v52;
	v52 =	vld [tilespmem:$0x1FB80];
	v0 =	vmax.f32 v0, v6;
	v26 =	vsub.f32 v40, v16  }
0x1f6: {  	v27 =	vmul.f32 $3.399999950e+38, v62;
	v1 =	vimm.f32 $0.0e+00;
	[tilespmem:$0x1F620] =	vst v3;
	v3 =	vld [tilespmem:$0x1FDA0];
	v0 =	vmax.f32 v0, v43  }
0x1f7: {  	[tilespmem:$0x1F640] =	vst v62;
	v38 =	vmovc v62;
	v20 =	vsub.f32 v56, v53;
	v53 =	vmul.f32 $3.399999950e+38, v11;
	v40 =	vld [tilespmem:$0x1F680];
	v62 =	vmax.f32 v0, v26  }
0x1f8: {  	[tilespmem:$0x1F570] =	vst v32;
	v16 =	vsub.f32 $1.000000000e+00, v29;
	v32 =	vsub.f32 v37, v21;
	vm6 =	veq.f32 v5, v62;
	v5 =	vld [tilespmem:$0x1FD10]  }
0x1f9: {  	[tilespmem:$0x1F580] =	vst v19;
	v19 =	vmovc v48;
	v48 =	vld [tilespmem:$0x1FB60];
	v43 =	vmul.f32 $3.399999950e+38, v59;
	v0 =	vmul.f32 $3.399999950e+38, v24;
	v51 =	vsub.f32 v7, v27  }
0x1fa: {  	v2 =	vmul.f32 v2, v16;
	v4 =	vmax.f32 v4, v32;
	v14 =	vsel vm6, $0x3F800000, v1  }
0x1fb: {  	v6 =	vld [tilespmem:$0x1FBA0];
	v0 =	vsub.f32 v3, v0;
	v4 =	vmax.f32 v4, v51;
	v1 =	vmul.f32 v14, v9  }
0x1fc: {  	[tilespmem:$0x1F690] =	vst v59;
	v28 =	vmul.f32 $3.399999950e+38, v40;
	v32 =	vmovc v59;
	v59 =	vsub.f32 v52, v43;
	v14 =	vmul.f32 $3.399999950e+38, v60  }
0x1fd: {  	[tilespmem:$0x1F5C0] =	vst v1;
	v21 =	vadd.f32 $0.0e+00, v1;
	v1 =	vimm.f32 $0.0e+00;
	vm7 =	veq.f32 v5, v44  }
0x1fe: {  	v43 =	vld [tilespmem:$0x1F4E0];
	v0 =	vmax.f32 v4, v0;
	v4 =	vsub.f32 v48, v28;
	v9 =	vsel vm7, $0x3F800000, v1  }
0x1ff: {  	vm8 =	veq.f32 v15, v62;
	v0 =	vmax.f32 v0, v20;
	v2 =	vmul.f32 v2, v9;
	v9 =	vld [tilespmem:$0x1F4F0]  }
0x200: {  	v0 =	vmax.f32 v0, v4;
	v4 =	vsub.f32 v6, v14;
	v14 =	vld [tilespmem:$0x1FBC0];
	v1 =	vimm.f32 $0.0e+00  }
0x201: {  	[tilespmem:$0x1F5D0] =	vst v39;
	v26 =	vsub.f32 $1.000000000e+00, v39;
	v27 =	vsub.f32 $1.000000000e+00, v21;
	v39 =	vsel vm8, $0x3F800000, v1;
	v1 =	vld [tilespmem:$0x1FBE0];
	_ =	sdelay $0x1  }
0x202: {  	[tilespmem:$0x1F6B0] =	vst v11;
	v11 =	vsub.f32 v57, v53;
	v30 =	vmul.f32 $3.399999950e+38, v43;
	v16 =	vmul.f32 v27, v26  }
0x203: {  	v0 =	vmax.f32 v0, v59;
	v27 =	vmul.f32 $3.399999950e+38, v41;
	v26 =	vmul.f32 $3.399999950e+38, v9  }
0x204: {  	v0 =	vmax.f32 v0, v4;
	v59 =	vmul.f32 v16, v39;
	v23 =	vsub.f32 v14, v30  }
0x205: {  	[tilespmem:$0x1F610] =	vst v41;
	v41 =	vsub.f32 v1, v26;
	v26 =	vmul.f32 $3.399999950e+38, v22;
	v1 =	vadd.f32 v2, v29  }
0x206: {  	[tilespmem:$0x1FC20] =	vst v44;
	v44 =	vsub.f32 v61, v27;
	v0 =	vmax.f32 v0, v23;
	v2 =	vadd.f32 v59, v21  }
0x207: {  	v0 =	vmax.f32 v0, v41;
	v51 =	vsub.f32 v17, v26;
	v61 =	vmul.f32 $3.399999950e+38, v1  }
0x208: {  	v26 =	vsub.f32 $1.000000000e+00, v50;
	v27 =	vsub.f32 $1.000000000e+00, v2;
	v0 =	vmax.f32 v0, v44  }
0x209: {  	vm9 =	veq.f32 v33, v62;
	v0 =	vmax.f32 v0, v51;
	v23 =	vsub.f32 v5, v61  }
0x20a: {  	[tilespmem:$0x1F6C0] =	vst v1;
	v1 =	vimm.f32 $0.0e+00;
	v15 =	vmul.f32 v27, v26;
	v0 =	vmax.f32 v0, v11  }
0x20b: {  	v16 =	vsel vm9, $0x3F800000, v1;
	v1 =	vimm.f32 $0.0e+00;
	v5 =	vmax.f32 v0, v23  }
0x20c: {  	v41 =	vmul.f32 v15, v16;
	v0 =	vsub.f32 $1.000000000e+00, v13;
	vm10 =	veq.f32 v58, v5  }
0x20d: {  	v16 =	vld [tilespmem:$0x1F500];
	v17 =	vsel vm10, $0x3F800000, v1  }
0x20e: {  	[tilespmem:$0x1F660] =	vst v22;
	v2 =	vadd.f32 v41, v2;
	v22 =	vmul.f32 v17, v0  }
0x20f: {  	v0 =	vsub.f32 $1.000000000e+00, v12  }
0x210: {  	v20 =	vsub.f32 $1.000000000e+00, v2;
	v27 =	vadd.f32 $0.0e+00, v22  }
0x211: {  	vm11 =	veq.f32 v42, v62;
	v1 =	vimm.f32 $0.0e+00  }
0x212: {  	v21 =	vsub.f32 $1.000000000e+00, v16;
	v0 =	vmul.f32 v20, v0;
	v23 =	vsub.f32 $1.000000000e+00, v27  }
0x213: {  	vm12 =	veq.f32 v8, v5;
	v26 =	vsel vm11, $0x3F800000, v1  }
0x214: {  	v1 =	vimm.f32 $0.0e+00;
	v53 =	vmul.f32 v0, v26;
	v0 =	vmul.f32 v23, v21  }
0x215: {  	v12 =	vld [tilespmem:$0x1F510];
	v33 =	vsel vm12, $0x3F800000, v1  }
0x216: {  	v2 =	vadd.f32 v53, v2;
	v33 =	vmul.f32 v0, v33  }
0x217: {  	v0 =	vsub.f32 $1.000000000e+00, v47  }
0x218: {  	v39 =	vsub.f32 $1.000000000e+00, v2;
	v42 =	vadd.f32 v33, v27  }
0x219: {  	vm13 =	veq.f32 v36, v62;
	v1 =	vimm.f32 $0.0e+00  }
0x21a: {  	v44 =	vsub.f32 $1.000000000e+00, v12;
	v0 =	vmul.f32 v39, v0;
	v51 =	vsub.f32 $1.000000000e+00, v42  }
0x21b: {  	vm14 =	veq.f32 v34, v5;
	v27 =	vsel vm13, $0x3F800000, v1  }
0x21c: {  	v17 =	vld [tilespmem:$0x1F520];
	v1 =	vimm.f32 $0.0e+00;
	v26 =	vmul.f32 v0, v27;
	v0 =	vmul.f32 v51, v44  }
0x21d: {  	v57 =	vsel vm14, $0x3F800000, v1  }
0x21e: {  	v2 =	vadd.f32 v26, v2;
	v34 =	vmul.f32 v0, v57  }
0x21f: {  	v0 =	vsub.f32 $1.000000000e+00, v63  }
0x220: {  	v58 =	vsub.f32 $1.000000000e+00, v2;
	v28 =	vadd.f32 v34, v42  }
0x221: {  	vm15 =	veq.f32 v25, v62;
	v61 =	vsub.f32 $1.000000000e+00, v17  }
0x222: {  	v1 =	vimm.f32 $0.0e+00;
	v27 =	vmovc v63;
	v0 =	vmul.f32 v58, v0;
	v63 =	vsub.f32 $1.000000000e+00, v28  }
0x223: {  	vm4 =	veq.f32 v35, v5;
	v8 =	vsel vm15, $0x3F800000, v1  }
0x224: {  	v1 =	vimm.f32 $0.0e+00;
	v36 =	vmul.f32 v0, v8;
	v0 =	vmul.f32 v63, v61  }
0x225: {  	v11 =	vsel vm4, $0x3F800000, v1  }
0x226: {  	v4 =	vmul.f32 v0, v11;
	v11 =	vld [tilespmem:$0x1F530];
	_ =	sdelay $0x2  }
0x227: {  	v2 =	vadd.f32 v36, v2;
	_ =	sdelay $0x1  }
0x228: {  	[tilespmem:$0x1F5E0] =	vst v50;
	v50 =	vmov v13;
	v13 =	vsub.f32 $1.000000000e+00, v2;
	v0 =	vsub.f32 $1.000000000e+00, v11  }
0x229: {  	vm5 =	veq.f32 v49, v62  }
0x22a: {  	v1 =	vimm.f32 $0.0e+00;
	v15 =	vadd.f32 v4, v28;
	v0 =	vmul.f32 v13, v0  }
0x22b: {  	v20 =	vld [tilespmem:$0x1F540];
	v39 =	vsel vm5, $0x3F800000, v1  }
0x22c: {  	v21 =	vsub.f32 $1.000000000e+00, v10;
	v23 =	vsub.f32 $1.000000000e+00, v15;
	v10 =	vmul.f32 v0, v39  }
0x22d: {  	vm6 =	veq.f32 v37, v5  }
0x22e: {  	v1 =	vimm.f32 $0.0e+00;
	v0 =	vmul.f32 v23, v21;
	v2 =	vadd.f32 v10, v2  }
0x22f: {  	v42 =	vsel vm6, $0x3F800000, v1  }
0x230: {  	v28 =	vmul.f32 v0, v42;
	v0 =	vsub.f32 $1.000000000e+00, v20;
	v44 =	vsub.f32 $1.000000000e+00, v2  }
0x231: {  	vm7 =	veq.f32 v18, v62  }
0x232: {  	v1 =	vimm.f32 $0.0e+00;
	v30 =	vadd.f32 v28, v15;
	v0 =	vmul.f32 v44, v0  }
0x233: {  	v57 =	vsel vm7, $0x3F800000, v1;
	v8 =	vld [tilespmem:$0x1F550]  }
0x234: {  	v49 =	vsub.f32 $1.000000000e+00, v38;
	v51 =	vsub.f32 $1.000000000e+00, v30;
	v42 =	vmul.f32 v0, v57  }
0x235: {  	vm8 =	veq.f32 v7, v5  }
0x236: {  	v1 =	vimm.f32 $0.0e+00;
	v0 =	vmul.f32 v51, v49;
	v2 =	vadd.f32 v42, v2  }
0x237: {  	v58 =	vsel vm8, $0x3F800000, v1  }
0x238: {  	v29 =	vmul.f32 v0, v58;
	v0 =	vsub.f32 $1.000000000e+00, v8;
	v61 =	vsub.f32 $1.000000000e+00, v2  }
0x239: {  	vm9 =	veq.f32 v55, v62  }
0x23a: {  	v1 =	vimm.f32 $0.0e+00;
	v63 =	vadd.f32 v29, v30;
	v0 =	vmul.f32 v61, v0  }
0x23b: {  	v15 =	vsel vm9, $0x3F800000, v1  }
0x23c: {  	v7 =	vsub.f32 $1.000000000e+00, v24;
	v13 =	vsub.f32 $1.000000000e+00, v63;
	v44 =	vmul.f32 v0, v15  }
0x23d: {  	vm10 =	veq.f32 v3, v5  }
0x23e: {  	v1 =	vimm.f32 $0.0e+00;
	v0 =	vmul.f32 v13, v7;
	v2 =	vadd.f32 v44, v2  }
0x23f: {  	v18 =	vsel vm10, $0x3F800000, v1  }
0x240: {  	v30 =	vmul.f32 v0, v18;
	v0 =	vsub.f32 $1.000000000e+00, v46;
	v21 =	vsub.f32 $1.000000000e+00, v2  }
0x241: {  	vm11 =	veq.f32 v31, v62  }
0x242: {  	v1 =	vimm.f32 $0.0e+00;
	v23 =	vadd.f32 v30, v63;
	v0 =	vmul.f32 v21, v0  }
0x243: {  	v57 =	vsel vm11, $0x3F800000, v1;
	v13 =	vld [tilespmem:$0x1F560]  }
0x244: {  	v25 =	vmovc v55;
	v49 =	vsub.f32 $1.000000000e+00, v19;
	v37 =	vsub.f32 $1.000000000e+00, v23;
	v55 =	vmul.f32 v0, v57  }
0x245: {  	vm12 =	veq.f32 v56, v5  }
0x246: {  	v1 =	vimm.f32 $0.0e+00;
	v0 =	vmul.f32 v37, v49;
	v2 =	vadd.f32 v55, v2  }
0x247: {  	v58 =	vsel vm12, $0x3F800000, v1  }
0x248: {  	v37 =	vmul.f32 v0, v58;
	v0 =	vsub.f32 $1.000000000e+00, v13;
	v61 =	vsub.f32 $1.000000000e+00, v2  }
0x249: {  	vm13 =	veq.f32 v45, v62  }
0x24a: {  	v1 =	vimm.f32 $0.0e+00;
	v63 =	vadd.f32 v37, v23;
	v0 =	vmul.f32 v61, v0  }
0x24b: {  	v3 =	vmov v5;
	vm14 =	veq.f32 v48, v5;
	v5 =	vld [tilespmem:$0x1F570];
	v15 =	vsel vm13, $0x3F800000, v1  }
0x24c: {  	v7 =	vsub.f32 $1.000000000e+00, v40;
	v38 =	vsub.f32 $1.000000000e+00, v63;
	v57 =	vmul.f32 v0, v15;
	_ =	sdelay $0x1  }
0x24d: {  	v1 =	vimm.f32 $0.0e+00;
	v0 =	vmul.f32 v38, v7;
	v2 =	vadd.f32 v57, v2  }
0x24e: {  	v18 =	vsel vm14, $0x3F800000, v1  }
0x24f: {  	v38 =	vmul.f32 v0, v18;
	v0 =	vsub.f32 $1.000000000e+00, v5;
	v19 =	vsub.f32 $1.000000000e+00, v2;
	_ =	sdelay $0x1  }
0x250: {  	vm15 =	veq.f32 v54, v62;
	v1 =	vimm.f32 $0.0e+00;
	v0 =	vmul.f32 v19, v0  }
0x251: {  	v51 =	vmovc v31;
	v31 =	vsub.f32 $1.000000000e+00, v32;
	v32 =	vsel vm15, $0x3F800000, v1;
	v23 =	vadd.f32 v38, v63  }
0x252: {  	v58 =	vmul.f32 v0, v32;
	v32 =	vld [tilespmem:$0x1F580]  }
0x253: {  	v39 =	vsub.f32 $1.000000000e+00, v23  }
0x254: {  	vm4 =	veq.f32 v52, v3;
	v52 =	vld [tilespmem:$0x1FD30]  }
0x255: {  	v1 =	vimm.f32 $0.0e+00;
	v0 =	vmul.f32 v39, v31;
	v2 =	vadd.f32 v58, v2  }
0x256: {  	v39 =	vsel vm4, $0x3F800000, v1  }
0x257: {  	v39 =	vmul.f32 v0, v39;
	v40 =	vsub.f32 $1.000000000e+00, v2;
	v0 =	vsub.f32 $1.000000000e+00, v32;
	_ =	sdelay $0x1  }
0x258: {  	vm5 =	veq.f32 v52, v62;
	v1 =	vimm.f32 $0.0e+00;
	v0 =	vmul.f32 v40, v0  }
0x259: {  	vm6 =	veq.f32 v6, v3;
	v18 =	vmov v3;
	v3 =	vld [tilespmem:$0x1F590];
	v61 =	vsel vm5, $0x3F800000, v1  }
0x25a: {  	v49 =	vmul.f32 v0, v61;
	_ =	sdelay $0x1  }
0x25b: {  	v2 =	vadd.f32 v49, v2  }
0x25c: {  	v56 =	vadd.f32 v39, v23  }
0x25d: {  	v61 =	vmov v6;
	v6 =	vsub.f32 $1.000000000e+00, v3;
	v7 =	vsub.f32 $1.000000000e+00, v2  }
0x25e: {  	[tilespmem:$0x1FF90] =	vst v45  }
0x25f: {  	[tilespmem:$0x1FCF0] =	vst v54;
	v21 =	vmovc v45;
	v45 =	vsub.f32 $1.000000000e+00, v60;
	v15 =	vmovc v54;
	v54 =	vsub.f32 $1.000000000e+00, v56;
	v35 =	vmul.f32 v7, v6;
	v7 =	vld [tilespmem:$0x1FDB0];
	_ =	sdelay $0x1  }
0x260: {  	v1 =	vimm.f32 $0.0e+00;
	v0 =	vmul.f32 v54, v45  }
0x261: {  	v63 =	vsel vm6, $0x3F800000, v1  }
0x262: {  	[tilespmem:$0x1F650] =	vst v24;
	v24 =	vmul.f32 v0, v63  }
0x263: {  	vm8 =	veq.f32 v14, v18;
	v1 =	vimm.f32 $0.0e+00;
	vm7 =	veq.f32 v7, v62  }
0x264: {  	v56 =	vadd.f32 v24, v56;
	v23 =	vsel vm7, $0x3F800000, v1;
	v1 =	vimm.f32 $0.0e+00  }
0x265: {  	v40 =	vsel vm8, $0x3F800000, v1;
	v1 =	vld [tilespmem:$0x1F5A0]  }
0x266: {  	v19 =	vsub.f32 $1.000000000e+00, v43;
	v0 =	vsub.f32 $1.000000000e+00, v56;
	v31 =	vmul.f32 v35, v23;
	v23 =	vld [tilespmem:$0x1FDF0]  }
0x267: {  	v54 =	vld [tilespmem:$0x1F5E0]  }
0x268: {  	v0 =	vmul.f32 v0, v19  }
0x269: {  	[tilespmem:$0x1F6A0] =	vst v60;
	v60 =	vadd.f32 v4, v17;
	v2 =	vadd.f32 v31, v2  }
0x26a: {  	v6 =	vsub.f32 $1.000000000e+00, v9;
	v19 =	vmul.f32 v0, v40;
	v40 =	vmovc v9;
	v9 =	vimm.f32 $0.0e+00  }
0x26b: {  	v48 =	vmovc v43;
	v17 =	vld [tilespmem:$0x1F5B0];
	v45 =	vsub.f32 $1.000000000e+00, v2;
	v43 =	vsub.f32 $1.000000000e+00, v1;
	vm9 =	veq.f32 v23, v62  }
0x26c: {  	v14 =	vsel vm9, $0x3F800000, v9;
	v9 =	vadd.f32 v41, v54;
	v41 =	vld [tilespmem:$0x1F5F0]  }
0x26d: {  	v63 =	vmul.f32 v45, v43;
	v43 =	vadd.f32 v22, v50;
	v22 =	vld [tilespmem:$0x1F5C0]  }
0x26e: {  	v35 =	vld [tilespmem:$0x1F5D0]  }
0x26f: {  	v56 =	vadd.f32 v19, v56;
	v50 =	vadd.f32 v33, v16;
	v33 =	vmul.f32 v63, v14;
	_ =	sdelay $0x1  }
0x270: {  	v0 =	vsub.f32 $1.000000000e+00, v56;
	v45 =	vld [tilespmem:$0x1FBE0];
	v2 =	vadd.f32 v33, v2  }
0x271: {  	v14 =	vsub.f32 $1.000000000e+00, v41;
	v17 =	vadd.f32 v22, v17  }
0x272: {  	v22 =	vadd.f32 v59, v35;
	v35 =	vsub.f32 $1.000000000e+00, v2  }
0x273: {  	v54 =	vld [tilespmem:$0x1F600]  }
0x274: {  	v0 =	vmul.f32 v0, v6;
	v6 =	vmul.f32 v35, v14;
	v14 =	vld [tilespmem:$0x1FE70]  }
0x275: {  	vm10 =	veq.f32 v45, v18;
	v59 =	vimm.f32 $0.0e+00  }
0x276: {  	v34 =	vadd.f32 v34, v12;
	v63 =	vmov v18;
	v18 =	vld [tilespmem:$0x1F610];
	v12 =	vsel vm10, $0x3F800000, v59  }
0x277: {  	v0 =	vmul.f32 v0, v12  }
0x278: {  	v58 =	vadd.f32 v58, v5;
	v54 =	vadd.f32 v53, v54  }
0x279: {  	v16 =	vadd.f32 v0, v56;
	v56 =	vimm.f32 $0.0e+00;
	vm11 =	veq.f32 v14, v62  }
0x27a: {  	v53 =	vadd.f32 v10, v11;
	v35 =	vadd.f32 v42, v20;
	v42 =	vld [tilespmem:$0x1FC30];
	v59 =	vsel vm11, $0x3F800000, v56  }
0x27b: {  	v5 =	vld [tilespmem:$0x1F620];
	v4 =	vsub.f32 $1.000000000e+00, v18;
	v10 =	vmul.f32 v6, v59;
	v6 =	vsub.f32 $1.000000000e+00, v16;
	_ =	sdelay $0x1  }
0x27c: {  	v26 =	vadd.f32 v26, v47;
	v20 =	vmul.f32 v6, v4;
	v6 =	vld [tilespmem:$0x1FEE0]  }
0x27d: {  	v47 =	vadd.f32 v36, v27;
	v12 =	vadd.f32 v31, v3;
	v3 =	vld [tilespmem:$0x1FEF0]  }
0x27e: {  	v36 =	vimm.f32 $0.0e+00;
	v27 =	vadd.f32 v44, v8;
	vm12 =	veq.f32 v42, v63;
	v4 =	vld [tilespmem:$0x1FF00]  }
0x27f: {  	v55 =	vadd.f32 v55, v46;
	v46 =	vsub.f32 $1.000000000e+00, v5;
	v44 =	vsel vm12, $0x3F800000, v36  }
0x280: {  	v2 =	vadd.f32 v10, v2;
	v59 =	vmul.f32 v20, v44;
	v20 =	vadd.f32 v33, v1  }
0x281: {  	[tilespmem:$0x1FE00] =	vst v62;
	v33 =	vmul.f32 $3.399999950e+38, v22;
	vm13 =	veq.f32 v6, v62;
	v62 =	vmul.f32 $3.399999950e+38, v17  }
0x282: {  	v36 =	vadd.f32 v49, v32;
	v49 =	vimm.f32 $0.0e+00;
	v2 =	vsub.f32 $1.000000000e+00, v2  }
0x283: {  	v56 =	vsel vm13, $0x3F800000, v49;
	v49 =	vsub.f32 v4, v33;
	v44 =	vsub.f32 v3, v62  }
0x284: {  	v1 =	vadd.f32 v10, v41;
	v41 =	vmul.f32 $3.399999950e+38, v9;
	v2 =	vmul.f32 v2, v46;
	v46 =	vmovc v9;
	v9 =	vld [tilespmem:$0x1FF10]  }
0x285: {  	v11 =	vmax.f32 v44, v49;
	v44 =	vld [tilespmem:$0x1FF20];
	_ =	sdelay $0x1  }
0x286: {  	v33 =	vmov v26;
	v2 =	vmul.f32 v2, v56;
	v62 =	vmul.f32 $3.399999950e+38, v26;
	v26 =	vld [tilespmem:$0x1FF50]  }
0x287: {  	v56 =	vmul.f32 $3.399999950e+38, v54  }
0x288: {  	v31 =	vadd.f32 v2, v5;
	v2 =	vsub.f32 v9, v41;
	v41 =	vld [tilespmem:$0x1FF30]  }
0x289: {  	[tilespmem:$0x1F6E0] =	vst v53;
	v53 =	vmul.f32 $3.399999950e+38, v53;
	v5 =	vsub.f32 v44, v56;
	v56 =	vld [tilespmem:$0x1FF40];
	_ =	sdelay $0x1  }
0x28a: {  	[tilespmem:$0x1F6D0] =	vst v47;
	v49 =	vmul.f32 $3.399999950e+38, v47;
	v47 =	vsub.f32 v26, v53;
	v53 =	vld [tilespmem:$0x1FF60];
	_ =	sdelay $0x1  }
0x28b: {  	v2 =	vmax.f32 v11, v2;
	v10 =	vsub.f32 v41, v62  }
0x28c: {  	v2 =	vmax.f32 v2, v5;
	v5 =	vmul.f32 $3.399999950e+38, v35;
	v62 =	vsub.f32 v56, v49  }
0x28d: {  	v2 =	vmax.f32 v2, v10  }
0x28e: {  	v2 =	vmax.f32 v2, v62;
	v62 =	vsub.f32 v53, v5;
	v5 =	vmul.f32 $3.399999950e+38, v55  }
0x28f: {  	[tilespmem:$0x1F700] =	vst v58;
	v2 =	vmax.f32 v2, v47  }
0x290: {  	[tilespmem:$0x1F710] =	vst v12;
	v2 =	vmax.f32 v2, v62;
	v62 =	vsub.f32 v51, v5;
	v5 =	vmul.f32 $3.399999950e+38, v58  }
0x291: {  	[tilespmem:$0x1F750] =	vst v1;
	v58 =	vmul.f32 $3.399999950e+38, v12;
	v12 =	vmul.f32 $3.399999950e+38, v1;
	v1 =	vld [tilespmem:$0x1F630];
	_ =	sdelay $0x2  }
0x292: {  	v57 =	vadd.f32 v57, v13;
	v49 =	vmul.f32 $3.399999950e+38, v27;
	_ =	sdelay $0x1  }
0x293: {  	v47 =	vsub.f32 v25, v49;
	v49 =	vmul.f32 $3.399999950e+38, v57;
	v28 =	vadd.f32 v28, v1;
	v1 =	vld [tilespmem:$0x1F640];
	_ =	sdelay $0x1  }
0x294: {  	v21 =	vsub.f32 v21, v49;
	v49 =	vsub.f32 v15, v5;
	v5 =	vmul.f32 $3.399999950e+38, v20;
	_ =	sdelay $0x1  }
0x295: {  	[tilespmem:$0x1F720] =	vst v20;
	v20 =	vsub.f32 v23, v5  }
0x296: {  	v23 =	vsub.f32 v14, v12;
	v14 =	vadd.f32 v29, v1;
	v1 =	vld [tilespmem:$0x1F650];
	_ =	sdelay $0x4  }
0x297: {  	v29 =	vadd.f32 v30, v1;
	v1 =	vld [tilespmem:$0x1F670]  }
0x298: {  	v2 =	vmax.f32 v2, v47  }
0x299: {  	v47 =	vmul.f32 $3.399999950e+38, v36;
	v2 =	vmax.f32 v2, v62  }
0x29a: {  	v2 =	vmax.f32 v2, v21;
	v21 =	vmul.f32 $3.399999950e+38, v31  }
0x29b: {  	v62 =	vsub.f32 v52, v47  }
0x29c: {  	v47 =	vsub.f32 v6, v21;
	v6 =	vadd.f32 v37, v1;
	v1 =	vld [tilespmem:$0x1F680];
	_ =	sdelay $0x2  }
0x29d: {  	v7 =	vsub.f32 v7, v58;
	v2 =	vmax.f32 v2, v49;
	v49 =	vld [tilespmem:$0x1F660]  }
0x29e: {  	v2 =	vmax.f32 v2, v62  }
0x29f: {  	v2 =	vmax.f32 v2, v7;
	v12 =	vadd.f32 v38, v1;
	v1 =	vld [tilespmem:$0x1F690]  }
0x2a0: {  	v16 =	vadd.f32 v59, v16;
	v2 =	vmax.f32 v2, v20  }
0x2a1: {  	v2 =	vmax.f32 v2, v23  }
0x2a2: {  	v52 =	vsub.f32 $1.000000000e+00, v16;
	v62 =	vmax.f32 v2, v47;
	v2 =	vsub.f32 $1.000000000e+00, v49  }
0x2a3: {  	[tilespmem:$0x1F760] =	vst v31;
	v31 =	vld [tilespmem:$0x1FC60]  }
0x2a4: {  	v7 =	vmul.f32 v52, v2;
	v52 =	vadd.f32 v39, v1;
	v1 =	vld [tilespmem:$0x1F6A0]  }
0x2a5: {  	v32 =	vmov v17  }
0x2a6: {  	v58 =	vsub.f32 $1.000000000e+00, v32;
	vm14 =	veq.f32 v3, v62;
	v2 =	vimm.f32 $0.0e+00  }
0x2a7: {  	v2 =	vsel vm14, $0x3F800000, v2  }
0x2a8: {  	[tilespmem:$0x1F6F0] =	vst v27;
	vm15 =	veq.f32 v31, v63;
	v27 =	vmul.f32 v2, v58;
	v2 =	vimm.f32 $0.0e+00  }
0x2a9: {  	v8 =	vsel vm15, $0x3F800000, v2;
	v58 =	vadd.f32 v24, v1;
	v24 =	vld [tilespmem:$0x1F6B0]  }
0x2aa: {  	vm4 =	veq.f32 v4, v62;
	v4 =	vld [tilespmem:$0x1FCE0];
	v3 =	vmul.f32 v7, v8  }
0x2ab: {  	v10 =	vsub.f32 $1.000000000e+00, v22;
	v1 =	vadd.f32 $0.0e+00, v27  }
0x2ac: {  	v25 =	vadd.f32 v0, v40;
	v0 =	vadd.f32 v3, v16  }
0x2ad: {  	v40 =	vmul.f32 $3.399999950e+38, v43;
	v21 =	vld [tilespmem:$0x1F6C0];
	v2 =	vimm.f32 $0.0e+00;
	v11 =	vsub.f32 $1.000000000e+00, v1  }
0x2ae: {  	[tilespmem:$0x1F7B0] =	vst v43;
	v15 =	vmovc v43;
	v43 =	vsel vm4, $0x3F800000, v2;
	v7 =	vld [tilespmem:$0x1FD50];
	v32 =	vsub.f32 $1.000000000e+00, v0;
	v30 =	vsub.f32 $1.000000000e+00, v24  }
0x2af: {  	vm5 =	veq.f32 v4, v63;
	v2 =	vimm.f32 $0.0e+00;
	v37 =	vmul.f32 v11, v10;
	v11 =	vld [tilespmem:$0x1FD60]  }
0x2b0: {  	v39 =	vadd.f32 v19, v48;
	v48 =	vadd.f32 v3, v49;
	v38 =	vmul.f32 v32, v30;
	v32 =	vld [tilespmem:$0x1FD40]  }
0x2b1: {  	[tilespmem:$0x1F7C0] =	vst v50;
	v3 =	vmul.f32 $3.399999950e+38, v50;
	v10 =	vmovc v50;
	v50 =	vsel vm5, $0x3F800000, v2;
	v13 =	vmul.f32 v37, v43;
	v37 =	vld [tilespmem:$0x1FD80]  }
0x2b2: {  	v20 =	vadd.f32 v59, v18;
	v16 =	vmul.f32 v38, v50;
	v38 =	vld [tilespmem:$0x1FD70]  }
0x2b3: {  	[tilespmem:$0x1F7D0] =	vst v34;
	v5 =	vmovc v28;
	vm6 =	veq.f32 v9, v62;
	v9 =	vsub.f32 $1.000000000e+00, v21;
	v49 =	vmul.f32 $3.399999950e+38, v34  }
0x2b4: {  	[tilespmem:$0x1F800] =	vst v28;
	v19 =	vmovc v34;
	v34 =	vmul.f32 $3.399999950e+38, v28;
	v28 =	vld [tilespmem:$0x1FA20];
	v3 =	vsub.f32 v7, v3;
	v1 =	vadd.f32 v13, v1  }
0x2b5: {  	[tilespmem:$0x1F730] =	vst v17;
	v59 =	vmul.f32 $3.399999950e+38, v60;
	v17 =	vsub.f32 v11, v49;
	v47 =	vsub.f32 v32, v40  }
0x2b6: {  	v49 =	vsub.f32 $1.000000000e+00, v1;
	v50 =	vsub.f32 v37, v34  }
0x2b7: {  	v3 =	vmax.f32 v47, v3;
	v30 =	vsub.f32 v38, v59;
	v59 =	vmul.f32 $3.399999950e+38, v14  }
0x2b8: {  	v0 =	vadd.f32 v16, v0;
	v47 =	vsub.f32 $1.000000000e+00, v46;
	v3 =	vmax.f32 v3, v17  }
0x2b9: {  	v2 =	vimm.f32 $0.0e+00;
	v3 =	vmax.f32 v3, v30;
	v43 =	vsub.f32 v28, v59  }
0x2ba: {  	v40 =	vmovc v46;
	v0 =	vsub.f32 $1.000000000e+00, v0;
	v46 =	vld [tilespmem:$0x1FDA0];
	v17 =	vmul.f32 v49, v47;
	v3 =	vmax.f32 v3, v50  }
0x2bb: {  	v49 =	vsel vm6, $0x3F800000, v2;
	v3 =	vmax.f32 v3, v43;
	v43 =	vld [tilespmem:$0x1FA30]  }
0x2bc: {  	v0 =	vmul.f32 v0, v9;
	v9 =	vld [tilespmem:$0x1FB60];
	v17 =	vmul.f32 v17, v49  }
0x2bd: {  	v34 =	vmul.f32 $3.399999950e+38, v29  }
0x2be: {  	v47 =	vadd.f32 v16, v24;
	v59 =	vmul.f32 $3.399999950e+38, v6;
	v1 =	vadd.f32 v17, v1  }
0x2bf: {  	v24 =	vsub.f32 $1.000000000e+00, v54;
	v50 =	vsub.f32 v46, v34;
	v34 =	vmul.f32 $3.399999950e+38, v12  }
0x2c0: {  	v8 =	vsub.f32 v43, v59;
	v59 =	vsub.f32 $1.000000000e+00, v1  }
0x2c1: {  	vm7 =	veq.f32 v44, v62;
	v3 =	vmax.f32 v3, v50;
	v30 =	vsub.f32 v9, v34  }
0x2c2: {  	v2 =	vimm.f32 $0.0e+00;
	v34 =	vld [tilespmem:$0x1FB80];
	v3 =	vmax.f32 v3, v8;
	v49 =	vmul.f32 v59, v24  }
0x2c3: {  	v3 =	vmax.f32 v3, v30;
	v30 =	vsel vm7, $0x3F800000, v2;
	v2 =	vld [tilespmem:$0x1FBC0]  }
0x2c4: {  	[tilespmem:$0x1F740] =	vst v22;
	v22 =	vmul.f32 v49, v30;
	v30 =	vld [tilespmem:$0x1FD10];
	_ =	sdelay $0x1  }
0x2c5: {  	v23 =	vmul.f32 $3.399999950e+38, v52;
	v59 =	vmul.f32 $3.399999950e+38, v58  }
0x2c6: {  	vm9 =	veq.f32 v41, v62;
	v44 =	vmul.f32 $3.399999950e+38, v39  }
0x2c7: {  	v50 =	vmovc v52;
	v52 =	vsub.f32 v34, v23;
	v8 =	vsub.f32 v61, v59;
	v49 =	vmul.f32 $3.399999950e+38, v25  }
0x2c8: {  	v16 =	vsub.f32 v2, v44;
	v2 =	vimm.f32 $0.0e+00;
	vm8 =	veq.f32 v30, v63  }
0x2c9: {  	v3 =	vmax.f32 v3, v52;
	v1 =	vadd.f32 v22, v1;
	v24 =	vsel vm8, $0x3F800000, v2  }
0x2ca: {  	[tilespmem:$0x1FC40] =	vst v63;
	v3 =	vmax.f32 v3, v8;
	v52 =	vsub.f32 v45, v49;
	v0 =	vmul.f32 v0, v24  }
0x2cb: {  	[tilespmem:$0x1F770] =	vst v58;
	v58 =	vsub.f32 $1.000000000e+00, v33;
	v59 =	vsub.f32 $1.000000000e+00, v1;
	v3 =	vmax.f32 v3, v16  }
0x2cc: {  	[tilespmem:$0x1F7A0] =	vst v20;
	v21 =	vadd.f32 v0, v21;
	v0 =	vmax.f32 v3, v52;
	v3 =	vmul.f32 $3.399999950e+38, v20  }
0x2cd: {  	[tilespmem:$0x1F780] =	vst v39;
	v63 =	vmul.f32 $3.399999950e+38, v48;
	v61 =	vmul.f32 v59, v58;
	v2 =	vimm.f32 $0.0e+00  }
0x2ce: {  	[tilespmem:$0x1F7E0] =	vst v48;
	v44 =	vmul.f32 $3.399999950e+38, v47;
	v45 =	vsel vm9, $0x3F800000, v2;
	v20 =	vld [tilespmem:$0x1F6D0];
	v3 =	vsub.f32 v42, v3  }
0x2cf: {  	[tilespmem:$0x1F850] =	vst v47;
	v47 =	vsub.f32 v31, v63;
	v39 =	vmul.f32 v61, v45;
	v48 =	vmul.f32 $3.399999950e+38, v21  }
0x2d0: {  	v0 =	vmax.f32 v0, v3;
	v3 =	vsub.f32 v4, v44  }
0x2d1: {  	v1 =	vadd.f32 v39, v1;
	v49 =	vsub.f32 v30, v48;
	v0 =	vmax.f32 v0, v47  }
0x2d2: {  	v0 =	vmax.f32 v0, v3  }
0x2d3: {  	v3 =	vsub.f32 $1.000000000e+00, v1;
	v49 =	vmax.f32 v0, v49;
	v0 =	vsub.f32 $1.000000000e+00, v20  }
0x2d4: {  	v2 =	vimm.f32 $0.0e+00;
	v52 =	vsub.f32 $1.000000000e+00, v15;
	vm10 =	veq.f32 v32, v49  }
0x2d5: {  	v0 =	vmul.f32 v3, v0;
	v3 =	vsel vm10, $0x3F800000, v2  }
0x2d6: {  	vm11 =	veq.f32 v56, v62;
	v18 =	vmovc v29;
	[tilespmem:$0x1F820] =	vst v29;
	v2 =	vimm.f32 $0.0e+00;
	v29 =	vmul.f32 v3, v52  }
0x2d7: {  	v3 =	vsel vm11, $0x3F800000, v2  }
0x2d8: {  	v41 =	vmul.f32 v0, v3;
	v0 =	vadd.f32 $0.0e+00, v29  }
0x2d9: {  	[tilespmem:$0x1F860] =	vst v21;
	v21 =	vld [tilespmem:$0x1F6E0]  }
0x2da: {  	v3 =	vsub.f32 $1.000000000e+00, v10;
	v58 =	vsub.f32 $1.000000000e+00, v0  }
0x2db: {  	vm12 =	veq.f32 v7, v49  }
0x2dc: {  	v2 =	vimm.f32 $0.0e+00;
	v1 =	vadd.f32 v41, v1;
	v3 =	vmul.f32 v58, v3  }
0x2dd: {  	v23 =	vsel vm12, $0x3F800000, v2  }
0x2de: {  	v59 =	vsub.f32 $1.000000000e+00, v21;
	v61 =	vsub.f32 $1.000000000e+00, v1;
	v31 =	vmul.f32 v3, v23  }
0x2df: {  	vm13 =	veq.f32 v26, v62  }
0x2e0: {  	v2 =	vimm.f32 $0.0e+00;
	v63 =	vmul.f32 v61, v59;
	v0 =	vadd.f32 v31, v0  }
0x2e1: {  	v3 =	vsel vm13, $0x3F800000, v2  }
0x2e2: {  	v42 =	vmul.f32 v63, v3;
	v3 =	vsub.f32 $1.000000000e+00, v19;
	v30 =	vsub.f32 $1.000000000e+00, v0;
	_ =	sdelay $0x1  }
0x2e3: {  	vm14 =	veq.f32 v11, v49;
	v2 =	vimm.f32 $0.0e+00;
	v3 =	vmul.f32 v30, v3  }
0x2e4: {  	v47 =	vsel vm14, $0x3F800000, v2;
	v1 =	vadd.f32 v42, v1  }
0x2e5: {  	v30 =	vmul.f32 v3, v47  }
0x2e6: {  	v32 =	vsub.f32 $1.000000000e+00, v35;
	v44 =	vsub.f32 $1.000000000e+00, v1  }
0x2e7: {  	v0 =	vadd.f32 v30, v0  }
0x2e8: {  	vm15 =	veq.f32 v53, v62;
	v2 =	vimm.f32 $0.0e+00;
	v45 =	vmul.f32 v44, v32  }
0x2e9: {  	v7 =	vmovc v53;
	v11 =	vld [tilespmem:$0x1F6F0];
	v52 =	vsub.f32 $1.000000000e+00, v60;
	v48 =	vsel vm15, $0x3F800000, v2;
	v53 =	vsub.f32 $1.000000000e+00, v0  }
0x2ea: {  	v44 =	vmul.f32 v45, v48  }
0x2eb: {  	v8 =	vmul.f32 v53, v52;
	v52 =	vld [tilespmem:$0x1FF70]  }
0x2ec: {  	v1 =	vadd.f32 v44, v1  }
0x2ed: {  	vm4 =	veq.f32 v38, v49;
	v2 =	vimm.f32 $0.0e+00  }
0x2ee: {  	[tilespmem:$0x1F7F0] =	vst v60;
	v56 =	vsub.f32 $1.000000000e+00, v11;
	v60 =	vsel vm4, $0x3F800000, v2;
	v58 =	vsub.f32 $1.000000000e+00, v1  }
0x2ef: {  	v32 =	vmul.f32 v8, v60  }
0x2f0: {  	v2 =	vimm.f32 $0.0e+00;
	v59 =	vmul.f32 v58, v56;
	vm5 =	veq.f32 v52, v62  }
0x2f1: {  	v0 =	vadd.f32 v32, v0;
	v61 =	vsel vm5, $0x3F800000, v2  }
0x2f2: {  	v45 =	vmul.f32 v59, v61  }
0x2f3: {  	v63 =	vsub.f32 $1.000000000e+00, v0  }
0x2f4: {  	v8 =	vadd.f32 v45, v1;
	v1 =	vsub.f32 $1.000000000e+00, v5;
	_ =	sdelay $0x1  }
0x2f5: {  	vm6 =	veq.f32 v37, v49;
	v2 =	vimm.f32 $0.0e+00;
	v1 =	vmul.f32 v63, v1  }
0x2f6: {  	v37 =	vsel vm6, $0x3F800000, v2  }
0x2f7: {  	v15 =	vmul.f32 v1, v37  }
0x2f8: {  	v4 =	vsub.f32 $1.000000000e+00, v55;
	v5 =	vsub.f32 $1.000000000e+00, v8  }
0x2f9: {  	v16 =	vadd.f32 v15, v0  }
0x2fa: {  	vm7 =	veq.f32 v51, v62;
	v10 =	vmul.f32 v5, v4  }
0x2fb: {  	v1 =	vimm.f32 $0.0e+00;
	v0 =	vsub.f32 $1.000000000e+00, v14;
	v47 =	vsub.f32 $1.000000000e+00, v16  }
0x2fc: {  	vm8 =	veq.f32 v28, v49;
	v38 =	vsel vm7, $0x3F800000, v1  }
0x2fd: {  	v4 =	vld [tilespmem:$0x1FF90];
	v1 =	vimm.f32 $0.0e+00;
	v19 =	vmul.f32 v10, v38;
	v0 =	vmul.f32 v47, v0  }
0x2fe: {  	v60 =	vsel vm8, $0x3F800000, v1  }
0x2ff: {  	v8 =	vadd.f32 v19, v8;
	v63 =	vmul.f32 v0, v60  }
0x300: {  	v56 =	vsub.f32 $1.000000000e+00, v57  }
0x301: {  	v58 =	vsub.f32 $1.000000000e+00, v8;
	v5 =	vadd.f32 v63, v16  }
0x302: {  	[tilespmem:$0x1F810] =	vst v14;
	v14 =	vsub.f32 $1.000000000e+00, v18;
	vm9 =	veq.f32 v4, v62  }
0x303: {  	v24 =	vmovc v26;
	v26 =	vld [tilespmem:$0x1F700];
	v59 =	vmul.f32 v58, v56;
	v0 =	vimm.f32 $0.0e+00;
	v18 =	vsub.f32 $1.000000000e+00, v5  }
0x304: {  	vm10 =	veq.f32 v46, v49;
	v61 =	vsel vm9, $0x3F800000, v0  }
0x305: {  	v0 =	vimm.f32 $0.0e+00;
	v56 =	vmul.f32 v59, v61;
	v59 =	vld [tilespmem:$0x1FCF0];
	v16 =	vmul.f32 v18, v14  }
0x306: {  	v60 =	vsel vm10, $0x3F800000, v0  }
0x307: {  	[tilespmem:$0x1F790] =	vst v25;
	v8 =	vadd.f32 v56, v8;
	v25 =	vmul.f32 v16, v60  }
0x308: {  	v28 =	vsub.f32 $1.000000000e+00, v26  }
0x309: {  	v37 =	vsub.f32 $1.000000000e+00, v8;
	v23 =	vadd.f32 v25, v5  }
0x30a: {  	v0 =	vimm.f32 $0.0e+00;
	vm11 =	veq.f32 v59, v62  }
0x30b: {  	[tilespmem:$0x1F830] =	vst v6;
	v47 =	vmul.f32 v37, v28;
	v5 =	vsub.f32 $1.000000000e+00, v6;
	v6 =	vsub.f32 $1.000000000e+00, v23  }
0x30c: {  	vm12 =	veq.f32 v43, v49;
	v61 =	vsel vm11, $0x3F800000, v0  }
0x30d: {  	v3 =	vld [tilespmem:$0x1FD30];
	v0 =	vimm.f32 $0.0e+00;
	v60 =	vmul.f32 v47, v61;
	v38 =	vmul.f32 v6, v5  }
0x30e: {  	v18 =	vsel vm12, $0x3F800000, v0  }
0x30f: {  	v8 =	vadd.f32 v60, v8;
	v38 =	vmul.f32 v38, v18  }
0x310: {  	v10 =	vsub.f32 $1.000000000e+00, v36  }
0x311: {  	v14 =	vsub.f32 $1.000000000e+00, v8;
	v37 =	vadd.f32 v38, v23  }
0x312: {  	v43 =	vsub.f32 $1.000000000e+00, v12;
	vm13 =	veq.f32 v3, v62  }
0x313: {  	v0 =	vimm.f32 $0.0e+00;
	v16 =	vmul.f32 v14, v10;
	v14 =	vld [tilespmem:$0x1F710];
	v53 =	vsub.f32 $1.000000000e+00, v37  }
0x314: {  	vm14 =	veq.f32 v9, v49;
	v28 =	vsel vm13, $0x3F800000, v0  }
0x315: {  	v2 =	vimm.f32 $0.0e+00;
	v1 =	vld [tilespmem:$0x1F730];
	v61 =	vmul.f32 v16, v28;
	v23 =	vmul.f32 v53, v43  }
0x316: {  	v6 =	vsel vm14, $0x3F800000, v2  }
0x317: {  	v9 =	vld [tilespmem:$0x1FDB0];
	v8 =	vadd.f32 v61, v8;
	v16 =	vmul.f32 v23, v6  }
0x318: {  	v0 =	vsub.f32 $1.000000000e+00, v14  }
0x319: {  	v5 =	vsub.f32 $1.000000000e+00, v8;
	v46 =	vadd.f32 v16, v37  }
0x31a: {  	v47 =	vmov v50;
	v37 =	vsub.f32 $1.000000000e+00, v50;
	v50 =	vadd.f32 v27, v1;
	v1 =	vld [tilespmem:$0x1F740];
	_ =	sdelay $0x1  }
0x31b: {  	vm15 =	veq.f32 v9, v62;
	v2 =	vimm.f32 $0.0e+00;
	v0 =	vmul.f32 v5, v0  }
0x31c: {  	v10 =	vsel vm15, $0x3F800000, v2;
	v5 =	vld [tilespmem:$0x1F720]  }
0x31d: {  	v0 =	vmul.f32 v0, v10  }
0x31e: {  	v28 =	vadd.f32 v13, v1;
	v1 =	vld [tilespmem:$0x1FDF0]  }
0x31f: {  	[tilespmem:$0x1F840] =	vst v12;
	v12 =	vadd.f32 v0, v8;
	_ =	sdelay $0x1  }
0x320: {  	v43 =	vsub.f32 $1.000000000e+00, v5;
	v2 =	vsub.f32 $1.000000000e+00, v12  }
0x321: {  	v53 =	vadd.f32 v22, v54;
	v54 =	vimm.f32 $0.0e+00  }
0x322: {  	v48 =	vmovc v51;
	v51 =	vsub.f32 $1.000000000e+00, v46;
	v2 =	vmul.f32 v2, v43;
	vm4 =	veq.f32 v1, v62  }
0x323: {  	vm5 =	veq.f32 v34, v49;
	v8 =	vsel vm4, $0x3F800000, v54  }
0x324: {  	v51 =	vmul.f32 v51, v37;
	v18 =	vmul.f32 v2, v8;
	v2 =	vimm.f32 $0.0e+00  }
0x325: {  	v2 =	vsel vm5, $0x3F800000, v2  }
0x326: {  	v37 =	vadd.f32 v45, v11;
	v11 =	vmul.f32 v51, v2;
	v2 =	vld [tilespmem:$0x1F750];
	_ =	sdelay $0x2  }
0x327: {  	v43 =	vadd.f32 v42, v21;
	v21 =	vadd.f32 v18, v12;
	_ =	sdelay $0x1  }
0x328: {  	v8 =	vld [tilespmem:$0x1FEF0];
	v12 =	vsub.f32 $1.000000000e+00, v21;
	v27 =	vsub.f32 $1.000000000e+00, v2  }
0x329: {  	v42 =	vld [tilespmem:$0x1FE70]  }
0x32a: {  	v36 =	vadd.f32 v61, v36;
	v27 =	vmul.f32 v12, v27;
	v12 =	vld [tilespmem:$0x1FF00]  }
0x32b: {  	v22 =	vadd.f32 v39, v33;
	v23 =	vadd.f32 v41, v20;
	v13 =	vmul.f32 $3.399999950e+38, v50  }
0x32c: {  	v10 =	vadd.f32 v17, v40;
	v41 =	vadd.f32 v0, v14;
	v14 =	vld [tilespmem:$0x1FF10]  }
0x32d: {  	v17 =	vadd.f32 v44, v35;
	v51 =	vmul.f32 $3.399999950e+38, v28;
	v54 =	vsub.f32 v8, v13;
	v13 =	vld [tilespmem:$0x1FF20]  }
0x32e: {  	v44 =	vadd.f32 v56, v57;
	v56 =	vimm.f32 $0.0e+00;
	v58 =	vmul.f32 $3.399999950e+38, v10  }
0x32f: {  	v45 =	vadd.f32 v19, v55;
	vm6 =	veq.f32 v42, v62;
	v19 =	vsub.f32 v12, v51;
	v51 =	vld [tilespmem:$0x1FF30]  }
0x330: {  	v55 =	vadd.f32 v60, v26;
	v26 =	vmul.f32 $3.399999950e+38, v53;
	v57 =	vsel vm6, $0x3F800000, v56  }
0x331: {  	v40 =	vmul.f32 $3.399999950e+38, v23;
	v0 =	vmul.f32 v27, v57;
	v60 =	vmax.f32 v54, v19;
	v54 =	vld [tilespmem:$0x1FF40]  }
0x332: {  	v61 =	vsub.f32 v14, v58;
	v39 =	vsub.f32 v13, v26;
	v26 =	vmul.f32 $3.399999950e+38, v22  }
0x333: {  	v58 =	vmul.f32 $3.399999950e+38, v43;
	v27 =	vadd.f32 v18, v5;
	v33 =	vadd.f32 v0, v2  }
0x334: {  	v0 =	vadd.f32 v0, v21;
	v18 =	vmax.f32 v60, v61;
	v57 =	vsub.f32 v51, v26  }
0x335: {  	v34 =	vsub.f32 v24, v58;
	v5 =	vmax.f32 v18, v39;
	v26 =	vmul.f32 $3.399999950e+38, v17;
	v60 =	vmovc v17;
	v17 =	vld [tilespmem:$0x1F760]  }
0x336: {  	v0 =	vsub.f32 $1.000000000e+00, v0;
	v19 =	vsub.f32 v54, v40;
	v5 =	vmax.f32 v5, v57  }
0x337: {  	v40 =	vmovc v7;
	v56 =	vsub.f32 v7, v26;
	v26 =	vmul.f32 $3.399999950e+38, v37;
	v57 =	vmul.f32 $3.399999950e+38, v45;
	v7 =	vld [tilespmem:$0x1FEE0]  }
0x338: {  	[tilespmem:$0x1F870] =	vst v45;
	v61 =	vmovc v37;
	v37 =	vimm.f32 $0.0e+00;
	v45 =	vmul.f32 $3.399999950e+38, v36;
	v5 =	vmax.f32 v5, v19  }
0x339: {  	v58 =	vsub.f32 v52, v26;
	v18 =	vsub.f32 v48, v57;
	v26 =	vmul.f32 $3.399999950e+38, v55  }
0x33a: {  	[tilespmem:$0x1F910] =	vst v22;
	v52 =	vadd.f32 v11, v46;
	v35 =	vsub.f32 $1.000000000e+00, v17;
	v5 =	vmax.f32 v5, v34  }
0x33b: {  	[tilespmem:$0x1F880] =	vst v44;
	v57 =	vsub.f32 v3, v45;
	v34 =	vmul.f32 $3.399999950e+38, v44;
	v5 =	vmax.f32 v5, v56  }
0x33c: {  	v2 =	vmovc v22;
	v22 =	vld [tilespmem:$0x1F770];
	v44 =	vsub.f32 v59, v26;
	v0 =	vmul.f32 v0, v35;
	vm7 =	veq.f32 v7, v62  }
0x33d: {  	v26 =	vmul.f32 $3.399999950e+38, v41;
	v59 =	vsub.f32 $1.000000000e+00, v52;
	v39 =	vsel vm7, $0x3F800000, v37  }
0x33e: {  	v45 =	vld [tilespmem:$0x1FBA0];
	v5 =	vmax.f32 v5, v58;
	v35 =	vsub.f32 v4, v34;
	v0 =	vmul.f32 v0, v39  }
0x33f: {  	v4 =	vmul.f32 $3.399999950e+38, v33;
	v5 =	vmax.f32 v5, v18;
	v58 =	vsub.f32 v9, v26  }
0x340: {  	[tilespmem:$0x1F8B0] =	vst v27;
	v26 =	vmul.f32 $3.399999950e+38, v27;
	v19 =	vmax.f32 v5, v35;
	v56 =	vadd.f32 v0, v17  }
0x341: {  	[tilespmem:$0x1F8F0] =	vst v33;
	v33 =	vimm.f32 $0.0e+00;
	v27 =	vsub.f32 $1.000000000e+00, v22;
	v0 =	vmax.f32 v19, v44  }
0x342: {  	v5 =	vsub.f32 v1, v26;
	v0 =	vmax.f32 v0, v57;
	v26 =	vmul.f32 $3.399999950e+38, v56  }
0x343: {  	v6 =	vsub.f32 v42, v4;
	vm8 =	veq.f32 v45, v49;
	v0 =	vmax.f32 v0, v58  }
0x344: {  	v27 =	vmul.f32 v59, v27;
	v0 =	vmax.f32 v0, v5;
	v9 =	vsub.f32 v7, v26  }
0x345: {  	v34 =	vsel vm8, $0x3F800000, v33;
	v0 =	vmax.f32 v0, v6  }
0x346: {  	v21 =	vmul.f32 v27, v34;
	v7 =	vld [tilespmem:$0x1F780];
	v58 =	vmax.f32 v0, v9  }
0x347: {  	v46 =	vld [tilespmem:$0x1FBC0];
	v35 =	vimm.f32 $0.0e+00;
	v0 =	vsub.f32 $1.000000000e+00, v50;
	vm9 =	veq.f32 v8, v58  }
0x348: {  	[tilespmem:$0x1F890] =	vst v36;
	v18 =	vadd.f32 v21, v52;
	v36 =	vsel vm9, $0x3F800000, v35  }
0x349: {  	v36 =	vmul.f32 v36, v0  }
0x34a: {  	v37 =	vsub.f32 $1.000000000e+00, v18  }
0x34b: {  	v0 =	vsub.f32 $1.000000000e+00, v7;
	v26 =	vadd.f32 $0.0e+00, v36  }
0x34c: {  	vm10 =	veq.f32 v46, v49;
	v39 =	vimm.f32 $0.0e+00  }
0x34d: {  	[tilespmem:$0x1F8C0] =	vst v50;
	v27 =	vsub.f32 $1.000000000e+00, v28;
	v6 =	vld [tilespmem:$0x1F790];
	v0 =	vmul.f32 v37, v0;
	v42 =	vsub.f32 $1.000000000e+00, v26  }
0x34e: {  	[tilespmem:$0x1F8A0] =	vst v41;
	v41 =	vsel vm10, $0x3F800000, v39;
	v50 =	vimm.f32 $0.0e+00  }
0x34f: {  	vm11 =	veq.f32 v12, v58;
	v0 =	vmul.f32 v0, v41;
	v44 =	vmul.f32 v42, v27  }
0x350: {  	v12 =	vld [tilespmem:$0x1FBE0];
	v27 =	vsel vm11, $0x3F800000, v50  }
0x351: {  	v18 =	vadd.f32 v0, v18;
	v59 =	vmul.f32 v44, v27  }
0x352: {  	v27 =	vsub.f32 $1.000000000e+00, v6  }
0x353: {  	v1 =	vld [tilespmem:$0x1F7B0];
	v52 =	vsub.f32 $1.000000000e+00, v18;
	v57 =	vadd.f32 v59, v26  }
0x354: {  	v20 =	vimm.f32 $0.0e+00;
	[tilespmem:$0x1F8D0] =	vst v28;
	v28 =	vsub.f32 $1.000000000e+00, v10;
	v9 =	vld [tilespmem:$0x1FC30]  }
0x355: {  	v8 =	vld [tilespmem:$0x1F7A0];
	vm12 =	veq.f32 v12, v49;
	v26 =	vmul.f32 v52, v27;
	v33 =	vsub.f32 $1.000000000e+00, v57  }
0x356: {  	vm13 =	veq.f32 v14, v58;
	v27 =	vsel vm12, $0x3F800000, v20  }
0x357: {  	v50 =	vimm.f32 $0.0e+00;
	v44 =	vmul.f32 v26, v27;
	v26 =	vmul.f32 v33, v28  }
0x358: {  	[tilespmem:$0x1F8E0] =	vst v10;
	v10 =	vimm.f32 $0.0e+00;
	v27 =	vsel vm13, $0x3F800000, v50  }
0x359: {  	vm14 =	veq.f32 v9, v49;
	v18 =	vadd.f32 v44, v18;
	v28 =	vmul.f32 v26, v27  }
0x35a: {  	v14 =	vsel vm14, $0x3F800000, v10;
	v10 =	vadd.f32 v29, v1;
	v1 =	vld [tilespmem:$0x1F7C0];
	v27 =	vsub.f32 $1.000000000e+00, v8  }
0x35b: {  	v52 =	vsub.f32 $1.000000000e+00, v18;
	v57 =	vadd.f32 v28, v57;
	_ =	sdelay $0x1  }
0x35c: {  	v17 =	vsub.f32 $1.000000000e+00, v53;
	v27 =	vmul.f32 v52, v27;
	v19 =	vsub.f32 $1.000000000e+00, v57;
	_ =	sdelay $0x1  }
0x35d: {  	v34 =	vmul.f32 v27, v14;
	v27 =	vmul.f32 v19, v17;
	v17 =	vadd.f32 v31, v1;
	v1 =	vld [tilespmem:$0x1F7D0];
	_ =	sdelay $0x4  }
0x35e: {  	v30 =	vadd.f32 v30, v1;
	v1 =	vld [tilespmem:$0x1F7F0];
	_ =	sdelay $0x4  }
0x35f: {  	v19 =	vadd.f32 v32, v1;
	v1 =	vld [tilespmem:$0x1F800]  }
0x360: {  	vm15 =	veq.f32 v13, v58;
	v20 =	vimm.f32 $0.0e+00  }
0x361: {  	v33 =	vsel vm15, $0x3F800000, v20  }
0x362: {  	[tilespmem:$0x1F900] =	vst v53;
	v53 =	vmul.f32 v27, v33;
	_ =	sdelay $0x1  }
0x363: {  	v39 =	vadd.f32 v53, v57;
	v57 =	vadd.f32 v15, v1;
	v1 =	vld [tilespmem:$0x1F810];
	_ =	sdelay $0x3  }
0x364: {  	v13 =	vld [tilespmem:$0x1F7E0]  }
0x365: {  	v52 =	vadd.f32 v63, v1;
	v1 =	vld [tilespmem:$0x1F820];
	_ =	sdelay $0x1  }
0x366: {  	v20 =	vsub.f32 $1.000000000e+00, v2;
	v2 =	vld [tilespmem:$0x1F840]  }
0x367: {  	v15 =	vld [tilespmem:$0x1FC60]  }
0x368: {  	v29 =	vadd.f32 v34, v18  }
0x369: {  	v35 =	vsub.f32 $1.000000000e+00, v13;
	v27 =	vadd.f32 v25, v1;
	v1 =	vld [tilespmem:$0x1F830]  }
0x36a: {  	v3 =	vimm.f32 $0.0e+00;
	v44 =	vadd.f32 v44, v6;
	v42 =	vsub.f32 $1.000000000e+00, v29  }
0x36b: {  	vm5 =	veq.f32 v51, v58;
	v26 =	vadd.f32 v21, v22;
	v14 =	vadd.f32 v16, v2  }
0x36c: {  	v6 =	vld [tilespmem:$0x1FD50];
	v50 =	vmul.f32 v42, v35;
	v37 =	vsub.f32 $1.000000000e+00, v39;
	vm4 =	veq.f32 v15, v49  }
0x36d: {  	v63 =	vmul.f32 $3.399999950e+38, v17;
	v18 =	vsel vm4, $0x3F800000, v3;
	v3 =	vimm.f32 $0.0e+00  }
0x36e: {  	v5 =	vld [tilespmem:$0x1FCE0];
	v4 =	vmul.f32 v50, v18;
	v35 =	vadd.f32 v38, v1;
	v1 =	vmul.f32 v37, v20  }
0x36f: {  	v18 =	vadd.f32 v11, v47;
	v50 =	vmul.f32 $3.399999950e+38, v10;
	v47 =	vmovc v10;
	v10 =	vld [tilespmem:$0x1FD40];
	v25 =	vsel vm5, $0x3F800000, v3  }
0x370: {  	v31 =	vadd.f32 v0, v7;
	v42 =	vsub.f32 $1.000000000e+00, v23;
	v3 =	vld [tilespmem:$0x1F850];
	v41 =	vmul.f32 v1, v25  }
0x371: {  	vm7 =	veq.f32 v54, v58;
	v32 =	vadd.f32 v34, v8;
	v21 =	vsub.f32 v6, v63  }
0x372: {  	vm8 =	veq.f32 v24, v58;
	v63 =	vsub.f32 $1.000000000e+00, v43;
	v0 =	vadd.f32 v41, v39  }
0x373: {  	v54 =	vld [tilespmem:$0x1FA20];
	vm6 =	veq.f32 v5, v49;
	v16 =	vadd.f32 v4, v29;
	v7 =	vadd.f32 v4, v13  }
0x374: {  	v34 =	vld [tilespmem:$0x1FD60];
	v13 =	vmul.f32 $3.399999950e+38, v19;
	v11 =	vsub.f32 v10, v50;
	v25 =	vsub.f32 $1.000000000e+00, v0  }
0x375: {  	v33 =	vld [tilespmem:$0x1FD70];
	v2 =	vsub.f32 $1.000000000e+00, v3;
	v38 =	vsub.f32 $1.000000000e+00, v16;
	v1 =	vimm.f32 $0.0e+00  }
0x376: {  	[tilespmem:$0x1F920] =	vst v23;
	v39 =	vsel vm6, $0x3F800000, v1;
	v1 =	vimm.f32 $0.0e+00;
	v51 =	vmul.f32 v25, v42  }
0x377: {  	[tilespmem:$0x1F990] =	vst v30;
	v50 =	vld [tilespmem:$0x1FD80];
	v37 =	vsel vm7, $0x3F800000, v1;
	v25 =	vmul.f32 $3.399999950e+38, v30;
	v42 =	vmul.f32 $3.399999950e+38, v52  }
0x378: {  	v8 =	vmovc v30;
	v11 =	vmax.f32 v11, v21;
	v20 =	vld [tilespmem:$0x1FA30];
	v2 =	vmul.f32 v38, v2;
	v30 =	vmul.f32 v51, v37  }
0x379: {  	v23 =	vmovc v57;
	[tilespmem:$0x1F9B0] =	vst v57;
	v38 =	vsub.f32 v34, v25;
	v25 =	vmul.f32 $3.399999950e+38, v57;
	v57 =	vsub.f32 v54, v42;
	v42 =	vld [tilespmem:$0x1FDA0]  }
0x37a: {  	v29 =	vmul.f32 $3.399999950e+38, v35;
	v2 =	vmul.f32 v2, v39;
	v39 =	vsub.f32 v33, v13  }
0x37b: {  	v13 =	vmul.f32 $3.399999950e+38, v27;
	v1 =	vimm.f32 $0.0e+00;
	v0 =	vadd.f32 v30, v0  }
0x37c: {  	v22 =	vadd.f32 v2, v3;
	v4 =	vmax.f32 v11, v38;
	v51 =	vsub.f32 v50, v25  }
0x37d: {  	v2 =	vadd.f32 v2, v16;
	v3 =	vld [tilespmem:$0x1FD10];
	v4 =	vmax.f32 v4, v39;
	v25 =	vsub.f32 $1.000000000e+00, v0  }
0x37e: {  	v37 =	vsub.f32 v20, v29;
	v4 =	vmax.f32 v4, v51;
	v16 =	vsub.f32 v42, v13;
	v13 =	vld [tilespmem:$0x1F860]  }
0x37f: {  	v4 =	vmax.f32 v4, v57;
	v11 =	vmul.f32 v25, v63;
	v25 =	vsel vm8, $0x3F800000, v1;
	v1 =	vld [tilespmem:$0x1FB80]  }
0x380: {  	v4 =	vmax.f32 v4, v16  }
0x381: {  	vm10 =	veq.f32 v40, v58;
	v4 =	vmax.f32 v4, v37;
	v37 =	vld [tilespmem:$0x1FB60]  }
0x382: {  	v2 =	vsub.f32 $1.000000000e+00, v2;
	v39 =	vmul.f32 v11, v25;
	v25 =	vmul.f32 $3.399999950e+38, v18  }
0x383: {  	v29 =	vsub.f32 $1.000000000e+00, v61;
	vm9 =	veq.f32 v3, v49;
	v38 =	vsub.f32 $1.000000000e+00, v13  }
0x384: {  	v51 =	vmul.f32 $3.399999950e+38, v14;
	v57 =	vmovc v14;
	v0 =	vadd.f32 v39, v0;
	v14 =	vsub.f32 v1, v25  }
0x385: {  	v1 =	vimm.f32 $0.0e+00;
	v25 =	vsub.f32 $1.000000000e+00, v60;
	v2 =	vmul.f32 v2, v38  }
0x386: {  	v38 =	vsel vm9, $0x3F800000, v1;
	v1 =	vimm.f32 $0.0e+00;
	v63 =	vsub.f32 v37, v51  }
0x387: {  	v51 =	vsub.f32 $1.000000000e+00, v0;
	v2 =	vmul.f32 v2, v38;
	v38 =	vmul.f32 $3.399999950e+38, v31  }
0x388: {  	[tilespmem:$0x1F950] =	vst v31;
	v31 =	vmovc v40;
	v40 =	vmul.f32 $3.399999950e+38, v32;
	v4 =	vmax.f32 v4, v63;
	v63 =	vmul.f32 $3.399999950e+38, v26  }
0x389: {  	v4 =	vmax.f32 v4, v14;
	v14 =	vmul.f32 v51, v25;
	v25 =	vmul.f32 $3.399999950e+38, v44  }
0x38a: {  	[tilespmem:$0x1F960] =	vst v44;
	v21 =	vsub.f32 v46, v38;
	v46 =	vsel vm10, $0x3F800000, v1;
	v11 =	vsub.f32 v45, v63  }
0x38b: {  	[tilespmem:$0x1F930] =	vst v18;
	v18 =	vld [tilespmem:$0x1FF70];
	v1 =	vadd.f32 v2, v13;
	v63 =	vsub.f32 v9, v40;
	v44 =	vmul.f32 v14, v46  }
0x38c: {  	v9 =	vmul.f32 $3.399999950e+38, v7;
	v51 =	vsub.f32 v12, v25;
	v4 =	vmax.f32 v4, v11  }
0x38d: {  	v13 =	vmul.f32 $3.399999950e+38, v22;
	v4 =	vmax.f32 v4, v21;
	v0 =	vadd.f32 v44, v0  }
0x38e: {  	v14 =	vmul.f32 $3.399999950e+38, v1;
	v12 =	vsub.f32 v15, v9;
	v2 =	vmax.f32 v4, v51  }
0x38f: {  	[tilespmem:$0x1F970] =	vst v32;
	v32 =	vsub.f32 v5, v13;
	v2 =	vmax.f32 v2, v63;
	v24 =	vsub.f32 $1.000000000e+00, v0  }
0x390: {  	vm11 =	veq.f32 v18, v58;
	v16 =	vsub.f32 v3, v14;
	v2 =	vmax.f32 v2, v12  }
0x391: {  	[tilespmem:$0x1FA40] =	vst v1;
	v1 =	vimm.f32 $0.0e+00;
	v38 =	vmul.f32 v24, v29;
	v2 =	vmax.f32 v2, v32  }
0x392: {  	[tilespmem:$0x1FA00] =	vst v22;
	v22 =	vmovc v61;
	v61 =	vmovc v47;
	v40 =	vsel vm11, $0x3F800000, v1;
	v32 =	vmax.f32 v2, v16;
	v2 =	vsub.f32 $1.000000000e+00, v47;
	v47 =	vld [tilespmem:$0x1F870]  }
0x393: {  	v15 =	vmul.f32 v38, v40;
	_ =	sdelay $0x1  }
0x394: {  	v1 =	vimm.f32 $0.0e+00;
	vm12 =	veq.f32 v10, v32;
	v0 =	vadd.f32 v15, v0  }
0x395: {  	v45 =	vsel vm12, $0x3F800000, v1  }
0x396: {  	v29 =	vmul.f32 v45, v2;
	v2 =	vsub.f32 $1.000000000e+00, v47;
	v46 =	vsub.f32 $1.000000000e+00, v0  }
0x397: {  	vm13 =	veq.f32 v48, v58  }
0x398: {  	v1 =	vimm.f32 $0.0e+00;
	v51 =	vadd.f32 $0.0e+00, v29;
	v2 =	vmul.f32 v46, v2  }
0x399: {  	v4 =	vld [tilespmem:$0x1F880];
	v24 =	vsel vm13, $0x3F800000, v1  }
0x39a: {  	[tilespmem:$0x1F9E0] =	vst v7;
	v7 =	vsub.f32 $1.000000000e+00, v17;
	v12 =	vsub.f32 $1.000000000e+00, v51;
	v24 =	vmul.f32 v2, v24  }
0x39b: {  	vm14 =	veq.f32 v6, v32  }
0x39c: {  	v1 =	vimm.f32 $0.0e+00;
	v2 =	vmul.f32 v12, v7;
	v0 =	vadd.f32 v24, v0  }
0x39d: {  	v13 =	vsel vm14, $0x3F800000, v1  }
0x39e: {  	v63 =	vmul.f32 v2, v13;
	v2 =	vsub.f32 $1.000000000e+00, v4;
	v14 =	vsub.f32 $1.000000000e+00, v0;
	_ =	sdelay $0x1  }
0x39f: {  	v2 =	vmul.f32 v14, v2;
	v14 =	vld [tilespmem:$0x1FF90];
	_ =	sdelay $0x2  }
0x3a0: {  	v16 =	vadd.f32 v63, v51  }
0x3a1: {  	[tilespmem:$0x1F980] =	vst v17;
	v17 =	vsub.f32 $1.000000000e+00, v8  }
0x3a2: {  	v1 =	vimm.f32 $0.0e+00;
	v40 =	vsub.f32 $1.000000000e+00, v16;
	vm15 =	veq.f32 v14, v58  }
0x3a3: {  	vm4 =	veq.f32 v34, v32;
	v51 =	vsel vm15, $0x3F800000, v1  }
0x3a4: {  	v13 =	vld [tilespmem:$0x1FCF0];
	v1 =	vimm.f32 $0.0e+00;
	v45 =	vmul.f32 v2, v51;
	v2 =	vmul.f32 v40, v17  }
0x3a5: {  	v5 =	vsel vm4, $0x3F800000, v1  }
0x3a6: {  	[tilespmem:$0x1F940] =	vst v26;
	v0 =	vadd.f32 v45, v0;
	v26 =	vmul.f32 v2, v5  }
0x3a7: {  	v2 =	vsub.f32 $1.000000000e+00, v55  }
0x3a8: {  	v6 =	vsub.f32 $1.000000000e+00, v0;
	v16 =	vadd.f32 v26, v16  }
0x3a9: {  	v7 =	vsub.f32 $1.000000000e+00, v19;
	vm5 =	veq.f32 v13, v58  }
0x3aa: {  	v1 =	vimm.f32 $0.0e+00;
	v2 =	vmul.f32 v6, v2;
	v9 =	vsub.f32 $1.000000000e+00, v16  }
0x3ab: {  	vm6 =	veq.f32 v33, v32;
	v10 =	vsel vm5, $0x3F800000, v1  }
0x3ac: {  	v1 =	vimm.f32 $0.0e+00;
	v46 =	vmul.f32 v2, v10;
	v2 =	vmul.f32 v9, v7;
	v7 =	vld [tilespmem:$0x1F890]  }
0x3ad: {  	v11 =	vsel vm6, $0x3F800000, v1  }
0x3ae: {  	v8 =	vmov v55;
	v55 =	vmul.f32 v2, v11;
	v11 =	vld [tilespmem:$0x1FD30]  }
0x3af: {  	v0 =	vadd.f32 v46, v0;
	_ =	sdelay $0x1  }
0x3b0: {  	v12 =	vsub.f32 $1.000000000e+00, v0;
	v2 =	vsub.f32 $1.000000000e+00, v7;
	_ =	sdelay $0x1  }
0x3b1: {  	v1 =	vimm.f32 $0.0e+00;
	v2 =	vmul.f32 v12, v2;
	vm7 =	veq.f32 v11, v58  }
0x3b2: {  	v17 =	vsub.f32 $1.000000000e+00, v23;
	v16 =	vadd.f32 v55, v16;
	v23 =	vsel vm7, $0x3F800000, v1  }
0x3b3: {  	v51 =	vmul.f32 v2, v23;
	v23 =	vld [tilespmem:$0x1F8A0]  }
0x3b4: {  	[tilespmem:$0x1F9A0] =	vst v19;
	v5 =	vld [tilespmem:$0x1FDB0];
	v19 =	vsub.f32 $1.000000000e+00, v16  }
0x3b5: {  	vm8 =	veq.f32 v50, v32  }
0x3b6: {  	v1 =	vimm.f32 $0.0e+00;
	v2 =	vmul.f32 v19, v17;
	v0 =	vadd.f32 v51, v0  }
0x3b7: {  	v33 =	vsel vm8, $0x3F800000, v1  }
0x3b8: {  	v50 =	vmul.f32 v2, v33;
	v38 =	vsub.f32 $1.000000000e+00, v0;
	v34 =	vsub.f32 $1.000000000e+00, v23  }
0x3b9: {  	vm9 =	veq.f32 v5, v58  }
0x3ba: {  	v2 =	vimm.f32 $0.0e+00;
	v16 =	vadd.f32 v50, v16;
	v21 =	vmul.f32 v38, v34  }
0x3bb: {  	v25 =	vsel vm9, $0x3F800000, v2;
	v2 =	vld [tilespmem:$0x1F8B0]  }
0x3bc: {  	[tilespmem:$0x1F9C0] =	vst v52;
	v52 =	vsub.f32 $1.000000000e+00, v52;
	v3 =	vld [tilespmem:$0x1F8C0];
	v1 =	vsub.f32 $1.000000000e+00, v16;
	v25 =	vmul.f32 v21, v25  }
0x3bd: {  	vm10 =	veq.f32 v54, v32;
	v54 =	vld [tilespmem:$0x1FDF0]  }
0x3be: {  	v1 =	vmul.f32 v1, v52;
	v21 =	vadd.f32 v25, v0;
	v0 =	vimm.f32 $0.0e+00  }
0x3bf: {  	v0 =	vsel vm10, $0x3F800000, v0  }
0x3c0: {  	v38 =	vmul.f32 v1, v0;
	v1 =	vsub.f32 $1.000000000e+00, v2;
	v6 =	vsub.f32 $1.000000000e+00, v21  }
0x3c1: {  	v12 =	vadd.f32 v36, v3;
	v3 =	vld [tilespmem:$0x1F8D0]  }
0x3c2: {  	vm11 =	veq.f32 v54, v58;
	v17 =	vimm.f32 $0.0e+00;
	v1 =	vmul.f32 v6, v1  }
0x3c3: {  	v19 =	vsel vm11, $0x3F800000, v17  }
0x3c4: {  	v1 =	vmul.f32 v1, v19;
	_ =	sdelay $0x1  }
0x3c5: {  	v36 =	vadd.f32 v1, v21;
	v21 =	vadd.f32 v59, v3;
	v3 =	vld [tilespmem:$0x1F8E0];
	_ =	sdelay $0x4  }
0x3c6: {  	v0 =	vadd.f32 v38, v16;
	v16 =	vadd.f32 v28, v3;
	v3 =	vld [tilespmem:$0x1F900];
	_ =	sdelay $0x1  }
0x3c7: {  	[tilespmem:$0x1F9D0] =	vst v27;
	v9 =	vsub.f32 $1.000000000e+00, v27;
	v27 =	vld [tilespmem:$0x1F8F0];
	v10 =	vsub.f32 $1.000000000e+00, v0  }
0x3c8: {  	v17 =	vld [tilespmem:$0x1F920]  }
0x3c9: {  	v40 =	vmul.f32 v10, v9;
	v9 =	vld [tilespmem:$0x1FE70]  }
0x3ca: {  	vm12 =	veq.f32 v42, v32;
	v42 =	vimm.f32 $0.0e+00;
	v34 =	vadd.f32 v53, v3;
	v3 =	vld [tilespmem:$0x1F910]  }
0x3cb: {  	v52 =	vsel vm12, $0x3F800000, v42  }
0x3cc: {  	[tilespmem:$0x1F9F0] =	vst v35;
	v35 =	vsub.f32 $1.000000000e+00, v35;
	v33 =	vmul.f32 v40, v52  }
0x3cd: {  	v59 =	vsub.f32 $1.000000000e+00, v27;
	v6 =	vsub.f32 $1.000000000e+00, v36  }
0x3ce: {  	v30 =	vadd.f32 v30, v17;
	v19 =	vimm.f32 $0.0e+00;
	v0 =	vadd.f32 v33, v0  }
0x3cf: {  	vm13 =	veq.f32 v9, v58;
	v10 =	vadd.f32 v41, v3;
	v3 =	vmul.f32 v6, v59  }
0x3d0: {  	v42 =	vadd.f32 v15, v22;
	v17 =	vadd.f32 v25, v23;
	v6 =	vsel vm13, $0x3F800000, v19  }
0x3d1: {  	v28 =	vadd.f32 v39, v43;
	v39 =	vsub.f32 $1.000000000e+00, v0;
	v3 =	vmul.f32 v3, v6  }
0x3d2: {  	v52 =	vadd.f32 v44, v60;
	v19 =	vadd.f32 v46, v8;
	v8 =	vld [tilespmem:$0x1FEE0]  }
0x3d3: {  	v6 =	vmul.f32 v39, v35;
	v35 =	vadd.f32 v45, v4;
	v4 =	vld [tilespmem:$0x1FF00];
	v44 =	vadd.f32 v3, v36  }
0x3d4: {  	v40 =	vadd.f32 v24, v47;
	v23 =	vmovc v16;
	[tilespmem:$0x1FAC0] =	vst v16;
	v22 =	vadd.f32 v3, v27;
	v3 =	vmul.f32 $3.399999950e+38, v16;
	v16 =	vld [tilespmem:$0x1FEF0]  }
0x3d5: {  	v24 =	vsub.f32 $1.000000000e+00, v56;
	v45 =	vsub.f32 $1.000000000e+00, v44  }
0x3d6: {  	vm14 =	veq.f32 v20, v32;
	v60 =	vadd.f32 v51, v7;
	v7 =	vmul.f32 $3.399999950e+38, v12  }
0x3d7: {  	v2 =	vadd.f32 v1, v2;
	v41 =	vld [tilespmem:$0x1FF10];
	v1 =	vmul.f32 v45, v24;
	v24 =	vmul.f32 $3.399999950e+38, v21  }
0x3d8: {  	v53 =	vimm.f32 $0.0e+00;
	v46 =	vimm.f32 $0.0e+00;
	vm15 =	veq.f32 v8, v58  }
0x3d9: {  	v59 =	vsel vm15, $0x3F800000, v53;
	v15 =	vsub.f32 v16, v7;
	v36 =	vsub.f32 v4, v24  }
0x3da: {  	v47 =	vsel vm14, $0x3F800000, v46;
	v1 =	vmul.f32 v1, v59  }
0x3db: {  	v39 =	vmul.f32 v6, v47;
	v6 =	vmax.f32 v15, v36;
	v36 =	vld [tilespmem:$0x1FF20]  }
0x3dc: {  	[tilespmem:$0x1FAE0] =	vst v10;
	v46 =	vmovc v10;
	v7 =	vadd.f32 v1, v56;
	v1 =	vsub.f32 v41, v3;
	v3 =	vmul.f32 $3.399999950e+38, v10;
	v10 =	vld [tilespmem:$0x1FF30]  }
0x3dd: {  	v15 =	vld [tilespmem:$0x1FF40]  }
0x3de: {  	[tilespmem:$0x1FAA0] =	vst v12;
	v25 =	vmov v12;
	v12 =	vld [tilespmem:$0x1FF50];
	v24 =	vmul.f32 $3.399999950e+38, v34;
	_ =	sdelay $0x1  }
0x3df: {  	v51 =	vsub.f32 v36, v24;
	v24 =	vmul.f32 $3.399999950e+38, v30  }
0x3e0: {  	v53 =	vmul.f32 $3.399999950e+38, v28;
	v1 =	vmax.f32 v6, v1;
	v3 =	vsub.f32 v10, v3  }
0x3e1: {  	[tilespmem:$0x1FAB0] =	vst v21;
	v1 =	vmax.f32 v1, v51;
	v59 =	vsub.f32 v15, v24;
	v24 =	vmul.f32 $3.399999950e+38, v52  }
0x3e2: {  	v43 =	vmovc v21;
	v21 =	vmovc v28;
	v28 =	vmul.f32 $3.399999950e+38, v42;
	v1 =	vmax.f32 v1, v3;
	v3 =	vsub.f32 v12, v53  }
0x3e3: {  	[tilespmem:$0x1FAD0] =	vst v34;
	v27 =	vmovc v34;
	v1 =	vmax.f32 v1, v59;
	v34 =	vsub.f32 v31, v24;
	v24 =	vmul.f32 $3.399999950e+38, v40  }
0x3e4: {  	v51 =	vmul.f32 $3.399999950e+38, v35;
	v1 =	vmax.f32 v1, v3;
	v3 =	vsub.f32 v18, v28  }
0x3e5: {  	v1 =	vmax.f32 v1, v34;
	v53 =	vsub.f32 v48, v24;
	v24 =	vmul.f32 $3.399999950e+38, v19  }
0x3e6: {  	v59 =	vmul.f32 $3.399999950e+38, v60;
	v1 =	vmax.f32 v1, v3;
	v3 =	vsub.f32 v14, v51  }
0x3e7: {  	v1 =	vmax.f32 v1, v53;
	v14 =	vsub.f32 v13, v24;
	v24 =	vmul.f32 $3.399999950e+38, v17  }
0x3e8: {  	v28 =	vmul.f32 $3.399999950e+38, v2;
	v1 =	vmax.f32 v1, v3;
	v3 =	vsub.f32 v11, v59  }
0x3e9: {  	v1 =	vmax.f32 v1, v14;
	v34 =	vsub.f32 v5, v24;
	v24 =	vmul.f32 $3.399999950e+38, v22  }
0x3ea: {  	[tilespmem:$0x1FA60] =	vst v35;
	v35 =	vmul.f32 $3.399999950e+38, v7;
	v1 =	vmax.f32 v1, v3;
	v3 =	vsub.f32 v54, v28  }
0x3eb: {  	[tilespmem:$0x1FA50] =	vst v40;
	v1 =	vmax.f32 v1, v34;
	v40 =	vsub.f32 v9, v24  }
0x3ec: {  	v0 =	vadd.f32 v39, v0;
	v1 =	vmax.f32 v1, v3;
	v3 =	vsub.f32 v8, v35  }
0x3ed: {  	v1 =	vmax.f32 v1, v40  }
0x3ee: {  	v51 =	vmax.f32 v1, v3;
	v1 =	vsub.f32 $1.000000000e+00, v57;
	v3 =	vsub.f32 $1.000000000e+00, v0  }
0x3ef: {  	[tilespmem:$0x1FA10] =	vst v42;
	v42 =	vsub.f32 $1.000000000e+00, v25  }
0x3f0: {  	vm4 =	veq.f32 v16, v51;
	v1 =	vmul.f32 v3, v1;
	v3 =	vimm.f32 $0.0e+00  }
0x3f1: {  	v3 =	vsel vm4, $0x3F800000, v3  }
0x3f2: {  	vm5 =	veq.f32 v37, v32;
	[tilespmem:$0x1FA70] =	vst v19;
	v19 =	vmovc v57;
	v57 =	vmul.f32 v3, v42;
	v3 =	vimm.f32 $0.0e+00  }
0x3f3: {  	v3 =	vsel vm5, $0x3F800000, v3  }
0x3f4: {  	v25 =	vmul.f32 v1, v3;
	v1 =	vadd.f32 $0.0e+00, v57  }
0x3f5: {  	v16 =	vld [tilespmem:$0x1F930]  }
0x3f6: {  	[tilespmem:$0x1FAF0] =	vst v22;
	v22 =	vld [tilespmem:$0x1FB80];
	v3 =	vsub.f32 $1.000000000e+00, v43;
	v45 =	vsub.f32 $1.000000000e+00, v1  }
0x3f7: {  	v53 =	vimm.f32 $0.0e+00  }
0x3f8: {  	vm6 =	veq.f32 v4, v51;
	v0 =	vadd.f32 v25, v0;
	v3 =	vmul.f32 v45, v3  }
0x3f9: {  	v54 =	vsel vm6, $0x3F800000, v53  }
0x3fa: {  	v47 =	vsub.f32 $1.000000000e+00, v16;
	v48 =	vsub.f32 $1.000000000e+00, v0;
	v54 =	vmul.f32 v3, v54  }
0x3fb: {  	vm7 =	veq.f32 v22, v32  }
0x3fc: {  	v20 =	vmul.f32 v48, v47;
	v3 =	vimm.f32 $0.0e+00;
	v1 =	vadd.f32 v54, v1  }
0x3fd: {  	v6 =	vld [tilespmem:$0x1F940];
	v3 =	vsel vm7, $0x3F800000, v3  }
0x3fe: {  	v47 =	vld [tilespmem:$0x1FBA0];
	v28 =	vmul.f32 v20, v3;
	v3 =	vsub.f32 $1.000000000e+00, v23;
	v9 =	vsub.f32 $1.000000000e+00, v1  }
0x3ff: {  	v14 =	vimm.f32 $0.0e+00  }
0x400: {  	vm8 =	veq.f32 v41, v51;
	v0 =	vadd.f32 v28, v0;
	v3 =	vmul.f32 v9, v3  }
0x401: {  	[tilespmem:$0x1FA80] =	vst v17;
	v17 =	vsel vm8, $0x3F800000, v14  }
0x402: {  	v59 =	vmovc v11;
	v11 =	vsub.f32 $1.000000000e+00, v6;
	v13 =	vsub.f32 $1.000000000e+00, v0;
	v42 =	vmul.f32 v3, v17  }
0x403: {  	vm9 =	veq.f32 v47, v32  }
0x404: {  	v34 =	vmul.f32 v13, v11;
	v3 =	vimm.f32 $0.0e+00;
	v1 =	vadd.f32 v42, v1  }
0x405: {  	v3 =	vsel vm9, $0x3F800000, v3  }
0x406: {  	v24 =	vld [tilespmem:$0x1F950];
	v34 =	vmul.f32 v34, v3;
	v3 =	vsub.f32 $1.000000000e+00, v27;
	v23 =	vsub.f32 $1.000000000e+00, v1;
	_ =	sdelay $0x1  }
0x407: {  	vm10 =	veq.f32 v36, v51;
	v53 =	vimm.f32 $0.0e+00;
	v3 =	vmul.f32 v23, v3  }
0x408: {  	v4 =	vsel vm10, $0x3F800000, v53;
	v0 =	vadd.f32 v34, v0  }
0x409: {  	v14 =	vld [tilespmem:$0x1FBC0];
	v40 =	vmul.f32 v3, v4  }
0x40a: {  	v35 =	vsub.f32 $1.000000000e+00, v24;
	v43 =	vsub.f32 $1.000000000e+00, v0  }
0x40b: {  	[tilespmem:$0x1FB00] =	vst v7;
	v7 =	vadd.f32 v40, v1  }
0x40c: {  	v48 =	vmul.f32 v43, v35;
	v43 =	vld [tilespmem:$0x1FBE0]  }
0x40d: {  	v1 =	vsub.f32 $1.000000000e+00, v46;
	v9 =	vsub.f32 $1.000000000e+00, v7  }
0x40e: {  	vm12 =	veq.f32 v10, v51;
	vm11 =	veq.f32 v14, v32;
	v3 =	vimm.f32 $0.0e+00  }
0x40f: {  	v5 =	vsel vm11, $0x3F800000, v3;
	v3 =	vimm.f32 $0.0e+00;
	v1 =	vmul.f32 v9, v1  }
0x410: {  	v44 =	vmov v18;
	v18 =	vsel vm12, $0x3F800000, v3  }
0x411: {  	vm13 =	veq.f32 v43, v32;
	v36 =	vmul.f32 v1, v18;
	v1 =	vimm.f32 $0.0e+00  }
0x412: {  	v20 =	vsel vm13, $0x3F800000, v1;
	v1 =	vld [tilespmem:$0x1F980]  }
0x413: {  	v41 =	vadd.f32 v36, v7  }
0x414: {  	v56 =	vmov v30  }
0x415: {  	v8 =	vmovc v37;
	v35 =	vsub.f32 $1.000000000e+00, v56;
	v37 =	vmul.f32 v48, v5;
	v48 =	vsub.f32 $1.000000000e+00, v41  }
0x416: {  	vm14 =	veq.f32 v15, v51;
	v7 =	vadd.f32 v29, v61  }
0x417: {  	v9 =	vadd.f32 v63, v1;
	v29 =	vmul.f32 v48, v35;
	v35 =	vld [tilespmem:$0x1FC30];
	v1 =	vimm.f32 $0.0e+00  }
0x418: {  	v48 =	vsel vm14, $0x3F800000, v1;
	v1 =	vld [tilespmem:$0x1F990];
	_ =	sdelay $0x1  }
0x419: {  	v23 =	vld [tilespmem:$0x1F960];
	_ =	sdelay $0x1  }
0x41a: {  	v0 =	vadd.f32 v37, v0  }
0x41b: {  	vm15 =	veq.f32 v35, v32;
	v26 =	vadd.f32 v26, v1;
	v1 =	vimm.f32 $0.0e+00  }
0x41c: {  	v53 =	vsel vm15, $0x3F800000, v1;
	v1 =	vld [tilespmem:$0x1F9A0]  }
0x41d: {  	v11 =	vsub.f32 $1.000000000e+00, v23;
	v13 =	vsub.f32 $1.000000000e+00, v0;
	_ =	sdelay $0x1  }
0x41e: {  	v17 =	vmul.f32 v13, v11;
	_ =	sdelay $0x1  }
0x41f: {  	v45 =	vmul.f32 v17, v20;
	v20 =	vmul.f32 v29, v48;
	v48 =	vadd.f32 v55, v1;
	v1 =	vld [tilespmem:$0x1F9B0]  }
0x420: {  	v4 =	vld [tilespmem:$0x1F970];
	_ =	sdelay $0x2  }
0x421: {  	v0 =	vadd.f32 v45, v0  }
0x422: {  	v10 =	vadd.f32 v50, v1;
	v1 =	vld [tilespmem:$0x1F9C0]  }
0x423: {  	v5 =	vsub.f32 $1.000000000e+00, v4;
	v13 =	vsub.f32 $1.000000000e+00, v0;
	_ =	sdelay $0x1  }
0x424: {  	v17 =	vmul.f32 v13, v5;
	_ =	sdelay $0x1  }
0x425: {  	v5 =	vmul.f32 v17, v53;
	v17 =	vadd.f32 v38, v1;
	v1 =	vld [tilespmem:$0x1F9D0];
	_ =	sdelay $0x3  }
0x426: {  	v13 =	vld [tilespmem:$0x1F9E0]  }
0x427: {  	v15 =	vadd.f32 v33, v1;
	v1 =	vld [tilespmem:$0x1F9F0]  }
0x428: {  	[tilespmem:$0x1FA90] =	vst v2;
	v2 =	vadd.f32 v20, v41  }
0x429: {  	v11 =	vadd.f32 v5, v0;
	v38 =	vld [tilespmem:$0x1FC60]  }
0x42a: {  	v61 =	vmov v56;
	v56 =	vsub.f32 $1.000000000e+00, v2;
	v0 =	vsub.f32 $1.000000000e+00, v21  }
0x42b: {  	vm4 =	veq.f32 v12, v51;
	v63 =	vsub.f32 $1.000000000e+00, v13;
	v27 =	vsub.f32 $1.000000000e+00, v11  }
0x42c: {  	v0 =	vmul.f32 v56, v0;
	v46 =	vadd.f32 v39, v1;
	v1 =	vimm.f32 $0.0e+00  }
0x42d: {  	v33 =	vmul.f32 v27, v63;
	v39 =	vsel vm4, $0x3F800000, v1  }
0x42e: {  	vm5 =	veq.f32 v38, v32;
	v63 =	vmul.f32 v0, v39;
	v0 =	vimm.f32 $0.0e+00  }
0x42f: {  	v41 =	vsel vm5, $0x3F800000, v0  }
0x430: {  	v18 =	vmul.f32 v33, v41  }
0x431: {  	v3 =	vadd.f32 v34, v6  }
0x432: {  	v6 =	vadd.f32 v5, v4;
	v4 =	vadd.f32 v18, v13;
	v13 =	vld [tilespmem:$0x1FD40]  }
0x433: {  	v34 =	vld [tilespmem:$0x1FA00]  }
0x434: {  	v12 =	vadd.f32 v45, v23  }
0x435: {  	v53 =	vadd.f32 v25, v19;
	v50 =	vmovc v21;
	v21 =	vadd.f32 v63, v2;
	v33 =	vmul.f32 $3.399999950e+38, v7  }
0x436: {  	v30 =	vmov v52;
	v2 =	vsub.f32 $1.000000000e+00, v52;
	v52 =	vld [tilespmem:$0x1FD60];
	v11 =	vadd.f32 v18, v11  }
0x437: {  	v55 =	vsub.f32 $1.000000000e+00, v21;
	v23 =	vsub.f32 v13, v33;
	v33 =	vld [tilespmem:$0x1FD50]  }
0x438: {  	vm6 =	veq.f32 v31, v51;
	v25 =	vsub.f32 $1.000000000e+00, v34;
	v41 =	vmovc v31;
	v31 =	vld [tilespmem:$0x1FCE0];
	v27 =	vsub.f32 $1.000000000e+00, v11  }
0x439: {  	v0 =	vimm.f32 $0.0e+00;
	v2 =	vmul.f32 v55, v2  }
0x43a: {  	v19 =	vld [tilespmem:$0x1FA10];
	v39 =	vmul.f32 $3.399999950e+38, v9;
	v56 =	vmul.f32 v27, v25;
	v25 =	vsel vm6, $0x3F800000, v0  }
0x43b: {  	v37 =	vadd.f32 v37, v24;
	v24 =	vmul.f32 v2, v25;
	v25 =	vmul.f32 $3.399999950e+38, v26  }
0x43c: {  	v0 =	vimm.f32 $0.0e+00;
	v18 =	vsub.f32 v33, v39  }
0x43d: {  	v29 =	vld [tilespmem:$0x1FD80];
	vm7 =	veq.f32 v31, v32;
	v25 =	vsub.f32 v52, v25;
	v21 =	vadd.f32 v24, v21  }
0x43e: {  	[tilespmem:$0x1FCB0] =	vst v26;
	v2 =	vmov v26;
	v27 =	vsel vm7, $0x3F800000, v0;
	v26 =	vld [tilespmem:$0x1FD70];
	v18 =	vmax.f32 v23, v18  }
0x43f: {  	v39 =	vsub.f32 $1.000000000e+00, v21;
	v18 =	vmax.f32 v18, v25;
	v25 =	vsub.f32 $1.000000000e+00, v19  }
0x440: {  	v45 =	vmul.f32 $3.399999950e+38, v48;
	v5 =	vmul.f32 v56, v27  }
0x441: {  	v27 =	vmul.f32 $3.399999950e+38, v10;
	v25 =	vmul.f32 v39, v25;
	v39 =	vld [tilespmem:$0x1FA20];
	_ =	sdelay $0x1  }
0x442: {  	[tilespmem:$0x1FB20] =	vst v17;
	v56 =	vsub.f32 v26, v45;
	v45 =	vsub.f32 v29, v27;
	v27 =	vmul.f32 $3.399999950e+38, v17;
	v17 =	vld [tilespmem:$0x1FDA0];
	_ =	sdelay $0x1  }
0x443: {  	vm8 =	veq.f32 v44, v51;
	v1 =	vadd.f32 v28, v16;
	v0 =	vimm.f32 $0.0e+00  }
0x444: {  	[tilespmem:$0x1FCC0] =	vst v48;
	v16 =	vmovc v48;
	v48 =	vmul.f32 $3.399999950e+38, v15;
	v55 =	vsub.f32 v39, v27;
	v27 =	vsel vm8, $0x3F800000, v0  }
0x445: {  	[tilespmem:$0x1FB30] =	vst v15;
	v18 =	vmax.f32 v18, v56;
	v15 =	vmul.f32 v25, v27  }
0x446: {  	[tilespmem:$0x1FB40] =	vst v46;
	v25 =	vsub.f32 v17, v48;
	v48 =	vadd.f32 v5, v34;
	v34 =	vmul.f32 $3.399999950e+38, v46;
	v46 =	vld [tilespmem:$0x1FA40]  }
0x447: {  	v56 =	vmov v44;
	v18 =	vmax.f32 v18, v45;
	v44 =	vld [tilespmem:$0x1FA30]  }
0x448: {  	v11 =	vadd.f32 v5, v11;
	v28 =	vmax.f32 v18, v55;
	v55 =	vld [tilespmem:$0x1FA50]  }
0x449: {  	[tilespmem:$0x1FB10] =	vst v10;
	v10 =	vld [tilespmem:$0x1FF80]  }
0x44a: {  	[tilespmem:$0x1FBB0] =	vst v37;
	v37 =	vmul.f32 $3.399999950e+38, v37;
	v11 =	vsub.f32 $1.000000000e+00, v11;
	v21 =	vadd.f32 v15, v21  }
0x44b: {  	v5 =	vmax.f32 v28, v25;
	v25 =	vmul.f32 $3.399999950e+38, v53;
	v45 =	vsub.f32 $1.000000000e+00, v46  }
0x44c: {  	[tilespmem:$0x1FB50] =	vst v53;
	v27 =	vmul.f32 $3.399999950e+38, v1;
	v18 =	vsub.f32 v44, v34;
	v53 =	vsub.f32 $1.000000000e+00, v21  }
0x44d: {  	v28 =	vsub.f32 $1.000000000e+00, v55;
	v11 =	vmul.f32 v11, v45;
	v45 =	vsub.f32 v8, v25  }
0x44e: {  	vm9 =	veq.f32 v10, v51;
	v5 =	vmax.f32 v5, v18;
	v25 =	vsub.f32 v22, v27  }
0x44f: {  	[tilespmem:$0x1FB70] =	vst v1;
	v0 =	vimm.f32 $0.0e+00;
	v1 =	vld [tilespmem:$0x1FD10];
	v53 =	vmul.f32 v53, v28;
	v5 =	vmax.f32 v5, v45  }
0x450: {  	[tilespmem:$0x1FBD0] =	vst v12;
	v27 =	vsel vm9, $0x3F800000, v0;
	v5 =	vmax.f32 v5, v25;
	v25 =	vmul.f32 $3.399999950e+38, v12;
	v12 =	vld [tilespmem:$0x1FA60]  }
0x451: {  	v23 =	vsub.f32 v14, v37;
	v37 =	vld [tilespmem:$0x1FF90];
	v34 =	vmul.f32 $3.399999950e+38, v3;
	v45 =	vmul.f32 v53, v27;
	_ =	sdelay $0x1  }
0x452: {  	v14 =	vmul.f32 $3.399999950e+38, v4;
	v18 =	vsub.f32 v47, v34;
	v21 =	vadd.f32 v45, v21  }
0x453: {  	vm10 =	veq.f32 v1, v32;
	v0 =	vimm.f32 $0.0e+00;
	v43 =	vsub.f32 v43, v25  }
0x454: {  	v27 =	vsel vm10, $0x3F800000, v0;
	v25 =	vsub.f32 $1.000000000e+00, v21;
	v47 =	vsub.f32 $1.000000000e+00, v12  }
0x455: {  	vm11 =	veq.f32 v37, v51;
	v34 =	vsub.f32 v38, v14;
	v11 =	vmul.f32 v11, v27  }
0x456: {  	[tilespmem:$0x1FC10] =	vst v6;
	v53 =	vmul.f32 $3.399999950e+38, v6;
	v0 =	vimm.f32 $0.0e+00;
	v6 =	vmul.f32 v25, v47  }
0x457: {  	[tilespmem:$0x1FB90] =	vst v3;
	v14 =	vld [tilespmem:$0x1FA70];
	v5 =	vmax.f32 v5, v18;
	v27 =	vsel vm11, $0x3F800000, v0;
	v3 =	vadd.f32 v11, v46  }
0x458: {  	v5 =	vmax.f32 v5, v23;
	v46 =	vmul.f32 v6, v27  }
0x459: {  	v11 =	vsub.f32 v35, v53;
	v35 =	vmul.f32 $3.399999950e+38, v3;
	v25 =	vmul.f32 $3.399999950e+38, v48  }
0x45a: {  	v5 =	vmax.f32 v5, v43;
	v21 =	vadd.f32 v46, v21  }
0x45b: {  	v5 =	vmax.f32 v5, v11;
	v43 =	vsub.f32 v1, v35;
	v38 =	vsub.f32 v31, v25  }
0x45c: {  	[tilespmem:$0x1FCD0] =	vst v48;
	v5 =	vmax.f32 v5, v34;
	v47 =	vsub.f32 $1.000000000e+00, v14;
	v48 =	vsub.f32 $1.000000000e+00, v21  }
0x45d: {  	v5 =	vmax.f32 v5, v38  }
0x45e: {  	v23 =	vmax.f32 v5, v43;
	v5 =	vmul.f32 v48, v47;
	v48 =	vld [tilespmem:$0x1FCF0];
	_ =	sdelay $0x3  }
0x45f: {  	v0 =	vimm.f32 $0.0e+00;
	v53 =	vsub.f32 $1.000000000e+00, v7;
	vm12 =	veq.f32 v13, v23  }
0x460: {  	[tilespmem:$0x1FC50] =	vst v4;
	v4 =	vsel vm12, $0x3F800000, v0;
	v0 =	vimm.f32 $0.0e+00;
	vm13 =	veq.f32 v48, v51  }
0x461: {  	v1 =	vmul.f32 v4, v53;
	v6 =	vsel vm13, $0x3F800000, v0  }
0x462: {  	v5 =	vmul.f32 v5, v6  }
0x463: {  	[tilespmem:$0x1FC70] =	vst v7;
	v7 =	vadd.f32 $0.0e+00, v1  }
0x464: {  	v8 =	vadd.f32 v5, v21  }
0x465: {  	v13 =	vsub.f32 $1.000000000e+00, v9;
	v25 =	vsub.f32 $1.000000000e+00, v7  }
0x466: {  	vm15 =	veq.f32 v59, v51;
	v27 =	vsub.f32 $1.000000000e+00, v60;
	v31 =	vsub.f32 $1.000000000e+00, v8  }
0x467: {  	vm14 =	veq.f32 v33, v23;
	v0 =	vimm.f32 $0.0e+00;
	v21 =	vmul.f32 v25, v13  }
0x468: {  	v25 =	vmul.f32 v31, v27;
	v27 =	vsel vm14, $0x3F800000, v0;
	v0 =	vimm.f32 $0.0e+00  }
0x469: {  	[tilespmem:$0x1FC80] =	vst v1;
	v1 =	vmul.f32 v21, v27;
	v34 =	vsel vm15, $0x3F800000, v0  }
0x46a: {  	v53 =	vmul.f32 v25, v34;
	v34 =	vld [tilespmem:$0x1FA80]  }
0x46b: {  	[tilespmem:$0x1FCA0] =	vst v1;
	v38 =	vadd.f32 v1, v7;
	v1 =	vld [tilespmem:$0x1FAA0]  }
0x46c: {  	v33 =	vld [tilespmem:$0x1FDB0]  }
0x46d: {  	v18 =	vadd.f32 v53, v8  }
0x46e: {  	v43 =	vsub.f32 $1.000000000e+00, v2;
	v25 =	vsub.f32 $1.000000000e+00, v38  }
0x46f: {  	vm4 =	veq.f32 v52, v23;
	v0 =	vsub.f32 $1.000000000e+00, v18;
	v27 =	vsub.f32 $1.000000000e+00, v34  }
0x470: {  	[tilespmem:$0x1FC90] =	vst v9;
	v11 =	vmul.f32 v25, v43;
	v25 =	vimm.f32 $0.0e+00;
	v9 =	vadd.f32 v57, v1;
	v1 =	vld [tilespmem:$0x1FAB0]  }
0x471: {  	vm5 =	veq.f32 v33, v51;
	v25 =	vsel vm4, $0x3F800000, v25  }
0x472: {  	v35 =	vmovc v59;
	v0 =	vmul.f32 v0, v27;
	v59 =	vmul.f32 v11, v25;
	v25 =	vimm.f32 $0.0e+00  }
0x473: {  	v31 =	vld [tilespmem:$0x1FA90];
	v25 =	vsel vm5, $0x3F800000, v25  }
0x474: {  	v0 =	vmul.f32 v0, v25  }
0x475: {  	v13 =	vadd.f32 v54, v1;
	v1 =	vld [tilespmem:$0x1FAC0]  }
0x476: {  	v28 =	vadd.f32 v0, v18;
	_ =	sdelay $0x1  }
0x477: {  	v25 =	vsub.f32 $1.000000000e+00, v31;
	v27 =	vsub.f32 $1.000000000e+00, v28;
	_ =	sdelay $0x1  }
0x478: {  	v43 =	vadd.f32 v59, v38;
	v38 =	vmul.f32 v27, v25;
	v27 =	vadd.f32 v42, v1;
	v1 =	vld [tilespmem:$0x1FAD0]  }
0x479: {  	v57 =	vld [tilespmem:$0x1FDF0];
	_ =	sdelay $0x3  }
0x47a: {  	v18 =	vadd.f32 v40, v1;
	v1 =	vld [tilespmem:$0x1FAE0]  }
0x47b: {  	vm6 =	veq.f32 v57, v51;
	v42 =	vimm.f32 $0.0e+00  }
0x47c: {  	v4 =	vsel vm6, $0x3F800000, v42  }
0x47d: {  	v20 =	vadd.f32 v20, v61;
	[tilespmem:$0x1FD00] =	vst v3;
	v7 =	vld [tilespmem:$0x1FB00];
	v3 =	vmul.f32 v38, v4  }
0x47e: {  	v47 =	vsub.f32 $1.000000000e+00, v16;
	v11 =	vadd.f32 v24, v30;
	v24 =	vld [tilespmem:$0x1FE70]  }
0x47f: {  	v2 =	vimm.f32 $0.0e+00;
	v22 =	vadd.f32 v36, v1;
	v1 =	vadd.f32 v3, v28;
	v28 =	vld [tilespmem:$0x1FAF0]  }
0x480: {  	vm7 =	veq.f32 v26, v23;
	v61 =	vadd.f32 v5, v14;
	v14 =	vld [tilespmem:$0x1FEF0];
	v21 =	vsub.f32 $1.000000000e+00, v43  }
0x481: {  	v15 =	vadd.f32 v15, v19;
	v2 =	vsel vm7, $0x3F800000, v2;
	v6 =	vadd.f32 v45, v55  }
0x482: {  	v45 =	vld [tilespmem:$0x1FF00];
	v19 =	vadd.f32 v0, v34;
	v34 =	vsub.f32 $1.000000000e+00, v7;
	v52 =	vmul.f32 v21, v47  }
0x483: {  	vm8 =	veq.f32 v24, v51;
	v21 =	vmul.f32 $3.399999950e+38, v9;
	v25 =	vadd.f32 v63, v50  }
0x484: {  	v54 =	vmul.f32 v52, v2;
	v55 =	vsub.f32 $1.000000000e+00, v1;
	v52 =	vsub.f32 $1.000000000e+00, v28  }
0x485: {  	v50 =	vsub.f32 v14, v21;
	v16 =	vadd.f32 v3, v31;
	v31 =	vld [tilespmem:$0x1FF10];
	v36 =	vmul.f32 $3.399999950e+38, v13  }
0x486: {  	v2 =	vimm.f32 $0.0e+00;
	v63 =	vmul.f32 $3.399999950e+38, v20;
	v40 =	vld [tilespmem:$0x1FF30];
	v4 =	vmul.f32 v55, v52  }
0x487: {  	v38 =	vadd.f32 v46, v12;
	v46 =	vld [tilespmem:$0x1FF20];
	v5 =	vsub.f32 v45, v36;
	v52 =	vsel vm8, $0x3F800000, v2  }
0x488: {  	v30 =	vmovc v9;
	[tilespmem:$0x1FE20] =	vst v9;
	v9 =	vadd.f32 v53, v60;
	v21 =	vmul.f32 $3.399999950e+38, v11;
	v0 =	vmul.f32 v4, v52;
	v52 =	vld [tilespmem:$0x1FF50]  }
0x489: {  	v26 =	vmul.f32 $3.399999950e+38, v27;
	v60 =	vmul.f32 $3.399999950e+38, v22;
	v5 =	vmax.f32 v50, v5;
	v50 =	vld [tilespmem:$0x1FF40]  }
0x48a: {  	[tilespmem:$0x1FEA0] =	vst v20;
	v47 =	vmovc v20;
	v20 =	vmul.f32 $3.399999950e+38, v25;
	v53 =	vmul.f32 $3.399999950e+38, v18;
	v36 =	vsub.f32 v41, v21  }
0x48b: {  	v8 =	vsub.f32 v40, v60;
	v55 =	vsub.f32 v31, v26;
	v2 =	vimm.f32 $0.0e+00  }
0x48c: {  	v4 =	vsub.f32 v46, v53;
	v53 =	vmul.f32 $3.399999950e+38, v15;
	v26 =	vadd.f32 v0, v28  }
0x48d: {  	v0 =	vadd.f32 v0, v1;
	v1 =	vmax.f32 v5, v55;
	v28 =	vsub.f32 v52, v20;
	v20 =	vld [tilespmem:$0x1FEE0]  }
0x48e: {  	v5 =	vsub.f32 v50, v63;
	v55 =	vmul.f32 $3.399999950e+38, v6;
	v1 =	vmax.f32 v1, v4  }
0x48f: {  	v60 =	vsub.f32 v56, v53;
	v0 =	vsub.f32 $1.000000000e+00, v0;
	v1 =	vmax.f32 v1, v8  }
0x490: {  	v3 =	vmovc v56;
	v63 =	vmul.f32 $3.399999950e+38, v38;
	v56 =	vmul.f32 $3.399999950e+38, v9;
	v1 =	vmax.f32 v1, v5  }
0x491: {  	v4 =	vsub.f32 v10, v55;
	v0 =	vmul.f32 v0, v34;
	v1 =	vmax.f32 v1, v28  }
0x492: {  	v28 =	vmul.f32 $3.399999950e+38, v61;
	v1 =	vmax.f32 v1, v36;
	vm9 =	veq.f32 v20, v51  }
0x493: {  	v36 =	vsub.f32 v37, v63;
	v1 =	vmax.f32 v1, v60;
	v53 =	vsel vm9, $0x3F800000, v2  }
0x494: {  	v55 =	vsub.f32 v48, v28;
	v1 =	vmax.f32 v1, v4;
	v0 =	vmul.f32 v0, v53  }
0x495: {  	v1 =	vmax.f32 v1, v36  }
0x496: {  	v63 =	vadd.f32 v0, v7;
	v0 =	vmax.f32 v1, v55;
	v1 =	vsub.f32 v35, v56;
	v56 =	vld [tilespmem:$0x1FB10];
	_ =	sdelay $0x1  }
0x497: {  	v21 =	vmul.f32 $3.399999950e+38, v19;
	v28 =	vadd.f32 v54, v43  }
0x498: {  	vm10 =	veq.f32 v29, v23;
	v43 =	vmul.f32 $3.399999950e+38, v16  }
0x499: {  	[tilespmem:$0x1FE10] =	vst v26;
	v26 =	vmul.f32 $3.399999950e+38, v26;
	v36 =	vsub.f32 v33, v21;
	v53 =	vsub.f32 $1.000000000e+00, v28  }
0x49a: {  	v0 =	vmax.f32 v0, v1;
	v1 =	vsub.f32 v57, v43;
	v48 =	vsub.f32 $1.000000000e+00, v56  }
0x49b: {  	v55 =	vmul.f32 $3.399999950e+38, v63;
	v57 =	vsub.f32 v24, v26;
	v0 =	vmax.f32 v0, v36  }
0x49c: {  	[tilespmem:$0x1FE40] =	vst v13;
	v42 =	vmovc v13;
	v0 =	vmax.f32 v0, v1;
	v1 =	vimm.f32 $0.0e+00;
	v13 =	vmul.f32 v53, v48  }
0x49d: {  	v12 =	vsub.f32 v20, v55;
	v20 =	vld [tilespmem:$0x1FB20];
	v1 =	vsel vm10, $0x3F800000, v1  }
0x49e: {  	v0 =	vmax.f32 v0, v57;
	v24 =	vmul.f32 v13, v1  }
0x49f: {  	[tilespmem:$0x1FDD0] =	vst v16;
	v16 =	vmax.f32 v0, v12;
	v0 =	vsub.f32 $1.000000000e+00, v30  }
0x4a0: {  	vm11 =	veq.f32 v14, v16;
	v1 =	vimm.f32 $0.0e+00;
	v60 =	vadd.f32 v24, v28  }
0x4a1: {  	v30 =	vsel vm11, $0x3F800000, v1  }
0x4a2: {  	v1 =	vmul.f32 v30, v0;
	v0 =	vsub.f32 $1.000000000e+00, v20;
	v33 =	vsub.f32 $1.000000000e+00, v60  }
0x4a3: {  	vm12 =	veq.f32 v39, v23  }
0x4a4: {  	[tilespmem:$0x1FE30] =	vst v1;
	v35 =	vadd.f32 $0.0e+00, v1;
	v1 =	vimm.f32 $0.0e+00;
	v0 =	vmul.f32 v33, v0  }
0x4a5: {  	v55 =	vld [tilespmem:$0x1FB30];
	v30 =	vmov v39;
	v39 =	vsel vm12, $0x3F800000, v1  }
0x4a6: {  	v26 =	vsub.f32 $1.000000000e+00, v42;
	v43 =	vsub.f32 $1.000000000e+00, v35;
	v36 =	vmul.f32 v0, v39  }
0x4a7: {  	vm13 =	veq.f32 v45, v16  }
0x4a8: {  	v1 =	vimm.f32 $0.0e+00;
	v0 =	vmul.f32 v43, v26;
	v5 =	vadd.f32 v36, v60  }
0x4a9: {  	v45 =	vsel vm13, $0x3F800000, v1  }
0x4aa: {  	v1 =	vmul.f32 v0, v45;
	v0 =	vsub.f32 $1.000000000e+00, v55;
	v48 =	vsub.f32 $1.000000000e+00, v5  }
0x4ab: {  	vm14 =	veq.f32 v17, v23  }
0x4ac: {  	[tilespmem:$0x1FE50] =	vst v1;
	v13 =	vadd.f32 v1, v35;
	v1 =	vimm.f32 $0.0e+00;
	v0 =	vmul.f32 v48, v0  }
0x4ad: {  	[tilespmem:$0x1FD20] =	vst v9;
	v9 =	vld [tilespmem:$0x1FB40];
	v53 =	vsel vm14, $0x3F800000, v1  }
0x4ae: {  	v26 =	vsub.f32 $1.000000000e+00, v27;
	v57 =	vsub.f32 $1.000000000e+00, v13;
	v2 =	vmul.f32 v0, v53  }
0x4af: {  	vm15 =	veq.f32 v31, v16  }
0x4b0: {  	v60 =	vmul.f32 v57, v26;
	v0 =	vimm.f32 $0.0e+00;
	v5 =	vadd.f32 v2, v5  }
0x4b1: {  	v26 =	vsel vm15, $0x3F800000, v0  }
0x4b2: {  	v4 =	vsub.f32 $1.000000000e+00, v9;
	v33 =	vmul.f32 v60, v26;
	v26 =	vsub.f32 $1.000000000e+00, v5  }
0x4b3: {  	vm4 =	veq.f32 v44, v23  }
0x4b4: {  	v0 =	vimm.f32 $0.0e+00;
	v13 =	vadd.f32 v33, v13;
	v8 =	vmul.f32 v26, v4  }
0x4b5: {  	v39 =	vld [tilespmem:$0x1FB50];
	v26 =	vsel vm4, $0x3F800000, v0  }
0x4b6: {  	[tilespmem:$0x1FE80] =	vst v18;
	v17 =	vsub.f32 $1.000000000e+00, v18;
	v18 =	vsub.f32 $1.000000000e+00, v13;
	v45 =	vmul.f32 v8, v26  }
0x4b7: {  	vm5 =	veq.f32 v46, v16  }
0x4b8: {  	[tilespmem:$0x1FD90] =	vst v19;
	v0 =	vimm.f32 $0.0e+00;
	v19 =	vmul.f32 v18, v17;
	v5 =	vadd.f32 v45, v5  }
0x4b9: {  	v26 =	vsel vm5, $0x3F800000, v0  }
0x4ba: {  	v21 =	vsub.f32 $1.000000000e+00, v39;
	v60 =	vmul.f32 v19, v26;
	v26 =	vsub.f32 $1.000000000e+00, v5;
	_ =	sdelay $0x1  }
0x4bb: {  	v8 =	vmul.f32 v26, v21;
	v21 =	vld [tilespmem:$0x1FB60];
	_ =	sdelay $0x3  }
0x4bc: {  	v13 =	vadd.f32 v60, v13  }
0x4bd: {  	v0 =	vimm.f32 $0.0e+00;
	vm6 =	veq.f32 v21, v23  }
0x4be: {  	[tilespmem:$0x1FE90] =	vst v22;
	v22 =	vsub.f32 $1.000000000e+00, v22;
	v4 =	vld [tilespmem:$0x1FB70];
	v42 =	vsub.f32 $1.000000000e+00, v13;
	v26 =	vsel vm6, $0x3F800000, v0  }
0x4bf: {  	v46 =	vmul.f32 v8, v26  }
0x4c0: {  	vm7 =	veq.f32 v40, v16;
	v18 =	vld [tilespmem:$0x1FB80];
	v43 =	vmul.f32 v42, v22;
	v0 =	vimm.f32 $0.0e+00  }
0x4c1: {  	v26 =	vsel vm7, $0x3F800000, v0;
	v5 =	vadd.f32 v46, v5  }
0x4c2: {  	v35 =	vmul.f32 v43, v26  }
0x4c3: {  	[tilespmem:$0x1FE60] =	vst v27;
	v27 =	vmov v44;
	v44 =	vsub.f32 $1.000000000e+00, v4;
	v26 =	vsub.f32 $1.000000000e+00, v5  }
0x4c4: {  	v13 =	vadd.f32 v35, v13  }
0x4c5: {  	vm8 =	veq.f32 v18, v23;
	v0 =	vimm.f32 $0.0e+00;
	v8 =	vmul.f32 v26, v44  }
0x4c6: {  	v48 =	vsub.f32 $1.000000000e+00, v47;
	v53 =	vsub.f32 $1.000000000e+00, v13;
	v26 =	vsel vm8, $0x3F800000, v0;
	v44 =	vld [tilespmem:$0x1FB90]  }
0x4c7: {  	v47 =	vmul.f32 v8, v26  }
0x4c8: {  	vm9 =	veq.f32 v50, v16;
	v14 =	vld [tilespmem:$0x1FBA0];
	v0 =	vimm.f32 $0.0e+00;
	v57 =	vmul.f32 v53, v48  }
0x4c9: {  	v26 =	vsel vm9, $0x3F800000, v0;
	v5 =	vadd.f32 v47, v5  }
0x4ca: {  	v31 =	vmul.f32 v57, v26  }
0x4cb: {  	v26 =	vsub.f32 $1.000000000e+00, v44;
	v8 =	vsub.f32 $1.000000000e+00, v5  }
0x4cc: {  	v13 =	vadd.f32 v31, v13  }
0x4cd: {  	vm10 =	veq.f32 v14, v23;
	v0 =	vimm.f32 $0.0e+00;
	v26 =	vmul.f32 v8, v26  }
0x4ce: {  	v34 =	vmovc v6;
	v6 =	vmovc v10;
	v12 =	vsub.f32 $1.000000000e+00, v25;
	v42 =	vld [tilespmem:$0x1FBB0];
	v10 =	vsel vm10, $0x3F800000, v0;
	v17 =	vsub.f32 $1.000000000e+00, v13  }
0x4cf: {  	v28 =	vmul.f32 v26, v10  }
0x4d0: {  	v26 =	vmul.f32 v17, v12;
	v12 =	vld [tilespmem:$0x1FBC0]  }
0x4d1: {  	vm11 =	veq.f32 v52, v16;
	v0 =	vimm.f32 $0.0e+00;
	v19 =	vadd.f32 v28, v5  }
0x4d2: {  	v22 =	vsel vm11, $0x3F800000, v0  }
0x4d3: {  	[tilespmem:$0x1FEB0] =	vst v25;
	v25 =	vmul.f32 v26, v22;
	v26 =	vsub.f32 $1.000000000e+00, v42;
	v29 =	vsub.f32 $1.000000000e+00, v19;
	_ =	sdelay $0x1  }
0x4d4: {  	v0 =	vimm.f32 $0.0e+00;
	vm12 =	veq.f32 v12, v23;
	v26 =	vmul.f32 v29, v26  }
0x4d5: {  	vm13 =	veq.f32 v41, v16;
	v41 =	vld [tilespmem:$0x1FBD0];
	v48 =	vsel vm12, $0x3F800000, v0  }
0x4d6: {  	v26 =	vmul.f32 v26, v48;
	_ =	sdelay $0x1  }
0x4d7: {  	v1 =	vld [tilespmem:$0x1FBF0];
	v40 =	vadd.f32 v26, v19;
	_ =	sdelay $0x1  }
0x4d8: {  	v8 =	vsub.f32 $1.000000000e+00, v41;
	v10 =	vsub.f32 $1.000000000e+00, v40;
	_ =	sdelay $0x1  }
0x4d9: {  	vm15 =	veq.f32 v3, v16;
	v43 =	vmul.f32 v10, v8;
	v10 =	vld [tilespmem:$0x1FBE0]  }
0x4da: {  	v17 =	vadd.f32 $0.0e+00, v1;
	v1 =	vimm.f32 $0.0e+00;
	v13 =	vadd.f32 v25, v13  }
0x4db: {  	v19 =	vsel vm15, $0x3F800000, v1;
	v1 =	vld [tilespmem:$0x1FC00]  }
0x4dc: {  	v50 =	vsub.f32 $1.000000000e+00, v11;
	v52 =	vsub.f32 $1.000000000e+00, v13;
	v0 =	vimm.f32 $0.0e+00  }
0x4dd: {  	v7 =	vsel vm13, $0x3F800000, v0  }
0x4de: {  	v0 =	vimm.f32 $0.0e+00;
	v5 =	vmul.f32 v52, v50;
	vm14 =	veq.f32 v10, v23  }
0x4df: {  	[tilespmem:$0x1FEC0] =	vst v11;
	v11 =	vsel vm14, $0x3F800000, v0  }
0x4e0: {  	v53 =	vmul.f32 v5, v7;
	v57 =	vmul.f32 v43, v11;
	v43 =	vadd.f32 v1, v17;
	v1 =	vld [tilespmem:$0x1FC20];
	_ =	sdelay $0x1  }
0x4e1: {  	v3 =	vld [tilespmem:$0x1FC40];
	v13 =	vadd.f32 v53, v13;
	_ =	sdelay $0x1  }
0x4e2: {  	[tilespmem:$0x1FED0] =	vst v15;
	v0 =	vsub.f32 $1.000000000e+00, v15;
	v15 =	vsub.f32 $1.000000000e+00, v13;
	v17 =	vld [tilespmem:$0x1FC10]  }
0x4e3: {  	v8 =	vld [tilespmem:$0x1FC30];
	v43 =	vadd.f32 v1, v43  }
0x4e4: {  	v0 =	vmul.f32 v15, v0;
	v48 =	vadd.f32 v57, v40  }
0x4e5: {  	v43 =	vadd.f32 v3, v43  }
0x4e6: {  	vm5 =	veq.f32 v6, v16;
	v40 =	vmul.f32 v0, v19;
	v22 =	vsub.f32 $1.000000000e+00, v48  }
0x4e7: {  	v7 =	vimm.f32 $0.0e+00;
	v5 =	vld [tilespmem:$0x1FC60];
	v0 =	vsub.f32 $1.000000000e+00, v17;
	v49 =	vadd.f32 v49, v43  }
0x4e8: {  	v50 =	vsel vm5, $0x3F800000, v7;
	vm4 =	veq.f32 v8, v23;
	v13 =	vadd.f32 v40, v13;
	v3 =	vld [tilespmem:$0x1FC70]  }
0x4e9: {  	v1 =	vmul.f32 v22, v0;
	v0 =	vimm.f32 $0.0e+00;
	v7 =	vadd.f32 v32, v49;
	v32 =	vld [tilespmem:$0x1FC80]  }
0x4ea: {  	v29 =	vsel vm4, $0x3F800000, v0;
	v22 =	vmovc v34;
	v34 =	vsub.f32 $1.000000000e+00, v34;
	v0 =	vsub.f32 $1.000000000e+00, v13  }
0x4eb: {  	v15 =	vimm.f32 $0.0e+00  }
0x4ec: {  	vm6 =	veq.f32 v5, v23;
	v0 =	vmul.f32 v0, v34  }
0x4ed: {  	v34 =	vld [tilespmem:$0x1FCA0];
	v49 =	vsel vm6, $0x3F800000, v15  }
0x4ee: {  	v15 =	vmovc v38;
	v43 =	vmul.f32 v0, v50;
	v50 =	vsub.f32 $1.000000000e+00, v38;
	v38 =	vadd.f32 v32, v3;
	v3 =	vld [tilespmem:$0x1FC90];
	_ =	sdelay $0x2  }
0x4ef: {  	v19 =	vld [tilespmem:$0x1FC50]  }
0x4f0: {  	v1 =	vmul.f32 v1, v29  }
0x4f1: {  	v34 =	vadd.f32 v34, v3;
	v3 =	vld [tilespmem:$0x1FCB0]  }
0x4f2: {  	v48 =	vadd.f32 v1, v48;
	_ =	sdelay $0x1  }
0x4f3: {  	v0 =	vsub.f32 $1.000000000e+00, v19;
	v11 =	vsub.f32 $1.000000000e+00, v48;
	_ =	sdelay $0x1  }
0x4f4: {  	v0 =	vmul.f32 v11, v0;
	v11 =	vadd.f32 v59, v3;
	v3 =	vld [tilespmem:$0x1FCC0];
	_ =	sdelay $0x3  }
0x4f5: {  	v13 =	vadd.f32 v43, v13  }
0x4f6: {  	v6 =	vadd.f32 v54, v3;
	v3 =	vadd.f32 v24, v56;
	v24 =	vld [tilespmem:$0x1FCD0]  }
0x4f7: {  	v0 =	vmul.f32 v0, v49  }
0x4f8: {  	v29 =	vsub.f32 $1.000000000e+00, v13  }
0x4f9: {  	v48 =	vadd.f32 v0, v48  }
0x4fa: {  	vm7 =	veq.f32 v37, v16;
	v52 =	vmul.f32 v29, v50;
	v54 =	vimm.f32 $0.0e+00  }
0x4fb: {  	v59 =	vsub.f32 $1.000000000e+00, v48;
	v50 =	vsel vm7, $0x3F800000, v54;
	v56 =	vsub.f32 $1.000000000e+00, v24  }
0x4fc: {  	v32 =	vld [tilespmem:$0x1FCE0];
	v49 =	vmul.f32 v52, v50  }
0x4fd: {  	v50 =	vmul.f32 v59, v56;
	v59 =	vld [tilespmem:$0x1FCF0]  }
0x4fe: {  	v36 =	vadd.f32 v36, v20;
	v13 =	vadd.f32 v49, v13  }
0x4ff: {  	v20 =	vsub.f32 $1.000000000e+00, v61;
	v45 =	vadd.f32 v45, v9  }
0x500: {  	v9 =	vimm.f32 $0.0e+00;
	v46 =	vadd.f32 v46, v39;
	v37 =	vsub.f32 $1.000000000e+00, v13  }
0x501: {  	v28 =	vadd.f32 v28, v44;
	v44 =	vimm.f32 $0.0e+00;
	vm8 =	veq.f32 v32, v23  }
0x502: {  	v52 =	vsel vm8, $0x3F800000, v9;
	v9 =	vld [tilespmem:$0x1FD00];
	v39 =	vmul.f32 v37, v20;
	vm9 =	veq.f32 v59, v16  }
0x503: {  	v2 =	vadd.f32 v2, v55;
	v1 =	vadd.f32 v1, v17;
	v17 =	vld [tilespmem:$0x1FD10];
	v55 =	vsel vm9, $0x3F800000, v44  }
0x504: {  	v26 =	vadd.f32 v26, v42;
	v50 =	vmul.f32 v50, v52;
	v42 =	vmul.f32 v39, v55;
	v55 =	vld [tilespmem:$0x1FD20]  }
0x505: {  	v56 =	vadd.f32 v57, v41  }
0x506: {  	v48 =	vadd.f32 v50, v48;
	v39 =	vadd.f32 v50, v24;
	v50 =	vld [tilespmem:$0x1FD30]  }
0x507: {  	v57 =	vsub.f32 $1.000000000e+00, v9;
	v13 =	vadd.f32 v42, v13  }
0x508: {  	vm10 =	veq.f32 v17, v23;
	v41 =	vadd.f32 v0, v19;
	v48 =	vsub.f32 $1.000000000e+00, v48  }
0x509: {  	v29 =	vmovc v61;
	v61 =	vimm.f32 $0.0e+00;
	v44 =	vsub.f32 $1.000000000e+00, v13;
	v19 =	vsub.f32 $1.000000000e+00, v55  }
0x50a: {  	v54 =	vimm.f32 $0.0e+00;
	v0 =	vadd.f32 v23, v7;
	v52 =	vld [tilespmem:$0x1FD40];
	v48 =	vmul.f32 v48, v57  }
0x50b: {  	v7 =	vsel vm10, $0x3F800000, v61;
	v61 =	vld [tilespmem:$0x1FD60];
	vm11 =	veq.f32 v50, v16;
	v23 =	vmul.f32 v44, v19  }
0x50c: {  	v36 =	vmul.f32 $3.399999950e+38, v36;
	v57 =	vld [tilespmem:$0x1FD50];
	v7 =	vmul.f32 v48, v7;
	v48 =	vsel vm11, $0x3F800000, v54  }
0x50d: {  	v38 =	vmul.f32 $3.399999950e+38, v38;
	v23 =	vmul.f32 v23, v48;
	v48 =	vld [tilespmem:$0x1FD90]  }
0x50e: {  	v47 =	vadd.f32 v47, v4;
	v34 =	vmul.f32 $3.399999950e+38, v34  }
0x50f: {  	v11 =	vmul.f32 $3.399999950e+38, v11;
	v38 =	vsub.f32 v52, v38;
	v52 =	vsub.f32 v30, v36;
	v30 =	vld [tilespmem:$0x1FDB0]  }
0x510: {  	v7 =	vadd.f32 v7, v9;
	v9 =	vld [tilespmem:$0x1FD70];
	v13 =	vadd.f32 v23, v13  }
0x511: {  	v11 =	vsub.f32 v61, v11;
	v34 =	vsub.f32 v57, v34;
	v54 =	vld [tilespmem:$0x1FDA0]  }
0x512: {  	v44 =	vsub.f32 $1.000000000e+00, v13;
	v20 =	vsub.f32 $1.000000000e+00, v48  }
0x513: {  	v2 =	vmul.f32 $3.399999950e+38, v2;
	v4 =	vmul.f32 $3.399999950e+38, v47;
	v19 =	vld [tilespmem:$0x1FD80];
	v34 =	vmax.f32 v38, v34  }
0x514: {  	v6 =	vmul.f32 $3.399999950e+38, v6;
	v11 =	vmax.f32 v34, v11;
	v34 =	vmul.f32 v44, v20;
	v20 =	vld [tilespmem:$0x1FDC0]  }
0x515: {  	v3 =	vmul.f32 $3.399999950e+38, v3;
	vm12 =	veq.f32 v30, v16;
	v57 =	vmul.f32 $3.399999950e+38, v45  }
0x516: {  	v6 =	vsub.f32 v9, v6;
	v9 =	vimm.f32 $0.0e+00;
	v2 =	vsub.f32 v54, v2;
	v54 =	vld [tilespmem:$0x1FDE0]  }
0x517: {  	v61 =	vmul.f32 $3.399999950e+38, v46;
	v36 =	vsub.f32 v27, v57;
	v27 =	vld [tilespmem:$0x1FDD0];
	v45 =	vsel vm12, $0x3F800000, v9  }
0x518: {  	v3 =	vsub.f32 v19, v3;
	v19 =	vmul.f32 $3.399999950e+38, v56;
	v56 =	vld [tilespmem:$0x1FE00];
	v34 =	vmul.f32 v34, v45  }
0x519: {  	v28 =	vmul.f32 $3.399999950e+38, v28;
	v37 =	vsub.f32 v21, v61;
	v45 =	vadd.f32 $0.0e+00, v20  }
0x51a: {  	v38 =	vsub.f32 v18, v4;
	v6 =	vmax.f32 v11, v6;
	v13 =	vadd.f32 v34, v13  }
0x51b: {  	v18 =	vsub.f32 v14, v28;
	v3 =	vmax.f32 v6, v3;
	v28 =	vadd.f32 v54, v45  }
0x51c: {  	v21 =	vsub.f32 $1.000000000e+00, v27;
	v3 =	vmax.f32 v3, v52;
	v44 =	vld [tilespmem:$0x1FDF0];
	v52 =	vsub.f32 $1.000000000e+00, v13  }
0x51d: {  	v39 =	vmul.f32 $3.399999950e+38, v39;
	v28 =	vadd.f32 v56, v28  }
0x51e: {  	v11 =	vmul.f32 v52, v21;
	v21 =	vld [tilespmem:$0x1FE40]  }
0x51f: {  	v26 =	vmul.f32 $3.399999950e+38, v26;
	v61 =	vadd.f32 v62, v28;
	v28 =	vsub.f32 v32, v39;
	v32 =	vld [tilespmem:$0x1FE50]  }
0x520: {  	v1 =	vmul.f32 $3.399999950e+38, v1  }
0x521: {  	v47 =	vld [tilespmem:$0x1FE90];
	v26 =	vsub.f32 v12, v26;
	v57 =	vimm.f32 $0.0e+00;
	vm13 =	veq.f32 v44, v16  }
0x522: {  	v1 =	vsub.f32 v8, v1;
	v4 =	vld [tilespmem:$0x1FE10];
	v2 =	vmax.f32 v3, v2;
	v45 =	vsel vm13, $0x3F800000, v57  }
0x523: {  	v23 =	vadd.f32 v23, v55;
	v55 =	vld [tilespmem:$0x1FF90];
	v2 =	vmax.f32 v2, v36;
	v11 =	vmul.f32 v11, v45  }
0x524: {  	v7 =	vmul.f32 $3.399999950e+38, v7;
	v2 =	vmax.f32 v2, v37;
	v37 =	vadd.f32 v32, v21;
	v32 =	vld [tilespmem:$0x1FE70]  }
0x525: {  	v3 =	vsub.f32 v10, v19;
	v19 =	vld [tilespmem:$0x1FE20];
	v13 =	vadd.f32 v11, v13  }
0x526: {  	v41 =	vmul.f32 $3.399999950e+38, v41;
	v7 =	vsub.f32 v17, v7;
	v2 =	vmax.f32 v2, v38;
	v38 =	vld [tilespmem:$0x1FE60]  }
0x527: {  	v2 =	vmax.f32 v2, v18;
	v20 =	vld [tilespmem:$0x1FE30];
	v62 =	vsub.f32 $1.000000000e+00, v4;
	v17 =	vsub.f32 $1.000000000e+00, v13  }
0x528: {  	v41 =	vsub.f32 v5, v41;
	v24 =	vimm.f32 $0.0e+00;
	v2 =	vmax.f32 v2, v26;
	v26 =	vld [tilespmem:$0x1FEE0]  }
0x529: {  	v2 =	vmax.f32 v2, v3;
	v57 =	vld [tilespmem:$0x1FEB0];
	v14 =	vmul.f32 v17, v62;
	vm14 =	veq.f32 v32, v16  }
0x52a: {  	v54 =	vld [tilespmem:$0x1FEA0];
	v1 =	vmax.f32 v2, v1;
	v2 =	vadd.f32 v49, v15;
	v24 =	vsel vm14, $0x3F800000, v24  }
0x52b: {  	v3 =	vadd.f32 v43, v22;
	v9 =	vadd.f32 v58, v61;
	v61 =	vld [tilespmem:$0x1FED0];
	v14 =	vmul.f32 v14, v24  }
0x52c: {  	v36 =	vld [tilespmem:$0x1FEF0];
	v52 =	vadd.f32 v35, v47;
	v1 =	vmax.f32 v1, v41;
	v2 =	vmul.f32 $3.399999950e+38, v2  }
0x52d: {  	v6 =	vadd.f32 v20, v19;
	v45 =	vld [tilespmem:$0x1FE80];
	vm15 =	veq.f32 v26, v16;
	v13 =	vadd.f32 v14, v13  }
0x52e: {  	v41 =	vmul.f32 $3.399999950e+38, v52;
	v39 =	vadd.f32 v33, v38;
	v5 =	vadd.f32 v25, v57;
	v58 =	vld [tilespmem:$0x1FEC0]  }
0x52f: {  	v25 =	vsub.f32 $1.000000000e+00, v63;
	v12 =	vmul.f32 $3.399999950e+38, v37;
	v37 =	vld [tilespmem:$0x1FF00];
	v13 =	vsub.f32 $1.000000000e+00, v13  }
0x530: {  	v56 =	vadd.f32 v31, v54;
	v6 =	vmul.f32 $3.399999950e+38, v6;
	v24 =	vadd.f32 v40, v61;
	v40 =	vld [tilespmem:$0x1FF10]  }
0x531: {  	v62 =	vadd.f32 v42, v29;
	v42 =	vld [tilespmem:$0x1FF20];
	v33 =	vmul.f32 v13, v25;
	v25 =	vimm.f32 $0.0e+00  }
0x532: {  	v43 =	vld [tilespmem:$0x1FF30];
	v46 =	vadd.f32 v60, v45;
	v29 =	vadd.f32 v34, v48;
	v34 =	vsel vm15, $0x3F800000, v25  }
0x533: {  	v31 =	vadd.f32 v11, v27;
	v35 =	vmul.f32 $3.399999950e+38, v39;
	v45 =	vld [tilespmem:$0x1FF40];
	v11 =	vmul.f32 v33, v34  }
0x534: {  	v47 =	vld [tilespmem:$0x1FF50];
	v6 =	vsub.f32 v36, v6;
	v38 =	vmul.f32 $3.399999950e+38, v46;
	v12 =	vsub.f32 v37, v12  }
0x535: {  	v49 =	vld [tilespmem:$0x1FF60];
	v8 =	vmul.f32 $3.399999950e+38, v56;
	v39 =	vadd.f32 v11, v63;
	v11 =	vsub.f32 v40, v35  }
0x536: {  	v52 =	vld [tilespmem:$0x1FF70];
	v60 =	vadd.f32 v53, v58;
	v6 =	vmax.f32 v6, v12;
	v12 =	vsub.f32 v42, v38  }
0x537: {  	v5 =	vmul.f32 $3.399999950e+38, v5;
	v53 =	vld [tilespmem:$0x1FF80];
	v6 =	vmax.f32 v6, v11;
	v11 =	vsub.f32 v43, v41  }
0x538: {  	v8 =	vsub.f32 v45, v8;
	v46 =	vmul.f32 $3.399999950e+38, v60;
	v6 =	vmax.f32 v6, v12  }
0x539: {  	v5 =	vsub.f32 v47, v5;
	v48 =	vmul.f32 $3.399999950e+38, v24;
	v6 =	vmax.f32 v6, v11  }
0x53a: {  	v3 =	vmul.f32 $3.399999950e+38, v3;
	v6 =	vmax.f32 v6, v8;
	v8 =	vsub.f32 v49, v46  }
0x53b: {  	v2 =	vsub.f32 v55, v2;
	v5 =	vmax.f32 v6, v5;
	v6 =	vsub.f32 v52, v48  }
0x53c: {  	v54 =	vmul.f32 $3.399999950e+38, v62;
	v3 =	vsub.f32 v53, v3;
	v5 =	vmax.f32 v5, v8  }
0x53d: {  	v56 =	vmul.f32 $3.399999950e+38, v23;
	v58 =	vmul.f32 $3.399999950e+38, v29;
	v5 =	vmax.f32 v5, v6  }
0x53e: {  	v57 =	vsub.f32 v59, v54;
	v14 =	vadd.f32 v14, v4;
	v3 =	vmax.f32 v5, v3  }
0x53f: {  	v59 =	vmul.f32 $3.399999950e+38, v31;
	v2 =	vmax.f32 v3, v2;
	v3 =	vsub.f32 v50, v56  }
0x540: {  	v60 =	vsub.f32 v30, v58;
	v61 =	vmul.f32 $3.399999950e+38, v14;
	v2 =	vmax.f32 v2, v57  }
0x541: {  	v4 =	vmul.f32 $3.399999950e+38, v39;
	v2 =	vmax.f32 v2, v3;
	v3 =	vsub.f32 v44, v59  }
0x542: {  	v63 =	vsub.f32 v32, v61;
	v2 =	vmax.f32 v2, v60  }
0x543: {  	v2 =	vmax.f32 v2, v3;
	v3 =	vsub.f32 v26, v4  }
0x544: {  	v2 =	vmax.f32 v2, v63  }
0x545: {  	v2 =	vmax.f32 v2, v3;
	v3 =	vld [tilespmem:$0x1FFA0]  }
0x546: {  	v1 =	vmax.f32 v1, v28;
	v62 =	vadd.f32 v51, v9  }
0x547: {  	p0 =	sne.s32 s23, $0x12000;
	v1 =	vmax.f32 v1, v7  }
.Ltmp1:
0x548: {  	v0 =	vadd.f32 v1, v0;
	v1 =	vadd.f32 v16, v62;
	(pc) =	sbr.rel @p0 .LBB2_3-.Ltmp1, $3  }
0x549: {  	_ = 	snop  }
0x54a: {  	v1 =	vadd.f32 v2, v1;
	v0 =	vadd.f32 v0, v3;
	_ =	sdelay $0x1  }
0x54b: {  	s23 =	sadd.s32 $0x6000, s23;
	v1 =	vadd.f32 v1, v0  }
0x54c: {  	v0 =	vld [tilespmem:$0x1FFB0];
	_ =	sdelay $0x3  }
0x54d: {  	v60 =	vld [tilespmem:$0x1FFC0]  }
0x54e: {  	v0 =	vperm.xlane v1, v0;
	_ =	sdelay $0x1  }
0x54f: {  	v0 =	vadd.f32 v0, v1  }
0x550: {  	v61 =	vld [tilespmem:$0x1FFD0]  }
0x551: {  	v1 =	vperm.xlane v0, v60;
	_ =	sdelay $0x1  }
0x552: {  	v0 =	vadd.f32 v1, v0  }
0x553: {  	v62 =	vld [tilespmem:$0x1FFE0]  }
0x554: {  	v1 =	vperm.xlane v0, v61;
	_ =	sdelay $0x1  }
0x555: {  	v0 =	vadd.f32 v1, v0  }
0x556: {  	v63 =	vld [tilespmem:$0x1FFF0]  }
0x557: {  	v1 =	vperm.xlane v0, v62;
	_ =	sdelay $0x1  }
0x558: {  	v0 =	vadd.f32 v1, v0;
	_ =	sdelay $0x1  }
0x559: {  	v0 =	vmul.f32 v0, v63  }
0x55a: {  	vm0 =	vmmov $0x7;
	s22 =	sadd.s32 $0x1, s22  }
0x55b: {  	p0 =	sne.s32 s22, s5;
	v0 =	vnsel vm0, $0x0, v0  }
.Ltmp2:
0x55c: {  	[tilespmem:$0x6000] =	vst v0;
	(pc) =	sbr.rel @p0 .LBB2_2-.Ltmp2, $4  }
0x55d: {  	[hbm4b:s1+s12] =	stream.linear.scatter [tilespmem:s21], [sflag:$0x1], $0x80, $0x38;
	[tilespmem:$0x6080] =	vst v63  }
0x55e: {  	_ =	swait.ge [sflag:s20], $0x80  }
0x55f: {  	[sflag:s20] =	ssyncset.done $0x0  }
0x560: {  	[sflag:s20] =	ssyncadd.s32 $0xFFFFFF80  }
.LBB2_5:
0x561: {  	_ =	sfence.sel $0x180000  }
0x562: {  	[bflag:$0x0] =	sbarrier.arrive $0xFFFF  }
0x563: {  	p0 =	sne.s32 s2, $0x0;
	_ =	strace $0x90000047  }
0x564: {  	s0 =	sadd.s32 @!p0 $0x100000, s0;
	[bflag:$0x2] =	sbarrier.arrive $0xFFFF  }
0x565: {  	[sflag:s0] =	ssyncadd.tile.s32 @!p0 $0x1;
	_ =	shalt  }
.Lfunc_end2:
_tile_overlayer_lowered:
.L_overlay_start_2:
0x566: {  	(tag) =	ssettag $0x2  }
0x567: {  	s0 =	rddreg [dreg:$0x0];
	s2 =	stileid.u32  }
0x568: {  	s1 =	rddreg [dreg:$0x1];
	p0 =	sne.s32 s2, $0x0  }
0x569: {  	s3 =	rddreg [dreg:$0x2];
	[bflag:$0x3] =	sbarrier.arrive $0xFFFF;
	s2 =	simm.s32 @!p0 $0x1C01  }
0x56a: {  	[timem:s3], [sflag:s2] =	dma.local @!p0 [hbm:s0], s1  }
0x56b: {  	s0 =	simm.s32 @!p0 $0x1  }
0x56c: {  	_ =	swait.ge @!p0 [sflag:s0], s1  }
0x56d: {  	s1 =	ssub.s32 @!p0 $0x0, s1;
	[sflag:s0] =	ssyncset.done @!p0 $0x0  }
0x56e: {  	[sflag:s0] =	ssyncadd.s32 @!p0 s1  }
0x56f: {  	[bflag:$0x3] =	sbarrier.arrive $0xFFFF  }
0x570: {  	_ =	shalt  }

</sc_bundles>
